<compile_context>
chip_gen: v7x
topology: tpu7x:2x2x1
jax: 0.10.2.dev20260603
libtpu: 0.0.44.dev20260713+nightly
codegen_flags: <defaults>
</compile_context>

<pallas_src>
import functools

import jax
import jax.numpy as jnp
import numpy as np
from jax import lax
from jax.experimental import pallas as pl
from jax.experimental.pallas import tpu as pltpu
from jax.experimental.pallas import tpu_sc as plsc

N = 10000
E = 320000
IN_DIM = 128
HID = 16
HEADS = 8
OUT_DIM = 64

NPAD = 10240
NC, NS, L = 2, 16, 16
NW = NC * NS
EPW = E // NW
CB = 100
NCHUNK = EPW // CB

W1ROW = HEADS * HID + 16
W2ROW = OUT_DIM + 16

_GDN = lax.GatherDimensionNumbers(
    offset_dims=(), collapsed_slice_dims=(0,), start_index_map=(0,))

_BD = np.zeros((HEADS * HID, HEADS), np.float32)
_BD[np.arange(HEADS * HID), np.arange(HEADS * HID) // HID] = 1.0


def _lane_bcast(v, lane):
    idx = jnp.full((L,), lane, dtype=jnp.int32)
    return lax.gather(v, idx[:, None], _GDN, (1,),
                      mode=lax.GatherScatterMode.PROMISE_IN_BOUNDS)


def _tc_a_body(x_ref, w1_ref, as_ref, ad_ref, tab_ref, adt_ref):
    h = jnp.dot(x_ref[...], w1_ref[...], preferred_element_type=jnp.float32)
    a_s = jnp.dot(h, as_ref[...], preferred_element_type=jnp.float32)
    a_d = jnp.dot(h, ad_ref[...], preferred_element_type=jnp.float32)
    blk = h.shape[0]
    tab_ref[...] = jnp.concatenate(
        [h, a_s, jnp.zeros((blk, 8), jnp.float32)], axis=1)
    adt_ref[...] = jnp.concatenate(
        [a_d, jnp.zeros((blk, 8), jnp.float32)], axis=1)


def _tc_a(x, w1, a_s_mat, a_d_mat):
    blk = 400
    grid = (N // blk,)
    return pl.pallas_call(
        _tc_a_body,
        grid=grid,
        in_specs=[
            pl.BlockSpec((blk, IN_DIM), lambda i: (i, 0)),
            pl.BlockSpec((IN_DIM, HEADS * HID), lambda i: (0, 0)),
            pl.BlockSpec((HEADS * HID, HEADS), lambda i: (0, 0)),
            pl.BlockSpec((HEADS * HID, HEADS), lambda i: (0, 0)),
        ],
        out_specs=[
            pl.BlockSpec((blk, W1ROW), lambda i: (i, 0)),
            pl.BlockSpec((blk, L), lambda i: (i, 0)),
        ],
        out_shape=[
            jax.ShapeDtypeStruct((N, W1ROW), jnp.float32),
            jax.ShapeDtypeStruct((N, L), jnp.float32),
        ],
    )(x, w1, a_s_mat, a_d_mat)


def _tc_b_body(p0_ref, p1_ref, rep_ref, b1_ref, w2_ref, as2_ref, ad2_ref,
               tab_ref, adt_ref):
    t = p0_ref[...] + p1_ref[...]
    num = t[:, :HEADS * HID]
    den = t[:, HEADS * HID:HEADS * HID + HEADS]
    den_rep = jnp.dot(den, rep_ref[...], preferred_element_type=jnp.float32)
    o1 = num / (den_rep + 1e-16) + b1_ref[...]
    o1 = jnp.where(o1 > 0.0, o1, jnp.exp(o1) - 1.0)
    h2 = jnp.dot(o1, w2_ref[...], preferred_element_type=jnp.float32)
    a_s = jnp.dot(h2, as2_ref[...], preferred_element_type=jnp.float32)
    a_d = jnp.dot(h2, ad2_ref[...], preferred_element_type=jnp.float32)
    blk = t.shape[0]
    tab_ref[...] = jnp.concatenate(
        [h2, a_s, jnp.zeros((blk, 15), jnp.float32)], axis=1)
    adt_ref[...] = jnp.concatenate(
        [a_d, jnp.zeros((blk, 15), jnp.float32)], axis=1)


def _tc_b(part, rep, b1, w2, as2, ad2):
    blk = 512
    grid = (NPAD // blk,)
    off = NPAD // blk
    return pl.pallas_call(
        _tc_b_body,
        grid=grid,
        in_specs=[
            pl.BlockSpec((blk, W1ROW), lambda i: (i, 0)),
            pl.BlockSpec((blk, W1ROW), lambda i: (i + off, 0)),
            pl.BlockSpec((HEADS, HEADS * HID), lambda i: (0, 0)),
            pl.BlockSpec((1, HEADS * HID), lambda i: (0, 0)),
            pl.BlockSpec((HEADS * HID, OUT_DIM), lambda i: (0, 0)),
            pl.BlockSpec((OUT_DIM, 1), lambda i: (0, 0)),
            pl.BlockSpec((OUT_DIM, 1), lambda i: (0, 0)),
        ],
        out_specs=[
            pl.BlockSpec((blk, W2ROW), lambda i: (i, 0)),
            pl.BlockSpec((blk, L), lambda i: (i, 0)),
        ],
        out_shape=[
            jax.ShapeDtypeStruct((NPAD, W2ROW), jnp.float32),
            jax.ShapeDtypeStruct((NPAD, L), jnp.float32),
        ],
    )(part, part, rep, b1, w2, as2, ad2)


def _tc_c_body(p0_ref, p1_ref, b2_ref, out_ref):
    t = p0_ref[0] + p1_ref[0]
    num = t[:, :OUT_DIM]
    den = t[:, OUT_DIM:OUT_DIM + 1]
    out_ref[...] = num / (den + 1e-16) + b2_ref[...]


def _tc_c(part, b2):
    blk = 400
    grid = (N // blk,)
    part3 = part.reshape(2, NPAD, W2ROW)
    return pl.pallas_call(
        _tc_c_body,
        grid=grid,
        in_specs=[
            pl.BlockSpec((1, blk, W2ROW), lambda i: (0, i, 0)),
            pl.BlockSpec((1, blk, W2ROW), lambda i: (1, i, 0)),
            pl.BlockSpec((1, OUT_DIM), lambda i: (0, 0)),
        ],
        out_specs=pl.BlockSpec((blk, OUT_DIM), lambda i: (i, 0)),
        out_shape=jax.ShapeDtypeStruct((N, OUT_DIM), jnp.float32),
    )(part3, part3, b2)


def _sc_edge_body(n_heads, a_off,
                  tab_hbm, adt_hbm, src_hbm, dst_hbm, z_hbm, out_hbm,
                  srcb, dstb, rows0, rows1, adr0, adr1, acc,
                  gsem0, gsem1, asem0, asem1, ssem0, ssem1,
                  is0, is1, is2, is3, id0, id1, id2, id3):
    rows = (rows0, rows1)
    adr = (adr0, adr1)
    gsem = (gsem0, gsem1)
    asem = (asem0, asem1)
    ssem = (ssem0, ssem1)
    isem = (is0, is1, is2, is3)
    dsem = (id0, id1, id2, id3)
    cid = lax.axis_index("c")
    sid = lax.axis_index("s")
    wid = sid * NC + cid
    rows_per_sub = NPAD // NS

    def start_idx(j, q):
        row = wid * NCHUNK + j
        pltpu.async_copy(src_hbm.at[row], srcb.at[q], isem[q])
        pltpu.async_copy(dst_hbm.at[row], dstb.at[q], dsem[q])

    def start_gather(j, q, b):
        row = wid * NCHUNK + j
        pltpu.make_async_copy(src_hbm.at[row], srcb.at[q], isem[q]).wait()
        pltpu.make_async_copy(dst_hbm.at[row], dstb.at[q], dsem[q]).wait()
        pltpu.async_copy(tab_hbm.at[srcb.at[q]], rows[b], gsem[b])
        pltpu.async_copy(adt_hbm.at[dstb.at[q]], adr[b], asem[b])

    pltpu.sync_copy(z_hbm, acc.at[pl.ds(sid * rows_per_sub, rows_per_sub)])
    plsc.subcore_barrier()
    start_idx(0, 0)
    start_idx(1, 1)

    def compute(q, b):
        pltpu.make_async_copy(tab_hbm.at[srcb.at[q]], rows[b], gsem[b]).wait()
        pltpu.make_async_copy(adt_hbm.at[dstb.at[q]], adr[b], asem[b]).wait()

        n_vregs = a_off // L

        def one_edge(e):
            as_v = rows[b][e, a_off:a_off + L]
            ad_v = adr[b][e, :]
            ev = as_v + ad_v
            ev = jnp.maximum(ev, ev * 0.2)
            exv = jnp.exp(ev)
            rows[b][e, a_off:a_off + L] = exv
            for v in range(n_vregs):
                m = _lane_bcast(exv, v * n_heads // n_vregs)
                rows[b][e, v * L:(v + 1) * L] = (
                    rows[b][e, v * L:(v + 1) * L] * m)

        def edge(e, c2):
            one_edge(e)
            return c2

        lax.fori_loop(0, CB, edge, 0)
        pltpu.async_copy(rows[b], acc.at[dstb.at[q]], ssem[b], add=True)

    start_gather(0, 0, 0)

    def one(j, q, b):
        @pl.when(j > 0)
        def _():
            pltpu.make_async_copy(
                rows[1 - b], acc.at[dstb.at[(q + 3) % 4]],
                ssem[1 - b]).wait()

        @pl.when(j + 1 < NCHUNK)
        def _():
            start_gather(j + 1, (q + 1) % 4, 1 - b)

        @pl.when(j + 2 < NCHUNK)
        def _():
            start_idx(j + 2, (q + 2) % 4)

        compute(q, b)

    def quad(i, carry):
        one(4 * i + 0, 0, 0)
        one(4 * i + 1, 1, 1)
        one(4 * i + 2, 2, 0)
        one(4 * i + 3, 3, 1)
        return carry

    lax.fori_loop(0, NCHUNK // 4, quad, 0)
    pltpu.make_async_copy(
        rows[1], acc.at[dstb.at[(NCHUNK - 1) % 4]], ssem[1]).wait()
    plsc.subcore_barrier()

    pltpu.sync_copy(
        acc.at[pl.ds(sid * rows_per_sub, rows_per_sub)],
        out_hbm.at[pl.ds(cid * NPAD + sid * rows_per_sub, rows_per_sub)])


def _make_sc_edge(row_w, n_heads, a_off):
    mesh = plsc.VectorSubcoreMesh(core_axis_name="c", subcore_axis_name="s")
    return pl.kernel(
        functools.partial(_sc_edge_body, n_heads, a_off),
        out_type=jax.ShapeDtypeStruct((NC * NPAD, row_w), jnp.float32),
        mesh=mesh,
        compiler_params=pltpu.CompilerParams(use_tc_tiling_on_sc=False),
        scratch_types=[
            pltpu.VMEM((4, CB), jnp.int32),
            pltpu.VMEM((4, CB), jnp.int32),
            pltpu.VMEM((CB, row_w), jnp.float32),
            pltpu.VMEM((CB, row_w), jnp.float32),
            pltpu.VMEM((CB, L), jnp.float32),
            pltpu.VMEM((CB, L), jnp.float32),
            pltpu.VMEM_SHARED((NPAD, row_w), jnp.float32),
        ] + [pltpu.SemaphoreType.DMA] * 14,
    )


_sc_edge_l1 = _make_sc_edge(W1ROW, HEADS, HEADS * HID)
_sc_edge_l2 = _make_sc_edge(W2ROW, 1, OUT_DIM)


def kernel(x, edge_index, W1, a_src1, a_dst1, b1, W2, a_src2, a_dst2, b2):
    x = x.astype(jnp.float32)
    src = edge_index[0].astype(jnp.int32).reshape(E // CB, CB)
    dst = edge_index[1].astype(jnp.int32).reshape(E // CB, CB)

    bd = jnp.asarray(_BD)
    a_s_mat = a_src1.reshape(HEADS * HID, 1).astype(jnp.float32) * bd
    a_d_mat = a_dst1.reshape(HEADS * HID, 1).astype(jnp.float32) * bd
    rep = jnp.asarray(_BD.T)

    tab1, adt1 = _tc_a(x, W1.astype(jnp.float32), a_s_mat, a_d_mat)

    z1 = jnp.zeros((NPAD // NS, W1ROW), jnp.float32)
    part1 = _sc_edge_l1(tab1, adt1, src, dst, z1)

    tab2, adt2 = _tc_b(part1, rep,
                       b1.reshape(1, -1).astype(jnp.float32),
                       W2.astype(jnp.float32),
                       a_src2.reshape(-1, 1).astype(jnp.float32),
                       a_dst2.reshape(-1, 1).astype(jnp.float32))

    z2 = jnp.zeros((NPAD // NS, W2ROW), jnp.float32)
    part2 = _sc_edge_l2(tab2, adt2, src, dst, z2)

    return _tc_c(part2, b2.reshape(1, -1).astype(jnp.float32))

# --- scband reference (transcript-rebuilt; emitter-appended) ---
"""Pipeline reference for scband-gat-85899346613 (READ-ONLY COPY).

The authoritative reference and input builder live on the scoring server;
editing this copy changes nothing except your own understanding.
"""

import jax, jax.numpy as jnp
import numpy as np

N = 10000
E = 320000
IN_DIM = 128
HID = 16
HEADS = 8
OUT_DIM = 64


def setup_inputs(seed: int = 0) -> dict:
    key = jax.random.key(seed)
    ks = jax.random.split(key, 12)
    x = jax.random.normal(ks[0], (N, IN_DIM), dtype=jnp.float32)
    edge_index = jax.random.randint(ks[1], (2, E), 0, N)
    W1 = jax.random.normal(ks[2], (IN_DIM, HEADS * HID), dtype=jnp.float32) * 0.1
    a_src1 = jax.random.normal(ks[3], (HEADS, HID), dtype=jnp.float32) * 0.1
    a_dst1 = jax.random.normal(ks[4], (HEADS, HID), dtype=jnp.float32) * 0.1
    b1 = jnp.zeros((HEADS * HID,), dtype=jnp.float32)
    W2 = jax.random.normal(ks[5], (HEADS * HID, 1 * OUT_DIM), dtype=jnp.float32) * 0.1
    a_src2 = jax.random.normal(ks[6], (1, OUT_DIM), dtype=jnp.float32) * 0.1
    a_dst2 = jax.random.normal(ks[7], (1, OUT_DIM), dtype=jnp.float32) * 0.1
    b2 = jnp.zeros((OUT_DIM,), dtype=jnp.float32)
    return {"x": x, "edge_index": edge_index, "W1": W1, "a_src1": a_src1,
            "a_dst1": a_dst1, "b1": b1, "W2": W2, "a_src2": a_src2,
            "a_dst2": a_dst2, "b2": b2}


def _gat_layer(x, edge_index, W, a_s, a_d, b, heads, out_c, concat):
    n = x.shape[0]
    h = (x @ W).reshape(n, heads, out_c)
    src = edge_index[0]
    dst = edge_index[1]
    alpha_s = jnp.sum(h * a_s[None, :, :], axis=-1)  # [N, H]
    alpha_d = jnp.sum(h * a_d[None, :, :], axis=-1)  # [N, H]
    e = alpha_s[src] + alpha_d[dst]                   # [E, H]
    e = jax.nn.leaky_relu(e, negative_slope=0.2)
    emax = jax.ops.segment_max(e, dst, num_segments=n)
    emax = jnp.where(jnp.isfinite(emax), emax, 0.0)
    emax = jax.lax.stop_gradient(emax)
    ex = jnp.exp(e - emax[dst])
    denom = jax.ops.segment_sum(ex, dst, num_segments=n)
    alpha = ex / (denom[dst] + 1e-16)                 # [E, H]
    msg = h[src] * alpha[:, :, None]                  # [E, H, C]
    out = jax.ops.segment_sum(msg, dst, num_segments=n)
    if concat:
        out = out.reshape(n, heads * out_c) + b
    else:
        out = jnp.mean(out, axis=1) + b
    return out


def reference(x, edge_index, W1, a_src1, a_dst1, b1, W2, a_src2, a_dst2, b2):
    # dropout is a no-op in eval mode (training=False)
    h = _gat_layer(x, edge_index, W1, a_src1, a_dst1, b1, HEADS, HID, True)
    h = jax.nn.elu(h)
    out = _gat_layer(h, edge_index, W2, a_src2, a_dst2, b2, 1, OUT_DIM, False)
    return out

if __name__ == "__main__":
    import jax
    _d = setup_inputs()
    print(jax.jit(kernel)(*tuple(_d.values())))

</pallas_src>

<mosaic_0001>
#map = affine_map<(d0, d1) -> (0, 0)>
module attributes {stable_mosaic.version = 14 : i64} {
  func.func @_sc_edge_body(%arg0: i32, %arg1: i32, %arg2: memref<10000x144xf32, #tpu.memory_space<hbm>>, %arg3: memref<10000x16xf32, #tpu.memory_space<hbm>>, %arg4: memref<3200x100xi32, #tpu.memory_space<hbm>>, %arg5: memref<3200x100xi32, #tpu.memory_space<hbm>>, %arg6: memref<640x144xf32, #tpu.memory_space<hbm>>, %arg7: memref<20480x144xf32, #tpu.memory_space<hbm>>, %arg8: memref<4x100xi32, #tpu.memory_space<vmem>>, %arg9: memref<4x100xi32, #tpu.memory_space<vmem>>, %arg10: memref<100x144xf32, #tpu.memory_space<vmem>>, %arg11: memref<100x144xf32, #tpu.memory_space<vmem>>, %arg12: memref<100x16xf32, #tpu.memory_space<vmem>>, %arg13: memref<100x16xf32, #tpu.memory_space<vmem>>, %arg14: memref<10240x144xf32, #tpu.memory_space<vmem_shared>>, %arg15: memref<!tpu.dma_semaphore, #tpu.memory_space<semaphore_mem>>, %arg16: memref<!tpu.dma_semaphore, #tpu.memory_space<semaphore_mem>>, %arg17: memref<!tpu.dma_semaphore, #tpu.memory_space<semaphore_mem>>, %arg18: memref<!tpu.dma_semaphore, #tpu.memory_space<semaphore_mem>>, %arg19: memref<!tpu.dma_semaphore, #tpu.memory_space<semaphore_mem>>, %arg20: memref<!tpu.dma_semaphore, #tpu.memory_space<semaphore_mem>>, %arg21: memref<!tpu.dma_semaphore, #tpu.memory_space<semaphore_mem>>, %arg22: memref<!tpu.dma_semaphore, #tpu.memory_space<semaphore_mem>>, %arg23: memref<!tpu.dma_semaphore, #tpu.memory_space<semaphore_mem>>, %arg24: memref<!tpu.dma_semaphore, #tpu.memory_space<semaphore_mem>>, %arg25: memref<!tpu.dma_semaphore, #tpu.memory_space<semaphore_mem>>, %arg26: memref<!tpu.dma_semaphore, #tpu.memory_space<semaphore_mem>>, %arg27: memref<!tpu.dma_semaphore, #tpu.memory_space<semaphore_mem>>, %arg28: memref<!tpu.dma_semaphore, #tpu.memory_space<semaphore_mem>>) attributes {dimension_semantics = [#tpu.dimension_semantics<core_parallel>, #tpu.dimension_semantics<subcore_parallel>], iteration_bounds = array<i64: 2, 16>, scalar_prefetch = 0 : i64, scratch_operands = 21 : i64, tpu.core_type = #tpu.core_type<sc_vector_subcore>, window_params = [{transform_indices = #map}, {transform_indices = #map}, {transform_indices = #map}, {transform_indices = #map}, {transform_indices = #map}, {transform_indices = #map}]} {
    %mul3A = arith.constant 2 : i32
    %mul3A_0 = arith.muli %arg1, %mul3A : i32
    %add3A = arith.addi %mul3A_0, %arg0 : i32
    %mul3A_1 = arith.constant 640 : i32
    %mul3A_2 = arith.muli %arg1, %mul3A_1 : i32
    "tpu.region"() ({
      %run_scoped3A = tpu.sem_alloc : memref<!tpu.dma_semaphore, #tpu.memory_space<semaphore_mem>>
      %dma_start3A_125 = arith.constant 0 : i32
      %dma_start3A_126 = tpu.memref_slice %arg14[%mul3A_2, %dma_start3A_125] : memref<10240x144xf32, #tpu.memory_space<vmem_shared>> -> memref<640x144xf32, #tpu.memory_space<vmem_shared>>
      tpu.enqueue_dma source(%arg6 : memref<640x144xf32, #tpu.memory_space<hbm>>) target(%dma_start3A_126 : memref<640x144xf32, #tpu.memory_space<vmem_shared>>) target_semaphore(%run_scoped3A : memref<!tpu.dma_semaphore, #tpu.memory_space<semaphore_mem>>)
      %dma_wait3A_127 = arith.constant 0 : i32
      %dma_wait3A_128 = tpu.memref_slice %arg14[%mul3A_2, %dma_wait3A_127] : memref<10240x144xf32, #tpu.memory_space<vmem_shared>> -> memref<640x144xf32, #tpu.memory_space<vmem_shared>>
      tpu.wait_dma2 semaphore(%run_scoped3A : memref<!tpu.dma_semaphore, #tpu.memory_space<semaphore_mem>>) src(%arg6 : memref<640x144xf32, #tpu.memory_space<hbm>>) dst(%dma_wait3A_128 : memref<640x144xf32, #tpu.memory_space<vmem_shared>>)
      tpu.yield
    }) : () -> ()
    %barrier3A = arith.constant 0 : index
    tpu.barrier barrier_id(%barrier3A)
    %mul3A_3 = arith.constant 100 : i32
    %mul3A_4 = arith.muli %add3A, %mul3A_3 : i32
    %add3A_5 = arith.constant 0 : i32
    %add3A_6 = arith.addi %mul3A_4, %add3A_5 : i32
    %dma_start3A = arith.constant 0 : i32
    %dma_start3A_7 = arith.constant 0 : i32
    %dma_start3A_8 = tpu.memref_slice %arg8[%dma_start3A, %dma_start3A_7] : memref<4x100xi32, #tpu.memory_space<vmem>> -> memref<1x100xi32, #tpu.memory_space<vmem>>
    %dma_start3A_9 = tpu.memref_squeeze %dma_start3A_8 : memref<1x100xi32, #tpu.memory_space<vmem>> -> memref<100xi32, #tpu.memory_space<vmem>>
    %dma_start3A_10 = arith.constant 0 : i32
    %dma_start3A_11 = tpu.memref_slice %arg4[%add3A_6, %dma_start3A_10] : memref<3200x100xi32, #tpu.memory_space<hbm>> -> memref<1x100xi32, #tpu.memory_space<hbm>>
    %dma_start3A_12 = tpu.memref_squeeze %dma_start3A_11 : memref<1x100xi32, #tpu.memory_space<hbm>> -> memref<100xi32, #tpu.memory_space<hbm>>
    %dma_start3A_13 = arith.constant 0 : i32
    %dma_start3A_14 = tpu.memref_slice %arg8[%dma_start3A, %dma_start3A_13] : memref<4x100xi32, #tpu.memory_space<vmem>> -> memref<1x100xi32, #tpu.memory_space<vmem>>
    %dma_start3A_15 = tpu.memref_squeeze %dma_start3A_14 : memref<1x100xi32, #tpu.memory_space<vmem>> -> memref<100xi32, #tpu.memory_space<vmem>>
    %dma_start3A_16 = arith.constant 0 : i32
    %dma_start3A_17 = tpu.memref_slice %arg4[%add3A_6, %dma_start3A_16] : memref<3200x100xi32, #tpu.memory_space<hbm>> -> memref<1x100xi32, #tpu.memory_space<hbm>>
    %dma_start3A_18 = tpu.memref_squeeze %dma_start3A_17 : memref<1x100xi32, #tpu.memory_space<hbm>> -> memref<100xi32, #tpu.memory_space<hbm>>
    tpu.enqueue_dma source(%dma_start3A_18 : memref<100xi32, #tpu.memory_space<hbm>>) target(%dma_start3A_15 : memref<100xi32, #tpu.memory_space<vmem>>) target_semaphore(%arg21 : memref<!tpu.dma_semaphore, #tpu.memory_space<semaphore_mem>>)
    %dma_start3A_19 = arith.constant 0 : i32
    %dma_start3A_20 = arith.constant 0 : i32
    %dma_start3A_21 = tpu.memref_slice %arg9[%dma_start3A_19, %dma_start3A_20] : memref<4x100xi32, #tpu.memory_space<vmem>> -> memref<1x100xi32, #tpu.memory_space<vmem>>
    %dma_start3A_22 = tpu.memref_squeeze %dma_start3A_21 : memref<1x100xi32, #tpu.memory_space<vmem>> -> memref<100xi32, #tpu.memory_space<vmem>>
    %dma_start3A_23 = arith.constant 0 : i32
    %dma_start3A_24 = tpu.memref_slice %arg5[%add3A_6, %dma_start3A_23] : memref<3200x100xi32, #tpu.memory_space<hbm>> -> memref<1x100xi32, #tpu.memory_space<hbm>>
    %dma_start3A_25 = tpu.memref_squeeze %dma_start3A_24 : memref<1x100xi32, #tpu.memory_space<hbm>> -> memref<100xi32, #tpu.memory_space<hbm>>
    %dma_start3A_26 = arith.constant 0 : i32
    %dma_start3A_27 = tpu.memref_slice %arg9[%dma_start3A_19, %dma_start3A_26] : memref<4x100xi32, #tpu.memory_space<vmem>> -> memref<1x100xi32, #tpu.memory_space<vmem>>
    %dma_start3A_28 = tpu.memref_squeeze %dma_start3A_27 : memref<1x100xi32, #tpu.memory_space<vmem>> -> memref<100xi32, #tpu.memory_space<vmem>>
    %dma_start3A_29 = arith.constant 0 : i32
    %dma_start3A_30 = tpu.memref_slice %arg5[%add3A_6, %dma_start3A_29] : memref<3200x100xi32, #tpu.memory_space<hbm>> -> memref<1x100xi32, #tpu.memory_space<hbm>>
    %dma_start3A_31 = tpu.memref_squeeze %dma_start3A_30 : memref<1x100xi32, #tpu.memory_space<hbm>> -> memref<100xi32, #tpu.memory_space<hbm>>
    tpu.enqueue_dma source(%dma_start3A_31 : memref<100xi32, #tpu.memory_space<hbm>>) target(%dma_start3A_28 : memref<100xi32, #tpu.memory_space<vmem>>) target_semaphore(%arg25 : memref<!tpu.dma_semaphore, #tpu.memory_space<semaphore_mem>>)
    %mul3A_32 = arith.constant 100 : i32
    %mul3A_33 = arith.muli %add3A, %mul3A_32 : i32
    %add3A_34 = arith.constant 1 : i32
    %add3A_35 = arith.addi %mul3A_33, %add3A_34 : i32
    %dma_start3A_36 = arith.constant 1 : i32
    %dma_start3A_37 = arith.constant 0 : i32
    %dma_start3A_38 = tpu.memref_slice %arg8[%dma_start3A_36, %dma_start3A_37] : memref<4x100xi32, #tpu.memory_space<vmem>> -> memref<1x100xi32, #tpu.memory_space<vmem>>
    %dma_start3A_39 = tpu.memref_squeeze %dma_start3A_38 : memref<1x100xi32, #tpu.memory_space<vmem>> -> memref<100xi32, #tpu.memory_space<vmem>>
    %dma_start3A_40 = arith.constant 0 : i32
    %dma_start3A_41 = tpu.memref_slice %arg4[%add3A_35, %dma_start3A_40] : memref<3200x100xi32, #tpu.memory_space<hbm>> -> memref<1x100xi32, #tpu.memory_space<hbm>>
    %dma_start3A_42 = tpu.memref_squeeze %dma_start3A_41 : memref<1x100xi32, #tpu.memory_space<hbm>> -> memref<100xi32, #tpu.memory_space<hbm>>
    %dma_start3A_43 = arith.constant 0 : i32
    %dma_start3A_44 = tpu.memref_slice %arg8[%dma_start3A_36, %dma_start3A_43] : memref<4x100xi32, #tpu.memory_space<vmem>> -> memref<1x100xi32, #tpu.memory_space<vmem>>
    %dma_start3A_45 = tpu.memref_squeeze %dma_start3A_44 : memref<1x100xi32, #tpu.memory_space<vmem>> -> memref<100xi32, #tpu.memory_space<vmem>>
    %dma_start3A_46 = arith.constant 0 : i32
    %dma_start3A_47 = tpu.memref_slice %arg4[%add3A_35, %dma_start3A_46] : memref<3200x100xi32, #tpu.memory_space<hbm>> -> memref<1x100xi32, #tpu.memory_space<hbm>>
    %dma_start3A_48 = tpu.memref_squeeze %dma_start3A_47 : memref<1x100xi32, #tpu.memory_space<hbm>> -> memref<100xi32, #tpu.memory_space<hbm>>
    tpu.enqueue_dma source(%dma_start3A_48 : memref<100xi32, #tpu.memory_space<hbm>>) target(%dma_start3A_45 : memref<100xi32, #tpu.memory_space<vmem>>) target_semaphore(%arg22 : memref<!tpu.dma_semaphore, #tpu.memory_space<semaphore_mem>>)
    %dma_start3A_49 = arith.constant 1 : i32
    %dma_start3A_50 = arith.constant 0 : i32
    %dma_start3A_51 = tpu.memref_slice %arg9[%dma_start3A_49, %dma_start3A_50] : memref<4x100xi32, #tpu.memory_space<vmem>> -> memref<1x100xi32, #tpu.memory_space<vmem>>
    %dma_start3A_52 = tpu.memref_squeeze %dma_start3A_51 : memref<1x100xi32, #tpu.memory_space<vmem>> -> memref<100xi32, #tpu.memory_space<vmem>>
    %dma_start3A_53 = arith.constant 0 : i32
    %dma_start3A_54 = tpu.memref_slice %arg5[%add3A_35, %dma_start3A_53] : memref<3200x100xi32, #tpu.memory_space<hbm>> -> memref<1x100xi32, #tpu.memory_space<hbm>>
    %dma_start3A_55 = tpu.memref_squeeze %dma_start3A_54 : memref<1x100xi32, #tpu.memory_space<hbm>> -> memref<100xi32, #tpu.memory_space<hbm>>
    %dma_start3A_56 = arith.constant 0 : i32
    %dma_start3A_57 = tpu.memref_slice %arg9[%dma_start3A_49, %dma_start3A_56] : memref<4x100xi32, #tpu.memory_space<vmem>> -> memref<1x100xi32, #tpu.memory_space<vmem>>
    %dma_start3A_58 = tpu.memref_squeeze %dma_start3A_57 : memref<1x100xi32, #tpu.memory_space<vmem>> -> memref<100xi32, #tpu.memory_space<vmem>>
    %dma_start3A_59 = arith.constant 0 : i32
    %dma_start3A_60 = tpu.memref_slice %arg5[%add3A_35, %dma_start3A_59] : memref<3200x100xi32, #tpu.memory_space<hbm>> -> memref<1x100xi32, #tpu.memory_space<hbm>>
    %dma_start3A_61 = tpu.memref_squeeze %dma_start3A_60 : memref<1x100xi32, #tpu.memory_space<hbm>> -> memref<100xi32, #tpu.memory_space<hbm>>
    tpu.enqueue_dma source(%dma_start3A_61 : memref<100xi32, #tpu.memory_space<hbm>>) target(%dma_start3A_58 : memref<100xi32, #tpu.memory_space<vmem>>) target_semaphore(%arg26 : memref<!tpu.dma_semaphore, #tpu.memory_space<semaphore_mem>>)
    %mul3A_62 = arith.constant 100 : i32
    %mul3A_63 = arith.muli %add3A, %mul3A_62 : i32
    %add3A_64 = arith.constant 0 : i32
    %add3A_65 = arith.addi %mul3A_63, %add3A_64 : i32
    %dma_wait3A = arith.constant 0 : i32
    %dma_wait3A_66 = arith.constant 0 : i32
    %dma_wait3A_67 = tpu.memref_slice %arg8[%dma_wait3A, %dma_wait3A_66] : memref<4x100xi32, #tpu.memory_space<vmem>> -> memref<1x100xi32, #tpu.memory_space<vmem>>
    %dma_wait3A_68 = tpu.memref_squeeze %dma_wait3A_67 : memref<1x100xi32, #tpu.memory_space<vmem>> -> memref<100xi32, #tpu.memory_space<vmem>>
    %dma_wait3A_69 = arith.constant 0 : i32
    %dma_wait3A_70 = tpu.memref_slice %arg4[%add3A_65, %dma_wait3A_69] : memref<3200x100xi32, #tpu.memory_space<hbm>> -> memref<1x100xi32, #tpu.memory_space<hbm>>
    %dma_wait3A_71 = tpu.memref_squeeze %dma_wait3A_70 : memref<1x100xi32, #tpu.memory_space<hbm>> -> memref<100xi32, #tpu.memory_space<hbm>>
    %dma_wait3A_72 = arith.constant 0 : i32
    %dma_wait3A_73 = tpu.memref_slice %arg8[%dma_wait3A, %dma_wait3A_72] : memref<4x100xi32, #tpu.memory_space<vmem>> -> memref<1x100xi32, #tpu.memory_space<vmem>>
    %dma_wait3A_74 = tpu.memref_squeeze %dma_wait3A_73 : memref<1x100xi32, #tpu.memory_space<vmem>> -> memref<100xi32, #tpu.memory_space<vmem>>
    %dma_wait3A_75 = arith.constant 0 : i32
    %dma_wait3A_76 = tpu.memref_slice %arg4[%add3A_65, %dma_wait3A_75] : memref<3200x100xi32, #tpu.memory_space<hbm>> -> memref<1x100xi32, #tpu.memory_space<hbm>>
    %dma_wait3A_77 = tpu.memref_squeeze %dma_wait3A_76 : memref<1x100xi32, #tpu.memory_space<hbm>> -> memref<100xi32, #tpu.memory_space<hbm>>
    tpu.wait_dma2 semaphore(%arg21 : memref<!tpu.dma_semaphore, #tpu.memory_space<semaphore_mem>>) src(%dma_wait3A_77 : memref<100xi32, #tpu.memory_space<hbm>>) dst(%dma_wait3A_74 : memref<100xi32, #tpu.memory_space<vmem>>)
    %dma_wait3A_78 = arith.constant 0 : i32
    %dma_wait3A_79 = arith.constant 0 : i32
    %dma_wait3A_80 = tpu.memref_slice %arg9[%dma_wait3A_78, %dma_wait3A_79] : memref<4x100xi32, #tpu.memory_space<vmem>> -> memref<1x100xi32, #tpu.memory_space<vmem>>
    %dma_wait3A_81 = tpu.memref_squeeze %dma_wait3A_80 : memref<1x100xi32, #tpu.memory_space<vmem>> -> memref<100xi32, #tpu.memory_space<vmem>>
    %dma_wait3A_82 = arith.constant 0 : i32
    %dma_wait3A_83 = tpu.memref_slice %arg5[%add3A_65, %dma_wait3A_82] : memref<3200x100xi32, #tpu.memory_space<hbm>> -> memref<1x100xi32, #tpu.memory_space<hbm>>
    %dma_wait3A_84 = tpu.memref_squeeze %dma_wait3A_83 : memref<1x100xi32, #tpu.memory_space<hbm>> -> memref<100xi32, #tpu.memory_space<hbm>>
    %dma_wait3A_85 = arith.constant 0 : i32
    %dma_wait3A_86 = tpu.memref_slice %arg9[%dma_wait3A_78, %dma_wait3A_85] : memref<4x100xi32, #tpu.memory_space<vmem>> -> memref<1x100xi32, #tpu.memory_space<vmem>>
    %dma_wait3A_87 = tpu.memref_squeeze %dma_wait3A_86 : memref<1x100xi32, #tpu.memory_space<vmem>> -> memref<100xi32, #tpu.memory_space<vmem>>
    %dma_wait3A_88 = arith.constant 0 : i32
    %dma_wait3A_89 = tpu.memref_slice %arg5[%add3A_65, %dma_wait3A_88] : memref<3200x100xi32, #tpu.memory_space<hbm>> -> memref<1x100xi32, #tpu.memory_space<hbm>>
    %dma_wait3A_90 = tpu.memref_squeeze %dma_wait3A_89 : memref<1x100xi32, #tpu.memory_space<hbm>> -> memref<100xi32, #tpu.memory_space<hbm>>
    tpu.wait_dma2 semaphore(%arg25 : memref<!tpu.dma_semaphore, #tpu.memory_space<semaphore_mem>>) src(%dma_wait3A_90 : memref<100xi32, #tpu.memory_space<hbm>>) dst(%dma_wait3A_87 : memref<100xi32, #tpu.memory_space<vmem>>)
    %dma_start3A_91 = arith.constant 0 : i32
    %dma_start3A_92 = arith.constant 0 : i32
    %dma_start3A_93 = tpu.memref_slice %arg8[%dma_start3A_91, %dma_start3A_92] : memref<4x100xi32, #tpu.memory_space<vmem>> -> memref<1x100xi32, #tpu.memory_space<vmem>>
    %dma_start3A_94 = tpu.memref_squeeze %dma_start3A_93 : memref<1x100xi32, #tpu.memory_space<vmem>> -> memref<100xi32, #tpu.memory_space<vmem>>
    %dma_start3A_95 = arith.constant 0 : i32
    %dma_start3A_96 = arith.constant 0 : i32
    %dma_start3A_97 = tpu.memref_slice %arg2[%dma_start3A_95, %dma_start3A_96] : memref<10000x144xf32, #tpu.memory_space<hbm>> -> memref<10000x144xf32, #tpu.memory_space<hbm>>
    tpu.enqueue_indirect_dma source(%dma_start3A_97 : memref<10000x144xf32, #tpu.memory_space<hbm>>) target(%arg10 : memref<100x144xf32, #tpu.memory_space<vmem>>) offsets(%dma_start3A_94 : memref<100xi32, #tpu.memory_space<vmem>>) semaphore(%arg15 : memref<!tpu.dma_semaphore, #tpu.memory_space<semaphore_mem>>)
    %dma_start3A_98 = arith.constant 0 : i32
    %dma_start3A_99 = arith.constant 0 : i32
    %dma_start3A_100 = tpu.memref_slice %arg9[%dma_start3A_98, %dma_start3A_99] : memref<4x100xi32, #tpu.memory_space<vmem>> -> memref<1x100xi32, #tpu.memory_space<vmem>>
    %dma_start3A_101 = tpu.memref_squeeze %dma_start3A_100 : memref<1x100xi32, #tpu.memory_space<vmem>> -> memref<100xi32, #tpu.memory_space<vmem>>
    %dma_start3A_102 = arith.constant 0 : i32
    %dma_start3A_103 = arith.constant 0 : i32
    %dma_start3A_104 = tpu.memref_slice %arg3[%dma_start3A_102, %dma_start3A_103] : memref<10000x16xf32, #tpu.memory_space<hbm>> -> memref<10000x16xf32, #tpu.memory_space<hbm>>
    tpu.enqueue_indirect_dma source(%dma_start3A_104 : memref<10000x16xf32, #tpu.memory_space<hbm>>) target(%arg12 : memref<100x16xf32, #tpu.memory_space<vmem>>) offsets(%dma_start3A_101 : memref<100xi32, #tpu.memory_space<vmem>>) semaphore(%arg17 : memref<!tpu.dma_semaphore, #tpu.memory_space<semaphore_mem>>)
    %scan3A = arith.constant 0 : i32
    %scan3A_105 = arith.constant 0 : i32
    %scan3A_106 = arith.constant 25 : i32
    %scan3A_107 = arith.addi %scan3A_105, %scan3A_106 : i32
    %scan3A_108 = arith.constant 1 : i32
    scf.for %scan3A_125 = %scan3A_105 to %scan3A_107 step %scan3A_108  : i32 {
      %mul3A_126 = arith.constant 4 : i32
      %mul3A_127 = arith.muli %mul3A_126, %scan3A_125 : i32
      %add3A_128 = arith.constant 0 : i32
      %add3A_129 = arith.addi %mul3A_127, %add3A_128 : i32
      %gt3A = arith.constant 0 : i32
      %gt3A_130 = arith.cmpi sgt, %add3A_129, %gt3A : i32
      %convert_element_type3A = arith.extui %gt3A_130 : i1 to i32
      %cond3A = arith.constant 0 : i32
      %cond3A_131 = arith.cmpi ne, %convert_element_type3A, %cond3A : i32
      scf.if %cond3A_131 {
        %dma_wait3A_322 = arith.constant 3 : i32
        %dma_wait3A_323 = arith.constant 0 : i32
        %dma_wait3A_324 = tpu.memref_slice %arg9[%dma_wait3A_322, %dma_wait3A_323] : memref<4x100xi32, #tpu.memory_space<vmem>> -> memref<1x100xi32, #tpu.memory_space<vmem>>
        %dma_wait3A_325 = tpu.memref_squeeze %dma_wait3A_324 : memref<1x100xi32, #tpu.memory_space<vmem>> -> memref<100xi32, #tpu.memory_space<vmem>>
        %dma_wait3A_326 = arith.constant 0 : i32
        %dma_wait3A_327 = arith.constant 0 : i32
        %dma_wait3A_328 = tpu.memref_slice %arg14[%dma_wait3A_326, %dma_wait3A_327] : memref<10240x144xf32, #tpu.memory_space<vmem_shared>> -> memref<10240x144xf32, #tpu.memory_space<vmem_shared>>
        tpu.wait_indirect_dma semaphore(%arg20 : memref<!tpu.dma_semaphore, #tpu.memory_space<semaphore_mem>>) src(%arg11 : memref<100x144xf32, #tpu.memory_space<vmem>>) dst(%dma_wait3A_328 : memref<10240x144xf32, #tpu.memory_space<vmem_shared>>)
      } else {
      }
      %add3A_132 = arith.constant 1 : i32
      %add3A_133 = arith.addi %add3A_129, %add3A_132 : i32
      %lt3A = arith.constant 100 : i32
      %lt3A_134 = arith.cmpi slt, %add3A_133, %lt3A : i32
      %convert_element_type3A_135 = arith.extui %lt3A_134 : i1 to i32
      %cond3A_136 = arith.constant 0 : i32
      %cond3A_137 = arith.cmpi ne, %convert_element_type3A_135, %cond3A_136 : i32
      scf.if %cond3A_137 {
        %add3A_322 = arith.constant 1 : i32
        %add3A_323 = arith.addi %add3A_129, %add3A_322 : i32
        %mul3A_324 = arith.constant 100 : i32
        %mul3A_325 = arith.muli %add3A, %mul3A_324 : i32
        %add3A_326 = arith.addi %mul3A_325, %add3A_323 : i32
        %dma_wait3A_327 = arith.constant 1 : i32
        %dma_wait3A_328 = arith.constant 0 : i32
        %dma_wait3A_329 = tpu.memref_slice %arg8[%dma_wait3A_327, %dma_wait3A_328] : memref<4x100xi32, #tpu.memory_space<vmem>> -> memref<1x100xi32, #tpu.memory_space<vmem>>
        %dma_wait3A_330 = tpu.memref_squeeze %dma_wait3A_329 : memref<1x100xi32, #tpu.memory_space<vmem>> -> memref<100xi32, #tpu.memory_space<vmem>>
        %dma_wait3A_331 = arith.constant 0 : i32
        %dma_wait3A_332 = tpu.memref_slice %arg4[%add3A_326, %dma_wait3A_331] : memref<3200x100xi32, #tpu.memory_space<hbm>> -> memref<1x100xi32, #tpu.memory_space<hbm>>
        %dma_wait3A_333 = tpu.memref_squeeze %dma_wait3A_332 : memref<1x100xi32, #tpu.memory_space<hbm>> -> memref<100xi32, #tpu.memory_space<hbm>>
        %dma_wait3A_334 = arith.constant 0 : i32
        %dma_wait3A_335 = tpu.memref_slice %arg8[%dma_wait3A_327, %dma_wait3A_334] : memref<4x100xi32, #tpu.memory_space<vmem>> -> memref<1x100xi32, #tpu.memory_space<vmem>>
        %dma_wait3A_336 = tpu.memref_squeeze %dma_wait3A_335 : memref<1x100xi32, #tpu.memory_space<vmem>> -> memref<100xi32, #tpu.memory_space<vmem>>
        %dma_wait3A_337 = arith.constant 0 : i32
        %dma_wait3A_338 = tpu.memref_slice %arg4[%add3A_326, %dma_wait3A_337] : memref<3200x100xi32, #tpu.memory_space<hbm>> -> memref<1x100xi32, #tpu.memory_space<hbm>>
        %dma_wait3A_339 = tpu.memref_squeeze %dma_wait3A_338 : memref<1x100xi32, #tpu.memory_space<hbm>> -> memref<100xi32, #tpu.memory_space<hbm>>
        tpu.wait_dma2 semaphore(%arg22 : memref<!tpu.dma_semaphore, #tpu.memory_space<semaphore_mem>>) src(%dma_wait3A_339 : memref<100xi32, #tpu.memory_space<hbm>>) dst(%dma_wait3A_336 : memref<100xi32, #tpu.memory_space<vmem>>)
        %dma_wait3A_340 = arith.constant 1 : i32
        %dma_wait3A_341 = arith.constant 0 : i32
        %dma_wait3A_342 = tpu.memref_slice %arg9[%dma_wait3A_340, %dma_wait3A_341] : memref<4x100xi32, #tpu.memory_space<vmem>> -> memref<1x100xi32, #tpu.memory_space<vmem>>
        %dma_wait3A_343 = tpu.memref_squeeze %dma_wait3A_342 : memref<1x100xi32, #tpu.memory_space<vmem>> -> memref<100xi32, #tpu.memory_space<vmem>>
        %dma_wait3A_344 = arith.constant 0 : i32
        %dma_wait3A_345 = tpu.memref_slice %arg5[%add3A_326, %dma_wait3A_344] : memref<3200x100xi32, #tpu.memory_space<hbm>> -> memref<1x100xi32, #tpu.memory_space<hbm>>
        %dma_wait3A_346 = tpu.memref_squeeze %dma_wait3A_345 : memref<1x100xi32, #tpu.memory_space<hbm>> -> memref<100xi32, #tpu.memory_space<hbm>>
        %dma_wait3A_347 = arith.constant 0 : i32
        %dma_wait3A_348 = tpu.memref_slice %arg9[%dma_wait3A_340, %dma_wait3A_347] : memref<4x100xi32, #tpu.memory_space<vmem>> -> memref<1x100xi32, #tpu.memory_space<vmem>>
        %dma_wait3A_349 = tpu.memref_squeeze %dma_wait3A_348 : memref<1x100xi32, #tpu.memory_space<vmem>> -> memref<100xi32, #tpu.memory_space<vmem>>
        %dma_wait3A_350 = arith.constant 0 : i32
        %dma_wait3A_351 = tpu.memref_slice %arg5[%add3A_326, %dma_wait3A_350] : memref<3200x100xi32, #tpu.memory_space<hbm>> -> memref<1x100xi32, #tpu.memory_space<hbm>>
        %dma_wait3A_352 = tpu.memref_squeeze %dma_wait3A_351 : memref<1x100xi32, #tpu.memory_space<hbm>> -> memref<100xi32, #tpu.memory_space<hbm>>
        tpu.wait_dma2 semaphore(%arg26 : memref<!tpu.dma_semaphore, #tpu.memory_space<semaphore_mem>>) src(%dma_wait3A_352 : memref<100xi32, #tpu.memory_space<hbm>>) dst(%dma_wait3A_349 : memref<100xi32, #tpu.memory_space<vmem>>)
        %dma_start3A_353 = arith.constant 1 : i32
        %dma_start3A_354 = arith.constant 0 : i32
        %dma_start3A_355 = tpu.memref_slice %arg8[%dma_start3A_353, %dma_start3A_354] : memref<4x100xi32, #tpu.memory_space<vmem>> -> memref<1x100xi32, #tpu.memory_space<vmem>>
        %dma_start3A_356 = tpu.memref_squeeze %dma_start3A_355 : memref<1x100xi32, #tpu.memory_space<vmem>> -> memref<100xi32, #tpu.memory_space<vmem>>
        %dma_start3A_357 = arith.constant 0 : i32
        %dma_start3A_358 = arith.constant 0 : i32
        %dma_start3A_359 = tpu.memref_slice %arg2[%dma_start3A_357, %dma_start3A_358] : memref<10000x144xf32, #tpu.memory_space<hbm>> -> memref<10000x144xf32, #tpu.memory_space<hbm>>
        tpu.enqueue_indirect_dma source(%dma_start3A_359 : memref<10000x144xf32, #tpu.memory_space<hbm>>) target(%arg11 : memref<100x144xf32, #tpu.memory_space<vmem>>) offsets(%dma_start3A_356 : memref<100xi32, #tpu.memory_space<vmem>>) semaphore(%arg16 : memref<!tpu.dma_semaphore, #tpu.memory_space<semaphore_mem>>)
        %dma_start3A_360 = arith.constant 1 : i32
        %dma_start3A_361 = arith.constant 0 : i32
        %dma_start3A_362 = tpu.memref_slice %arg9[%dma_start3A_360, %dma_start3A_361] : memref<4x100xi32, #tpu.memory_space<vmem>> -> memref<1x100xi32, #tpu.memory_space<vmem>>
        %dma_start3A_363 = tpu.memref_squeeze %dma_start3A_362 : memref<1x100xi32, #tpu.memory_space<vmem>> -> memref<100xi32, #tpu.memory_space<vmem>>
        %dma_start3A_364 = arith.constant 0 : i32
        %dma_start3A_365 = arith.constant 0 : i32
        %dma_start3A_366 = tpu.memref_slice %arg3[%dma_start3A_364, %dma_start3A_365] : memref<10000x16xf32, #tpu.memory_space<hbm>> -> memref<10000x16xf32, #tpu.memory_space<hbm>>
        tpu.enqueue_indirect_dma source(%dma_start3A_366 : memref<10000x16xf32, #tpu.memory_space<hbm>>) target(%arg13 : memref<100x16xf32, #tpu.memory_space<vmem>>) offsets(%dma_start3A_363 : memref<100xi32, #tpu.memory_space<vmem>>) semaphore(%arg18 : memref<!tpu.dma_semaphore, #tpu.memory_space<semaphore_mem>>)
      } else {
      }
      %add3A_138 = arith.constant 2 : i32
      %add3A_139 = arith.addi %add3A_129, %add3A_138 : i32
      %lt3A_140 = arith.constant 100 : i32
      %lt3A_141 = arith.cmpi slt, %add3A_139, %lt3A_140 : i32
      %convert_element_type3A_142 = arith.extui %lt3A_141 : i1 to i32
      %cond3A_143 = arith.constant 0 : i32
      %cond3A_144 = arith.cmpi ne, %convert_element_type3A_142, %cond3A_143 : i32
      scf.if %cond3A_144 {
        %add3A_322 = arith.constant 2 : i32
        %add3A_323 = arith.addi %add3A_129, %add3A_322 : i32
        %mul3A_324 = arith.constant 100 : i32
        %mul3A_325 = arith.muli %add3A, %mul3A_324 : i32
        %add3A_326 = arith.addi %mul3A_325, %add3A_323 : i32
        %dma_start3A_327 = arith.constant 2 : i32
        %dma_start3A_328 = arith.constant 0 : i32
        %dma_start3A_329 = tpu.memref_slice %arg8[%dma_start3A_327, %dma_start3A_328] : memref<4x100xi32, #tpu.memory_space<vmem>> -> memref<1x100xi32, #tpu.memory_space<vmem>>
        %dma_start3A_330 = tpu.memref_squeeze %dma_start3A_329 : memref<1x100xi32, #tpu.memory_space<vmem>> -> memref<100xi32, #tpu.memory_space<vmem>>
        %dma_start3A_331 = arith.constant 0 : i32
        %dma_start3A_332 = tpu.memref_slice %arg4[%add3A_326, %dma_start3A_331] : memref<3200x100xi32, #tpu.memory_space<hbm>> -> memref<1x100xi32, #tpu.memory_space<hbm>>
        %dma_start3A_333 = tpu.memref_squeeze %dma_start3A_332 : memref<1x100xi32, #tpu.memory_space<hbm>> -> memref<100xi32, #tpu.memory_space<hbm>>
        %dma_start3A_334 = arith.constant 0 : i32
        %dma_start3A_335 = tpu.memref_slice %arg8[%dma_start3A_327, %dma_start3A_334] : memref<4x100xi32, #tpu.memory_space<vmem>> -> memref<1x100xi32, #tpu.memory_space<vmem>>
        %dma_start3A_336 = tpu.memref_squeeze %dma_start3A_335 : memref<1x100xi32, #tpu.memory_space<vmem>> -> memref<100xi32, #tpu.memory_space<vmem>>
        %dma_start3A_337 = arith.constant 0 : i32
        %dma_start3A_338 = tpu.memref_slice %arg4[%add3A_326, %dma_start3A_337] : memref<3200x100xi32, #tpu.memory_space<hbm>> -> memref<1x100xi32, #tpu.memory_space<hbm>>
        %dma_start3A_339 = tpu.memref_squeeze %dma_start3A_338 : memref<1x100xi32, #tpu.memory_space<hbm>> -> memref<100xi32, #tpu.memory_space<hbm>>
        tpu.enqueue_dma source(%dma_start3A_339 : memref<100xi32, #tpu.memory_space<hbm>>) target(%dma_start3A_336 : memref<100xi32, #tpu.memory_space<vmem>>) target_semaphore(%arg23 : memref<!tpu.dma_semaphore, #tpu.memory_space<semaphore_mem>>)
        %dma_start3A_340 = arith.constant 2 : i32
        %dma_start3A_341 = arith.constant 0 : i32
        %dma_start3A_342 = tpu.memref_slice %arg9[%dma_start3A_340, %dma_start3A_341] : memref<4x100xi32, #tpu.memory_space<vmem>> -> memref<1x100xi32, #tpu.memory_space<vmem>>
        %dma_start3A_343 = tpu.memref_squeeze %dma_start3A_342 : memref<1x100xi32, #tpu.memory_space<vmem>> -> memref<100xi32, #tpu.memory_space<vmem>>
        %dma_start3A_344 = arith.constant 0 : i32
        %dma_start3A_345 = tpu.memref_slice %arg5[%add3A_326, %dma_start3A_344] : memref<3200x100xi32, #tpu.memory_space<hbm>> -> memref<1x100xi32, #tpu.memory_space<hbm>>
        %dma_start3A_346 = tpu.memref_squeeze %dma_start3A_345 : memref<1x100xi32, #tpu.memory_space<hbm>> -> memref<100xi32, #tpu.memory_space<hbm>>
        %dma_start3A_347 = arith.constant 0 : i32
        %dma_start3A_348 = tpu.memref_slice %arg9[%dma_start3A_340, %dma_start3A_347] : memref<4x100xi32, #tpu.memory_space<vmem>> -> memref<1x100xi32, #tpu.memory_space<vmem>>
        %dma_start3A_349 = tpu.memref_squeeze %dma_start3A_348 : memref<1x100xi32, #tpu.memory_space<vmem>> -> memref<100xi32, #tpu.memory_space<vmem>>
        %dma_start3A_350 = arith.constant 0 : i32
        %dma_start3A_351 = tpu.memref_slice %arg5[%add3A_326, %dma_start3A_350] : memref<3200x100xi32, #tpu.memory_space<hbm>> -> memref<1x100xi32, #tpu.memory_space<hbm>>
        %dma_start3A_352 = tpu.memref_squeeze %dma_start3A_351 : memref<1x100xi32, #tpu.memory_space<hbm>> -> memref<100xi32, #tpu.memory_space<hbm>>
        tpu.enqueue_dma source(%dma_start3A_352 : memref<100xi32, #tpu.memory_space<hbm>>) target(%dma_start3A_349 : memref<100xi32, #tpu.memory_space<vmem>>) target_semaphore(%arg27 : memref<!tpu.dma_semaphore, #tpu.memory_space<semaphore_mem>>)
      } else {
      }
      %dma_wait3A_145 = arith.constant 0 : i32
      %dma_wait3A_146 = arith.constant 0 : i32
      %dma_wait3A_147 = tpu.memref_slice %arg8[%dma_wait3A_145, %dma_wait3A_146] : memref<4x100xi32, #tpu.memory_space<vmem>> -> memref<1x100xi32, #tpu.memory_space<vmem>>
      %dma_wait3A_148 = tpu.memref_squeeze %dma_wait3A_147 : memref<1x100xi32, #tpu.memory_space<vmem>> -> memref<100xi32, #tpu.memory_space<vmem>>
      %dma_wait3A_149 = arith.constant 0 : i32
      %dma_wait3A_150 = arith.constant 0 : i32
      %dma_wait3A_151 = tpu.memref_slice %arg2[%dma_wait3A_149, %dma_wait3A_150] : memref<10000x144xf32, #tpu.memory_space<hbm>> -> memref<10000x144xf32, #tpu.memory_space<hbm>>
      tpu.wait_indirect_dma semaphore(%arg15 : memref<!tpu.dma_semaphore, #tpu.memory_space<semaphore_mem>>) src(%dma_wait3A_151 : memref<10000x144xf32, #tpu.memory_space<hbm>>) dst(%arg10 : memref<100x144xf32, #tpu.memory_space<vmem>>)
      %dma_wait3A_152 = arith.constant 0 : i32
      %dma_wait3A_153 = arith.constant 0 : i32
      %dma_wait3A_154 = tpu.memref_slice %arg9[%dma_wait3A_152, %dma_wait3A_153] : memref<4x100xi32, #tpu.memory_space<vmem>> -> memref<1x100xi32, #tpu.memory_space<vmem>>
      %dma_wait3A_155 = tpu.memref_squeeze %dma_wait3A_154 : memref<1x100xi32, #tpu.memory_space<vmem>> -> memref<100xi32, #tpu.memory_space<vmem>>
      %dma_wait3A_156 = arith.constant 0 : i32
      %dma_wait3A_157 = arith.constant 0 : i32
      %dma_wait3A_158 = tpu.memref_slice %arg3[%dma_wait3A_156, %dma_wait3A_157] : memref<10000x16xf32, #tpu.memory_space<hbm>> -> memref<10000x16xf32, #tpu.memory_space<hbm>>
      tpu.wait_indirect_dma semaphore(%arg17 : memref<!tpu.dma_semaphore, #tpu.memory_space<semaphore_mem>>) src(%dma_wait3A_158 : memref<10000x16xf32, #tpu.memory_space<hbm>>) dst(%arg12 : memref<100x16xf32, #tpu.memory_space<vmem>>)
      %scan3A_159 = arith.constant 0 : i32
      %scan3A_160 = arith.constant 0 : i32
      %scan3A_161 = arith.constant 100 : i32
      %scan3A_162 = arith.addi %scan3A_160, %scan3A_161 : i32
      %scan3A_163 = arith.constant 1 : i32
      scf.for %scan3A_322 = %scan3A_160 to %scan3A_162 step %scan3A_163  : i32 {
        %get3A = arith.index_cast %scan3A_322 : i32 to index
        %get3A_323 = arith.constant 128 : index
        %get3A_324 = tpu.vector_load %arg10[%get3A, %get3A_323] {strides = array<i32>} : memref<100x144xf32, #tpu.memory_space<vmem>>, vector<1x16xf32>,
        %get3A_325 = vector.shape_cast %get3A_324 : vector<1x16xf32> to vector<16xf32>
        %get3A_326 = arith.index_cast %scan3A_322 : i32 to index
        %get3A_327 = arith.constant 0 : index
        %get3A_328 = tpu.vector_load %arg12[%get3A_326, %get3A_327] {strides = array<i32>} : memref<100x16xf32, #tpu.memory_space<vmem>>, vector<1x16xf32>,
        %get3A_329 = vector.shape_cast %get3A_328 : vector<1x16xf32> to vector<16xf32>
        %add3A_330 = arith.addf %get3A_325, %get3A_329 : vector<16xf32>
        %mul3A_331 = arith.constant 2.000000e-01 : f32
        %mul3A_332 = vector.broadcast %mul3A_331 : f32 to vector<16xf32>
        %mul3A_333 = arith.mulf %add3A_330, %mul3A_332 : vector<16xf32>
        %max3A = arith.maximumf %add3A_330, %mul3A_333 : vector<16xf32>
        %exp3A = math.exp %max3A : vector<16xf32>
        %swap3A = arith.index_cast %scan3A_322 : i32 to index
        %swap3A_334 = arith.constant 128 : index
        %swap3A_335 = tpu.vector_load %arg10[%swap3A, %swap3A_334] {strides = array<i32>} : memref<100x144xf32, #tpu.memory_space<vmem>>, vector<1x16xf32>,
        %swap3A_336 = vector.shape_cast %swap3A_335 : vector<1x16xf32> to vector<16xf32>
        %swap3A_337 = vector.shape_cast %exp3A : vector<16xf32> to vector<1x16xf32>
        tpu.vector_store %arg10[%swap3A, %swap3A_334], %swap3A_337 {strides = array<i32>} : memref<100x144xf32, #tpu.memory_space<vmem>>, vector<1x16xf32>,
        %broadcast_in_dim3A = arith.constant 0 : i32
        %broadcast_in_dim3A_338 = vector.broadcast %broadcast_in_dim3A : i32 to vector<16xi32>
        %broadcast_in_dim3A_339 = vector.shape_cast %broadcast_in_dim3A_338 : vector<16xi32> to vector<16x1xi32>
        %gather3A = vector.shape_cast %broadcast_in_dim3A_339 : vector<16x1xi32> to vector<16xi32>
        %gather3A_340 = tpu.dynamic_gather %exp3A[%gather3A] in [0] : vector<16xf32>, vector<16xi32> -> vector<16xf32>
        %get3A_341 = arith.index_cast %scan3A_322 : i32 to index
        %get3A_342 = arith.constant 0 : index
        %get3A_343 = tpu.vector_load %arg10[%get3A_341, %get3A_342] {strides = array<i32>} : memref<100x144xf32, #tpu.memory_space<vmem>>, vector<1x16xf32>,
        %get3A_344 = vector.shape_cast %get3A_343 : vector<1x16xf32> to vector<16xf32>
        %mul3A_345 = arith.mulf %get3A_344, %gather3A_340 : vector<16xf32>
        %swap3A_346 = arith.index_cast %scan3A_322 : i32 to index
        %swap3A_347 = arith.constant 0 : index
        %swap3A_348 = tpu.vector_load %arg10[%swap3A_346, %swap3A_347] {strides = array<i32>} : memref<100x144xf32, #tpu.memory_space<vmem>>, vector<1x16xf32>,
        %swap3A_349 = vector.shape_cast %swap3A_348 : vector<1x16xf32> to vector<16xf32>
        %swap3A_350 = vector.shape_cast %mul3A_345 : vector<16xf32> to vector<1x16xf32>
        tpu.vector_store %arg10[%swap3A_346, %swap3A_347], %swap3A_350 {strides = array<i32>} : memref<100x144xf32, #tpu.memory_space<vmem>>, vector<1x16xf32>,
        %broadcast_in_dim3A_351 = arith.constant 1 : i32
        %broadcast_in_dim3A_352 = vector.broadcast %broadcast_in_dim3A_351 : i32 to vector<16xi32>
        %broadcast_in_dim3A_353 = vector.shape_cast %broadcast_in_dim3A_352 : vector<16xi32> to vector<16x1xi32>
        %gather3A_354 = vector.shape_cast %broadcast_in_dim3A_353 : vector<16x1xi32> to vector<16xi32>
        %gather3A_355 = tpu.dynamic_gather %exp3A[%gather3A_354] in [0] : vector<16xf32>, vector<16xi32> -> vector<16xf32>
        %get3A_356 = arith.index_cast %scan3A_322 : i32 to index
        %get3A_357 = arith.constant 16 : index
        %get3A_358 = tpu.vector_load %arg10[%get3A_356, %get3A_357] {strides = array<i32>} : memref<100x144xf32, #tpu.memory_space<vmem>>, vector<1x16xf32>,
        %get3A_359 = vector.shape_cast %get3A_358 : vector<1x16xf32> to vector<16xf32>
        %mul3A_360 = arith.mulf %get3A_359, %gather3A_355 : vector<16xf32>
        %swap3A_361 = arith.index_cast %scan3A_322 : i32 to index
        %swap3A_362 = arith.constant 16 : index
        %swap3A_363 = tpu.vector_load %arg10[%swap3A_361, %swap3A_362] {strides = array<i32>} : memref<100x144xf32, #tpu.memory_space<vmem>>, vector<1x16xf32>,
        %swap3A_364 = vector.shape_cast %swap3A_363 : vector<1x16xf32> to vector<16xf32>
        %swap3A_365 = vector.shape_cast %mul3A_360 : vector<16xf32> to vector<1x16xf32>
        tpu.vector_store %arg10[%swap3A_361, %swap3A_362], %swap3A_365 {strides = array<i32>} : memref<100x144xf32, #tpu.memory_space<vmem>>, vector<1x16xf32>,
        %broadcast_in_dim3A_366 = arith.constant 2 : i32
        %broadcast_in_dim3A_367 = vector.broadcast %broadcast_in_dim3A_366 : i32 to vector<16xi32>
        %broadcast_in_dim3A_368 = vector.shape_cast %broadcast_in_dim3A_367 : vector<16xi32> to vector<16x1xi32>
        %gather3A_369 = vector.shape_cast %broadcast_in_dim3A_368 : vector<16x1xi32> to vector<16xi32>
        %gather3A_370 = tpu.dynamic_gather %exp3A[%gather3A_369] in [0] : vector<16xf32>, vector<16xi32> -> vector<16xf32>
        %get3A_371 = arith.index_cast %scan3A_322 : i32 to index
        %get3A_372 = arith.constant 32 : index
        %get3A_373 = tpu.vector_load %arg10[%get3A_371, %get3A_372] {strides = array<i32>} : memref<100x144xf32, #tpu.memory_space<vmem>>, vector<1x16xf32>,
        %get3A_374 = vector.shape_cast %get3A_373 : vector<1x16xf32> to vector<16xf32>
        %mul3A_375 = arith.mulf %get3A_374, %gather3A_370 : vector<16xf32>
        %swap3A_376 = arith.index_cast %scan3A_322 : i32 to index
        %swap3A_377 = arith.constant 32 : index
        %swap3A_378 = tpu.vector_load %arg10[%swap3A_376, %swap3A_377] {strides = array<i32>} : memref<100x144xf32, #tpu.memory_space<vmem>>, vector<1x16xf32>,
        %swap3A_379 = vector.shape_cast %swap3A_378 : vector<1x16xf32> to vector<16xf32>
        %swap3A_380 = vector.shape_cast %mul3A_375 : vector<16xf32> to vector<1x16xf32>
        tpu.vector_store %arg10[%swap3A_376, %swap3A_377], %swap3A_380 {strides = array<i32>} : memref<100x144xf32, #tpu.memory_space<vmem>>, vector<1x16xf32>,
        %broadcast_in_dim3A_381 = arith.constant 3 : i32
        %broadcast_in_dim3A_382 = vector.broadcast %broadcast_in_dim3A_381 : i32 to vector<16xi32>
        %broadcast_in_dim3A_383 = vector.shape_cast %broadcast_in_dim3A_382 : vector<16xi32> to vector<16x1xi32>
        %gather3A_384 = vector.shape_cast %broadcast_in_dim3A_383 : vector<16x1xi32> to vector<16xi32>
        %gather3A_385 = tpu.dynamic_gather %exp3A[%gather3A_384] in [0] : vector<16xf32>, vector<16xi32> -> vector<16xf32>
        %get3A_386 = arith.index_cast %scan3A_322 : i32 to index
        %get3A_387 = arith.constant 48 : index
        %get3A_388 = tpu.vector_load %arg10[%get3A_386, %get3A_387] {strides = array<i32>} : memref<100x144xf32, #tpu.memory_space<vmem>>, vector<1x16xf32>,
        %get3A_389 = vector.shape_cast %get3A_388 : vector<1x16xf32> to vector<16xf32>
        %mul3A_390 = arith.mulf %get3A_389, %gather3A_385 : vector<16xf32>
        %swap3A_391 = arith.index_cast %scan3A_322 : i32 to index
        %swap3A_392 = arith.constant 48 : index
        %swap3A_393 = tpu.vector_load %arg10[%swap3A_391, %swap3A_392] {strides = array<i32>} : memref<100x144xf32, #tpu.memory_space<vmem>>, vector<1x16xf32>,
        %swap3A_394 = vector.shape_cast %swap3A_393 : vector<1x16xf32> to vector<16xf32>
        %swap3A_395 = vector.shape_cast %mul3A_390 : vector<16xf32> to vector<1x16xf32>
        tpu.vector_store %arg10[%swap3A_391, %swap3A_392], %swap3A_395 {strides = array<i32>} : memref<100x144xf32, #tpu.memory_space<vmem>>, vector<1x16xf32>,
        %broadcast_in_dim3A_396 = arith.constant 4 : i32
        %broadcast_in_dim3A_397 = vector.broadcast %broadcast_in_dim3A_396 : i32 to vector<16xi32>
        %broadcast_in_dim3A_398 = vector.shape_cast %broadcast_in_dim3A_397 : vector<16xi32> to vector<16x1xi32>
        %gather3A_399 = vector.shape_cast %broadcast_in_dim3A_398 : vector<16x1xi32> to vector<16xi32>
        %gather3A_400 = tpu.dynamic_gather %exp3A[%gather3A_399] in [0] : vector<16xf32>, vector<16xi32> -> vector<16xf32>
        %get3A_401 = arith.index_cast %scan3A_322 : i32 to index
        %get3A_402 = arith.constant 64 : index
        %get3A_403 = tpu.vector_load %arg10[%get3A_401, %get3A_402] {strides = array<i32>} : memref<100x144xf32, #tpu.memory_space<vmem>>, vector<1x16xf32>,
        %get3A_404 = vector.shape_cast %get3A_403 : vector<1x16xf32> to vector<16xf32>
        %mul3A_405 = arith.mulf %get3A_404, %gather3A_400 : vector<16xf32>
        %swap3A_406 = arith.index_cast %scan3A_322 : i32 to index
        %swap3A_407 = arith.constant 64 : index
        %swap3A_408 = tpu.vector_load %arg10[%swap3A_406, %swap3A_407] {strides = array<i32>} : memref<100x144xf32, #tpu.memory_space<vmem>>, vector<1x16xf32>,
        %swap3A_409 = vector.shape_cast %swap3A_408 : vector<1x16xf32> to vector<16xf32>
        %swap3A_410 = vector.shape_cast %mul3A_405 : vector<16xf32> to vector<1x16xf32>
        tpu.vector_store %arg10[%swap3A_406, %swap3A_407], %swap3A_410 {strides = array<i32>} : memref<100x144xf32, #tpu.memory_space<vmem>>, vector<1x16xf32>,
        %broadcast_in_dim3A_411 = arith.constant 5 : i32
        %broadcast_in_dim3A_412 = vector.broadcast %broadcast_in_dim3A_411 : i32 to vector<16xi32>
        %broadcast_in_dim3A_413 = vector.shape_cast %broadcast_in_dim3A_412 : vector<16xi32> to vector<16x1xi32>
        %gather3A_414 = vector.shape_cast %broadcast_in_dim3A_413 : vector<16x1xi32> to vector<16xi32>
        %gather3A_415 = tpu.dynamic_gather %exp3A[%gather3A_414] in [0] : vector<16xf32>, vector<16xi32> -> vector<16xf32>
        %get3A_416 = arith.index_cast %scan3A_322 : i32 to index
        %get3A_417 = arith.constant 80 : index
        %get3A_418 = tpu.vector_load %arg10[%get3A_416, %get3A_417] {strides = array<i32>} : memref<100x144xf32, #tpu.memory_space<vmem>>, vector<1x16xf32>,
        %get3A_419 = vector.shape_cast %get3A_418 : vector<1x16xf32> to vector<16xf32>
        %mul3A_420 = arith.mulf %get3A_419, %gather3A_415 : vector<16xf32>
        %swap3A_421 = arith.index_cast %scan3A_322 : i32 to index
        %swap3A_422 = arith.constant 80 : index
        %swap3A_423 = tpu.vector_load %arg10[%swap3A_421, %swap3A_422] {strides = array<i32>} : memref<100x144xf32, #tpu.memory_space<vmem>>, vector<1x16xf32>,
        %swap3A_424 = vector.shape_cast %swap3A_423 : vector<1x16xf32> to vector<16xf32>
        %swap3A_425 = vector.shape_cast %mul3A_420 : vector<16xf32> to vector<1x16xf32>
        tpu.vector_store %arg10[%swap3A_421, %swap3A_422], %swap3A_425 {strides = array<i32>} : memref<100x144xf32, #tpu.memory_space<vmem>>, vector<1x16xf32>,
        %broadcast_in_dim3A_426 = arith.constant 6 : i32
        %broadcast_in_dim3A_427 = vector.broadcast %broadcast_in_dim3A_426 : i32 to vector<16xi32>
        %broadcast_in_dim3A_428 = vector.shape_cast %broadcast_in_dim3A_427 : vector<16xi32> to vector<16x1xi32>
        %gather3A_429 = vector.shape_cast %broadcast_in_dim3A_428 : vector<16x1xi32> to vector<16xi32>
        %gather3A_430 = tpu.dynamic_gather %exp3A[%gather3A_429] in [0] : vector<16xf32>, vector<16xi32> -> vector<16xf32>
        %get3A_431 = arith.index_cast %scan3A_322 : i32 to index
        %get3A_432 = arith.constant 96 : index
        %get3A_433 = tpu.vector_load %arg10[%get3A_431, %get3A_432] {strides = array<i32>} : memref<100x144xf32, #tpu.memory_space<vmem>>, vector<1x16xf32>,
        %get3A_434 = vector.shape_cast %get3A_433 : vector<1x16xf32> to vector<16xf32>
        %mul3A_435 = arith.mulf %get3A_434, %gather3A_430 : vector<16xf32>
        %swap3A_436 = arith.index_cast %scan3A_322 : i32 to index
        %swap3A_437 = arith.constant 96 : index
        %swap3A_438 = tpu.vector_load %arg10[%swap3A_436, %swap3A_437] {strides = array<i32>} : memref<100x144xf32, #tpu.memory_space<vmem>>, vector<1x16xf32>,
        %swap3A_439 = vector.shape_cast %swap3A_438 : vector<1x16xf32> to vector<16xf32>
        %swap3A_440 = vector.shape_cast %mul3A_435 : vector<16xf32> to vector<1x16xf32>
        tpu.vector_store %arg10[%swap3A_436, %swap3A_437], %swap3A_440 {strides = array<i32>} : memref<100x144xf32, #tpu.memory_space<vmem>>, vector<1x16xf32>,
        %broadcast_in_dim3A_441 = arith.constant 7 : i32
        %broadcast_in_dim3A_442 = vector.broadcast %broadcast_in_dim3A_441 : i32 to vector<16xi32>
        %broadcast_in_dim3A_443 = vector.shape_cast %broadcast_in_dim3A_442 : vector<16xi32> to vector<16x1xi32>
        %gather3A_444 = vector.shape_cast %broadcast_in_dim3A_443 : vector<16x1xi32> to vector<16xi32>
        %gather3A_445 = tpu.dynamic_gather %exp3A[%gather3A_444] in [0] : vector<16xf32>, vector<16xi32> -> vector<16xf32>
        %get3A_446 = arith.index_cast %scan3A_322 : i32 to index
        %get3A_447 = arith.constant 112 : index
        %get3A_448 = tpu.vector_load %arg10[%get3A_446, %get3A_447] {strides = array<i32>} : memref<100x144xf32, #tpu.memory_space<vmem>>, vector<1x16xf32>,
        %get3A_449 = vector.shape_cast %get3A_448 : vector<1x16xf32> to vector<16xf32>
        %mul3A_450 = arith.mulf %get3A_449, %gather3A_445 : vector<16xf32>
        %swap3A_451 = arith.index_cast %scan3A_322 : i32 to index
        %swap3A_452 = arith.constant 112 : index
        %swap3A_453 = tpu.vector_load %arg10[%swap3A_451, %swap3A_452] {strides = array<i32>} : memref<100x144xf32, #tpu.memory_space<vmem>>, vector<1x16xf32>,
        %swap3A_454 = vector.shape_cast %swap3A_453 : vector<1x16xf32> to vector<16xf32>
        %swap3A_455 = vector.shape_cast %mul3A_450 : vector<16xf32> to vector<1x16xf32>
        tpu.vector_store %arg10[%swap3A_451, %swap3A_452], %swap3A_455 {strides = array<i32>} : memref<100x144xf32, #tpu.memory_space<vmem>>, vector<1x16xf32>,
      }
      %scan3A_164 = arith.constant 100 : i32
      %dma_start3A_165 = arith.constant 0 : i32
      %dma_start3A_166 = arith.constant 0 : i32
      %dma_start3A_167 = tpu.memref_slice %arg9[%dma_start3A_165, %dma_start3A_166] : memref<4x100xi32, #tpu.memory_space<vmem>> -> memref<1x100xi32, #tpu.memory_space<vmem>>
      %dma_start3A_168 = tpu.memref_squeeze %dma_start3A_167 : memref<1x100xi32, #tpu.memory_space<vmem>> -> memref<100xi32, #tpu.memory_space<vmem>>
      %dma_start3A_169 = arith.constant 0 : i32
      %dma_start3A_170 = arith.constant 0 : i32
      %dma_start3A_171 = tpu.memref_slice %arg14[%dma_start3A_169, %dma_start3A_170] : memref<10240x144xf32, #tpu.memory_space<vmem_shared>> -> memref<10240x144xf32, #tpu.memory_space<vmem_shared>>
      tpu.enqueue_indirect_dma source(%arg10 : memref<100x144xf32, #tpu.memory_space<vmem>>) target(%dma_start3A_171 : memref<10240x144xf32, #tpu.memory_space<vmem_shared>>) offsets(%dma_start3A_168 : memref<100xi32, #tpu.memory_space<vmem>>) semaphore(%arg19 : memref<!tpu.dma_semaphore, #tpu.memory_space<semaphore_mem>>) {add = true}
      %mul3A_172 = arith.constant 4 : i32
      %mul3A_173 = arith.muli %mul3A_172, %scan3A_125 : i32
      %add3A_174 = arith.constant 1 : i32
      %add3A_175 = arith.addi %mul3A_173, %add3A_174 : i32
      %gt3A_176 = arith.constant 0 : i32
      %gt3A_177 = arith.cmpi sgt, %add3A_175, %gt3A_176 : i32
      %convert_element_type3A_178 = arith.extui %gt3A_177 : i1 to i32
      %cond3A_179 = arith.constant 0 : i32
      %cond3A_180 = arith.cmpi ne, %convert_element_type3A_178, %cond3A_179 : i32
      scf.if %cond3A_180 {
        %dma_wait3A_322 = arith.constant 0 : i32
        %dma_wait3A_323 = arith.constant 0 : i32
        %dma_wait3A_324 = tpu.memref_slice %arg9[%dma_wait3A_322, %dma_wait3A_323] : memref<4x100xi32, #tpu.memory_space<vmem>> -> memref<1x100xi32, #tpu.memory_space<vmem>>
        %dma_wait3A_325 = tpu.memref_squeeze %dma_wait3A_324 : memref<1x100xi32, #tpu.memory_space<vmem>> -> memref<100xi32, #tpu.memory_space<vmem>>
        %dma_wait3A_326 = arith.constant 0 : i32
        %dma_wait3A_327 = arith.constant 0 : i32
        %dma_wait3A_328 = tpu.memref_slice %arg14[%dma_wait3A_326, %dma_wait3A_327] : memref<10240x144xf32, #tpu.memory_space<vmem_shared>> -> memref<10240x144xf32, #tpu.memory_space<vmem_shared>>
        tpu.wait_indirect_dma semaphore(%arg19 : memref<!tpu.dma_semaphore, #tpu.memory_space<semaphore_mem>>) src(%arg10 : memref<100x144xf32, #tpu.memory_space<vmem>>) dst(%dma_wait3A_328 : memref<10240x144xf32, #tpu.memory_space<vmem_shared>>)
      } else {
      }
      %add3A_181 = arith.constant 1 : i32
      %add3A_182 = arith.addi %add3A_175, %add3A_181 : i32
      %lt3A_183 = arith.constant 100 : i32
      %lt3A_184 = arith.cmpi slt, %add3A_182, %lt3A_183 : i32
      %convert_element_type3A_185 = arith.extui %lt3A_184 : i1 to i32
      %cond3A_186 = arith.constant 0 : i32
      %cond3A_187 = arith.cmpi ne, %convert_element_type3A_185, %cond3A_186 : i32
      scf.if %cond3A_187 {
        %add3A_322 = arith.constant 1 : i32
        %add3A_323 = arith.addi %add3A_175, %add3A_322 : i32
        %mul3A_324 = arith.constant 100 : i32
        %mul3A_325 = arith.muli %add3A, %mul3A_324 : i32
        %add3A_326 = arith.addi %mul3A_325, %add3A_323 : i32
        %dma_wait3A_327 = arith.constant 2 : i32
        %dma_wait3A_328 = arith.constant 0 : i32
        %dma_wait3A_329 = tpu.memref_slice %arg8[%dma_wait3A_327, %dma_wait3A_328] : memref<4x100xi32, #tpu.memory_space<vmem>> -> memref<1x100xi32, #tpu.memory_space<vmem>>
        %dma_wait3A_330 = tpu.memref_squeeze %dma_wait3A_329 : memref<1x100xi32, #tpu.memory_space<vmem>> -> memref<100xi32, #tpu.memory_space<vmem>>
        %dma_wait3A_331 = arith.constant 0 : i32
        %dma_wait3A_332 = tpu.memref_slice %arg4[%add3A_326, %dma_wait3A_331] : memref<3200x100xi32, #tpu.memory_space<hbm>> -> memref<1x100xi32, #tpu.memory_space<hbm>>
        %dma_wait3A_333 = tpu.memref_squeeze %dma_wait3A_332 : memref<1x100xi32, #tpu.memory_space<hbm>> -> memref<100xi32, #tpu.memory_space<hbm>>
        %dma_wait3A_334 = arith.constant 0 : i32
        %dma_wait3A_335 = tpu.memref_slice %arg8[%dma_wait3A_327, %dma_wait3A_334] : memref<4x100xi32, #tpu.memory_space<vmem>> -> memref<1x100xi32, #tpu.memory_space<vmem>>
        %dma_wait3A_336 = tpu.memref_squeeze %dma_wait3A_335 : memref<1x100xi32, #tpu.memory_space<vmem>> -> memref<100xi32, #tpu.memory_space<vmem>>
        %dma_wait3A_337 = arith.constant 0 : i32
        %dma_wait3A_338 = tpu.memref_slice %arg4[%add3A_326, %dma_wait3A_337] : memref<3200x100xi32, #tpu.memory_space<hbm>> -> memref<1x100xi32, #tpu.memory_space<hbm>>
        %dma_wait3A_339 = tpu.memref_squeeze %dma_wait3A_338 : memref<1x100xi32, #tpu.memory_space<hbm>> -> memref<100xi32, #tpu.memory_space<hbm>>
        tpu.wait_dma2 semaphore(%arg23 : memref<!tpu.dma_semaphore, #tpu.memory_space<semaphore_mem>>) src(%dma_wait3A_339 : memref<100xi32, #tpu.memory_space<hbm>>) dst(%dma_wait3A_336 : memref<100xi32, #tpu.memory_space<vmem>>)
        %dma_wait3A_340 = arith.constant 2 : i32
        %dma_wait3A_341 = arith.constant 0 : i32
        %dma_wait3A_342 = tpu.memref_slice %arg9[%dma_wait3A_340, %dma_wait3A_341] : memref<4x100xi32, #tpu.memory_space<vmem>> -> memref<1x100xi32, #tpu.memory_space<vmem>>
        %dma_wait3A_343 = tpu.memref_squeeze %dma_wait3A_342 : memref<1x100xi32, #tpu.memory_space<vmem>> -> memref<100xi32, #tpu.memory_space<vmem>>
        %dma_wait3A_344 = arith.constant 0 : i32
        %dma_wait3A_345 = tpu.memref_slice %arg5[%add3A_326, %dma_wait3A_344] : memref<3200x100xi32, #tpu.memory_space<hbm>> -> memref<1x100xi32, #tpu.memory_space<hbm>>
        %dma_wait3A_346 = tpu.memref_squeeze %dma_wait3A_345 : memref<1x100xi32, #tpu.memory_space<hbm>> -> memref<100xi32, #tpu.memory_space<hbm>>
        %dma_wait3A_347 = arith.constant 0 : i32
        %dma_wait3A_348 = tpu.memref_slice %arg9[%dma_wait3A_340, %dma_wait3A_347] : memref<4x100xi32, #tpu.memory_space<vmem>> -> memref<1x100xi32, #tpu.memory_space<vmem>>
        %dma_wait3A_349 = tpu.memref_squeeze %dma_wait3A_348 : memref<1x100xi32, #tpu.memory_space<vmem>> -> memref<100xi32, #tpu.memory_space<vmem>>
        %dma_wait3A_350 = arith.constant 0 : i32
        %dma_wait3A_351 = tpu.memref_slice %arg5[%add3A_326, %dma_wait3A_350] : memref<3200x100xi32, #tpu.memory_space<hbm>> -> memref<1x100xi32, #tpu.memory_space<hbm>>
        %dma_wait3A_352 = tpu.memref_squeeze %dma_wait3A_351 : memref<1x100xi32, #tpu.memory_space<hbm>> -> memref<100xi32, #tpu.memory_space<hbm>>
        tpu.wait_dma2 semaphore(%arg27 : memref<!tpu.dma_semaphore, #tpu.memory_space<semaphore_mem>>) src(%dma_wait3A_352 : memref<100xi32, #tpu.memory_space<hbm>>) dst(%dma_wait3A_349 : memref<100xi32, #tpu.memory_space<vmem>>)
        %dma_start3A_353 = arith.constant 2 : i32
        %dma_start3A_354 = arith.constant 0 : i32
        %dma_start3A_355 = tpu.memref_slice %arg8[%dma_start3A_353, %dma_start3A_354] : memref<4x100xi32, #tpu.memory_space<vmem>> -> memref<1x100xi32, #tpu.memory_space<vmem>>
        %dma_start3A_356 = tpu.memref_squeeze %dma_start3A_355 : memref<1x100xi32, #tpu.memory_space<vmem>> -> memref<100xi32, #tpu.memory_space<vmem>>
        %dma_start3A_357 = arith.constant 0 : i32
        %dma_start3A_358 = arith.constant 0 : i32
        %dma_start3A_359 = tpu.memref_slice %arg2[%dma_start3A_357, %dma_start3A_358] : memref<10000x144xf32, #tpu.memory_space<hbm>> -> memref<10000x144xf32, #tpu.memory_space<hbm>>
        tpu.enqueue_indirect_dma source(%dma_start3A_359 : memref<10000x144xf32, #tpu.memory_space<hbm>>) target(%arg10 : memref<100x144xf32, #tpu.memory_space<vmem>>) offsets(%dma_start3A_356 : memref<100xi32, #tpu.memory_space<vmem>>) semaphore(%arg15 : memref<!tpu.dma_semaphore, #tpu.memory_space<semaphore_mem>>)
        %dma_start3A_360 = arith.constant 2 : i32
        %dma_start3A_361 = arith.constant 0 : i32
        %dma_start3A_362 = tpu.memref_slice %arg9[%dma_start3A_360, %dma_start3A_361] : memref<4x100xi32, #tpu.memory_space<vmem>> -> memref<1x100xi32, #tpu.memory_space<vmem>>
        %dma_start3A_363 = tpu.memref_squeeze %dma_start3A_362 : memref<1x100xi32, #tpu.memory_space<vmem>> -> memref<100xi32, #tpu.memory_space<vmem>>
        %dma_start3A_364 = arith.constant 0 : i32
        %dma_start3A_365 = arith.constant 0 : i32
        %dma_start3A_366 = tpu.memref_slice %arg3[%dma_start3A_364, %dma_start3A_365] : memref<10000x16xf32, #tpu.memory_space<hbm>> -> memref<10000x16xf32, #tpu.memory_space<hbm>>
        tpu.enqueue_indirect_dma source(%dma_start3A_366 : memref<10000x16xf32, #tpu.memory_space<hbm>>) target(%arg12 : memref<100x16xf32, #tpu.memory_space<vmem>>) offsets(%dma_start3A_363 : memref<100xi32, #tpu.memory_space<vmem>>) semaphore(%arg17 : memref<!tpu.dma_semaphore, #tpu.memory_space<semaphore_mem>>)
      } else {
      }
      %add3A_188 = arith.constant 2 : i32
      %add3A_189 = arith.addi %add3A_175, %add3A_188 : i32
      %lt3A_190 = arith.constant 100 : i32
      %lt3A_191 = arith.cmpi slt, %add3A_189, %lt3A_190 : i32
      %convert_element_type3A_192 = arith.extui %lt3A_191 : i1 to i32
      %cond3A_193 = arith.constant 0 : i32
      %cond3A_194 = arith.cmpi ne, %convert_element_type3A_192, %cond3A_193 : i32
      scf.if %cond3A_194 {
        %add3A_322 = arith.constant 2 : i32
        %add3A_323 = arith.addi %add3A_175, %add3A_322 : i32
        %mul3A_324 = arith.constant 100 : i32
        %mul3A_325 = arith.muli %add3A, %mul3A_324 : i32
        %add3A_326 = arith.addi %mul3A_325, %add3A_323 : i32
        %dma_start3A_327 = arith.constant 3 : i32
        %dma_start3A_328 = arith.constant 0 : i32
        %dma_start3A_329 = tpu.memref_slice %arg8[%dma_start3A_327, %dma_start3A_328] : memref<4x100xi32, #tpu.memory_space<vmem>> -> memref<1x100xi32, #tpu.memory_space<vmem>>
        %dma_start3A_330 = tpu.memref_squeeze %dma_start3A_329 : memref<1x100xi32, #tpu.memory_space<vmem>> -> memref<100xi32, #tpu.memory_space<vmem>>
        %dma_start3A_331 = arith.constant 0 : i32
        %dma_start3A_332 = tpu.memref_slice %arg4[%add3A_326, %dma_start3A_331] : memref<3200x100xi32, #tpu.memory_space<hbm>> -> memref<1x100xi32, #tpu.memory_space<hbm>>
        %dma_start3A_333 = tpu.memref_squeeze %dma_start3A_332 : memref<1x100xi32, #tpu.memory_space<hbm>> -> memref<100xi32, #tpu.memory_space<hbm>>
        %dma_start3A_334 = arith.constant 0 : i32
        %dma_start3A_335 = tpu.memref_slice %arg8[%dma_start3A_327, %dma_start3A_334] : memref<4x100xi32, #tpu.memory_space<vmem>> -> memref<1x100xi32, #tpu.memory_space<vmem>>
        %dma_start3A_336 = tpu.memref_squeeze %dma_start3A_335 : memref<1x100xi32, #tpu.memory_space<vmem>> -> memref<100xi32, #tpu.memory_space<vmem>>
        %dma_start3A_337 = arith.constant 0 : i32
        %dma_start3A_338 = tpu.memref_slice %arg4[%add3A_326, %dma_start3A_337] : memref<3200x100xi32, #tpu.memory_space<hbm>> -> memref<1x100xi32, #tpu.memory_space<hbm>>
        %dma_start3A_339 = tpu.memref_squeeze %dma_start3A_338 : memref<1x100xi32, #tpu.memory_space<hbm>> -> memref<100xi32, #tpu.memory_space<hbm>>
        tpu.enqueue_dma source(%dma_start3A_339 : memref<100xi32, #tpu.memory_space<hbm>>) target(%dma_start3A_336 : memref<100xi32, #tpu.memory_space<vmem>>) target_semaphore(%arg24 : memref<!tpu.dma_semaphore, #tpu.memory_space<semaphore_mem>>)
        %dma_start3A_340 = arith.constant 3 : i32
        %dma_start3A_341 = arith.constant 0 : i32
        %dma_start3A_342 = tpu.memref_slice %arg9[%dma_start3A_340, %dma_start3A_341] : memref<4x100xi32, #tpu.memory_space<vmem>> -> memref<1x100xi32, #tpu.memory_space<vmem>>
        %dma_start3A_343 = tpu.memref_squeeze %dma_start3A_342 : memref<1x100xi32, #tpu.memory_space<vmem>> -> memref<100xi32, #tpu.memory_space<vmem>>
        %dma_start3A_344 = arith.constant 0 : i32
        %dma_start3A_345 = tpu.memref_slice %arg5[%add3A_326, %dma_start3A_344] : memref<3200x100xi32, #tpu.memory_space<hbm>> -> memref<1x100xi32, #tpu.memory_space<hbm>>
        %dma_start3A_346 = tpu.memref_squeeze %dma_start3A_345 : memref<1x100xi32, #tpu.memory_space<hbm>> -> memref<100xi32, #tpu.memory_space<hbm>>
        %dma_start3A_347 = arith.constant 0 : i32
        %dma_start3A_348 = tpu.memref_slice %arg9[%dma_start3A_340, %dma_start3A_347] : memref<4x100xi32, #tpu.memory_space<vmem>> -> memref<1x100xi32, #tpu.memory_space<vmem>>
        %dma_start3A_349 = tpu.memref_squeeze %dma_start3A_348 : memref<1x100xi32, #tpu.memory_space<vmem>> -> memref<100xi32, #tpu.memory_space<vmem>>
        %dma_start3A_350 = arith.constant 0 : i32
        %dma_start3A_351 = tpu.memref_slice %arg5[%add3A_326, %dma_start3A_350] : memref<3200x100xi32, #tpu.memory_space<hbm>> -> memref<1x100xi32, #tpu.memory_space<hbm>>
        %dma_start3A_352 = tpu.memref_squeeze %dma_start3A_351 : memref<1x100xi32, #tpu.memory_space<hbm>> -> memref<100xi32, #tpu.memory_space<hbm>>
        tpu.enqueue_dma source(%dma_start3A_352 : memref<100xi32, #tpu.memory_space<hbm>>) target(%dma_start3A_349 : memref<100xi32, #tpu.memory_space<vmem>>) target_semaphore(%arg28 : memref<!tpu.dma_semaphore, #tpu.memory_space<semaphore_mem>>)
      } else {
      }
      %dma_wait3A_195 = arith.constant 1 : i32
      %dma_wait3A_196 = arith.constant 0 : i32
      %dma_wait3A_197 = tpu.memref_slice %arg8[%dma_wait3A_195, %dma_wait3A_196] : memref<4x100xi32, #tpu.memory_space<vmem>> -> memref<1x100xi32, #tpu.memory_space<vmem>>
      %dma_wait3A_198 = tpu.memref_squeeze %dma_wait3A_197 : memref<1x100xi32, #tpu.memory_space<vmem>> -> memref<100xi32, #tpu.memory_space<vmem>>
      %dma_wait3A_199 = arith.constant 0 : i32
      %dma_wait3A_200 = arith.constant 0 : i32
      %dma_wait3A_201 = tpu.memref_slice %arg2[%dma_wait3A_199, %dma_wait3A_200] : memref<10000x144xf32, #tpu.memory_space<hbm>> -> memref<10000x144xf32, #tpu.memory_space<hbm>>
      tpu.wait_indirect_dma semaphore(%arg16 : memref<!tpu.dma_semaphore, #tpu.memory_space<semaphore_mem>>) src(%dma_wait3A_201 : memref<10000x144xf32, #tpu.memory_space<hbm>>) dst(%arg11 : memref<100x144xf32, #tpu.memory_space<vmem>>)
      %dma_wait3A_202 = arith.constant 1 : i32
      %dma_wait3A_203 = arith.constant 0 : i32
      %dma_wait3A_204 = tpu.memref_slice %arg9[%dma_wait3A_202, %dma_wait3A_203] : memref<4x100xi32, #tpu.memory_space<vmem>> -> memref<1x100xi32, #tpu.memory_space<vmem>>
      %dma_wait3A_205 = tpu.memref_squeeze %dma_wait3A_204 : memref<1x100xi32, #tpu.memory_space<vmem>> -> memref<100xi32, #tpu.memory_space<vmem>>
      %dma_wait3A_206 = arith.constant 0 : i32
      %dma_wait3A_207 = arith.constant 0 : i32
      %dma_wait3A_208 = tpu.memref_slice %arg3[%dma_wait3A_206, %dma_wait3A_207] : memref<10000x16xf32, #tpu.memory_space<hbm>> -> memref<10000x16xf32, #tpu.memory_space<hbm>>
      tpu.wait_indirect_dma semaphore(%arg18 : memref<!tpu.dma_semaphore, #tpu.memory_space<semaphore_mem>>) src(%dma_wait3A_208 : memref<10000x16xf32, #tpu.memory_space<hbm>>) dst(%arg13 : memref<100x16xf32, #tpu.memory_space<vmem>>)
      %scan3A_209 = arith.constant 0 : i32
      %scan3A_210 = arith.constant 0 : i32
      %scan3A_211 = arith.constant 100 : i32
      %scan3A_212 = arith.addi %scan3A_210, %scan3A_211 : i32
      %scan3A_213 = arith.constant 1 : i32
      scf.for %scan3A_322 = %scan3A_210 to %scan3A_212 step %scan3A_213  : i32 {
        %get3A = arith.index_cast %scan3A_322 : i32 to index
        %get3A_323 = arith.constant 128 : index
        %get3A_324 = tpu.vector_load %arg11[%get3A, %get3A_323] {strides = array<i32>} : memref<100x144xf32, #tpu.memory_space<vmem>>, vector<1x16xf32>,
        %get3A_325 = vector.shape_cast %get3A_324 : vector<1x16xf32> to vector<16xf32>
        %get3A_326 = arith.index_cast %scan3A_322 : i32 to index
        %get3A_327 = arith.constant 0 : index
        %get3A_328 = tpu.vector_load %arg13[%get3A_326, %get3A_327] {strides = array<i32>} : memref<100x16xf32, #tpu.memory_space<vmem>>, vector<1x16xf32>,
        %get3A_329 = vector.shape_cast %get3A_328 : vector<1x16xf32> to vector<16xf32>
        %add3A_330 = arith.addf %get3A_325, %get3A_329 : vector<16xf32>
        %mul3A_331 = arith.constant 2.000000e-01 : f32
        %mul3A_332 = vector.broadcast %mul3A_331 : f32 to vector<16xf32>
        %mul3A_333 = arith.mulf %add3A_330, %mul3A_332 : vector<16xf32>
        %max3A = arith.maximumf %add3A_330, %mul3A_333 : vector<16xf32>
        %exp3A = math.exp %max3A : vector<16xf32>
        %swap3A = arith.index_cast %scan3A_322 : i32 to index
        %swap3A_334 = arith.constant 128 : index
        %swap3A_335 = tpu.vector_load %arg11[%swap3A, %swap3A_334] {strides = array<i32>} : memref<100x144xf32, #tpu.memory_space<vmem>>, vector<1x16xf32>,
        %swap3A_336 = vector.shape_cast %swap3A_335 : vector<1x16xf32> to vector<16xf32>
        %swap3A_337 = vector.shape_cast %exp3A : vector<16xf32> to vector<1x16xf32>
        tpu.vector_store %arg11[%swap3A, %swap3A_334], %swap3A_337 {strides = array<i32>} : memref<100x144xf32, #tpu.memory_space<vmem>>, vector<1x16xf32>,
        %broadcast_in_dim3A = arith.constant 0 : i32
        %broadcast_in_dim3A_338 = vector.broadcast %broadcast_in_dim3A : i32 to vector<16xi32>
        %broadcast_in_dim3A_339 = vector.shape_cast %broadcast_in_dim3A_338 : vector<16xi32> to vector<16x1xi32>
        %gather3A = vector.shape_cast %broadcast_in_dim3A_339 : vector<16x1xi32> to vector<16xi32>
        %gather3A_340 = tpu.dynamic_gather %exp3A[%gather3A] in [0] : vector<16xf32>, vector<16xi32> -> vector<16xf32>
        %get3A_341 = arith.index_cast %scan3A_322 : i32 to index
        %get3A_342 = arith.constant 0 : index
        %get3A_343 = tpu.vector_load %arg11[%get3A_341, %get3A_342] {strides = array<i32>} : memref<100x144xf32, #tpu.memory_space<vmem>>, vector<1x16xf32>,
        %get3A_344 = vector.shape_cast %get3A_343 : vector<1x16xf32> to vector<16xf32>
        %mul3A_345 = arith.mulf %get3A_344, %gather3A_340 : vector<16xf32>
        %swap3A_346 = arith.index_cast %scan3A_322 : i32 to index
        %swap3A_347 = arith.constant 0 : index
        %swap3A_348 = tpu.vector_load %arg11[%swap3A_346, %swap3A_347] {strides = array<i32>} : memref<100x144xf32, #tpu.memory_space<vmem>>, vector<1x16xf32>,
        %swap3A_349 = vector.shape_cast %swap3A_348 : vector<1x16xf32> to vector<16xf32>
        %swap3A_350 = vector.shape_cast %mul3A_345 : vector<16xf32> to vector<1x16xf32>
        tpu.vector_store %arg11[%swap3A_346, %swap3A_347], %swap3A_350 {strides = array<i32>} : memref<100x144xf32, #tpu.memory_space<vmem>>, vector<1x16xf32>,
        %broadcast_in_dim3A_351 = arith.constant 1 : i32
        %broadcast_in_dim3A_352 = vector.broadcast %broadcast_in_dim3A_351 : i32 to vector<16xi32>
        %broadcast_in_dim3A_353 = vector.shape_cast %broadcast_in_dim3A_352 : vector<16xi32> to vector<16x1xi32>
        %gather3A_354 = vector.shape_cast %broadcast_in_dim3A_353 : vector<16x1xi32> to vector<16xi32>
        %gather3A_355 = tpu.dynamic_gather %exp3A[%gather3A_354] in [0] : vector<16xf32>, vector<16xi32> -> vector<16xf32>
        %get3A_356 = arith.index_cast %scan3A_322 : i32 to index
        %get3A_357 = arith.constant 16 : index
        %get3A_358 = tpu.vector_load %arg11[%get3A_356, %get3A_357] {strides = array<i32>} : memref<100x144xf32, #tpu.memory_space<vmem>>, vector<1x16xf32>,
        %get3A_359 = vector.shape_cast %get3A_358 : vector<1x16xf32> to vector<16xf32>
        %mul3A_360 = arith.mulf %get3A_359, %gather3A_355 : vector<16xf32>
        %swap3A_361 = arith.index_cast %scan3A_322 : i32 to index
        %swap3A_362 = arith.constant 16 : index
        %swap3A_363 = tpu.vector_load %arg11[%swap3A_361, %swap3A_362] {strides = array<i32>} : memref<100x144xf32, #tpu.memory_space<vmem>>, vector<1x16xf32>,
        %swap3A_364 = vector.shape_cast %swap3A_363 : vector<1x16xf32> to vector<16xf32>
        %swap3A_365 = vector.shape_cast %mul3A_360 : vector<16xf32> to vector<1x16xf32>
        tpu.vector_store %arg11[%swap3A_361, %swap3A_362], %swap3A_365 {strides = array<i32>} : memref<100x144xf32, #tpu.memory_space<vmem>>, vector<1x16xf32>,
        %broadcast_in_dim3A_366 = arith.constant 2 : i32
        %broadcast_in_dim3A_367 = vector.broadcast %broadcast_in_dim3A_366 : i32 to vector<16xi32>
        %broadcast_in_dim3A_368 = vector.shape_cast %broadcast_in_dim3A_367 : vector<16xi32> to vector<16x1xi32>
        %gather3A_369 = vector.shape_cast %broadcast_in_dim3A_368 : vector<16x1xi32> to vector<16xi32>
        %gather3A_370 = tpu.dynamic_gather %exp3A[%gather3A_369] in [0] : vector<16xf32>, vector<16xi32> -> vector<16xf32>
        %get3A_371 = arith.index_cast %scan3A_322 : i32 to index
        %get3A_372 = arith.constant 32 : index
        %get3A_373 = tpu.vector_load %arg11[%get3A_371, %get3A_372] {strides = array<i32>} : memref<100x144xf32, #tpu.memory_space<vmem>>, vector<1x16xf32>,
        %get3A_374 = vector.shape_cast %get3A_373 : vector<1x16xf32> to vector<16xf32>
        %mul3A_375 = arith.mulf %get3A_374, %gather3A_370 : vector<16xf32>
        %swap3A_376 = arith.index_cast %scan3A_322 : i32 to index
        %swap3A_377 = arith.constant 32 : index
        %swap3A_378 = tpu.vector_load %arg11[%swap3A_376, %swap3A_377] {strides = array<i32>} : memref<100x144xf32, #tpu.memory_space<vmem>>, vector<1x16xf32>,
        %swap3A_379 = vector.shape_cast %swap3A_378 : vector<1x16xf32> to vector<16xf32>
        %swap3A_380 = vector.shape_cast %mul3A_375 : vector<16xf32> to vector<1x16xf32>
        tpu.vector_store %arg11[%swap3A_376, %swap3A_377], %swap3A_380 {strides = array<i32>} : memref<100x144xf32, #tpu.memory_space<vmem>>, vector<1x16xf32>,
        %broadcast_in_dim3A_381 = arith.constant 3 : i32
        %broadcast_in_dim3A_382 = vector.broadcast %broadcast_in_dim3A_381 : i32 to vector<16xi32>
        %broadcast_in_dim3A_383 = vector.shape_cast %broadcast_in_dim3A_382 : vector<16xi32> to vector<16x1xi32>
        %gather3A_384 = vector.shape_cast %broadcast_in_dim3A_383 : vector<16x1xi32> to vector<16xi32>
        %gather3A_385 = tpu.dynamic_gather %exp3A[%gather3A_384] in [0] : vector<16xf32>, vector<16xi32> -> vector<16xf32>
        %get3A_386 = arith.index_cast %scan3A_322 : i32 to index
        %get3A_387 = arith.constant 48 : index
        %get3A_388 = tpu.vector_load %arg11[%get3A_386, %get3A_387] {strides = array<i32>} : memref<100x144xf32, #tpu.memory_space<vmem>>, vector<1x16xf32>,
        %get3A_389 = vector.shape_cast %get3A_388 : vector<1x16xf32> to vector<16xf32>
        %mul3A_390 = arith.mulf %get3A_389, %gather3A_385 : vector<16xf32>
        %swap3A_391 = arith.index_cast %scan3A_322 : i32 to index
        %swap3A_392 = arith.constant 48 : index
        %swap3A_393 = tpu.vector_load %arg11[%swap3A_391, %swap3A_392] {strides = array<i32>} : memref<100x144xf32, #tpu.memory_space<vmem>>, vector<1x16xf32>,
        %swap3A_394 = vector.shape_cast %swap3A_393 : vector<1x16xf32> to vector<16xf32>
        %swap3A_395 = vector.shape_cast %mul3A_390 : vector<16xf32> to vector<1x16xf32>
        tpu.vector_store %arg11[%swap3A_391, %swap3A_392], %swap3A_395 {strides = array<i32>} : memref<100x144xf32, #tpu.memory_space<vmem>>, vector<1x16xf32>,
        %broadcast_in_dim3A_396 = arith.constant 4 : i32
        %broadcast_in_dim3A_397 = vector.broadcast %broadcast_in_dim3A_396 : i32 to vector<16xi32>
        %broadcast_in_dim3A_398 = vector.shape_cast %broadcast_in_dim3A_397 : vector<16xi32> to vector<16x1xi32>
        %gather3A_399 = vector.shape_cast %broadcast_in_dim3A_398 : vector<16x1xi32> to vector<16xi32>
        %gather3A_400 = tpu.dynamic_gather %exp3A[%gather3A_399] in [0] : vector<16xf32>, vector<16xi32> -> vector<16xf32>
        %get3A_401 = arith.index_cast %scan3A_322 : i32 to index
        %get3A_402 = arith.constant 64 : index
        %get3A_403 = tpu.vector_load %arg11[%get3A_401, %get3A_402] {strides = array<i32>} : memref<100x144xf32, #tpu.memory_space<vmem>>, vector<1x16xf32>,
        %get3A_404 = vector.shape_cast %get3A_403 : vector<1x16xf32> to vector<16xf32>
        %mul3A_405 = arith.mulf %get3A_404, %gather3A_400 : vector<16xf32>
        %swap3A_406 = arith.index_cast %scan3A_322 : i32 to index
        %swap3A_407 = arith.constant 64 : index
        %swap3A_408 = tpu.vector_load %arg11[%swap3A_406, %swap3A_407] {strides = array<i32>} : memref<100x144xf32, #tpu.memory_space<vmem>>, vector<1x16xf32>,
        %swap3A_409 = vector.shape_cast %swap3A_408 : vector<1x16xf32> to vector<16xf32>
        %swap3A_410 = vector.shape_cast %mul3A_405 : vector<16xf32> to vector<1x16xf32>
        tpu.vector_store %arg11[%swap3A_406, %swap3A_407], %swap3A_410 {strides = array<i32>} : memref<100x144xf32, #tpu.memory_space<vmem>>, vector<1x16xf32>,
        %broadcast_in_dim3A_411 = arith.constant 5 : i32
        %broadcast_in_dim3A_412 = vector.broadcast %broadcast_in_dim3A_411 : i32 to vector<16xi32>
        %broadcast_in_dim3A_413 = vector.shape_cast %broadcast_in_dim3A_412 : vector<16xi32> to vector<16x1xi32>
        %gather3A_414 = vector.shape_cast %broadcast_in_dim3A_413 : vector<16x1xi32> to vector<16xi32>
        %gather3A_415 = tpu.dynamic_gather %exp3A[%gather3A_414] in [0] : vector<16xf32>, vector<16xi32> -> vector<16xf32>
        %get3A_416 = arith.index_cast %scan3A_322 : i32 to index
        %get3A_417 = arith.constant 80 : index
        %get3A_418 = tpu.vector_load %arg11[%get3A_416, %get3A_417] {strides = array<i32>} : memref<100x144xf32, #tpu.memory_space<vmem>>, vector<1x16xf32>,
        %get3A_419 = vector.shape_cast %get3A_418 : vector<1x16xf32> to vector<16xf32>
        %mul3A_420 = arith.mulf %get3A_419, %gather3A_415 : vector<16xf32>
        %swap3A_421 = arith.index_cast %scan3A_322 : i32 to index
        %swap3A_422 = arith.constant 80 : index
        %swap3A_423 = tpu.vector_load %arg11[%swap3A_421, %swap3A_422] {strides = array<i32>} : memref<100x144xf32, #tpu.memory_space<vmem>>, vector<1x16xf32>,
        %swap3A_424 = vector.shape_cast %swap3A_423 : vector<1x16xf32> to vector<16xf32>
        %swap3A_425 = vector.shape_cast %mul3A_420 : vector<16xf32> to vector<1x16xf32>
        tpu.vector_store %arg11[%swap3A_421, %swap3A_422], %swap3A_425 {strides = array<i32>} : memref<100x144xf32, #tpu.memory_space<vmem>>, vector<1x16xf32>,
        %broadcast_in_dim3A_426 = arith.constant 6 : i32
        %broadcast_in_dim3A_427 = vector.broadcast %broadcast_in_dim3A_426 : i32 to vector<16xi32>
        %broadcast_in_dim3A_428 = vector.shape_cast %broadcast_in_dim3A_427 : vector<16xi32> to vector<16x1xi32>
        %gather3A_429 = vector.shape_cast %broadcast_in_dim3A_428 : vector<16x1xi32> to vector<16xi32>
        %gather3A_430 = tpu.dynamic_gather %exp3A[%gather3A_429] in [0] : vector<16xf32>, vector<16xi32> -> vector<16xf32>
        %get3A_431 = arith.index_cast %scan3A_322 : i32 to index
        %get3A_432 = arith.constant 96 : index
        %get3A_433 = tpu.vector_load %arg11[%get3A_431, %get3A_432] {strides = array<i32>} : memref<100x144xf32, #tpu.memory_space<vmem>>, vector<1x16xf32>,
        %get3A_434 = vector.shape_cast %get3A_433 : vector<1x16xf32> to vector<16xf32>
        %mul3A_435 = arith.mulf %get3A_434, %gather3A_430 : vector<16xf32>
        %swap3A_436 = arith.index_cast %scan3A_322 : i32 to index
        %swap3A_437 = arith.constant 96 : index
        %swap3A_438 = tpu.vector_load %arg11[%swap3A_436, %swap3A_437] {strides = array<i32>} : memref<100x144xf32, #tpu.memory_space<vmem>>, vector<1x16xf32>,
        %swap3A_439 = vector.shape_cast %swap3A_438 : vector<1x16xf32> to vector<16xf32>
        %swap3A_440 = vector.shape_cast %mul3A_435 : vector<16xf32> to vector<1x16xf32>
        tpu.vector_store %arg11[%swap3A_436, %swap3A_437], %swap3A_440 {strides = array<i32>} : memref<100x144xf32, #tpu.memory_space<vmem>>, vector<1x16xf32>,
        %broadcast_in_dim3A_441 = arith.constant 7 : i32
        %broadcast_in_dim3A_442 = vector.broadcast %broadcast_in_dim3A_441 : i32 to vector<16xi32>
        %broadcast_in_dim3A_443 = vector.shape_cast %broadcast_in_dim3A_442 : vector<16xi32> to vector<16x1xi32>
        %gather3A_444 = vector.shape_cast %broadcast_in_dim3A_443 : vector<16x1xi32> to vector<16xi32>
        %gather3A_445 = tpu.dynamic_gather %exp3A[%gather3A_444] in [0] : vector<16xf32>, vector<16xi32> -> vector<16xf32>
        %get3A_446 = arith.index_cast %scan3A_322 : i32 to index
        %get3A_447 = arith.constant 112 : index
        %get3A_448 = tpu.vector_load %arg11[%get3A_446, %get3A_447] {strides = array<i32>} : memref<100x144xf32, #tpu.memory_space<vmem>>, vector<1x16xf32>,
        %get3A_449 = vector.shape_cast %get3A_448 : vector<1x16xf32> to vector<16xf32>
        %mul3A_450 = arith.mulf %get3A_449, %gather3A_445 : vector<16xf32>
        %swap3A_451 = arith.index_cast %scan3A_322 : i32 to index
        %swap3A_452 = arith.constant 112 : index
        %swap3A_453 = tpu.vector_load %arg11[%swap3A_451, %swap3A_452] {strides = array<i32>} : memref<100x144xf32, #tpu.memory_space<vmem>>, vector<1x16xf32>,
        %swap3A_454 = vector.shape_cast %swap3A_453 : vector<1x16xf32> to vector<16xf32>
        %swap3A_455 = vector.shape_cast %mul3A_450 : vector<16xf32> to vector<1x16xf32>
        tpu.vector_store %arg11[%swap3A_451, %swap3A_452], %swap3A_455 {strides = array<i32>} : memref<100x144xf32, #tpu.memory_space<vmem>>, vector<1x16xf32>,
      }
      %scan3A_214 = arith.constant 100 : i32
      %dma_start3A_215 = arith.constant 1 : i32
      %dma_start3A_216 = arith.constant 0 : i32
      %dma_start3A_217 = tpu.memref_slice %arg9[%dma_start3A_215, %dma_start3A_216] : memref<4x100xi32, #tpu.memory_space<vmem>> -> memref<1x100xi32, #tpu.memory_space<vmem>>
      %dma_start3A_218 = tpu.memref_squeeze %dma_start3A_217 : memref<1x100xi32, #tpu.memory_space<vmem>> -> memref<100xi32, #tpu.memory_space<vmem>>
      %dma_start3A_219 = arith.constant 0 : i32
      %dma_start3A_220 = arith.constant 0 : i32
      %dma_start3A_221 = tpu.memref_slice %arg14[%dma_start3A_219, %dma_start3A_220] : memref<10240x144xf32, #tpu.memory_space<vmem_shared>> -> memref<10240x144xf32, #tpu.memory_space<vmem_shared>>
      tpu.enqueue_indirect_dma source(%arg11 : memref<100x144xf32, #tpu.memory_space<vmem>>) target(%dma_start3A_221 : memref<10240x144xf32, #tpu.memory_space<vmem_shared>>) offsets(%dma_start3A_218 : memref<100xi32, #tpu.memory_space<vmem>>) semaphore(%arg20 : memref<!tpu.dma_semaphore, #tpu.memory_space<semaphore_mem>>) {add = true}
      %mul3A_222 = arith.constant 4 : i32
      %mul3A_223 = arith.muli %mul3A_222, %scan3A_125 : i32
      %add3A_224 = arith.constant 2 : i32
      %add3A_225 = arith.addi %mul3A_223, %add3A_224 : i32
      %gt3A_226 = arith.constant 0 : i32
      %gt3A_227 = arith.cmpi sgt, %add3A_225, %gt3A_226 : i32
      %convert_element_type3A_228 = arith.extui %gt3A_227 : i1 to i32
      %cond3A_229 = arith.constant 0 : i32
      %cond3A_230 = arith.cmpi ne, %convert_element_type3A_228, %cond3A_229 : i32
      scf.if %cond3A_230 {
        %dma_wait3A_322 = arith.constant 1 : i32
        %dma_wait3A_323 = arith.constant 0 : i32
        %dma_wait3A_324 = tpu.memref_slice %arg9[%dma_wait3A_322, %dma_wait3A_323] : memref<4x100xi32, #tpu.memory_space<vmem>> -> memref<1x100xi32, #tpu.memory_space<vmem>>
        %dma_wait3A_325 = tpu.memref_squeeze %dma_wait3A_324 : memref<1x100xi32, #tpu.memory_space<vmem>> -> memref<100xi32, #tpu.memory_space<vmem>>
        %dma_wait3A_326 = arith.constant 0 : i32
        %dma_wait3A_327 = arith.constant 0 : i32
        %dma_wait3A_328 = tpu.memref_slice %arg14[%dma_wait3A_326, %dma_wait3A_327] : memref<10240x144xf32, #tpu.memory_space<vmem_shared>> -> memref<10240x144xf32, #tpu.memory_space<vmem_shared>>
        tpu.wait_indirect_dma semaphore(%arg20 : memref<!tpu.dma_semaphore, #tpu.memory_space<semaphore_mem>>) src(%arg11 : memref<100x144xf32, #tpu.memory_space<vmem>>) dst(%dma_wait3A_328 : memref<10240x144xf32, #tpu.memory_space<vmem_shared>>)
      } else {
      }
      %add3A_231 = arith.constant 1 : i32
      %add3A_232 = arith.addi %add3A_225, %add3A_231 : i32
      %lt3A_233 = arith.constant 100 : i32
      %lt3A_234 = arith.cmpi slt, %add3A_232, %lt3A_233 : i32
      %convert_element_type3A_235 = arith.extui %lt3A_234 : i1 to i32
      %cond3A_236 = arith.constant 0 : i32
      %cond3A_237 = arith.cmpi ne, %convert_element_type3A_235, %cond3A_236 : i32
      scf.if %cond3A_237 {
        %add3A_322 = arith.constant 1 : i32
        %add3A_323 = arith.addi %add3A_225, %add3A_322 : i32
        %mul3A_324 = arith.constant 100 : i32
        %mul3A_325 = arith.muli %add3A, %mul3A_324 : i32
        %add3A_326 = arith.addi %mul3A_325, %add3A_323 : i32
        %dma_wait3A_327 = arith.constant 3 : i32
        %dma_wait3A_328 = arith.constant 0 : i32
        %dma_wait3A_329 = tpu.memref_slice %arg8[%dma_wait3A_327, %dma_wait3A_328] : memref<4x100xi32, #tpu.memory_space<vmem>> -> memref<1x100xi32, #tpu.memory_space<vmem>>
        %dma_wait3A_330 = tpu.memref_squeeze %dma_wait3A_329 : memref<1x100xi32, #tpu.memory_space<vmem>> -> memref<100xi32, #tpu.memory_space<vmem>>
        %dma_wait3A_331 = arith.constant 0 : i32
        %dma_wait3A_332 = tpu.memref_slice %arg4[%add3A_326, %dma_wait3A_331] : memref<3200x100xi32, #tpu.memory_space<hbm>> -> memref<1x100xi32, #tpu.memory_space<hbm>>
        %dma_wait3A_333 = tpu.memref_squeeze %dma_wait3A_332 : memref<1x100xi32, #tpu.memory_space<hbm>> -> memref<100xi32, #tpu.memory_space<hbm>>
        %dma_wait3A_334 = arith.constant 0 : i32
        %dma_wait3A_335 = tpu.memref_slice %arg8[%dma_wait3A_327, %dma_wait3A_334] : memref<4x100xi32, #tpu.memory_space<vmem>> -> memref<1x100xi32, #tpu.memory_space<vmem>>
        %dma_wait3A_336 = tpu.memref_squeeze %dma_wait3A_335 : memref<1x100xi32, #tpu.memory_space<vmem>> -> memref<100xi32, #tpu.memory_space<vmem>>
        %dma_wait3A_337 = arith.constant 0 : i32
        %dma_wait3A_338 = tpu.memref_slice %arg4[%add3A_326, %dma_wait3A_337] : memref<3200x100xi32, #tpu.memory_space<hbm>> -> memref<1x100xi32, #tpu.memory_space<hbm>>
        %dma_wait3A_339 = tpu.memref_squeeze %dma_wait3A_338 : memref<1x100xi32, #tpu.memory_space<hbm>> -> memref<100xi32, #tpu.memory_space<hbm>>
        tpu.wait_dma2 semaphore(%arg24 : memref<!tpu.dma_semaphore, #tpu.memory_space<semaphore_mem>>) src(%dma_wait3A_339 : memref<100xi32, #tpu.memory_space<hbm>>) dst(%dma_wait3A_336 : memref<100xi32, #tpu.memory_space<vmem>>)
        %dma_wait3A_340 = arith.constant 3 : i32
        %dma_wait3A_341 = arith.constant 0 : i32
        %dma_wait3A_342 = tpu.memref_slice %arg9[%dma_wait3A_340, %dma_wait3A_341] : memref<4x100xi32, #tpu.memory_space<vmem>> -> memref<1x100xi32, #tpu.memory_space<vmem>>
        %dma_wait3A_343 = tpu.memref_squeeze %dma_wait3A_342 : memref<1x100xi32, #tpu.memory_space<vmem>> -> memref<100xi32, #tpu.memory_space<vmem>>
        %dma_wait3A_344 = arith.constant 0 : i32
        %dma_wait3A_345 = tpu.memref_slice %arg5[%add3A_326, %dma_wait3A_344] : memref<3200x100xi32, #tpu.memory_space<hbm>> -> memref<1x100xi32, #tpu.memory_space<hbm>>
        %dma_wait3A_346 = tpu.memref_squeeze %dma_wait3A_345 : memref<1x100xi32, #tpu.memory_space<hbm>> -> memref<100xi32, #tpu.memory_space<hbm>>
        %dma_wait3A_347 = arith.constant 0 : i32
        %dma_wait3A_348 = tpu.memref_slice %arg9[%dma_wait3A_340, %dma_wait3A_347] : memref<4x100xi32, #tpu.memory_space<vmem>> -> memref<1x100xi32, #tpu.memory_space<vmem>>
        %dma_wait3A_349 = tpu.memref_squeeze %dma_wait3A_348 : memref<1x100xi32, #tpu.memory_space<vmem>> -> memref<100xi32, #tpu.memory_space<vmem>>
        %dma_wait3A_350 = arith.constant 0 : i32
        %dma_wait3A_351 = tpu.memref_slice %arg5[%add3A_326, %dma_wait3A_350] : memref<3200x100xi32, #tpu.memory_space<hbm>> -> memref<1x100xi32, #tpu.memory_space<hbm>>
        %dma_wait3A_352 = tpu.memref_squeeze %dma_wait3A_351 : memref<1x100xi32, #tpu.memory_space<hbm>> -> memref<100xi32, #tpu.memory_space<hbm>>
        tpu.wait_dma2 semaphore(%arg28 : memref<!tpu.dma_semaphore, #tpu.memory_space<semaphore_mem>>) src(%dma_wait3A_352 : memref<100xi32, #tpu.memory_space<hbm>>) dst(%dma_wait3A_349 : memref<100xi32, #tpu.memory_space<vmem>>)
        %dma_start3A_353 = arith.constant 3 : i32
        %dma_start3A_354 = arith.constant 0 : i32
        %dma_start3A_355 = tpu.memref_slice %arg8[%dma_start3A_353, %dma_start3A_354] : memref<4x100xi32, #tpu.memory_space<vmem>> -> memref<1x100xi32, #tpu.memory_space<vmem>>
        %dma_start3A_356 = tpu.memref_squeeze %dma_start3A_355 : memref<1x100xi32, #tpu.memory_space<vmem>> -> memref<100xi32, #tpu.memory_space<vmem>>
        %dma_start3A_357 = arith.constant 0 : i32
        %dma_start3A_358 = arith.constant 0 : i32
        %dma_start3A_359 = tpu.memref_slice %arg2[%dma_start3A_357, %dma_start3A_358] : memref<10000x144xf32, #tpu.memory_space<hbm>> -> memref<10000x144xf32, #tpu.memory_space<hbm>>
        tpu.enqueue_indirect_dma source(%dma_start3A_359 : memref<10000x144xf32, #tpu.memory_space<hbm>>) target(%arg11 : memref<100x144xf32, #tpu.memory_space<vmem>>) offsets(%dma_start3A_356 : memref<100xi32, #tpu.memory_space<vmem>>) semaphore(%arg16 : memref<!tpu.dma_semaphore, #tpu.memory_space<semaphore_mem>>)
        %dma_start3A_360 = arith.constant 3 : i32
        %dma_start3A_361 = arith.constant 0 : i32
        %dma_start3A_362 = tpu.memref_slice %arg9[%dma_start3A_360, %dma_start3A_361] : memref<4x100xi32, #tpu.memory_space<vmem>> -> memref<1x100xi32, #tpu.memory_space<vmem>>
        %dma_start3A_363 = tpu.memref_squeeze %dma_start3A_362 : memref<1x100xi32, #tpu.memory_space<vmem>> -> memref<100xi32, #tpu.memory_space<vmem>>
        %dma_start3A_364 = arith.constant 0 : i32
        %dma_start3A_365 = arith.constant 0 : i32
        %dma_start3A_366 = tpu.memref_slice %arg3[%dma_start3A_364, %dma_start3A_365] : memref<10000x16xf32, #tpu.memory_space<hbm>> -> memref<10000x16xf32, #tpu.memory_space<hbm>>
        tpu.enqueue_indirect_dma source(%dma_start3A_366 : memref<10000x16xf32, #tpu.memory_space<hbm>>) target(%arg13 : memref<100x16xf32, #tpu.memory_space<vmem>>) offsets(%dma_start3A_363 : memref<100xi32, #tpu.memory_space<vmem>>) semaphore(%arg18 : memref<!tpu.dma_semaphore, #tpu.memory_space<semaphore_mem>>)
      } else {
      }
      %add3A_238 = arith.constant 2 : i32
      %add3A_239 = arith.addi %add3A_225, %add3A_238 : i32
      %lt3A_240 = arith.constant 100 : i32
      %lt3A_241 = arith.cmpi slt, %add3A_239, %lt3A_240 : i32
      %convert_element_type3A_242 = arith.extui %lt3A_241 : i1 to i32
      %cond3A_243 = arith.constant 0 : i32
      %cond3A_244 = arith.cmpi ne, %convert_element_type3A_242, %cond3A_243 : i32
      scf.if %cond3A_244 {
        %add3A_322 = arith.constant 2 : i32
        %add3A_323 = arith.addi %add3A_225, %add3A_322 : i32
        %mul3A_324 = arith.constant 100 : i32
        %mul3A_325 = arith.muli %add3A, %mul3A_324 : i32
        %add3A_326 = arith.addi %mul3A_325, %add3A_323 : i32
        %dma_start3A_327 = arith.constant 0 : i32
        %dma_start3A_328 = arith.constant 0 : i32
        %dma_start3A_329 = tpu.memref_slice %arg8[%dma_start3A_327, %dma_start3A_328] : memref<4x100xi32, #tpu.memory_space<vmem>> -> memref<1x100xi32, #tpu.memory_space<vmem>>
        %dma_start3A_330 = tpu.memref_squeeze %dma_start3A_329 : memref<1x100xi32, #tpu.memory_space<vmem>> -> memref<100xi32, #tpu.memory_space<vmem>>
        %dma_start3A_331 = arith.constant 0 : i32
        %dma_start3A_332 = tpu.memref_slice %arg4[%add3A_326, %dma_start3A_331] : memref<3200x100xi32, #tpu.memory_space<hbm>> -> memref<1x100xi32, #tpu.memory_space<hbm>>
        %dma_start3A_333 = tpu.memref_squeeze %dma_start3A_332 : memref<1x100xi32, #tpu.memory_space<hbm>> -> memref<100xi32, #tpu.memory_space<hbm>>
        %dma_start3A_334 = arith.constant 0 : i32
        %dma_start3A_335 = tpu.memref_slice %arg8[%dma_start3A_327, %dma_start3A_334] : memref<4x100xi32, #tpu.memory_space<vmem>> -> memref<1x100xi32, #tpu.memory_space<vmem>>
        %dma_start3A_336 = tpu.memref_squeeze %dma_start3A_335 : memref<1x100xi32, #tpu.memory_space<vmem>> -> memref<100xi32, #tpu.memory_space<vmem>>
        %dma_start3A_337 = arith.constant 0 : i32
        %dma_start3A_338 = tpu.memref_slice %arg4[%add3A_326, %dma_start3A_337] : memref<3200x100xi32, #tpu.memory_space<hbm>> -> memref<1x100xi32, #tpu.memory_space<hbm>>
        %dma_start3A_339 = tpu.memref_squeeze %dma_start3A_338 : memref<1x100xi32, #tpu.memory_space<hbm>> -> memref<100xi32, #tpu.memory_space<hbm>>
        tpu.enqueue_dma source(%dma_start3A_339 : memref<100xi32, #tpu.memory_space<hbm>>) target(%dma_start3A_336 : memref<100xi32, #tpu.memory_space<vmem>>) target_semaphore(%arg21 : memref<!tpu.dma_semaphore, #tpu.memory_space<semaphore_mem>>)
        %dma_start3A_340 = arith.constant 0 : i32
        %dma_start3A_341 = arith.constant 0 : i32
        %dma_start3A_342 = tpu.memref_slice %arg9[%dma_start3A_340, %dma_start3A_341] : memref<4x100xi32, #tpu.memory_space<vmem>> -> memref<1x100xi32, #tpu.memory_space<vmem>>
        %dma_start3A_343 = tpu.memref_squeeze %dma_start3A_342 : memref<1x100xi32, #tpu.memory_space<vmem>> -> memref<100xi32, #tpu.memory_space<vmem>>
        %dma_start3A_344 = arith.constant 0 : i32
        %dma_start3A_345 = tpu.memref_slice %arg5[%add3A_326, %dma_start3A_344] : memref<3200x100xi32, #tpu.memory_space<hbm>> -> memref<1x100xi32, #tpu.memory_space<hbm>>
        %dma_start3A_346 = tpu.memref_squeeze %dma_start3A_345 : memref<1x100xi32, #tpu.memory_space<hbm>> -> memref<100xi32, #tpu.memory_space<hbm>>
        %dma_start3A_347 = arith.constant 0 : i32
        %dma_start3A_348 = tpu.memref_slice %arg9[%dma_start3A_340, %dma_start3A_347] : memref<4x100xi32, #tpu.memory_space<vmem>> -> memref<1x100xi32, #tpu.memory_space<vmem>>
        %dma_start3A_349 = tpu.memref_squeeze %dma_start3A_348 : memref<1x100xi32, #tpu.memory_space<vmem>> -> memref<100xi32, #tpu.memory_space<vmem>>
        %dma_start3A_350 = arith.constant 0 : i32
        %dma_start3A_351 = tpu.memref_slice %arg5[%add3A_326, %dma_start3A_350] : memref<3200x100xi32, #tpu.memory_space<hbm>> -> memref<1x100xi32, #tpu.memory_space<hbm>>
        %dma_start3A_352 = tpu.memref_squeeze %dma_start3A_351 : memref<1x100xi32, #tpu.memory_space<hbm>> -> memref<100xi32, #tpu.memory_space<hbm>>
        tpu.enqueue_dma source(%dma_start3A_352 : memref<100xi32, #tpu.memory_space<hbm>>) target(%dma_start3A_349 : memref<100xi32, #tpu.memory_space<vmem>>) target_semaphore(%arg25 : memref<!tpu.dma_semaphore, #tpu.memory_space<semaphore_mem>>)
      } else {
      }
      %dma_wait3A_245 = arith.constant 2 : i32
      %dma_wait3A_246 = arith.constant 0 : i32
      %dma_wait3A_247 = tpu.memref_slice %arg8[%dma_wait3A_245, %dma_wait3A_246] : memref<4x100xi32, #tpu.memory_space<vmem>> -> memref<1x100xi32, #tpu.memory_space<vmem>>
      %dma_wait3A_248 = tpu.memref_squeeze %dma_wait3A_247 : memref<1x100xi32, #tpu.memory_space<vmem>> -> memref<100xi32, #tpu.memory_space<vmem>>
      %dma_wait3A_249 = arith.constant 0 : i32
      %dma_wait3A_250 = arith.constant 0 : i32
      %dma_wait3A_251 = tpu.memref_slice %arg2[%dma_wait3A_249, %dma_wait3A_250] : memref<10000x144xf32, #tpu.memory_space<hbm>> -> memref<10000x144xf32, #tpu.memory_space<hbm>>
      tpu.wait_indirect_dma semaphore(%arg15 : memref<!tpu.dma_semaphore, #tpu.memory_space<semaphore_mem>>) src(%dma_wait3A_251 : memref<10000x144xf32, #tpu.memory_space<hbm>>) dst(%arg10 : memref<100x144xf32, #tpu.memory_space<vmem>>)
      %dma_wait3A_252 = arith.constant 2 : i32
      %dma_wait3A_253 = arith.constant 0 : i32
      %dma_wait3A_254 = tpu.memref_slice %arg9[%dma_wait3A_252, %dma_wait3A_253] : memref<4x100xi32, #tpu.memory_space<vmem>> -> memref<1x100xi32, #tpu.memory_space<vmem>>
      %dma_wait3A_255 = tpu.memref_squeeze %dma_wait3A_254 : memref<1x100xi32, #tpu.memory_space<vmem>> -> memref<100xi32, #tpu.memory_space<vmem>>
      %dma_wait3A_256 = arith.constant 0 : i32
      %dma_wait3A_257 = arith.constant 0 : i32
      %dma_wait3A_258 = tpu.memref_slice %arg3[%dma_wait3A_256, %dma_wait3A_257] : memref<10000x16xf32, #tpu.memory_space<hbm>> -> memref<10000x16xf32, #tpu.memory_space<hbm>>
      tpu.wait_indirect_dma semaphore(%arg17 : memref<!tpu.dma_semaphore, #tpu.memory_space<semaphore_mem>>) src(%dma_wait3A_258 : memref<10000x16xf32, #tpu.memory_space<hbm>>) dst(%arg12 : memref<100x16xf32, #tpu.memory_space<vmem>>)
      %scan3A_259 = arith.constant 0 : i32
      %scan3A_260 = arith.constant 0 : i32
      %scan3A_261 = arith.constant 100 : i32
      %scan3A_262 = arith.addi %scan3A_260, %scan3A_261 : i32
      %scan3A_263 = arith.constant 1 : i32
      scf.for %scan3A_322 = %scan3A_260 to %scan3A_262 step %scan3A_263  : i32 {
        %get3A = arith.index_cast %scan3A_322 : i32 to index
        %get3A_323 = arith.constant 128 : index
        %get3A_324 = tpu.vector_load %arg10[%get3A, %get3A_323] {strides = array<i32>} : memref<100x144xf32, #tpu.memory_space<vmem>>, vector<1x16xf32>,
        %get3A_325 = vector.shape_cast %get3A_324 : vector<1x16xf32> to vector<16xf32>
        %get3A_326 = arith.index_cast %scan3A_322 : i32 to index
        %get3A_327 = arith.constant 0 : index
        %get3A_328 = tpu.vector_load %arg12[%get3A_326, %get3A_327] {strides = array<i32>} : memref<100x16xf32, #tpu.memory_space<vmem>>, vector<1x16xf32>,
        %get3A_329 = vector.shape_cast %get3A_328 : vector<1x16xf32> to vector<16xf32>
        %add3A_330 = arith.addf %get3A_325, %get3A_329 : vector<16xf32>
        %mul3A_331 = arith.constant 2.000000e-01 : f32
        %mul3A_332 = vector.broadcast %mul3A_331 : f32 to vector<16xf32>
        %mul3A_333 = arith.mulf %add3A_330, %mul3A_332 : vector<16xf32>
        %max3A = arith.maximumf %add3A_330, %mul3A_333 : vector<16xf32>
        %exp3A = math.exp %max3A : vector<16xf32>
        %swap3A = arith.index_cast %scan3A_322 : i32 to index
        %swap3A_334 = arith.constant 128 : index
        %swap3A_335 = tpu.vector_load %arg10[%swap3A, %swap3A_334] {strides = array<i32>} : memref<100x144xf32, #tpu.memory_space<vmem>>, vector<1x16xf32>,
        %swap3A_336 = vector.shape_cast %swap3A_335 : vector<1x16xf32> to vector<16xf32>
        %swap3A_337 = vector.shape_cast %exp3A : vector<16xf32> to vector<1x16xf32>
        tpu.vector_store %arg10[%swap3A, %swap3A_334], %swap3A_337 {strides = array<i32>} : memref<100x144xf32, #tpu.memory_space<vmem>>, vector<1x16xf32>,
        %broadcast_in_dim3A = arith.constant 0 : i32
        %broadcast_in_dim3A_338 = vector.broadcast %broadcast_in_dim3A : i32 to vector<16xi32>
        %broadcast_in_dim3A_339 = vector.shape_cast %broadcast_in_dim3A_338 : vector<16xi32> to vector<16x1xi32>
        %gather3A = vector.shape_cast %broadcast_in_dim3A_339 : vector<16x1xi32> to vector<16xi32>
        %gather3A_340 = tpu.dynamic_gather %exp3A[%gather3A] in [0] : vector<16xf32>, vector<16xi32> -> vector<16xf32>
        %get3A_341 = arith.index_cast %scan3A_322 : i32 to index
        %get3A_342 = arith.constant 0 : index
        %get3A_343 = tpu.vector_load %arg10[%get3A_341, %get3A_342] {strides = array<i32>} : memref<100x144xf32, #tpu.memory_space<vmem>>, vector<1x16xf32>,
        %get3A_344 = vector.shape_cast %get3A_343 : vector<1x16xf32> to vector<16xf32>
        %mul3A_345 = arith.mulf %get3A_344, %gather3A_340 : vector<16xf32>
        %swap3A_346 = arith.index_cast %scan3A_322 : i32 to index
        %swap3A_347 = arith.constant 0 : index
        %swap3A_348 = tpu.vector_load %arg10[%swap3A_346, %swap3A_347] {strides = array<i32>} : memref<100x144xf32, #tpu.memory_space<vmem>>, vector<1x16xf32>,
        %swap3A_349 = vector.shape_cast %swap3A_348 : vector<1x16xf32> to vector<16xf32>
        %swap3A_350 = vector.shape_cast %mul3A_345 : vector<16xf32> to vector<1x16xf32>
        tpu.vector_store %arg10[%swap3A_346, %swap3A_347], %swap3A_350 {strides = array<i32>} : memref<100x144xf32, #tpu.memory_space<vmem>>, vector<1x16xf32>,
        %broadcast_in_dim3A_351 = arith.constant 1 : i32
        %broadcast_in_dim3A_352 = vector.broadcast %broadcast_in_dim3A_351 : i32 to vector<16xi32>
        %broadcast_in_dim3A_353 = vector.shape_cast %broadcast_in_dim3A_352 : vector<16xi32> to vector<16x1xi32>
        %gather3A_354 = vector.shape_cast %broadcast_in_dim3A_353 : vector<16x1xi32> to vector<16xi32>
        %gather3A_355 = tpu.dynamic_gather %exp3A[%gather3A_354] in [0] : vector<16xf32>, vector<16xi32> -> vector<16xf32>
        %get3A_356 = arith.index_cast %scan3A_322 : i32 to index
        %get3A_357 = arith.constant 16 : index
        %get3A_358 = tpu.vector_load %arg10[%get3A_356, %get3A_357] {strides = array<i32>} : memref<100x144xf32, #tpu.memory_space<vmem>>, vector<1x16xf32>,
        %get3A_359 = vector.shape_cast %get3A_358 : vector<1x16xf32> to vector<16xf32>
        %mul3A_360 = arith.mulf %get3A_359, %gather3A_355 : vector<16xf32>
        %swap3A_361 = arith.index_cast %scan3A_322 : i32 to index
        %swap3A_362 = arith.constant 16 : index
        %swap3A_363 = tpu.vector_load %arg10[%swap3A_361, %swap3A_362] {strides = array<i32>} : memref<100x144xf32, #tpu.memory_space<vmem>>, vector<1x16xf32>,
        %swap3A_364 = vector.shape_cast %swap3A_363 : vector<1x16xf32> to vector<16xf32>
        %swap3A_365 = vector.shape_cast %mul3A_360 : vector<16xf32> to vector<1x16xf32>
        tpu.vector_store %arg10[%swap3A_361, %swap3A_362], %swap3A_365 {strides = array<i32>} : memref<100x144xf32, #tpu.memory_space<vmem>>, vector<1x16xf32>,
        %broadcast_in_dim3A_366 = arith.constant 2 : i32
        %broadcast_in_dim3A_367 = vector.broadcast %broadcast_in_dim3A_366 : i32 to vector<16xi32>
        %broadcast_in_dim3A_368 = vector.shape_cast %broadcast_in_dim3A_367 : vector<16xi32> to vector<16x1xi32>
        %gather3A_369 = vector.shape_cast %broadcast_in_dim3A_368 : vector<16x1xi32> to vector<16xi32>
        %gather3A_370 = tpu.dynamic_gather %exp3A[%gather3A_369] in [0] : vector<16xf32>, vector<16xi32> -> vector<16xf32>
        %get3A_371 = arith.index_cast %scan3A_322 : i32 to index
        %get3A_372 = arith.constant 32 : index
        %get3A_373 = tpu.vector_load %arg10[%get3A_371, %get3A_372] {strides = array<i32>} : memref<100x144xf32, #tpu.memory_space<vmem>>, vector<1x16xf32>,
        %get3A_374 = vector.shape_cast %get3A_373 : vector<1x16xf32> to vector<16xf32>
        %mul3A_375 = arith.mulf %get3A_374, %gather3A_370 : vector<16xf32>
        %swap3A_376 = arith.index_cast %scan3A_322 : i32 to index
        %swap3A_377 = arith.constant 32 : index
        %swap3A_378 = tpu.vector_load %arg10[%swap3A_376, %swap3A_377] {strides = array<i32>} : memref<100x144xf32, #tpu.memory_space<vmem>>, vector<1x16xf32>,
        %swap3A_379 = vector.shape_cast %swap3A_378 : vector<1x16xf32> to vector<16xf32>
        %swap3A_380 = vector.shape_cast %mul3A_375 : vector<16xf32> to vector<1x16xf32>
        tpu.vector_store %arg10[%swap3A_376, %swap3A_377], %swap3A_380 {strides = array<i32>} : memref<100x144xf32, #tpu.memory_space<vmem>>, vector<1x16xf32>,
        %broadcast_in_dim3A_381 = arith.constant 3 : i32
        %broadcast_in_dim3A_382 = vector.broadcast %broadcast_in_dim3A_381 : i32 to vector<16xi32>
        %broadcast_in_dim3A_383 = vector.shape_cast %broadcast_in_dim3A_382 : vector<16xi32> to vector<16x1xi32>
        %gather3A_384 = vector.shape_cast %broadcast_in_dim3A_383 : vector<16x1xi32> to vector<16xi32>
        %gather3A_385 = tpu.dynamic_gather %exp3A[%gather3A_384] in [0] : vector<16xf32>, vector<16xi32> -> vector<16xf32>
        %get3A_386 = arith.index_cast %scan3A_322 : i32 to index
        %get3A_387 = arith.constant 48 : index
        %get3A_388 = tpu.vector_load %arg10[%get3A_386, %get3A_387] {strides = array<i32>} : memref<100x144xf32, #tpu.memory_space<vmem>>, vector<1x16xf32>,
        %get3A_389 = vector.shape_cast %get3A_388 : vector<1x16xf32> to vector<16xf32>
        %mul3A_390 = arith.mulf %get3A_389, %gather3A_385 : vector<16xf32>
        %swap3A_391 = arith.index_cast %scan3A_322 : i32 to index
        %swap3A_392 = arith.constant 48 : index
        %swap3A_393 = tpu.vector_load %arg10[%swap3A_391, %swap3A_392] {strides = array<i32>} : memref<100x144xf32, #tpu.memory_space<vmem>>, vector<1x16xf32>,
        %swap3A_394 = vector.shape_cast %swap3A_393 : vector<1x16xf32> to vector<16xf32>
        %swap3A_395 = vector.shape_cast %mul3A_390 : vector<16xf32> to vector<1x16xf32>
        tpu.vector_store %arg10[%swap3A_391, %swap3A_392], %swap3A_395 {strides = array<i32>} : memref<100x144xf32, #tpu.memory_space<vmem>>, vector<1x16xf32>,
        %broadcast_in_dim3A_396 = arith.constant 4 : i32
        %broadcast_in_dim3A_397 = vector.broadcast %broadcast_in_dim3A_396 : i32 to vector<16xi32>
        %broadcast_in_dim3A_398 = vector.shape_cast %broadcast_in_dim3A_397 : vector<16xi32> to vector<16x1xi32>
        %gather3A_399 = vector.shape_cast %broadcast_in_dim3A_398 : vector<16x1xi32> to vector<16xi32>
        %gather3A_400 = tpu.dynamic_gather %exp3A[%gather3A_399] in [0] : vector<16xf32>, vector<16xi32> -> vector<16xf32>
        %get3A_401 = arith.index_cast %scan3A_322 : i32 to index
        %get3A_402 = arith.constant 64 : index
        %get3A_403 = tpu.vector_load %arg10[%get3A_401, %get3A_402] {strides = array<i32>} : memref<100x144xf32, #tpu.memory_space<vmem>>, vector<1x16xf32>,
        %get3A_404 = vector.shape_cast %get3A_403 : vector<1x16xf32> to vector<16xf32>
        %mul3A_405 = arith.mulf %get3A_404, %gather3A_400 : vector<16xf32>
        %swap3A_406 = arith.index_cast %scan3A_322 : i32 to index
        %swap3A_407 = arith.constant 64 : index
        %swap3A_408 = tpu.vector_load %arg10[%swap3A_406, %swap3A_407] {strides = array<i32>} : memref<100x144xf32, #tpu.memory_space<vmem>>, vector<1x16xf32>,
        %swap3A_409 = vector.shape_cast %swap3A_408 : vector<1x16xf32> to vector<16xf32>
        %swap3A_410 = vector.shape_cast %mul3A_405 : vector<16xf32> to vector<1x16xf32>
        tpu.vector_store %arg10[%swap3A_406, %swap3A_407], %swap3A_410 {strides = array<i32>} : memref<100x144xf32, #tpu.memory_space<vmem>>, vector<1x16xf32>,
        %broadcast_in_dim3A_411 = arith.constant 5 : i32
        %broadcast_in_dim3A_412 = vector.broadcast %broadcast_in_dim3A_411 : i32 to vector<16xi32>
        %broadcast_in_dim3A_413 = vector.shape_cast %broadcast_in_dim3A_412 : vector<16xi32> to vector<16x1xi32>
        %gather3A_414 = vector.shape_cast %broadcast_in_dim3A_413 : vector<16x1xi32> to vector<16xi32>
        %gather3A_415 = tpu.dynamic_gather %exp3A[%gather3A_414] in [0] : vector<16xf32>, vector<16xi32> -> vector<16xf32>
        %get3A_416 = arith.index_cast %scan3A_322 : i32 to index
        %get3A_417 = arith.constant 80 : index
        %get3A_418 = tpu.vector_load %arg10[%get3A_416, %get3A_417] {strides = array<i32>} : memref<100x144xf32, #tpu.memory_space<vmem>>, vector<1x16xf32>,
        %get3A_419 = vector.shape_cast %get3A_418 : vector<1x16xf32> to vector<16xf32>
        %mul3A_420 = arith.mulf %get3A_419, %gather3A_415 : vector<16xf32>
        %swap3A_421 = arith.index_cast %scan3A_322 : i32 to index
        %swap3A_422 = arith.constant 80 : index
        %swap3A_423 = tpu.vector_load %arg10[%swap3A_421, %swap3A_422] {strides = array<i32>} : memref<100x144xf32, #tpu.memory_space<vmem>>, vector<1x16xf32>,
        %swap3A_424 = vector.shape_cast %swap3A_423 : vector<1x16xf32> to vector<16xf32>
        %swap3A_425 = vector.shape_cast %mul3A_420 : vector<16xf32> to vector<1x16xf32>
        tpu.vector_store %arg10[%swap3A_421, %swap3A_422], %swap3A_425 {strides = array<i32>} : memref<100x144xf32, #tpu.memory_space<vmem>>, vector<1x16xf32>,
        %broadcast_in_dim3A_426 = arith.constant 6 : i32
        %broadcast_in_dim3A_427 = vector.broadcast %broadcast_in_dim3A_426 : i32 to vector<16xi32>
        %broadcast_in_dim3A_428 = vector.shape_cast %broadcast_in_dim3A_427 : vector<16xi32> to vector<16x1xi32>
        %gather3A_429 = vector.shape_cast %broadcast_in_dim3A_428 : vector<16x1xi32> to vector<16xi32>
        %gather3A_430 = tpu.dynamic_gather %exp3A[%gather3A_429] in [0] : vector<16xf32>, vector<16xi32> -> vector<16xf32>
        %get3A_431 = arith.index_cast %scan3A_322 : i32 to index
        %get3A_432 = arith.constant 96 : index
        %get3A_433 = tpu.vector_load %arg10[%get3A_431, %get3A_432] {strides = array<i32>} : memref<100x144xf32, #tpu.memory_space<vmem>>, vector<1x16xf32>,
        %get3A_434 = vector.shape_cast %get3A_433 : vector<1x16xf32> to vector<16xf32>
        %mul3A_435 = arith.mulf %get3A_434, %gather3A_430 : vector<16xf32>
        %swap3A_436 = arith.index_cast %scan3A_322 : i32 to index
        %swap3A_437 = arith.constant 96 : index
        %swap3A_438 = tpu.vector_load %arg10[%swap3A_436, %swap3A_437] {strides = array<i32>} : memref<100x144xf32, #tpu.memory_space<vmem>>, vector<1x16xf32>,
        %swap3A_439 = vector.shape_cast %swap3A_438 : vector<1x16xf32> to vector<16xf32>
        %swap3A_440 = vector.shape_cast %mul3A_435 : vector<16xf32> to vector<1x16xf32>
        tpu.vector_store %arg10[%swap3A_436, %swap3A_437], %swap3A_440 {strides = array<i32>} : memref<100x144xf32, #tpu.memory_space<vmem>>, vector<1x16xf32>,
        %broadcast_in_dim3A_441 = arith.constant 7 : i32
        %broadcast_in_dim3A_442 = vector.broadcast %broadcast_in_dim3A_441 : i32 to vector<16xi32>
        %broadcast_in_dim3A_443 = vector.shape_cast %broadcast_in_dim3A_442 : vector<16xi32> to vector<16x1xi32>
        %gather3A_444 = vector.shape_cast %broadcast_in_dim3A_443 : vector<16x1xi32> to vector<16xi32>
        %gather3A_445 = tpu.dynamic_gather %exp3A[%gather3A_444] in [0] : vector<16xf32>, vector<16xi32> -> vector<16xf32>
        %get3A_446 = arith.index_cast %scan3A_322 : i32 to index
        %get3A_447 = arith.constant 112 : index
        %get3A_448 = tpu.vector_load %arg10[%get3A_446, %get3A_447] {strides = array<i32>} : memref<100x144xf32, #tpu.memory_space<vmem>>, vector<1x16xf32>,
        %get3A_449 = vector.shape_cast %get3A_448 : vector<1x16xf32> to vector<16xf32>
        %mul3A_450 = arith.mulf %get3A_449, %gather3A_445 : vector<16xf32>
        %swap3A_451 = arith.index_cast %scan3A_322 : i32 to index
        %swap3A_452 = arith.constant 112 : index
        %swap3A_453 = tpu.vector_load %arg10[%swap3A_451, %swap3A_452] {strides = array<i32>} : memref<100x144xf32, #tpu.memory_space<vmem>>, vector<1x16xf32>,
        %swap3A_454 = vector.shape_cast %swap3A_453 : vector<1x16xf32> to vector<16xf32>
        %swap3A_455 = vector.shape_cast %mul3A_450 : vector<16xf32> to vector<1x16xf32>
        tpu.vector_store %arg10[%swap3A_451, %swap3A_452], %swap3A_455 {strides = array<i32>} : memref<100x144xf32, #tpu.memory_space<vmem>>, vector<1x16xf32>,
      }
      %scan3A_264 = arith.constant 100 : i32
      %dma_start3A_265 = arith.constant 2 : i32
      %dma_start3A_266 = arith.constant 0 : i32
      %dma_start3A_267 = tpu.memref_slice %arg9[%dma_start3A_265, %dma_start3A_266] : memref<4x100xi32, #tpu.memory_space<vmem>> -> memref<1x100xi32, #tpu.memory_space<vmem>>
      %dma_start3A_268 = tpu.memref_squeeze %dma_start3A_267 : memref<1x100xi32, #tpu.memory_space<vmem>> -> memref<100xi32, #tpu.memory_space<vmem>>
      %dma_start3A_269 = arith.constant 0 : i32
      %dma_start3A_270 = arith.constant 0 : i32
      %dma_start3A_271 = tpu.memref_slice %arg14[%dma_start3A_269, %dma_start3A_270] : memref<10240x144xf32, #tpu.memory_space<vmem_shared>> -> memref<10240x144xf32, #tpu.memory_space<vmem_shared>>
      tpu.enqueue_indirect_dma source(%arg10 : memref<100x144xf32, #tpu.memory_space<vmem>>) target(%dma_start3A_271 : memref<10240x144xf32, #tpu.memory_space<vmem_shared>>) offsets(%dma_start3A_268 : memref<100xi32, #tpu.memory_space<vmem>>) semaphore(%arg19 : memref<!tpu.dma_semaphore, #tpu.memory_space<semaphore_mem>>) {add = true}
      %mul3A_272 = arith.constant 4 : i32
      %mul3A_273 = arith.muli %mul3A_272, %scan3A_125 : i32
      %add3A_274 = arith.constant 3 : i32
      %add3A_275 = arith.addi %mul3A_273, %add3A_274 : i32
      %gt3A_276 = arith.constant 0 : i32
      %gt3A_277 = arith.cmpi sgt, %add3A_275, %gt3A_276 : i32
      %convert_element_type3A_278 = arith.extui %gt3A_277 : i1 to i32
      %cond3A_279 = arith.constant 0 : i32
      %cond3A_280 = arith.cmpi ne, %convert_element_type3A_278, %cond3A_279 : i32
      scf.if %cond3A_280 {
        %dma_wait3A_322 = arith.constant 2 : i32
        %dma_wait3A_323 = arith.constant 0 : i32
        %dma_wait3A_324 = tpu.memref_slice %arg9[%dma_wait3A_322, %dma_wait3A_323] : memref<4x100xi32, #tpu.memory_space<vmem>> -> memref<1x100xi32, #tpu.memory_space<vmem>>
        %dma_wait3A_325 = tpu.memref_squeeze %dma_wait3A_324 : memref<1x100xi32, #tpu.memory_space<vmem>> -> memref<100xi32, #tpu.memory_space<vmem>>
        %dma_wait3A_326 = arith.constant 0 : i32
        %dma_wait3A_327 = arith.constant 0 : i32
        %dma_wait3A_328 = tpu.memref_slice %arg14[%dma_wait3A_326, %dma_wait3A_327] : memref<10240x144xf32, #tpu.memory_space<vmem_shared>> -> memref<10240x144xf32, #tpu.memory_space<vmem_shared>>
        tpu.wait_indirect_dma semaphore(%arg19 : memref<!tpu.dma_semaphore, #tpu.memory_space<semaphore_mem>>) src(%arg10 : memref<100x144xf32, #tpu.memory_space<vmem>>) dst(%dma_wait3A_328 : memref<10240x144xf32, #tpu.memory_space<vmem_shared>>)
      } else {
      }
      %add3A_281 = arith.constant 1 : i32
      %add3A_282 = arith.addi %add3A_275, %add3A_281 : i32
      %lt3A_283 = arith.constant 100 : i32
      %lt3A_284 = arith.cmpi slt, %add3A_282, %lt3A_283 : i32
      %convert_element_type3A_285 = arith.extui %lt3A_284 : i1 to i32
      %cond3A_286 = arith.constant 0 : i32
      %cond3A_287 = arith.cmpi ne, %convert_element_type3A_285, %cond3A_286 : i32
      scf.if %cond3A_287 {
        %add3A_322 = arith.constant 1 : i32
        %add3A_323 = arith.addi %add3A_275, %add3A_322 : i32
        %mul3A_324 = arith.constant 100 : i32
        %mul3A_325 = arith.muli %add3A, %mul3A_324 : i32
        %add3A_326 = arith.addi %mul3A_325, %add3A_323 : i32
        %dma_wait3A_327 = arith.constant 0 : i32
        %dma_wait3A_328 = arith.constant 0 : i32
        %dma_wait3A_329 = tpu.memref_slice %arg8[%dma_wait3A_327, %dma_wait3A_328] : memref<4x100xi32, #tpu.memory_space<vmem>> -> memref<1x100xi32, #tpu.memory_space<vmem>>
        %dma_wait3A_330 = tpu.memref_squeeze %dma_wait3A_329 : memref<1x100xi32, #tpu.memory_space<vmem>> -> memref<100xi32, #tpu.memory_space<vmem>>
        %dma_wait3A_331 = arith.constant 0 : i32
        %dma_wait3A_332 = tpu.memref_slice %arg4[%add3A_326, %dma_wait3A_331] : memref<3200x100xi32, #tpu.memory_space<hbm>> -> memref<1x100xi32, #tpu.memory_space<hbm>>
        %dma_wait3A_333 = tpu.memref_squeeze %dma_wait3A_332 : memref<1x100xi32, #tpu.memory_space<hbm>> -> memref<100xi32, #tpu.memory_space<hbm>>
        %dma_wait3A_334 = arith.constant 0 : i32
        %dma_wait3A_335 = tpu.memref_slice %arg8[%dma_wait3A_327, %dma_wait3A_334] : memref<4x100xi32, #tpu.memory_space<vmem>> -> memref<1x100xi32, #tpu.memory_space<vmem>>
        %dma_wait3A_336 = tpu.memref_squeeze %dma_wait3A_335 : memref<1x100xi32, #tpu.memory_space<vmem>> -> memref<100xi32, #tpu.memory_space<vmem>>
        %dma_wait3A_337 = arith.constant 0 : i32
        %dma_wait3A_338 = tpu.memref_slice %arg4[%add3A_326, %dma_wait3A_337] : memref<3200x100xi32, #tpu.memory_space<hbm>> -> memref<1x100xi32, #tpu.memory_space<hbm>>
        %dma_wait3A_339 = tpu.memref_squeeze %dma_wait3A_338 : memref<1x100xi32, #tpu.memory_space<hbm>> -> memref<100xi32, #tpu.memory_space<hbm>>
        tpu.wait_dma2 semaphore(%arg21 : memref<!tpu.dma_semaphore, #tpu.memory_space<semaphore_mem>>) src(%dma_wait3A_339 : memref<100xi32, #tpu.memory_space<hbm>>) dst(%dma_wait3A_336 : memref<100xi32, #tpu.memory_space<vmem>>)
        %dma_wait3A_340 = arith.constant 0 : i32
        %dma_wait3A_341 = arith.constant 0 : i32
        %dma_wait3A_342 = tpu.memref_slice %arg9[%dma_wait3A_340, %dma_wait3A_341] : memref<4x100xi32, #tpu.memory_space<vmem>> -> memref<1x100xi32, #tpu.memory_space<vmem>>
        %dma_wait3A_343 = tpu.memref_squeeze %dma_wait3A_342 : memref<1x100xi32, #tpu.memory_space<vmem>> -> memref<100xi32, #tpu.memory_space<vmem>>
        %dma_wait3A_344 = arith.constant 0 : i32
        %dma_wait3A_345 = tpu.memref_slice %arg5[%add3A_326, %dma_wait3A_344] : memref<3200x100xi32, #tpu.memory_space<hbm>> -> memref<1x100xi32, #tpu.memory_space<hbm>>
        %dma_wait3A_346 = tpu.memref_squeeze %dma_wait3A_345 : memref<1x100xi32, #tpu.memory_space<hbm>> -> memref<100xi32, #tpu.memory_space<hbm>>
        %dma_wait3A_347 = arith.constant 0 : i32
        %dma_wait3A_348 = tpu.memref_slice %arg9[%dma_wait3A_340, %dma_wait3A_347] : memref<4x100xi32, #tpu.memory_space<vmem>> -> memref<1x100xi32, #tpu.memory_space<vmem>>
        %dma_wait3A_349 = tpu.memref_squeeze %dma_wait3A_348 : memref<1x100xi32, #tpu.memory_space<vmem>> -> memref<100xi32, #tpu.memory_space<vmem>>
        %dma_wait3A_350 = arith.constant 0 : i32
        %dma_wait3A_351 = tpu.memref_slice %arg5[%add3A_326, %dma_wait3A_350] : memref<3200x100xi32, #tpu.memory_space<hbm>> -> memref<1x100xi32, #tpu.memory_space<hbm>>
        %dma_wait3A_352 = tpu.memref_squeeze %dma_wait3A_351 : memref<1x100xi32, #tpu.memory_space<hbm>> -> memref<100xi32, #tpu.memory_space<hbm>>
        tpu.wait_dma2 semaphore(%arg25 : memref<!tpu.dma_semaphore, #tpu.memory_space<semaphore_mem>>) src(%dma_wait3A_352 : memref<100xi32, #tpu.memory_space<hbm>>) dst(%dma_wait3A_349 : memref<100xi32, #tpu.memory_space<vmem>>)
        %dma_start3A_353 = arith.constant 0 : i32
        %dma_start3A_354 = arith.constant 0 : i32
        %dma_start3A_355 = tpu.memref_slice %arg8[%dma_start3A_353, %dma_start3A_354] : memref<4x100xi32, #tpu.memory_space<vmem>> -> memref<1x100xi32, #tpu.memory_space<vmem>>
        %dma_start3A_356 = tpu.memref_squeeze %dma_start3A_355 : memref<1x100xi32, #tpu.memory_space<vmem>> -> memref<100xi32, #tpu.memory_space<vmem>>
        %dma_start3A_357 = arith.constant 0 : i32
        %dma_start3A_358 = arith.constant 0 : i32
        %dma_start3A_359 = tpu.memref_slice %arg2[%dma_start3A_357, %dma_start3A_358] : memref<10000x144xf32, #tpu.memory_space<hbm>> -> memref<10000x144xf32, #tpu.memory_space<hbm>>
        tpu.enqueue_indirect_dma source(%dma_start3A_359 : memref<10000x144xf32, #tpu.memory_space<hbm>>) target(%arg10 : memref<100x144xf32, #tpu.memory_space<vmem>>) offsets(%dma_start3A_356 : memref<100xi32, #tpu.memory_space<vmem>>) semaphore(%arg15 : memref<!tpu.dma_semaphore, #tpu.memory_space<semaphore_mem>>)
        %dma_start3A_360 = arith.constant 0 : i32
        %dma_start3A_361 = arith.constant 0 : i32
        %dma_start3A_362 = tpu.memref_slice %arg9[%dma_start3A_360, %dma_start3A_361] : memref<4x100xi32, #tpu.memory_space<vmem>> -> memref<1x100xi32, #tpu.memory_space<vmem>>
        %dma_start3A_363 = tpu.memref_squeeze %dma_start3A_362 : memref<1x100xi32, #tpu.memory_space<vmem>> -> memref<100xi32, #tpu.memory_space<vmem>>
        %dma_start3A_364 = arith.constant 0 : i32
        %dma_start3A_365 = arith.constant 0 : i32
        %dma_start3A_366 = tpu.memref_slice %arg3[%dma_start3A_364, %dma_start3A_365] : memref<10000x16xf32, #tpu.memory_space<hbm>> -> memref<10000x16xf32, #tpu.memory_space<hbm>>
        tpu.enqueue_indirect_dma source(%dma_start3A_366 : memref<10000x16xf32, #tpu.memory_space<hbm>>) target(%arg12 : memref<100x16xf32, #tpu.memory_space<vmem>>) offsets(%dma_start3A_363 : memref<100xi32, #tpu.memory_space<vmem>>) semaphore(%arg17 : memref<!tpu.dma_semaphore, #tpu.memory_space<semaphore_mem>>)
      } else {
      }
      %add3A_288 = arith.constant 2 : i32
      %add3A_289 = arith.addi %add3A_275, %add3A_288 : i32
      %lt3A_290 = arith.constant 100 : i32
      %lt3A_291 = arith.cmpi slt, %add3A_289, %lt3A_290 : i32
      %convert_element_type3A_292 = arith.extui %lt3A_291 : i1 to i32
      %cond3A_293 = arith.constant 0 : i32
      %cond3A_294 = arith.cmpi ne, %convert_element_type3A_292, %cond3A_293 : i32
      scf.if %cond3A_294 {
        %add3A_322 = arith.constant 2 : i32
        %add3A_323 = arith.addi %add3A_275, %add3A_322 : i32
        %mul3A_324 = arith.constant 100 : i32
        %mul3A_325 = arith.muli %add3A, %mul3A_324 : i32
        %add3A_326 = arith.addi %mul3A_325, %add3A_323 : i32
        %dma_start3A_327 = arith.constant 1 : i32
        %dma_start3A_328 = arith.constant 0 : i32
        %dma_start3A_329 = tpu.memref_slice %arg8[%dma_start3A_327, %dma_start3A_328] : memref<4x100xi32, #tpu.memory_space<vmem>> -> memref<1x100xi32, #tpu.memory_space<vmem>>
        %dma_start3A_330 = tpu.memref_squeeze %dma_start3A_329 : memref<1x100xi32, #tpu.memory_space<vmem>> -> memref<100xi32, #tpu.memory_space<vmem>>
        %dma_start3A_331 = arith.constant 0 : i32
        %dma_start3A_332 = tpu.memref_slice %arg4[%add3A_326, %dma_start3A_331] : memref<3200x100xi32, #tpu.memory_space<hbm>> -> memref<1x100xi32, #tpu.memory_space<hbm>>
        %dma_start3A_333 = tpu.memref_squeeze %dma_start3A_332 : memref<1x100xi32, #tpu.memory_space<hbm>> -> memref<100xi32, #tpu.memory_space<hbm>>
        %dma_start3A_334 = arith.constant 0 : i32
        %dma_start3A_335 = tpu.memref_slice %arg8[%dma_start3A_327, %dma_start3A_334] : memref<4x100xi32, #tpu.memory_space<vmem>> -> memref<1x100xi32, #tpu.memory_space<vmem>>
        %dma_start3A_336 = tpu.memref_squeeze %dma_start3A_335 : memref<1x100xi32, #tpu.memory_space<vmem>> -> memref<100xi32, #tpu.memory_space<vmem>>
        %dma_start3A_337 = arith.constant 0 : i32
        %dma_start3A_338 = tpu.memref_slice %arg4[%add3A_326, %dma_start3A_337] : memref<3200x100xi32, #tpu.memory_space<hbm>> -> memref<1x100xi32, #tpu.memory_space<hbm>>
        %dma_start3A_339 = tpu.memref_squeeze %dma_start3A_338 : memref<1x100xi32, #tpu.memory_space<hbm>> -> memref<100xi32, #tpu.memory_space<hbm>>
        tpu.enqueue_dma source(%dma_start3A_339 : memref<100xi32, #tpu.memory_space<hbm>>) target(%dma_start3A_336 : memref<100xi32, #tpu.memory_space<vmem>>) target_semaphore(%arg22 : memref<!tpu.dma_semaphore, #tpu.memory_space<semaphore_mem>>)
        %dma_start3A_340 = arith.constant 1 : i32
        %dma_start3A_341 = arith.constant 0 : i32
        %dma_start3A_342 = tpu.memref_slice %arg9[%dma_start3A_340, %dma_start3A_341] : memref<4x100xi32, #tpu.memory_space<vmem>> -> memref<1x100xi32, #tpu.memory_space<vmem>>
        %dma_start3A_343 = tpu.memref_squeeze %dma_start3A_342 : memref<1x100xi32, #tpu.memory_space<vmem>> -> memref<100xi32, #tpu.memory_space<vmem>>
        %dma_start3A_344 = arith.constant 0 : i32
        %dma_start3A_345 = tpu.memref_slice %arg5[%add3A_326, %dma_start3A_344] : memref<3200x100xi32, #tpu.memory_space<hbm>> -> memref<1x100xi32, #tpu.memory_space<hbm>>
        %dma_start3A_346 = tpu.memref_squeeze %dma_start3A_345 : memref<1x100xi32, #tpu.memory_space<hbm>> -> memref<100xi32, #tpu.memory_space<hbm>>
        %dma_start3A_347 = arith.constant 0 : i32
        %dma_start3A_348 = tpu.memref_slice %arg9[%dma_start3A_340, %dma_start3A_347] : memref<4x100xi32, #tpu.memory_space<vmem>> -> memref<1x100xi32, #tpu.memory_space<vmem>>
        %dma_start3A_349 = tpu.memref_squeeze %dma_start3A_348 : memref<1x100xi32, #tpu.memory_space<vmem>> -> memref<100xi32, #tpu.memory_space<vmem>>
        %dma_start3A_350 = arith.constant 0 : i32
        %dma_start3A_351 = tpu.memref_slice %arg5[%add3A_326, %dma_start3A_350] : memref<3200x100xi32, #tpu.memory_space<hbm>> -> memref<1x100xi32, #tpu.memory_space<hbm>>
        %dma_start3A_352 = tpu.memref_squeeze %dma_start3A_351 : memref<1x100xi32, #tpu.memory_space<hbm>> -> memref<100xi32, #tpu.memory_space<hbm>>
        tpu.enqueue_dma source(%dma_start3A_352 : memref<100xi32, #tpu.memory_space<hbm>>) target(%dma_start3A_349 : memref<100xi32, #tpu.memory_space<vmem>>) target_semaphore(%arg26 : memref<!tpu.dma_semaphore, #tpu.memory_space<semaphore_mem>>)
      } else {
      }
      %dma_wait3A_295 = arith.constant 3 : i32
      %dma_wait3A_296 = arith.constant 0 : i32
      %dma_wait3A_297 = tpu.memref_slice %arg8[%dma_wait3A_295, %dma_wait3A_296] : memref<4x100xi32, #tpu.memory_space<vmem>> -> memref<1x100xi32, #tpu.memory_space<vmem>>
      %dma_wait3A_298 = tpu.memref_squeeze %dma_wait3A_297 : memref<1x100xi32, #tpu.memory_space<vmem>> -> memref<100xi32, #tpu.memory_space<vmem>>
      %dma_wait3A_299 = arith.constant 0 : i32
      %dma_wait3A_300 = arith.constant 0 : i32
      %dma_wait3A_301 = tpu.memref_slice %arg2[%dma_wait3A_299, %dma_wait3A_300] : memref<10000x144xf32, #tpu.memory_space<hbm>> -> memref<10000x144xf32, #tpu.memory_space<hbm>>
      tpu.wait_indirect_dma semaphore(%arg16 : memref<!tpu.dma_semaphore, #tpu.memory_space<semaphore_mem>>) src(%dma_wait3A_301 : memref<10000x144xf32, #tpu.memory_space<hbm>>) dst(%arg11 : memref<100x144xf32, #tpu.memory_space<vmem>>)
      %dma_wait3A_302 = arith.constant 3 : i32
      %dma_wait3A_303 = arith.constant 0 : i32
      %dma_wait3A_304 = tpu.memref_slice %arg9[%dma_wait3A_302, %dma_wait3A_303] : memref<4x100xi32, #tpu.memory_space<vmem>> -> memref<1x100xi32, #tpu.memory_space<vmem>>
      %dma_wait3A_305 = tpu.memref_squeeze %dma_wait3A_304 : memref<1x100xi32, #tpu.memory_space<vmem>> -> memref<100xi32, #tpu.memory_space<vmem>>
      %dma_wait3A_306 = arith.constant 0 : i32
      %dma_wait3A_307 = arith.constant 0 : i32
      %dma_wait3A_308 = tpu.memref_slice %arg3[%dma_wait3A_306, %dma_wait3A_307] : memref<10000x16xf32, #tpu.memory_space<hbm>> -> memref<10000x16xf32, #tpu.memory_space<hbm>>
      tpu.wait_indirect_dma semaphore(%arg18 : memref<!tpu.dma_semaphore, #tpu.memory_space<semaphore_mem>>) src(%dma_wait3A_308 : memref<10000x16xf32, #tpu.memory_space<hbm>>) dst(%arg13 : memref<100x16xf32, #tpu.memory_space<vmem>>)
      %scan3A_309 = arith.constant 0 : i32
      %scan3A_310 = arith.constant 0 : i32
      %scan3A_311 = arith.constant 100 : i32
      %scan3A_312 = arith.addi %scan3A_310, %scan3A_311 : i32
      %scan3A_313 = arith.constant 1 : i32
      scf.for %scan3A_322 = %scan3A_310 to %scan3A_312 step %scan3A_313  : i32 {
        %get3A = arith.index_cast %scan3A_322 : i32 to index
        %get3A_323 = arith.constant 128 : index
        %get3A_324 = tpu.vector_load %arg11[%get3A, %get3A_323] {strides = array<i32>} : memref<100x144xf32, #tpu.memory_space<vmem>>, vector<1x16xf32>,
        %get3A_325 = vector.shape_cast %get3A_324 : vector<1x16xf32> to vector<16xf32>
        %get3A_326 = arith.index_cast %scan3A_322 : i32 to index
        %get3A_327 = arith.constant 0 : index
        %get3A_328 = tpu.vector_load %arg13[%get3A_326, %get3A_327] {strides = array<i32>} : memref<100x16xf32, #tpu.memory_space<vmem>>, vector<1x16xf32>,
        %get3A_329 = vector.shape_cast %get3A_328 : vector<1x16xf32> to vector<16xf32>
        %add3A_330 = arith.addf %get3A_325, %get3A_329 : vector<16xf32>
        %mul3A_331 = arith.constant 2.000000e-01 : f32
        %mul3A_332 = vector.broadcast %mul3A_331 : f32 to vector<16xf32>
        %mul3A_333 = arith.mulf %add3A_330, %mul3A_332 : vector<16xf32>
        %max3A = arith.maximumf %add3A_330, %mul3A_333 : vector<16xf32>
        %exp3A = math.exp %max3A : vector<16xf32>
        %swap3A = arith.index_cast %scan3A_322 : i32 to index
        %swap3A_334 = arith.constant 128 : index
        %swap3A_335 = tpu.vector_load %arg11[%swap3A, %swap3A_334] {strides = array<i32>} : memref<100x144xf32, #tpu.memory_space<vmem>>, vector<1x16xf32>,
        %swap3A_336 = vector.shape_cast %swap3A_335 : vector<1x16xf32> to vector<16xf32>
        %swap3A_337 = vector.shape_cast %exp3A : vector<16xf32> to vector<1x16xf32>
        tpu.vector_store %arg11[%swap3A, %swap3A_334], %swap3A_337 {strides = array<i32>} : memref<100x144xf32, #tpu.memory_space<vmem>>, vector<1x16xf32>,
        %broadcast_in_dim3A = arith.constant 0 : i32
        %broadcast_in_dim3A_338 = vector.broadcast %broadcast_in_dim3A : i32 to vector<16xi32>
        %broadcast_in_dim3A_339 = vector.shape_cast %broadcast_in_dim3A_338 : vector<16xi32> to vector<16x1xi32>
        %gather3A = vector.shape_cast %broadcast_in_dim3A_339 : vector<16x1xi32> to vector<16xi32>
        %gather3A_340 = tpu.dynamic_gather %exp3A[%gather3A] in [0] : vector<16xf32>, vector<16xi32> -> vector<16xf32>
        %get3A_341 = arith.index_cast %scan3A_322 : i32 to index
        %get3A_342 = arith.constant 0 : index
        %get3A_343 = tpu.vector_load %arg11[%get3A_341, %get3A_342] {strides = array<i32>} : memref<100x144xf32, #tpu.memory_space<vmem>>, vector<1x16xf32>,
        %get3A_344 = vector.shape_cast %get3A_343 : vector<1x16xf32> to vector<16xf32>
        %mul3A_345 = arith.mulf %get3A_344, %gather3A_340 : vector<16xf32>
        %swap3A_346 = arith.index_cast %scan3A_322 : i32 to index
        %swap3A_347 = arith.constant 0 : index
        %swap3A_348 = tpu.vector_load %arg11[%swap3A_346, %swap3A_347] {strides = array<i32>} : memref<100x144xf32, #tpu.memory_space<vmem>>, vector<1x16xf32>,
        %swap3A_349 = vector.shape_cast %swap3A_348 : vector<1x16xf32> to vector<16xf32>
        %swap3A_350 = vector.shape_cast %mul3A_345 : vector<16xf32> to vector<1x16xf32>
        tpu.vector_store %arg11[%swap3A_346, %swap3A_347], %swap3A_350 {strides = array<i32>} : memref<100x144xf32, #tpu.memory_space<vmem>>, vector<1x16xf32>,
        %broadcast_in_dim3A_351 = arith.constant 1 : i32
        %broadcast_in_dim3A_352 = vector.broadcast %broadcast_in_dim3A_351 : i32 to vector<16xi32>
        %broadcast_in_dim3A_353 = vector.shape_cast %broadcast_in_dim3A_352 : vector<16xi32> to vector<16x1xi32>
        %gather3A_354 = vector.shape_cast %broadcast_in_dim3A_353 : vector<16x1xi32> to vector<16xi32>
        %gather3A_355 = tpu.dynamic_gather %exp3A[%gather3A_354] in [0] : vector<16xf32>, vector<16xi32> -> vector<16xf32>
        %get3A_356 = arith.index_cast %scan3A_322 : i32 to index
        %get3A_357 = arith.constant 16 : index
        %get3A_358 = tpu.vector_load %arg11[%get3A_356, %get3A_357] {strides = array<i32>} : memref<100x144xf32, #tpu.memory_space<vmem>>, vector<1x16xf32>,
        %get3A_359 = vector.shape_cast %get3A_358 : vector<1x16xf32> to vector<16xf32>
        %mul3A_360 = arith.mulf %get3A_359, %gather3A_355 : vector<16xf32>
        %swap3A_361 = arith.index_cast %scan3A_322 : i32 to index
        %swap3A_362 = arith.constant 16 : index
        %swap3A_363 = tpu.vector_load %arg11[%swap3A_361, %swap3A_362] {strides = array<i32>} : memref<100x144xf32, #tpu.memory_space<vmem>>, vector<1x16xf32>,
        %swap3A_364 = vector.shape_cast %swap3A_363 : vector<1x16xf32> to vector<16xf32>
        %swap3A_365 = vector.shape_cast %mul3A_360 : vector<16xf32> to vector<1x16xf32>
        tpu.vector_store %arg11[%swap3A_361, %swap3A_362], %swap3A_365 {strides = array<i32>} : memref<100x144xf32, #tpu.memory_space<vmem>>, vector<1x16xf32>,
        %broadcast_in_dim3A_366 = arith.constant 2 : i32
        %broadcast_in_dim3A_367 = vector.broadcast %broadcast_in_dim3A_366 : i32 to vector<16xi32>
        %broadcast_in_dim3A_368 = vector.shape_cast %broadcast_in_dim3A_367 : vector<16xi32> to vector<16x1xi32>
        %gather3A_369 = vector.shape_cast %broadcast_in_dim3A_368 : vector<16x1xi32> to vector<16xi32>
        %gather3A_370 = tpu.dynamic_gather %exp3A[%gather3A_369] in [0] : vector<16xf32>, vector<16xi32> -> vector<16xf32>
        %get3A_371 = arith.index_cast %scan3A_322 : i32 to index
        %get3A_372 = arith.constant 32 : index
        %get3A_373 = tpu.vector_load %arg11[%get3A_371, %get3A_372] {strides = array<i32>} : memref<100x144xf32, #tpu.memory_space<vmem>>, vector<1x16xf32>,
        %get3A_374 = vector.shape_cast %get3A_373 : vector<1x16xf32> to vector<16xf32>
        %mul3A_375 = arith.mulf %get3A_374, %gather3A_370 : vector<16xf32>
        %swap3A_376 = arith.index_cast %scan3A_322 : i32 to index
        %swap3A_377 = arith.constant 32 : index
        %swap3A_378 = tpu.vector_load %arg11[%swap3A_376, %swap3A_377] {strides = array<i32>} : memref<100x144xf32, #tpu.memory_space<vmem>>, vector<1x16xf32>,
        %swap3A_379 = vector.shape_cast %swap3A_378 : vector<1x16xf32> to vector<16xf32>
        %swap3A_380 = vector.shape_cast %mul3A_375 : vector<16xf32> to vector<1x16xf32>
        tpu.vector_store %arg11[%swap3A_376, %swap3A_377], %swap3A_380 {strides = array<i32>} : memref<100x144xf32, #tpu.memory_space<vmem>>, vector<1x16xf32>,
        %broadcast_in_dim3A_381 = arith.constant 3 : i32
        %broadcast_in_dim3A_382 = vector.broadcast %broadcast_in_dim3A_381 : i32 to vector<16xi32>
        %broadcast_in_dim3A_383 = vector.shape_cast %broadcast_in_dim3A_382 : vector<16xi32> to vector<16x1xi32>
        %gather3A_384 = vector.shape_cast %broadcast_in_dim3A_383 : vector<16x1xi32> to vector<16xi32>
        %gather3A_385 = tpu.dynamic_gather %exp3A[%gather3A_384] in [0] : vector<16xf32>, vector<16xi32> -> vector<16xf32>
        %get3A_386 = arith.index_cast %scan3A_322 : i32 to index
        %get3A_387 = arith.constant 48 : index
        %get3A_388 = tpu.vector_load %arg11[%get3A_386, %get3A_387] {strides = array<i32>} : memref<100x144xf32, #tpu.memory_space<vmem>>, vector<1x16xf32>,
        %get3A_389 = vector.shape_cast %get3A_388 : vector<1x16xf32> to vector<16xf32>
        %mul3A_390 = arith.mulf %get3A_389, %gather3A_385 : vector<16xf32>
        %swap3A_391 = arith.index_cast %scan3A_322 : i32 to index
        %swap3A_392 = arith.constant 48 : index
        %swap3A_393 = tpu.vector_load %arg11[%swap3A_391, %swap3A_392] {strides = array<i32>} : memref<100x144xf32, #tpu.memory_space<vmem>>, vector<1x16xf32>,
        %swap3A_394 = vector.shape_cast %swap3A_393 : vector<1x16xf32> to vector<16xf32>
        %swap3A_395 = vector.shape_cast %mul3A_390 : vector<16xf32> to vector<1x16xf32>
        tpu.vector_store %arg11[%swap3A_391, %swap3A_392], %swap3A_395 {strides = array<i32>} : memref<100x144xf32, #tpu.memory_space<vmem>>, vector<1x16xf32>,
        %broadcast_in_dim3A_396 = arith.constant 4 : i32
        %broadcast_in_dim3A_397 = vector.broadcast %broadcast_in_dim3A_396 : i32 to vector<16xi32>
        %broadcast_in_dim3A_398 = vector.shape_cast %broadcast_in_dim3A_397 : vector<16xi32> to vector<16x1xi32>
        %gather3A_399 = vector.shape_cast %broadcast_in_dim3A_398 : vector<16x1xi32> to vector<16xi32>
        %gather3A_400 = tpu.dynamic_gather %exp3A[%gather3A_399] in [0] : vector<16xf32>, vector<16xi32> -> vector<16xf32>
        %get3A_401 = arith.index_cast %scan3A_322 : i32 to index
        %get3A_402 = arith.constant 64 : index
        %get3A_403 = tpu.vector_load %arg11[%get3A_401, %get3A_402] {strides = array<i32>} : memref<100x144xf32, #tpu.memory_space<vmem>>, vector<1x16xf32>,
        %get3A_404 = vector.shape_cast %get3A_403 : vector<1x16xf32> to vector<16xf32>
        %mul3A_405 = arith.mulf %get3A_404, %gather3A_400 : vector<16xf32>
        %swap3A_406 = arith.index_cast %scan3A_322 : i32 to index
        %swap3A_407 = arith.constant 64 : index
        %swap3A_408 = tpu.vector_load %arg11[%swap3A_406, %swap3A_407] {strides = array<i32>} : memref<100x144xf32, #tpu.memory_space<vmem>>, vector<1x16xf32>,
        %swap3A_409 = vector.shape_cast %swap3A_408 : vector<1x16xf32> to vector<16xf32>
        %swap3A_410 = vector.shape_cast %mul3A_405 : vector<16xf32> to vector<1x16xf32>
        tpu.vector_store %arg11[%swap3A_406, %swap3A_407], %swap3A_410 {strides = array<i32>} : memref<100x144xf32, #tpu.memory_space<vmem>>, vector<1x16xf32>,
        %broadcast_in_dim3A_411 = arith.constant 5 : i32
        %broadcast_in_dim3A_412 = vector.broadcast %broadcast_in_dim3A_411 : i32 to vector<16xi32>
        %broadcast_in_dim3A_413 = vector.shape_cast %broadcast_in_dim3A_412 : vector<16xi32> to vector<16x1xi32>
        %gather3A_414 = vector.shape_cast %broadcast_in_dim3A_413 : vector<16x1xi32> to vector<16xi32>
        %gather3A_415 = tpu.dynamic_gather %exp3A[%gather3A_414] in [0] : vector<16xf32>, vector<16xi32> -> vector<16xf32>
        %get3A_416 = arith.index_cast %scan3A_322 : i32 to index
        %get3A_417 = arith.constant 80 : index
        %get3A_418 = tpu.vector_load %arg11[%get3A_416, %get3A_417] {strides = array<i32>} : memref<100x144xf32, #tpu.memory_space<vmem>>, vector<1x16xf32>,
        %get3A_419 = vector.shape_cast %get3A_418 : vector<1x16xf32> to vector<16xf32>
        %mul3A_420 = arith.mulf %get3A_419, %gather3A_415 : vector<16xf32>
        %swap3A_421 = arith.index_cast %scan3A_322 : i32 to index
        %swap3A_422 = arith.constant 80 : index
        %swap3A_423 = tpu.vector_load %arg11[%swap3A_421, %swap3A_422] {strides = array<i32>} : memref<100x144xf32, #tpu.memory_space<vmem>>, vector<1x16xf32>,
        %swap3A_424 = vector.shape_cast %swap3A_423 : vector<1x16xf32> to vector<16xf32>
        %swap3A_425 = vector.shape_cast %mul3A_420 : vector<16xf32> to vector<1x16xf32>
        tpu.vector_store %arg11[%swap3A_421, %swap3A_422], %swap3A_425 {strides = array<i32>} : memref<100x144xf32, #tpu.memory_space<vmem>>, vector<1x16xf32>,
        %broadcast_in_dim3A_426 = arith.constant 6 : i32
        %broadcast_in_dim3A_427 = vector.broadcast %broadcast_in_dim3A_426 : i32 to vector<16xi32>
        %broadcast_in_dim3A_428 = vector.shape_cast %broadcast_in_dim3A_427 : vector<16xi32> to vector<16x1xi32>
        %gather3A_429 = vector.shape_cast %broadcast_in_dim3A_428 : vector<16x1xi32> to vector<16xi32>
        %gather3A_430 = tpu.dynamic_gather %exp3A[%gather3A_429] in [0] : vector<16xf32>, vector<16xi32> -> vector<16xf32>
        %get3A_431 = arith.index_cast %scan3A_322 : i32 to index
        %get3A_432 = arith.constant 96 : index
        %get3A_433 = tpu.vector_load %arg11[%get3A_431, %get3A_432] {strides = array<i32>} : memref<100x144xf32, #tpu.memory_space<vmem>>, vector<1x16xf32>,
        %get3A_434 = vector.shape_cast %get3A_433 : vector<1x16xf32> to vector<16xf32>
        %mul3A_435 = arith.mulf %get3A_434, %gather3A_430 : vector<16xf32>
        %swap3A_436 = arith.index_cast %scan3A_322 : i32 to index
        %swap3A_437 = arith.constant 96 : index
        %swap3A_438 = tpu.vector_load %arg11[%swap3A_436, %swap3A_437] {strides = array<i32>} : memref<100x144xf32, #tpu.memory_space<vmem>>, vector<1x16xf32>,
        %swap3A_439 = vector.shape_cast %swap3A_438 : vector<1x16xf32> to vector<16xf32>
        %swap3A_440 = vector.shape_cast %mul3A_435 : vector<16xf32> to vector<1x16xf32>
        tpu.vector_store %arg11[%swap3A_436, %swap3A_437], %swap3A_440 {strides = array<i32>} : memref<100x144xf32, #tpu.memory_space<vmem>>, vector<1x16xf32>,
        %broadcast_in_dim3A_441 = arith.constant 7 : i32
        %broadcast_in_dim3A_442 = vector.broadcast %broadcast_in_dim3A_441 : i32 to vector<16xi32>
        %broadcast_in_dim3A_443 = vector.shape_cast %broadcast_in_dim3A_442 : vector<16xi32> to vector<16x1xi32>
        %gather3A_444 = vector.shape_cast %broadcast_in_dim3A_443 : vector<16x1xi32> to vector<16xi32>
        %gather3A_445 = tpu.dynamic_gather %exp3A[%gather3A_444] in [0] : vector<16xf32>, vector<16xi32> -> vector<16xf32>
        %get3A_446 = arith.index_cast %scan3A_322 : i32 to index
        %get3A_447 = arith.constant 112 : index
        %get3A_448 = tpu.vector_load %arg11[%get3A_446, %get3A_447] {strides = array<i32>} : memref<100x144xf32, #tpu.memory_space<vmem>>, vector<1x16xf32>,
        %get3A_449 = vector.shape_cast %get3A_448 : vector<1x16xf32> to vector<16xf32>
        %mul3A_450 = arith.mulf %get3A_449, %gather3A_445 : vector<16xf32>
        %swap3A_451 = arith.index_cast %scan3A_322 : i32 to index
        %swap3A_452 = arith.constant 112 : index
        %swap3A_453 = tpu.vector_load %arg11[%swap3A_451, %swap3A_452] {strides = array<i32>} : memref<100x144xf32, #tpu.memory_space<vmem>>, vector<1x16xf32>,
        %swap3A_454 = vector.shape_cast %swap3A_453 : vector<1x16xf32> to vector<16xf32>
        %swap3A_455 = vector.shape_cast %mul3A_450 : vector<16xf32> to vector<1x16xf32>
        tpu.vector_store %arg11[%swap3A_451, %swap3A_452], %swap3A_455 {strides = array<i32>} : memref<100x144xf32, #tpu.memory_space<vmem>>, vector<1x16xf32>,
      }
      %scan3A_314 = arith.constant 100 : i32
      %dma_start3A_315 = arith.constant 3 : i32
      %dma_start3A_316 = arith.constant 0 : i32
      %dma_start3A_317 = tpu.memref_slice %arg9[%dma_start3A_315, %dma_start3A_316] : memref<4x100xi32, #tpu.memory_space<vmem>> -> memref<1x100xi32, #tpu.memory_space<vmem>>
      %dma_start3A_318 = tpu.memref_squeeze %dma_start3A_317 : memref<1x100xi32, #tpu.memory_space<vmem>> -> memref<100xi32, #tpu.memory_space<vmem>>
      %dma_start3A_319 = arith.constant 0 : i32
      %dma_start3A_320 = arith.constant 0 : i32
      %dma_start3A_321 = tpu.memref_slice %arg14[%dma_start3A_319, %dma_start3A_320] : memref<10240x144xf32, #tpu.memory_space<vmem_shared>> -> memref<10240x144xf32, #tpu.memory_space<vmem_shared>>
      tpu.enqueue_indirect_dma source(%arg11 : memref<100x144xf32, #tpu.memory_space<vmem>>) target(%dma_start3A_321 : memref<10240x144xf32, #tpu.memory_space<vmem_shared>>) offsets(%dma_start3A_318 : memref<100xi32, #tpu.memory_space<vmem>>) semaphore(%arg20 : memref<!tpu.dma_semaphore, #tpu.memory_space<semaphore_mem>>) {add = true}
    }
    %scan3A_109 = arith.constant 25 : i32
    %dma_wait3A_110 = arith.constant 3 : i32
    %dma_wait3A_111 = arith.constant 0 : i32
    %dma_wait3A_112 = tpu.memref_slice %arg9[%dma_wait3A_110, %dma_wait3A_111] : memref<4x100xi32, #tpu.memory_space<vmem>> -> memref<1x100xi32, #tpu.memory_space<vmem>>
    %dma_wait3A_113 = tpu.memref_squeeze %dma_wait3A_112 : memref<1x100xi32, #tpu.memory_space<vmem>> -> memref<100xi32, #tpu.memory_space<vmem>>
    %dma_wait3A_114 = arith.constant 0 : i32
    %dma_wait3A_115 = arith.constant 0 : i32
    %dma_wait3A_116 = tpu.memref_slice %arg14[%dma_wait3A_114, %dma_wait3A_115] : memref<10240x144xf32, #tpu.memory_space<vmem_shared>> -> memref<10240x144xf32, #tpu.memory_space<vmem_shared>>
    tpu.wait_indirect_dma semaphore(%arg20 : memref<!tpu.dma_semaphore, #tpu.memory_space<semaphore_mem>>) src(%arg11 : memref<100x144xf32, #tpu.memory_space<vmem>>) dst(%dma_wait3A_116 : memref<10240x144xf32, #tpu.memory_space<vmem_shared>>)
    %barrier3A_117 = arith.constant 0 : index
    tpu.barrier barrier_id(%barrier3A_117)
    %mul3A_118 = arith.constant 640 : i32
    %mul3A_119 = arith.muli %arg1, %mul3A_118 : i32
    %mul3A_120 = arith.constant 10240 : i32
    %mul3A_121 = arith.muli %arg0, %mul3A_120 : i32
    %mul3A_122 = arith.constant 640 : i32
    %mul3A_123 = arith.muli %arg1, %mul3A_122 : i32
    %add3A_124 = arith.addi %mul3A_121, %mul3A_123 : i32
    "tpu.region"() ({
      %run_scoped3A = tpu.sem_alloc : memref<!tpu.dma_semaphore, #tpu.memory_space<semaphore_mem>>
      %dma_start3A_125 = arith.constant 0 : i32
      %dma_start3A_126 = tpu.memref_slice %arg7[%add3A_124, %dma_start3A_125] : memref<20480x144xf32, #tpu.memory_space<hbm>> -> memref<640x144xf32, #tpu.memory_space<hbm>>
      %dma_start3A_127 = arith.constant 0 : i32
      %dma_start3A_128 = tpu.memref_slice %arg14[%mul3A_119, %dma_start3A_127] : memref<10240x144xf32, #tpu.memory_space<vmem_shared>> -> memref<640x144xf32, #tpu.memory_space<vmem_shared>>
      tpu.enqueue_dma source(%dma_start3A_128 : memref<640x144xf32, #tpu.memory_space<vmem_shared>>) target(%dma_start3A_126 : memref<640x144xf32, #tpu.memory_space<hbm>>) target_semaphore(%run_scoped3A : memref<!tpu.dma_semaphore, #tpu.memory_space<semaphore_mem>>)
      %dma_wait3A_129 = arith.constant 0 : i32
      %dma_wait3A_130 = tpu.memref_slice %arg7[%add3A_124, %dma_wait3A_129] : memref<20480x144xf32, #tpu.memory_space<hbm>> -> memref<640x144xf32, #tpu.memory_space<hbm>>
      %dma_wait3A_131 = arith.constant 0 : i32
      %dma_wait3A_132 = tpu.memref_slice %arg14[%mul3A_119, %dma_wait3A_131] : memref<10240x144xf32, #tpu.memory_space<vmem_shared>> -> memref<640x144xf32, #tpu.memory_space<vmem_shared>>
      tpu.wait_dma2 semaphore(%run_scoped3A : memref<!tpu.dma_semaphore, #tpu.memory_space<semaphore_mem>>) src(%dma_wait3A_132 : memref<640x144xf32, #tpu.memory_space<vmem_shared>>) dst(%dma_wait3A_130 : memref<640x144xf32, #tpu.memory_space<hbm>>)
      tpu.yield
    }) : () -> ()
    return
  }
}

#map = affine_map<(d0, d1) -> (0, 0)>
module attributes {stable_mosaic.version = 14 : i64} {
  func.func @_sc_edge_body(%arg0: i32, %arg1: i32, %arg2: memref<10240x80xf32, #tpu.memory_space<hbm>>, %arg3: memref<10240x16xf32, #tpu.memory_space<hbm>>, %arg4: memref<3200x100xi32, #tpu.memory_space<hbm>>, %arg5: memref<3200x100xi32, #tpu.memory_space<hbm>>, %arg6: memref<640x80xf32, #tpu.memory_space<hbm>>, %arg7: memref<20480x80xf32, #tpu.memory_space<hbm>>, %arg8: memref<4x100xi32, #tpu.memory_space<vmem>>, %arg9: memref<4x100xi32, #tpu.memory_space<vmem>>, %arg10: memref<100x80xf32, #tpu.memory_space<vmem>>, %arg11: memref<100x80xf32, #tpu.memory_space<vmem>>, %arg12: memref<100x16xf32, #tpu.memory_space<vmem>>, %arg13: memref<100x16xf32, #tpu.memory_space<vmem>>, %arg14: memref<10240x80xf32, #tpu.memory_space<vmem_shared>>, %arg15: memref<!tpu.dma_semaphore, #tpu.memory_space<semaphore_mem>>, %arg16: memref<!tpu.dma_semaphore, #tpu.memory_space<semaphore_mem>>, %arg17: memref<!tpu.dma_semaphore, #tpu.memory_space<semaphore_mem>>, %arg18: memref<!tpu.dma_semaphore, #tpu.memory_space<semaphore_mem>>, %arg19: memref<!tpu.dma_semaphore, #tpu.memory_space<semaphore_mem>>, %arg20: memref<!tpu.dma_semaphore, #tpu.memory_space<semaphore_mem>>, %arg21: memref<!tpu.dma_semaphore, #tpu.memory_space<semaphore_mem>>, %arg22: memref<!tpu.dma_semaphore, #tpu.memory_space<semaphore_mem>>, %arg23: memref<!tpu.dma_semaphore, #tpu.memory_space<semaphore_mem>>, %arg24: memref<!tpu.dma_semaphore, #tpu.memory_space<semaphore_mem>>, %arg25: memref<!tpu.dma_semaphore, #tpu.memory_space<semaphore_mem>>, %arg26: memref<!tpu.dma_semaphore, #tpu.memory_space<semaphore_mem>>, %arg27: memref<!tpu.dma_semaphore, #tpu.memory_space<semaphore_mem>>, %arg28: memref<!tpu.dma_semaphore, #tpu.memory_space<semaphore_mem>>) attributes {dimension_semantics = [#tpu.dimension_semantics<core_parallel>, #tpu.dimension_semantics<subcore_parallel>], iteration_bounds = array<i64: 2, 16>, scalar_prefetch = 0 : i64, scratch_operands = 21 : i64, tpu.core_type = #tpu.core_type<sc_vector_subcore>, window_params = [{transform_indices = #map}, {transform_indices = #map}, {transform_indices = #map}, {transform_indices = #map}, {transform_indices = #map}, {transform_indices = #map}]} {
    %mul3A = arith.constant 2 : i32
    %mul3A_0 = arith.muli %arg1, %mul3A : i32
    %add3A = arith.addi %mul3A_0, %arg0 : i32
    %mul3A_1 = arith.constant 640 : i32
    %mul3A_2 = arith.muli %arg1, %mul3A_1 : i32
    "tpu.region"() ({
      %run_scoped3A = tpu.sem_alloc : memref<!tpu.dma_semaphore, #tpu.memory_space<semaphore_mem>>
      %dma_start3A_125 = arith.constant 0 : i32
      %dma_start3A_126 = tpu.memref_slice %arg14[%mul3A_2, %dma_start3A_125] : memref<10240x80xf32, #tpu.memory_space<vmem_shared>> -> memref<640x80xf32, #tpu.memory_space<vmem_shared>>
      tpu.enqueue_dma source(%arg6 : memref<640x80xf32, #tpu.memory_space<hbm>>) target(%dma_start3A_126 : memref<640x80xf32, #tpu.memory_space<vmem_shared>>) target_semaphore(%run_scoped3A : memref<!tpu.dma_semaphore, #tpu.memory_space<semaphore_mem>>)
      %dma_wait3A_127 = arith.constant 0 : i32
      %dma_wait3A_128 = tpu.memref_slice %arg14[%mul3A_2, %dma_wait3A_127] : memref<10240x80xf32, #tpu.memory_space<vmem_shared>> -> memref<640x80xf32, #tpu.memory_space<vmem_shared>>
      tpu.wait_dma2 semaphore(%run_scoped3A : memref<!tpu.dma_semaphore, #tpu.memory_space<semaphore_mem>>) src(%arg6 : memref<640x80xf32, #tpu.memory_space<hbm>>) dst(%dma_wait3A_128 : memref<640x80xf32, #tpu.memory_space<vmem_shared>>)
      tpu.yield
    }) : () -> ()
    %barrier3A = arith.constant 0 : index
    tpu.barrier barrier_id(%barrier3A)
    %mul3A_3 = arith.constant 100 : i32
    %mul3A_4 = arith.muli %add3A, %mul3A_3 : i32
    %add3A_5 = arith.constant 0 : i32
    %add3A_6 = arith.addi %mul3A_4, %add3A_5 : i32
    %dma_start3A = arith.constant 0 : i32
    %dma_start3A_7 = arith.constant 0 : i32
    %dma_start3A_8 = tpu.memref_slice %arg8[%dma_start3A, %dma_start3A_7] : memref<4x100xi32, #tpu.memory_space<vmem>> -> memref<1x100xi32, #tpu.memory_space<vmem>>
    %dma_start3A_9 = tpu.memref_squeeze %dma_start3A_8 : memref<1x100xi32, #tpu.memory_space<vmem>> -> memref<100xi32, #tpu.memory_space<vmem>>
    %dma_start3A_10 = arith.constant 0 : i32
    %dma_start3A_11 = tpu.memref_slice %arg4[%add3A_6, %dma_start3A_10] : memref<3200x100xi32, #tpu.memory_space<hbm>> -> memref<1x100xi32, #tpu.memory_space<hbm>>
    %dma_start3A_12 = tpu.memref_squeeze %dma_start3A_11 : memref<1x100xi32, #tpu.memory_space<hbm>> -> memref<100xi32, #tpu.memory_space<hbm>>
    %dma_start3A_13 = arith.constant 0 : i32
    %dma_start3A_14 = tpu.memref_slice %arg8[%dma_start3A, %dma_start3A_13] : memref<4x100xi32, #tpu.memory_space<vmem>> -> memref<1x100xi32, #tpu.memory_space<vmem>>
    %dma_start3A_15 = tpu.memref_squeeze %dma_start3A_14 : memref<1x100xi32, #tpu.memory_space<vmem>> -> memref<100xi32, #tpu.memory_space<vmem>>
    %dma_start3A_16 = arith.constant 0 : i32
    %dma_start3A_17 = tpu.memref_slice %arg4[%add3A_6, %dma_start3A_16] : memref<3200x100xi32, #tpu.memory_space<hbm>> -> memref<1x100xi32, #tpu.memory_space<hbm>>
    %dma_start3A_18 = tpu.memref_squeeze %dma_start3A_17 : memref<1x100xi32, #tpu.memory_space<hbm>> -> memref<100xi32, #tpu.memory_space<hbm>>
    tpu.enqueue_dma source(%dma_start3A_18 : memref<100xi32, #tpu.memory_space<hbm>>) target(%dma_start3A_15 : memref<100xi32, #tpu.memory_space<vmem>>) target_semaphore(%arg21 : memref<!tpu.dma_semaphore, #tpu.memory_space<semaphore_mem>>)
    %dma_start3A_19 = arith.constant 0 : i32
    %dma_start3A_20 = arith.constant 0 : i32
    %dma_start3A_21 = tpu.memref_slice %arg9[%dma_start3A_19, %dma_start3A_20] : memref<4x100xi32, #tpu.memory_space<vmem>> -> memref<1x100xi32, #tpu.memory_space<vmem>>
    %dma_start3A_22 = tpu.memref_squeeze %dma_start3A_21 : memref<1x100xi32, #tpu.memory_space<vmem>> -> memref<100xi32, #tpu.memory_space<vmem>>
    %dma_start3A_23 = arith.constant 0 : i32
    %dma_start3A_24 = tpu.memref_slice %arg5[%add3A_6, %dma_start3A_23] : memref<3200x100xi32, #tpu.memory_space<hbm>> -> memref<1x100xi32, #tpu.memory_space<hbm>>
    %dma_start3A_25 = tpu.memref_squeeze %dma_start3A_24 : memref<1x100xi32, #tpu.memory_space<hbm>> -> memref<100xi32, #tpu.memory_space<hbm>>
    %dma_start3A_26 = arith.constant 0 : i32
    %dma_start3A_27 = tpu.memref_slice %arg9[%dma_start3A_19, %dma_start3A_26] : memref<4x100xi32, #tpu.memory_space<vmem>> -> memref<1x100xi32, #tpu.memory_space<vmem>>
    %dma_start3A_28 = tpu.memref_squeeze %dma_start3A_27 : memref<1x100xi32, #tpu.memory_space<vmem>> -> memref<100xi32, #tpu.memory_space<vmem>>
    %dma_start3A_29 = arith.constant 0 : i32
    %dma_start3A_30 = tpu.memref_slice %arg5[%add3A_6, %dma_start3A_29] : memref<3200x100xi32, #tpu.memory_space<hbm>> -> memref<1x100xi32, #tpu.memory_space<hbm>>
    %dma_start3A_31 = tpu.memref_squeeze %dma_start3A_30 : memref<1x100xi32, #tpu.memory_space<hbm>> -> memref<100xi32, #tpu.memory_space<hbm>>
    tpu.enqueue_dma source(%dma_start3A_31 : memref<100xi32, #tpu.memory_space<hbm>>) target(%dma_start3A_28 : memref<100xi32, #tpu.memory_space<vmem>>) target_semaphore(%arg25 : memref<!tpu.dma_semaphore, #tpu.memory_space<semaphore_mem>>)
    %mul3A_32 = arith.constant 100 : i32
    %mul3A_33 = arith.muli %add3A, %mul3A_32 : i32
    %add3A_34 = arith.constant 1 : i32
    %add3A_35 = arith.addi %mul3A_33, %add3A_34 : i32
    %dma_start3A_36 = arith.constant 1 : i32
    %dma_start3A_37 = arith.constant 0 : i32
    %dma_start3A_38 = tpu.memref_slice %arg8[%dma_start3A_36, %dma_start3A_37] : memref<4x100xi32, #tpu.memory_space<vmem>> -> memref<1x100xi32, #tpu.memory_space<vmem>>
    %dma_start3A_39 = tpu.memref_squeeze %dma_start3A_38 : memref<1x100xi32, #tpu.memory_space<vmem>> -> memref<100xi32, #tpu.memory_space<vmem>>
    %dma_start3A_40 = arith.constant 0 : i32
    %dma_start3A_41 = tpu.memref_slice %arg4[%add3A_35, %dma_start3A_40] : memref<3200x100xi32, #tpu.memory_space<hbm>> -> memref<1x100xi32, #tpu.memory_space<hbm>>
    %dma_start3A_42 = tpu.memref_squeeze %dma_start3A_41 : memref<1x100xi32, #tpu.memory_space<hbm>> -> memref<100xi32, #tpu.memory_space<hbm>>
    %dma_start3A_43 = arith.constant 0 : i32
    %dma_start3A_44 = tpu.memref_slice %arg8[%dma_start3A_36, %dma_start3A_43] : memref<4x100xi32, #tpu.memory_space<vmem>> -> memref<1x100xi32, #tpu.memory_space<vmem>>
    %dma_start3A_45 = tpu.memref_squeeze %dma_start3A_44 : memref<1x100xi32, #tpu.memory_space<vmem>> -> memref<100xi32, #tpu.memory_space<vmem>>
    %dma_start3A_46 = arith.constant 0 : i32
    %dma_start3A_47 = tpu.memref_slice %arg4[%add3A_35, %dma_start3A_46] : memref<3200x100xi32, #tpu.memory_space<hbm>> -> memref<1x100xi32, #tpu.memory_space<hbm>>
    %dma_start3A_48 = tpu.memref_squeeze %dma_start3A_47 : memref<1x100xi32, #tpu.memory_space<hbm>> -> memref<100xi32, #tpu.memory_space<hbm>>
    tpu.enqueue_dma source(%dma_start3A_48 : memref<100xi32, #tpu.memory_space<hbm>>) target(%dma_start3A_45 : memref<100xi32, #tpu.memory_space<vmem>>) target_semaphore(%arg22 : memref<!tpu.dma_semaphore, #tpu.memory_space<semaphore_mem>>)
    %dma_start3A_49 = arith.constant 1 : i32
    %dma_start3A_50 = arith.constant 0 : i32
    %dma_start3A_51 = tpu.memref_slice %arg9[%dma_start3A_49, %dma_start3A_50] : memref<4x100xi32, #tpu.memory_space<vmem>> -> memref<1x100xi32, #tpu.memory_space<vmem>>
    %dma_start3A_52 = tpu.memref_squeeze %dma_start3A_51 : memref<1x100xi32, #tpu.memory_space<vmem>> -> memref<100xi32, #tpu.memory_space<vmem>>
    %dma_start3A_53 = arith.constant 0 : i32
    %dma_start3A_54 = tpu.memref_slice %arg5[%add3A_35, %dma_start3A_53] : memref<3200x100xi32, #tpu.memory_space<hbm>> -> memref<1x100xi32, #tpu.memory_space<hbm>>
    %dma_start3A_55 = tpu.memref_squeeze %dma_start3A_54 : memref<1x100xi32, #tpu.memory_space<hbm>> -> memref<100xi32, #tpu.memory_space<hbm>>
    %dma_start3A_56 = arith.constant 0 : i32
    %dma_start3A_57 = tpu.memref_slice %arg9[%dma_start3A_49, %dma_start3A_56] : memref<4x100xi32, #tpu.memory_space<vmem>> -> memref<1x100xi32, #tpu.memory_space<vmem>>
    %dma_start3A_58 = tpu.memref_squeeze %dma_start3A_57 : memref<1x100xi32, #tpu.memory_space<vmem>> -> memref<100xi32, #tpu.memory_space<vmem>>
    %dma_start3A_59 = arith.constant 0 : i32
    %dma_start3A_60 = tpu.memref_slice %arg5[%add3A_35, %dma_start3A_59] : memref<3200x100xi32, #tpu.memory_space<hbm>> -> memref<1x100xi32, #tpu.memory_space<hbm>>
    %dma_start3A_61 = tpu.memref_squeeze %dma_start3A_60 : memref<1x100xi32, #tpu.memory_space<hbm>> -> memref<100xi32, #tpu.memory_space<hbm>>
    tpu.enqueue_dma source(%dma_start3A_61 : memref<100xi32, #tpu.memory_space<hbm>>) target(%dma_start3A_58 : memref<100xi32, #tpu.memory_space<vmem>>) target_semaphore(%arg26 : memref<!tpu.dma_semaphore, #tpu.memory_space<semaphore_mem>>)
    %mul3A_62 = arith.constant 100 : i32
    %mul3A_63 = arith.muli %add3A, %mul3A_62 : i32
    %add3A_64 = arith.constant 0 : i32
    %add3A_65 = arith.addi %mul3A_63, %add3A_64 : i32
    %dma_wait3A = arith.constant 0 : i32
    %dma_wait3A_66 = arith.constant 0 : i32
    %dma_wait3A_67 = tpu.memref_slice %arg8[%dma_wait3A, %dma_wait3A_66] : memref<4x100xi32, #tpu.memory_space<vmem>> -> memref<1x100xi32, #tpu.memory_space<vmem>>
    %dma_wait3A_68 = tpu.memref_squeeze %dma_wait3A_67 : memref<1x100xi32, #tpu.memory_space<vmem>> -> memref<100xi32, #tpu.memory_space<vmem>>
    %dma_wait3A_69 = arith.constant 0 : i32
    %dma_wait3A_70 = tpu.memref_slice %arg4[%add3A_65, %dma_wait3A_69] : memref<3200x100xi32, #tpu.memory_space<hbm>> -> memref<1x100xi32, #tpu.memory_space<hbm>>
    %dma_wait3A_71 = tpu.memref_squeeze %dma_wait3A_70 : memref<1x100xi32, #tpu.memory_space<hbm>> -> memref<100xi32, #tpu.memory_space<hbm>>
    %dma_wait3A_72 = arith.constant 0 : i32
    %dma_wait3A_73 = tpu.memref_slice %arg8[%dma_wait3A, %dma_wait3A_72] : memref<4x100xi32, #tpu.memory_space<vmem>> -> memref<1x100xi32, #tpu.memory_space<vmem>>
    %dma_wait3A_74 = tpu.memref_squeeze %dma_wait3A_73 : memref<1x100xi32, #tpu.memory_space<vmem>> -> memref<100xi32, #tpu.memory_space<vmem>>
    %dma_wait3A_75 = arith.constant 0 : i32
    %dma_wait3A_76 = tpu.memref_slice %arg4[%add3A_65, %dma_wait3A_75] : memref<3200x100xi32, #tpu.memory_space<hbm>> -> memref<1x100xi32, #tpu.memory_space<hbm>>
    %dma_wait3A_77 = tpu.memref_squeeze %dma_wait3A_76 : memref<1x100xi32, #tpu.memory_space<hbm>> -> memref<100xi32, #tpu.memory_space<hbm>>
    tpu.wait_dma2 semaphore(%arg21 : memref<!tpu.dma_semaphore, #tpu.memory_space<semaphore_mem>>) src(%dma_wait3A_77 : memref<100xi32, #tpu.memory_space<hbm>>) dst(%dma_wait3A_74 : memref<100xi32, #tpu.memory_space<vmem>>)
    %dma_wait3A_78 = arith.constant 0 : i32
    %dma_wait3A_79 = arith.constant 0 : i32
    %dma_wait3A_80 = tpu.memref_slice %arg9[%dma_wait3A_78, %dma_wait3A_79] : memref<4x100xi32, #tpu.memory_space<vmem>> -> memref<1x100xi32, #tpu.memory_space<vmem>>
    %dma_wait3A_81 = tpu.memref_squeeze %dma_wait3A_80 : memref<1x100xi32, #tpu.memory_space<vmem>> -> memref<100xi32, #tpu.memory_space<vmem>>
    %dma_wait3A_82 = arith.constant 0 : i32
    %dma_wait3A_83 = tpu.memref_slice %arg5[%add3A_65, %dma_wait3A_82] : memref<3200x100xi32, #tpu.memory_space<hbm>> -> memref<1x100xi32, #tpu.memory_space<hbm>>
    %dma_wait3A_84 = tpu.memref_squeeze %dma_wait3A_83 : memref<1x100xi32, #tpu.memory_space<hbm>> -> memref<100xi32, #tpu.memory_space<hbm>>
    %dma_wait3A_85 = arith.constant 0 : i32
    %dma_wait3A_86 = tpu.memref_slice %arg9[%dma_wait3A_78, %dma_wait3A_85] : memref<4x100xi32, #tpu.memory_space<vmem>> -> memref<1x100xi32, #tpu.memory_space<vmem>>
    %dma_wait3A_87 = tpu.memref_squeeze %dma_wait3A_86 : memref<1x100xi32, #tpu.memory_space<vmem>> -> memref<100xi32, #tpu.memory_space<vmem>>
    %dma_wait3A_88 = arith.constant 0 : i32
    %dma_wait3A_89 = tpu.memref_slice %arg5[%add3A_65, %dma_wait3A_88] : memref<3200x100xi32, #tpu.memory_space<hbm>> -> memref<1x100xi32, #tpu.memory_space<hbm>>
    %dma_wait3A_90 = tpu.memref_squeeze %dma_wait3A_89 : memref<1x100xi32, #tpu.memory_space<hbm>> -> memref<100xi32, #tpu.memory_space<hbm>>
    tpu.wait_dma2 semaphore(%arg25 : memref<!tpu.dma_semaphore, #tpu.memory_space<semaphore_mem>>) src(%dma_wait3A_90 : memref<100xi32, #tpu.memory_space<hbm>>) dst(%dma_wait3A_87 : memref<100xi32, #tpu.memory_space<vmem>>)
    %dma_start3A_91 = arith.constant 0 : i32
    %dma_start3A_92 = arith.constant 0 : i32
    %dma_start3A_93 = tpu.memref_slice %arg8[%dma_start3A_91, %dma_start3A_92] : memref<4x100xi32, #tpu.memory_space<vmem>> -> memref<1x100xi32, #tpu.memory_space<vmem>>
    %dma_start3A_94 = tpu.memref_squeeze %dma_start3A_93 : memref<1x100xi32, #tpu.memory_space<vmem>> -> memref<100xi32, #tpu.memory_space<vmem>>
    %dma_start3A_95 = arith.constant 0 : i32
    %dma_start3A_96 = arith.constant 0 : i32
    %dma_start3A_97 = tpu.memref_slice %arg2[%dma_start3A_95, %dma_start3A_96] : memref<10240x80xf32, #tpu.memory_space<hbm>> -> memref<10240x80xf32, #tpu.memory_space<hbm>>
    tpu.enqueue_indirect_dma source(%dma_start3A_97 : memref<10240x80xf32, #tpu.memory_space<hbm>>) target(%arg10 : memref<100x80xf32, #tpu.memory_space<vmem>>) offsets(%dma_start3A_94 : memref<100xi32, #tpu.memory_space<vmem>>) semaphore(%arg15 : memref<!tpu.dma_semaphore, #tpu.memory_space<semaphore_mem>>)
    %dma_start3A_98 = arith.constant 0 : i32
    %dma_start3A_99 = arith.constant 0 : i32
    %dma_start3A_100 = tpu.memref_slice %arg9[%dma_start3A_98, %dma_start3A_99] : memref<4x100xi32, #tpu.memory_space<vmem>> -> memref<1x100xi32, #tpu.memory_space<vmem>>
    %dma_start3A_101 = tpu.memref_squeeze %dma_start3A_100 : memref<1x100xi32, #tpu.memory_space<vmem>> -> memref<100xi32, #tpu.memory_space<vmem>>
    %dma_start3A_102 = arith.constant 0 : i32
    %dma_start3A_103 = arith.constant 0 : i32
    %dma_start3A_104 = tpu.memref_slice %arg3[%dma_start3A_102, %dma_start3A_103] : memref<10240x16xf32, #tpu.memory_space<hbm>> -> memref<10240x16xf32, #tpu.memory_space<hbm>>
    tpu.enqueue_indirect_dma source(%dma_start3A_104 : memref<10240x16xf32, #tpu.memory_space<hbm>>) target(%arg12 : memref<100x16xf32, #tpu.memory_space<vmem>>) offsets(%dma_start3A_101 : memref<100xi32, #tpu.memory_space<vmem>>) semaphore(%arg17 : memref<!tpu.dma_semaphore, #tpu.memory_space<semaphore_mem>>)
    %scan3A = arith.constant 0 : i32
    %scan3A_105 = arith.constant 0 : i32
    %scan3A_106 = arith.constant 25 : i32
    %scan3A_107 = arith.addi %scan3A_105, %scan3A_106 : i32
    %scan3A_108 = arith.constant 1 : i32
    scf.for %scan3A_125 = %scan3A_105 to %scan3A_107 step %scan3A_108  : i32 {
      %mul3A_126 = arith.constant 4 : i32
      %mul3A_127 = arith.muli %mul3A_126, %scan3A_125 : i32
      %add3A_128 = arith.constant 0 : i32
      %add3A_129 = arith.addi %mul3A_127, %add3A_128 : i32
      %gt3A = arith.constant 0 : i32
      %gt3A_130 = arith.cmpi sgt, %add3A_129, %gt3A : i32
      %convert_element_type3A = arith.extui %gt3A_130 : i1 to i32
      %cond3A = arith.constant 0 : i32
      %cond3A_131 = arith.cmpi ne, %convert_element_type3A, %cond3A : i32
      scf.if %cond3A_131 {
        %dma_wait3A_322 = arith.constant 3 : i32
        %dma_wait3A_323 = arith.constant 0 : i32
        %dma_wait3A_324 = tpu.memref_slice %arg9[%dma_wait3A_322, %dma_wait3A_323] : memref<4x100xi32, #tpu.memory_space<vmem>> -> memref<1x100xi32, #tpu.memory_space<vmem>>
        %dma_wait3A_325 = tpu.memref_squeeze %dma_wait3A_324 : memref<1x100xi32, #tpu.memory_space<vmem>> -> memref<100xi32, #tpu.memory_space<vmem>>
        %dma_wait3A_326 = arith.constant 0 : i32
        %dma_wait3A_327 = arith.constant 0 : i32
        %dma_wait3A_328 = tpu.memref_slice %arg14[%dma_wait3A_326, %dma_wait3A_327] : memref<10240x80xf32, #tpu.memory_space<vmem_shared>> -> memref<10240x80xf32, #tpu.memory_space<vmem_shared>>
        tpu.wait_indirect_dma semaphore(%arg20 : memref<!tpu.dma_semaphore, #tpu.memory_space<semaphore_mem>>) src(%arg11 : memref<100x80xf32, #tpu.memory_space<vmem>>) dst(%dma_wait3A_328 : memref<10240x80xf32, #tpu.memory_space<vmem_shared>>)
      } else {
      }
      %add3A_132 = arith.constant 1 : i32
      %add3A_133 = arith.addi %add3A_129, %add3A_132 : i32
      %lt3A = arith.constant 100 : i32
      %lt3A_134 = arith.cmpi slt, %add3A_133, %lt3A : i32
      %convert_element_type3A_135 = arith.extui %lt3A_134 : i1 to i32
      %cond3A_136 = arith.constant 0 : i32
      %cond3A_137 = arith.cmpi ne, %convert_element_type3A_135, %cond3A_136 : i32
      scf.if %cond3A_137 {
        %add3A_322 = arith.constant 1 : i32
        %add3A_323 = arith.addi %add3A_129, %add3A_322 : i32
        %mul3A_324 = arith.constant 100 : i32
        %mul3A_325 = arith.muli %add3A, %mul3A_324 : i32
        %add3A_326 = arith.addi %mul3A_325, %add3A_323 : i32
        %dma_wait3A_327 = arith.constant 1 : i32
        %dma_wait3A_328 = arith.constant 0 : i32
        %dma_wait3A_329 = tpu.memref_slice %arg8[%dma_wait3A_327, %dma_wait3A_328] : memref<4x100xi32, #tpu.memory_space<vmem>> -> memref<1x100xi32, #tpu.memory_space<vmem>>
        %dma_wait3A_330 = tpu.memref_squeeze %dma_wait3A_329 : memref<1x100xi32, #tpu.memory_space<vmem>> -> memref<100xi32, #tpu.memory_space<vmem>>
        %dma_wait3A_331 = arith.constant 0 : i32
        %dma_wait3A_332 = tpu.memref_slice %arg4[%add3A_326, %dma_wait3A_331] : memref<3200x100xi32, #tpu.memory_space<hbm>> -> memref<1x100xi32, #tpu.memory_space<hbm>>
        %dma_wait3A_333 = tpu.memref_squeeze %dma_wait3A_332 : memref<1x100xi32, #tpu.memory_space<hbm>> -> memref<100xi32, #tpu.memory_space<hbm>>
        %dma_wait3A_334 = arith.constant 0 : i32
        %dma_wait3A_335 = tpu.memref_slice %arg8[%dma_wait3A_327, %dma_wait3A_334] : memref<4x100xi32, #tpu.memory_space<vmem>> -> memref<1x100xi32, #tpu.memory_space<vmem>>
        %dma_wait3A_336 = tpu.memref_squeeze %dma_wait3A_335 : memref<1x100xi32, #tpu.memory_space<vmem>> -> memref<100xi32, #tpu.memory_space<vmem>>
        %dma_wait3A_337 = arith.constant 0 : i32
        %dma_wait3A_338 = tpu.memref_slice %arg4[%add3A_326, %dma_wait3A_337] : memref<3200x100xi32, #tpu.memory_space<hbm>> -> memref<1x100xi32, #tpu.memory_space<hbm>>
        %dma_wait3A_339 = tpu.memref_squeeze %dma_wait3A_338 : memref<1x100xi32, #tpu.memory_space<hbm>> -> memref<100xi32, #tpu.memory_space<hbm>>
        tpu.wait_dma2 semaphore(%arg22 : memref<!tpu.dma_semaphore, #tpu.memory_space<semaphore_mem>>) src(%dma_wait3A_339 : memref<100xi32, #tpu.memory_space<hbm>>) dst(%dma_wait3A_336 : memref<100xi32, #tpu.memory_space<vmem>>)
        %dma_wait3A_340 = arith.constant 1 : i32
        %dma_wait3A_341 = arith.constant 0 : i32
        %dma_wait3A_342 = tpu.memref_slice %arg9[%dma_wait3A_340, %dma_wait3A_341] : memref<4x100xi32, #tpu.memory_space<vmem>> -> memref<1x100xi32, #tpu.memory_space<vmem>>
        %dma_wait3A_343 = tpu.memref_squeeze %dma_wait3A_342 : memref<1x100xi32, #tpu.memory_space<vmem>> -> memref<100xi32, #tpu.memory_space<vmem>>
        %dma_wait3A_344 = arith.constant 0 : i32
        %dma_wait3A_345 = tpu.memref_slice %arg5[%add3A_326, %dma_wait3A_344] : memref<3200x100xi32, #tpu.memory_space<hbm>> -> memref<1x100xi32, #tpu.memory_space<hbm>>
        %dma_wait3A_346 = tpu.memref_squeeze %dma_wait3A_345 : memref<1x100xi32, #tpu.memory_space<hbm>> -> memref<100xi32, #tpu.memory_space<hbm>>
        %dma_wait3A_347 = arith.constant 0 : i32
        %dma_wait3A_348 = tpu.memref_slice %arg9[%dma_wait3A_340, %dma_wait3A_347] : memref<4x100xi32, #tpu.memory_space<vmem>> -> memref<1x100xi32, #tpu.memory_space<vmem>>
        %dma_wait3A_349 = tpu.memref_squeeze %dma_wait3A_348 : memref<1x100xi32, #tpu.memory_space<vmem>> -> memref<100xi32, #tpu.memory_space<vmem>>
        %dma_wait3A_350 = arith.constant 0 : i32
        %dma_wait3A_351 = tpu.memref_slice %arg5[%add3A_326, %dma_wait3A_350] : memref<3200x100xi32, #tpu.memory_space<hbm>> -> memref<1x100xi32, #tpu.memory_space<hbm>>
        %dma_wait3A_352 = tpu.memref_squeeze %dma_wait3A_351 : memref<1x100xi32, #tpu.memory_space<hbm>> -> memref<100xi32, #tpu.memory_space<hbm>>
        tpu.wait_dma2 semaphore(%arg26 : memref<!tpu.dma_semaphore, #tpu.memory_space<semaphore_mem>>) src(%dma_wait3A_352 : memref<100xi32, #tpu.memory_space<hbm>>) dst(%dma_wait3A_349 : memref<100xi32, #tpu.memory_space<vmem>>)
        %dma_start3A_353 = arith.constant 1 : i32
        %dma_start3A_354 = arith.constant 0 : i32
        %dma_start3A_355 = tpu.memref_slice %arg8[%dma_start3A_353, %dma_start3A_354] : memref<4x100xi32, #tpu.memory_space<vmem>> -> memref<1x100xi32, #tpu.memory_space<vmem>>
        %dma_start3A_356 = tpu.memref_squeeze %dma_start3A_355 : memref<1x100xi32, #tpu.memory_space<vmem>> -> memref<100xi32, #tpu.memory_space<vmem>>
        %dma_start3A_357 = arith.constant 0 : i32
        %dma_start3A_358 = arith.constant 0 : i32
        %dma_start3A_359 = tpu.memref_slice %arg2[%dma_start3A_357, %dma_start3A_358] : memref<10240x80xf32, #tpu.memory_space<hbm>> -> memref<10240x80xf32, #tpu.memory_space<hbm>>
        tpu.enqueue_indirect_dma source(%dma_start3A_359 : memref<10240x80xf32, #tpu.memory_space<hbm>>) target(%arg11 : memref<100x80xf32, #tpu.memory_space<vmem>>) offsets(%dma_start3A_356 : memref<100xi32, #tpu.memory_space<vmem>>) semaphore(%arg16 : memref<!tpu.dma_semaphore, #tpu.memory_space<semaphore_mem>>)
        %dma_start3A_360 = arith.constant 1 : i32
        %dma_start3A_361 = arith.constant 0 : i32
        %dma_start3A_362 = tpu.memref_slice %arg9[%dma_start3A_360, %dma_start3A_361] : memref<4x100xi32, #tpu.memory_space<vmem>> -> memref<1x100xi32, #tpu.memory_space<vmem>>
        %dma_start3A_363 = tpu.memref_squeeze %dma_start3A_362 : memref<1x100xi32, #tpu.memory_space<vmem>> -> memref<100xi32, #tpu.memory_space<vmem>>
        %dma_start3A_364 = arith.constant 0 : i32
        %dma_start3A_365 = arith.constant 0 : i32
        %dma_start3A_366 = tpu.memref_slice %arg3[%dma_start3A_364, %dma_start3A_365] : memref<10240x16xf32, #tpu.memory_space<hbm>> -> memref<10240x16xf32, #tpu.memory_space<hbm>>
        tpu.enqueue_indirect_dma source(%dma_start3A_366 : memref<10240x16xf32, #tpu.memory_space<hbm>>) target(%arg13 : memref<100x16xf32, #tpu.memory_space<vmem>>) offsets(%dma_start3A_363 : memref<100xi32, #tpu.memory_space<vmem>>) semaphore(%arg18 : memref<!tpu.dma_semaphore, #tpu.memory_space<semaphore_mem>>)
      } else {
      }
      %add3A_138 = arith.constant 2 : i32
      %add3A_139 = arith.addi %add3A_129, %add3A_138 : i32
      %lt3A_140 = arith.constant 100 : i32
      %lt3A_141 = arith.cmpi slt, %add3A_139, %lt3A_140 : i32
      %convert_element_type3A_142 = arith.extui %lt3A_141 : i1 to i32
      %cond3A_143 = arith.constant 0 : i32
      %cond3A_144 = arith.cmpi ne, %convert_element_type3A_142, %cond3A_143 : i32
      scf.if %cond3A_144 {
        %add3A_322 = arith.constant 2 : i32
        %add3A_323 = arith.addi %add3A_129, %add3A_322 : i32
        %mul3A_324 = arith.constant 100 : i32
        %mul3A_325 = arith.muli %add3A, %mul3A_324 : i32
        %add3A_326 = arith.addi %mul3A_325, %add3A_323 : i32
        %dma_start3A_327 = arith.constant 2 : i32
        %dma_start3A_328 = arith.constant 0 : i32
        %dma_start3A_329 = tpu.memref_slice %arg8[%dma_start3A_327, %dma_start3A_328] : memref<4x100xi32, #tpu.memory_space<vmem>> -> memref<1x100xi32, #tpu.memory_space<vmem>>
        %dma_start3A_330 = tpu.memref_squeeze %dma_start3A_329 : memref<1x100xi32, #tpu.memory_space<vmem>> -> memref<100xi32, #tpu.memory_space<vmem>>
        %dma_start3A_331 = arith.constant 0 : i32
        %dma_start3A_332 = tpu.memref_slice %arg4[%add3A_326, %dma_start3A_331] : memref<3200x100xi32, #tpu.memory_space<hbm>> -> memref<1x100xi32, #tpu.memory_space<hbm>>
        %dma_start3A_333 = tpu.memref_squeeze %dma_start3A_332 : memref<1x100xi32, #tpu.memory_space<hbm>> -> memref<100xi32, #tpu.memory_space<hbm>>
        %dma_start3A_334 = arith.constant 0 : i32
        %dma_start3A_335 = tpu.memref_slice %arg8[%dma_start3A_327, %dma_start3A_334] : memref<4x100xi32, #tpu.memory_space<vmem>> -> memref<1x100xi32, #tpu.memory_space<vmem>>
        %dma_start3A_336 = tpu.memref_squeeze %dma_start3A_335 : memref<1x100xi32, #tpu.memory_space<vmem>> -> memref<100xi32, #tpu.memory_space<vmem>>
        %dma_start3A_337 = arith.constant 0 : i32
        %dma_start3A_338 = tpu.memref_slice %arg4[%add3A_326, %dma_start3A_337] : memref<3200x100xi32, #tpu.memory_space<hbm>> -> memref<1x100xi32, #tpu.memory_space<hbm>>
        %dma_start3A_339 = tpu.memref_squeeze %dma_start3A_338 : memref<1x100xi32, #tpu.memory_space<hbm>> -> memref<100xi32, #tpu.memory_space<hbm>>
        tpu.enqueue_dma source(%dma_start3A_339 : memref<100xi32, #tpu.memory_space<hbm>>) target(%dma_start3A_336 : memref<100xi32, #tpu.memory_space<vmem>>) target_semaphore(%arg23 : memref<!tpu.dma_semaphore, #tpu.memory_space<semaphore_mem>>)
        %dma_start3A_340 = arith.constant 2 : i32
        %dma_start3A_341 = arith.constant 0 : i32
        %dma_start3A_342 = tpu.memref_slice %arg9[%dma_start3A_340, %dma_start3A_341] : memref<4x100xi32, #tpu.memory_space<vmem>> -> memref<1x100xi32, #tpu.memory_space<vmem>>
        %dma_start3A_343 = tpu.memref_squeeze %dma_start3A_342 : memref<1x100xi32, #tpu.memory_space<vmem>> -> memref<100xi32, #tpu.memory_space<vmem>>
        %dma_start3A_344 = arith.constant 0 : i32
        %dma_start3A_345 = tpu.memref_slice %arg5[%add3A_326, %dma_start3A_344] : memref<3200x100xi32, #tpu.memory_space<hbm>> -> memref<1x100xi32, #tpu.memory_space<hbm>>
        %dma_start3A_346 = tpu.memref_squeeze %dma_start3A_345 : memref<1x100xi32, #tpu.memory_space<hbm>> -> memref<100xi32, #tpu.memory_space<hbm>>
        %dma_start3A_347 = arith.constant 0 : i32
        %dma_start3A_348 = tpu.memref_slice %arg9[%dma_start3A_340, %dma_start3A_347] : memref<4x100xi32, #tpu.memory_space<vmem>> -> memref<1x100xi32, #tpu.memory_space<vmem>>
        %dma_start3A_349 = tpu.memref_squeeze %dma_start3A_348 : memref<1x100xi32, #tpu.memory_space<vmem>> -> memref<100xi32, #tpu.memory_space<vmem>>
        %dma_start3A_350 = arith.constant 0 : i32
        %dma_start3A_351 = tpu.memref_slice %arg5[%add3A_326, %dma_start3A_350] : memref<3200x100xi32, #tpu.memory_space<hbm>> -> memref<1x100xi32, #tpu.memory_space<hbm>>
        %dma_start3A_352 = tpu.memref_squeeze %dma_start3A_351 : memref<1x100xi32, #tpu.memory_space<hbm>> -> memref<100xi32, #tpu.memory_space<hbm>>
        tpu.enqueue_dma source(%dma_start3A_352 : memref<100xi32, #tpu.memory_space<hbm>>) target(%dma_start3A_349 : memref<100xi32, #tpu.memory_space<vmem>>) target_semaphore(%arg27 : memref<!tpu.dma_semaphore, #tpu.memory_space<semaphore_mem>>)
      } else {
      }
      %dma_wait3A_145 = arith.constant 0 : i32
      %dma_wait3A_146 = arith.constant 0 : i32
      %dma_wait3A_147 = tpu.memref_slice %arg8[%dma_wait3A_145, %dma_wait3A_146] : memref<4x100xi32, #tpu.memory_space<vmem>> -> memref<1x100xi32, #tpu.memory_space<vmem>>
      %dma_wait3A_148 = tpu.memref_squeeze %dma_wait3A_147 : memref<1x100xi32, #tpu.memory_space<vmem>> -> memref<100xi32, #tpu.memory_space<vmem>>
      %dma_wait3A_149 = arith.constant 0 : i32
      %dma_wait3A_150 = arith.constant 0 : i32
      %dma_wait3A_151 = tpu.memref_slice %arg2[%dma_wait3A_149, %dma_wait3A_150] : memref<10240x80xf32, #tpu.memory_space<hbm>> -> memref<10240x80xf32, #tpu.memory_space<hbm>>
      tpu.wait_indirect_dma semaphore(%arg15 : memref<!tpu.dma_semaphore, #tpu.memory_space<semaphore_mem>>) src(%dma_wait3A_151 : memref<10240x80xf32, #tpu.memory_space<hbm>>) dst(%arg10 : memref<100x80xf32, #tpu.memory_space<vmem>>)
      %dma_wait3A_152 = arith.constant 0 : i32
      %dma_wait3A_153 = arith.constant 0 : i32
      %dma_wait3A_154 = tpu.memref_slice %arg9[%dma_wait3A_152, %dma_wait3A_153] : memref<4x100xi32, #tpu.memory_space<vmem>> -> memref<1x100xi32, #tpu.memory_space<vmem>>
      %dma_wait3A_155 = tpu.memref_squeeze %dma_wait3A_154 : memref<1x100xi32, #tpu.memory_space<vmem>> -> memref<100xi32, #tpu.memory_space<vmem>>
      %dma_wait3A_156 = arith.constant 0 : i32
      %dma_wait3A_157 = arith.constant 0 : i32
      %dma_wait3A_158 = tpu.memref_slice %arg3[%dma_wait3A_156, %dma_wait3A_157] : memref<10240x16xf32, #tpu.memory_space<hbm>> -> memref<10240x16xf32, #tpu.memory_space<hbm>>
      tpu.wait_indirect_dma semaphore(%arg17 : memref<!tpu.dma_semaphore, #tpu.memory_space<semaphore_mem>>) src(%dma_wait3A_158 : memref<10240x16xf32, #tpu.memory_space<hbm>>) dst(%arg12 : memref<100x16xf32, #tpu.memory_space<vmem>>)
      %scan3A_159 = arith.constant 0 : i32
      %scan3A_160 = arith.constant 0 : i32
      %scan3A_161 = arith.constant 100 : i32
      %scan3A_162 = arith.addi %scan3A_160, %scan3A_161 : i32
      %scan3A_163 = arith.constant 1 : i32
      scf.for %scan3A_322 = %scan3A_160 to %scan3A_162 step %scan3A_163  : i32 {
        %get3A = arith.index_cast %scan3A_322 : i32 to index
        %get3A_323 = arith.constant 64 : index
        %get3A_324 = tpu.vector_load %arg10[%get3A, %get3A_323] {strides = array<i32>} : memref<100x80xf32, #tpu.memory_space<vmem>>, vector<1x16xf32>,
        %get3A_325 = vector.shape_cast %get3A_324 : vector<1x16xf32> to vector<16xf32>
        %get3A_326 = arith.index_cast %scan3A_322 : i32 to index
        %get3A_327 = arith.constant 0 : index
        %get3A_328 = tpu.vector_load %arg12[%get3A_326, %get3A_327] {strides = array<i32>} : memref<100x16xf32, #tpu.memory_space<vmem>>, vector<1x16xf32>,
        %get3A_329 = vector.shape_cast %get3A_328 : vector<1x16xf32> to vector<16xf32>
        %add3A_330 = arith.addf %get3A_325, %get3A_329 : vector<16xf32>
        %mul3A_331 = arith.constant 2.000000e-01 : f32
        %mul3A_332 = vector.broadcast %mul3A_331 : f32 to vector<16xf32>
        %mul3A_333 = arith.mulf %add3A_330, %mul3A_332 : vector<16xf32>
        %max3A = arith.maximumf %add3A_330, %mul3A_333 : vector<16xf32>
        %exp3A = math.exp %max3A : vector<16xf32>
        %swap3A = arith.index_cast %scan3A_322 : i32 to index
        %swap3A_334 = arith.constant 64 : index
        %swap3A_335 = tpu.vector_load %arg10[%swap3A, %swap3A_334] {strides = array<i32>} : memref<100x80xf32, #tpu.memory_space<vmem>>, vector<1x16xf32>,
        %swap3A_336 = vector.shape_cast %swap3A_335 : vector<1x16xf32> to vector<16xf32>
        %swap3A_337 = vector.shape_cast %exp3A : vector<16xf32> to vector<1x16xf32>
        tpu.vector_store %arg10[%swap3A, %swap3A_334], %swap3A_337 {strides = array<i32>} : memref<100x80xf32, #tpu.memory_space<vmem>>, vector<1x16xf32>,
        %broadcast_in_dim3A = arith.constant 0 : i32
        %broadcast_in_dim3A_338 = vector.broadcast %broadcast_in_dim3A : i32 to vector<16xi32>
        %broadcast_in_dim3A_339 = vector.shape_cast %broadcast_in_dim3A_338 : vector<16xi32> to vector<16x1xi32>
        %gather3A = vector.shape_cast %broadcast_in_dim3A_339 : vector<16x1xi32> to vector<16xi32>
        %gather3A_340 = tpu.dynamic_gather %exp3A[%gather3A] in [0] : vector<16xf32>, vector<16xi32> -> vector<16xf32>
        %get3A_341 = arith.index_cast %scan3A_322 : i32 to index
        %get3A_342 = arith.constant 0 : index
        %get3A_343 = tpu.vector_load %arg10[%get3A_341, %get3A_342] {strides = array<i32>} : memref<100x80xf32, #tpu.memory_space<vmem>>, vector<1x16xf32>,
        %get3A_344 = vector.shape_cast %get3A_343 : vector<1x16xf32> to vector<16xf32>
        %mul3A_345 = arith.mulf %get3A_344, %gather3A_340 : vector<16xf32>
        %swap3A_346 = arith.index_cast %scan3A_322 : i32 to index
        %swap3A_347 = arith.constant 0 : index
        %swap3A_348 = tpu.vector_load %arg10[%swap3A_346, %swap3A_347] {strides = array<i32>} : memref<100x80xf32, #tpu.memory_space<vmem>>, vector<1x16xf32>,
        %swap3A_349 = vector.shape_cast %swap3A_348 : vector<1x16xf32> to vector<16xf32>
        %swap3A_350 = vector.shape_cast %mul3A_345 : vector<16xf32> to vector<1x16xf32>
        tpu.vector_store %arg10[%swap3A_346, %swap3A_347], %swap3A_350 {strides = array<i32>} : memref<100x80xf32, #tpu.memory_space<vmem>>, vector<1x16xf32>,
        %broadcast_in_dim3A_351 = arith.constant 0 : i32
        %broadcast_in_dim3A_352 = vector.broadcast %broadcast_in_dim3A_351 : i32 to vector<16xi32>
        %broadcast_in_dim3A_353 = vector.shape_cast %broadcast_in_dim3A_352 : vector<16xi32> to vector<16x1xi32>
        %gather3A_354 = vector.shape_cast %broadcast_in_dim3A_353 : vector<16x1xi32> to vector<16xi32>
        %gather3A_355 = tpu.dynamic_gather %exp3A[%gather3A_354] in [0] : vector<16xf32>, vector<16xi32> -> vector<16xf32>
        %get3A_356 = arith.index_cast %scan3A_322 : i32 to index
        %get3A_357 = arith.constant 16 : index
        %get3A_358 = tpu.vector_load %arg10[%get3A_356, %get3A_357] {strides = array<i32>} : memref<100x80xf32, #tpu.memory_space<vmem>>, vector<1x16xf32>,
        %get3A_359 = vector.shape_cast %get3A_358 : vector<1x16xf32> to vector<16xf32>
        %mul3A_360 = arith.mulf %get3A_359, %gather3A_355 : vector<16xf32>
        %swap3A_361 = arith.index_cast %scan3A_322 : i32 to index
        %swap3A_362 = arith.constant 16 : index
        %swap3A_363 = tpu.vector_load %arg10[%swap3A_361, %swap3A_362] {strides = array<i32>} : memref<100x80xf32, #tpu.memory_space<vmem>>, vector<1x16xf32>,
        %swap3A_364 = vector.shape_cast %swap3A_363 : vector<1x16xf32> to vector<16xf32>
        %swap3A_365 = vector.shape_cast %mul3A_360 : vector<16xf32> to vector<1x16xf32>
        tpu.vector_store %arg10[%swap3A_361, %swap3A_362], %swap3A_365 {strides = array<i32>} : memref<100x80xf32, #tpu.memory_space<vmem>>, vector<1x16xf32>,
        %broadcast_in_dim3A_366 = arith.constant 0 : i32
        %broadcast_in_dim3A_367 = vector.broadcast %broadcast_in_dim3A_366 : i32 to vector<16xi32>
        %broadcast_in_dim3A_368 = vector.shape_cast %broadcast_in_dim3A_367 : vector<16xi32> to vector<16x1xi32>
        %gather3A_369 = vector.shape_cast %broadcast_in_dim3A_368 : vector<16x1xi32> to vector<16xi32>
        %gather3A_370 = tpu.dynamic_gather %exp3A[%gather3A_369] in [0] : vector<16xf32>, vector<16xi32> -> vector<16xf32>
        %get3A_371 = arith.index_cast %scan3A_322 : i32 to index
        %get3A_372 = arith.constant 32 : index
        %get3A_373 = tpu.vector_load %arg10[%get3A_371, %get3A_372] {strides = array<i32>} : memref<100x80xf32, #tpu.memory_space<vmem>>, vector<1x16xf32>,
        %get3A_374 = vector.shape_cast %get3A_373 : vector<1x16xf32> to vector<16xf32>
        %mul3A_375 = arith.mulf %get3A_374, %gather3A_370 : vector<16xf32>
        %swap3A_376 = arith.index_cast %scan3A_322 : i32 to index
        %swap3A_377 = arith.constant 32 : index
        %swap3A_378 = tpu.vector_load %arg10[%swap3A_376, %swap3A_377] {strides = array<i32>} : memref<100x80xf32, #tpu.memory_space<vmem>>, vector<1x16xf32>,
        %swap3A_379 = vector.shape_cast %swap3A_378 : vector<1x16xf32> to vector<16xf32>
        %swap3A_380 = vector.shape_cast %mul3A_375 : vector<16xf32> to vector<1x16xf32>
        tpu.vector_store %arg10[%swap3A_376, %swap3A_377], %swap3A_380 {strides = array<i32>} : memref<100x80xf32, #tpu.memory_space<vmem>>, vector<1x16xf32>,
        %broadcast_in_dim3A_381 = arith.constant 0 : i32
        %broadcast_in_dim3A_382 = vector.broadcast %broadcast_in_dim3A_381 : i32 to vector<16xi32>
        %broadcast_in_dim3A_383 = vector.shape_cast %broadcast_in_dim3A_382 : vector<16xi32> to vector<16x1xi32>
        %gather3A_384 = vector.shape_cast %broadcast_in_dim3A_383 : vector<16x1xi32> to vector<16xi32>
        %gather3A_385 = tpu.dynamic_gather %exp3A[%gather3A_384] in [0] : vector<16xf32>, vector<16xi32> -> vector<16xf32>
        %get3A_386 = arith.index_cast %scan3A_322 : i32 to index
        %get3A_387 = arith.constant 48 : index
        %get3A_388 = tpu.vector_load %arg10[%get3A_386, %get3A_387] {strides = array<i32>} : memref<100x80xf32, #tpu.memory_space<vmem>>, vector<1x16xf32>,
        %get3A_389 = vector.shape_cast %get3A_388 : vector<1x16xf32> to vector<16xf32>
        %mul3A_390 = arith.mulf %get3A_389, %gather3A_385 : vector<16xf32>
        %swap3A_391 = arith.index_cast %scan3A_322 : i32 to index
        %swap3A_392 = arith.constant 48 : index
        %swap3A_393 = tpu.vector_load %arg10[%swap3A_391, %swap3A_392] {strides = array<i32>} : memref<100x80xf32, #tpu.memory_space<vmem>>, vector<1x16xf32>,
        %swap3A_394 = vector.shape_cast %swap3A_393 : vector<1x16xf32> to vector<16xf32>
        %swap3A_395 = vector.shape_cast %mul3A_390 : vector<16xf32> to vector<1x16xf32>
        tpu.vector_store %arg10[%swap3A_391, %swap3A_392], %swap3A_395 {strides = array<i32>} : memref<100x80xf32, #tpu.memory_space<vmem>>, vector<1x16xf32>,
      }
      %scan3A_164 = arith.constant 100 : i32
      %dma_start3A_165 = arith.constant 0 : i32
      %dma_start3A_166 = arith.constant 0 : i32
      %dma_start3A_167 = tpu.memref_slice %arg9[%dma_start3A_165, %dma_start3A_166] : memref<4x100xi32, #tpu.memory_space<vmem>> -> memref<1x100xi32, #tpu.memory_space<vmem>>
      %dma_start3A_168 = tpu.memref_squeeze %dma_start3A_167 : memref<1x100xi32, #tpu.memory_space<vmem>> -> memref<100xi32, #tpu.memory_space<vmem>>
      %dma_start3A_169 = arith.constant 0 : i32
      %dma_start3A_170 = arith.constant 0 : i32
      %dma_start3A_171 = tpu.memref_slice %arg14[%dma_start3A_169, %dma_start3A_170] : memref<10240x80xf32, #tpu.memory_space<vmem_shared>> -> memref<10240x80xf32, #tpu.memory_space<vmem_shared>>
      tpu.enqueue_indirect_dma source(%arg10 : memref<100x80xf32, #tpu.memory_space<vmem>>) target(%dma_start3A_171 : memref<10240x80xf32, #tpu.memory_space<vmem_shared>>) offsets(%dma_start3A_168 : memref<100xi32, #tpu.memory_space<vmem>>) semaphore(%arg19 : memref<!tpu.dma_semaphore, #tpu.memory_space<semaphore_mem>>) {add = true}
      %mul3A_172 = arith.constant 4 : i32
      %mul3A_173 = arith.muli %mul3A_172, %scan3A_125 : i32
      %add3A_174 = arith.constant 1 : i32
      %add3A_175 = arith.addi %mul3A_173, %add3A_174 : i32
      %gt3A_176 = arith.constant 0 : i32
      %gt3A_177 = arith.cmpi sgt, %add3A_175, %gt3A_176 : i32
      %convert_element_type3A_178 = arith.extui %gt3A_177 : i1 to i32
      %cond3A_179 = arith.constant 0 : i32
      %cond3A_180 = arith.cmpi ne, %convert_element_type3A_178, %cond3A_179 : i32
      scf.if %cond3A_180 {
        %dma_wait3A_322 = arith.constant 0 : i32
        %dma_wait3A_323 = arith.constant 0 : i32
        %dma_wait3A_324 = tpu.memref_slice %arg9[%dma_wait3A_322, %dma_wait3A_323] : memref<4x100xi32, #tpu.memory_space<vmem>> -> memref<1x100xi32, #tpu.memory_space<vmem>>
        %dma_wait3A_325 = tpu.memref_squeeze %dma_wait3A_324 : memref<1x100xi32, #tpu.memory_space<vmem>> -> memref<100xi32, #tpu.memory_space<vmem>>
        %dma_wait3A_326 = arith.constant 0 : i32
        %dma_wait3A_327 = arith.constant 0 : i32
        %dma_wait3A_328 = tpu.memref_slice %arg14[%dma_wait3A_326, %dma_wait3A_327] : memref<10240x80xf32, #tpu.memory_space<vmem_shared>> -> memref<10240x80xf32, #tpu.memory_space<vmem_shared>>
        tpu.wait_indirect_dma semaphore(%arg19 : memref<!tpu.dma_semaphore, #tpu.memory_space<semaphore_mem>>) src(%arg10 : memref<100x80xf32, #tpu.memory_space<vmem>>) dst(%dma_wait3A_328 : memref<10240x80xf32, #tpu.memory_space<vmem_shared>>)
      } else {
      }
      %add3A_181 = arith.constant 1 : i32
      %add3A_182 = arith.addi %add3A_175, %add3A_181 : i32
      %lt3A_183 = arith.constant 100 : i32
      %lt3A_184 = arith.cmpi slt, %add3A_182, %lt3A_183 : i32
      %convert_element_type3A_185 = arith.extui %lt3A_184 : i1 to i32
      %cond3A_186 = arith.constant 0 : i32
      %cond3A_187 = arith.cmpi ne, %convert_element_type3A_185, %cond3A_186 : i32
      scf.if %cond3A_187 {
        %add3A_322 = arith.constant 1 : i32
        %add3A_323 = arith.addi %add3A_175, %add3A_322 : i32
        %mul3A_324 = arith.constant 100 : i32
        %mul3A_325 = arith.muli %add3A, %mul3A_324 : i32
        %add3A_326 = arith.addi %mul3A_325, %add3A_323 : i32
        %dma_wait3A_327 = arith.constant 2 : i32
        %dma_wait3A_328 = arith.constant 0 : i32
        %dma_wait3A_329 = tpu.memref_slice %arg8[%dma_wait3A_327, %dma_wait3A_328] : memref<4x100xi32, #tpu.memory_space<vmem>> -> memref<1x100xi32, #tpu.memory_space<vmem>>
        %dma_wait3A_330 = tpu.memref_squeeze %dma_wait3A_329 : memref<1x100xi32, #tpu.memory_space<vmem>> -> memref<100xi32, #tpu.memory_space<vmem>>
        %dma_wait3A_331 = arith.constant 0 : i32
        %dma_wait3A_332 = tpu.memref_slice %arg4[%add3A_326, %dma_wait3A_331] : memref<3200x100xi32, #tpu.memory_space<hbm>> -> memref<1x100xi32, #tpu.memory_space<hbm>>
        %dma_wait3A_333 = tpu.memref_squeeze %dma_wait3A_332 : memref<1x100xi32, #tpu.memory_space<hbm>> -> memref<100xi32, #tpu.memory_space<hbm>>
        %dma_wait3A_334 = arith.constant 0 : i32
        %dma_wait3A_335 = tpu.memref_slice %arg8[%dma_wait3A_327, %dma_wait3A_334] : memref<4x100xi32, #tpu.memory_space<vmem>> -> memref<1x100xi32, #tpu.memory_space<vmem>>
        %dma_wait3A_336 = tpu.memref_squeeze %dma_wait3A_335 : memref<1x100xi32, #tpu.memory_space<vmem>> -> memref<100xi32, #tpu.memory_space<vmem>>
        %dma_wait3A_337 = arith.constant 0 : i32
        %dma_wait3A_338 = tpu.memref_slice %arg4[%add3A_326, %dma_wait3A_337] : memref<3200x100xi32, #tpu.memory_space<hbm>> -> memref<1x100xi32, #tpu.memory_space<hbm>>
        %dma_wait3A_339 = tpu.memref_squeeze %dma_wait3A_338 : memref<1x100xi32, #tpu.memory_space<hbm>> -> memref<100xi32, #tpu.memory_space<hbm>>
        tpu.wait_dma2 semaphore(%arg23 : memref<!tpu.dma_semaphore, #tpu.memory_space<semaphore_mem>>) src(%dma_wait3A_339 : memref<100xi32, #tpu.memory_space<hbm>>) dst(%dma_wait3A_336 : memref<100xi32, #tpu.memory_space<vmem>>)
        %dma_wait3A_340 = arith.constant 2 : i32
        %dma_wait3A_341 = arith.constant 0 : i32
        %dma_wait3A_342 = tpu.memref_slice %arg9[%dma_wait3A_340, %dma_wait3A_341] : memref<4x100xi32, #tpu.memory_space<vmem>> -> memref<1x100xi32, #tpu.memory_space<vmem>>
        %dma_wait3A_343 = tpu.memref_squeeze %dma_wait3A_342 : memref<1x100xi32, #tpu.memory_space<vmem>> -> memref<100xi32, #tpu.memory_space<vmem>>
        %dma_wait3A_344 = arith.constant 0 : i32
        %dma_wait3A_345 = tpu.memref_slice %arg5[%add3A_326, %dma_wait3A_344] : memref<3200x100xi32, #tpu.memory_space<hbm>> -> memref<1x100xi32, #tpu.memory_space<hbm>>
        %dma_wait3A_346 = tpu.memref_squeeze %dma_wait3A_345 : memref<1x100xi32, #tpu.memory_space<hbm>> -> memref<100xi32, #tpu.memory_space<hbm>>
        %dma_wait3A_347 = arith.constant 0 : i32
        %dma_wait3A_348 = tpu.memref_slice %arg9[%dma_wait3A_340, %dma_wait3A_347] : memref<4x100xi32, #tpu.memory_space<vmem>> -> memref<1x100xi32, #tpu.memory_space<vmem>>
        %dma_wait3A_349 = tpu.memref_squeeze %dma_wait3A_348 : memref<1x100xi32, #tpu.memory_space<vmem>> -> memref<100xi32, #tpu.memory_space<vmem>>
        %dma_wait3A_350 = arith.constant 0 : i32
        %dma_wait3A_351 = tpu.memref_slice %arg5[%add3A_326, %dma_wait3A_350] : memref<3200x100xi32, #tpu.memory_space<hbm>> -> memref<1x100xi32, #tpu.memory_space<hbm>>
        %dma_wait3A_352 = tpu.memref_squeeze %dma_wait3A_351 : memref<1x100xi32, #tpu.memory_space<hbm>> -> memref<100xi32, #tpu.memory_space<hbm>>
        tpu.wait_dma2 semaphore(%arg27 : memref<!tpu.dma_semaphore, #tpu.memory_space<semaphore_mem>>) src(%dma_wait3A_352 : memref<100xi32, #tpu.memory_space<hbm>>) dst(%dma_wait3A_349 : memref<100xi32, #tpu.memory_space<vmem>>)
        %dma_start3A_353 = arith.constant 2 : i32
        %dma_start3A_354 = arith.constant 0 : i32
        %dma_start3A_355 = tpu.memref_slice %arg8[%dma_start3A_353, %dma_start3A_354] : memref<4x100xi32, #tpu.memory_space<vmem>> -> memref<1x100xi32, #tpu.memory_space<vmem>>
        %dma_start3A_356 = tpu.memref_squeeze %dma_start3A_355 : memref<1x100xi32, #tpu.memory_space<vmem>> -> memref<100xi32, #tpu.memory_space<vmem>>
        %dma_start3A_357 = arith.constant 0 : i32
        %dma_start3A_358 = arith.constant 0 : i32
        %dma_start3A_359 = tpu.memref_slice %arg2[%dma_start3A_357, %dma_start3A_358] : memref<10240x80xf32, #tpu.memory_space<hbm>> -> memref<10240x80xf32, #tpu.memory_space<hbm>>
        tpu.enqueue_indirect_dma source(%dma_start3A_359 : memref<10240x80xf32, #tpu.memory_space<hbm>>) target(%arg10 : memref<100x80xf32, #tpu.memory_space<vmem>>) offsets(%dma_start3A_356 : memref<100xi32, #tpu.memory_space<vmem>>) semaphore(%arg15 : memref<!tpu.dma_semaphore, #tpu.memory_space<semaphore_mem>>)
        %dma_start3A_360 = arith.constant 2 : i32
        %dma_start3A_361 = arith.constant 0 : i32
        %dma_start3A_362 = tpu.memref_slice %arg9[%dma_start3A_360, %dma_start3A_361] : memref<4x100xi32, #tpu.memory_space<vmem>> -> memref<1x100xi32, #tpu.memory_space<vmem>>
        %dma_start3A_363 = tpu.memref_squeeze %dma_start3A_362 : memref<1x100xi32, #tpu.memory_space<vmem>> -> memref<100xi32, #tpu.memory_space<vmem>>
        %dma_start3A_364 = arith.constant 0 : i32
        %dma_start3A_365 = arith.constant 0 : i32
        %dma_start3A_366 = tpu.memref_slice %arg3[%dma_start3A_364, %dma_start3A_365] : memref<10240x16xf32, #tpu.memory_space<hbm>> -> memref<10240x16xf32, #tpu.memory_space<hbm>>
        tpu.enqueue_indirect_dma source(%dma_start3A_366 : memref<10240x16xf32, #tpu.memory_space<hbm>>) target(%arg12 : memref<100x16xf32, #tpu.memory_space<vmem>>) offsets(%dma_start3A_363 : memref<100xi32, #tpu.memory_space<vmem>>) semaphore(%arg17 : memref<!tpu.dma_semaphore, #tpu.memory_space<semaphore_mem>>)
      } else {
      }
      %add3A_188 = arith.constant 2 : i32
      %add3A_189 = arith.addi %add3A_175, %add3A_188 : i32
      %lt3A_190 = arith.constant 100 : i32
      %lt3A_191 = arith.cmpi slt, %add3A_189, %lt3A_190 : i32
      %convert_element_type3A_192 = arith.extui %lt3A_191 : i1 to i32
      %cond3A_193 = arith.constant 0 : i32
      %cond3A_194 = arith.cmpi ne, %convert_element_type3A_192, %cond3A_193 : i32
      scf.if %cond3A_194 {
        %add3A_322 = arith.constant 2 : i32
        %add3A_323 = arith.addi %add3A_175, %add3A_322 : i32
        %mul3A_324 = arith.constant 100 : i32
        %mul3A_325 = arith.muli %add3A, %mul3A_324 : i32
        %add3A_326 = arith.addi %mul3A_325, %add3A_323 : i32
        %dma_start3A_327 = arith.constant 3 : i32
        %dma_start3A_328 = arith.constant 0 : i32
        %dma_start3A_329 = tpu.memref_slice %arg8[%dma_start3A_327, %dma_start3A_328] : memref<4x100xi32, #tpu.memory_space<vmem>> -> memref<1x100xi32, #tpu.memory_space<vmem>>
        %dma_start3A_330 = tpu.memref_squeeze %dma_start3A_329 : memref<1x100xi32, #tpu.memory_space<vmem>> -> memref<100xi32, #tpu.memory_space<vmem>>
        %dma_start3A_331 = arith.constant 0 : i32
        %dma_start3A_332 = tpu.memref_slice %arg4[%add3A_326, %dma_start3A_331] : memref<3200x100xi32, #tpu.memory_space<hbm>> -> memref<1x100xi32, #tpu.memory_space<hbm>>
        %dma_start3A_333 = tpu.memref_squeeze %dma_start3A_332 : memref<1x100xi32, #tpu.memory_space<hbm>> -> memref<100xi32, #tpu.memory_space<hbm>>
        %dma_start3A_334 = arith.constant 0 : i32
        %dma_start3A_335 = tpu.memref_slice %arg8[%dma_start3A_327, %dma_start3A_334] : memref<4x100xi32, #tpu.memory_space<vmem>> -> memref<1x100xi32, #tpu.memory_space<vmem>>
        %dma_start3A_336 = tpu.memref_squeeze %dma_start3A_335 : memref<1x100xi32, #tpu.memory_space<vmem>> -> memref<100xi32, #tpu.memory_space<vmem>>
        %dma_start3A_337 = arith.constant 0 : i32
        %dma_start3A_338 = tpu.memref_slice %arg4[%add3A_326, %dma_start3A_337] : memref<3200x100xi32, #tpu.memory_space<hbm>> -> memref<1x100xi32, #tpu.memory_space<hbm>>
        %dma_start3A_339 = tpu.memref_squeeze %dma_start3A_338 : memref<1x100xi32, #tpu.memory_space<hbm>> -> memref<100xi32, #tpu.memory_space<hbm>>
        tpu.enqueue_dma source(%dma_start3A_339 : memref<100xi32, #tpu.memory_space<hbm>>) target(%dma_start3A_336 : memref<100xi32, #tpu.memory_space<vmem>>) target_semaphore(%arg24 : memref<!tpu.dma_semaphore, #tpu.memory_space<semaphore_mem>>)
        %dma_start3A_340 = arith.constant 3 : i32
        %dma_start3A_341 = arith.constant 0 : i32
        %dma_start3A_342 = tpu.memref_slice %arg9[%dma_start3A_340, %dma_start3A_341] : memref<4x100xi32, #tpu.memory_space<vmem>> -> memref<1x100xi32, #tpu.memory_space<vmem>>
        %dma_start3A_343 = tpu.memref_squeeze %dma_start3A_342 : memref<1x100xi32, #tpu.memory_space<vmem>> -> memref<100xi32, #tpu.memory_space<vmem>>
        %dma_start3A_344 = arith.constant 0 : i32
        %dma_start3A_345 = tpu.memref_slice %arg5[%add3A_326, %dma_start3A_344] : memref<3200x100xi32, #tpu.memory_space<hbm>> -> memref<1x100xi32, #tpu.memory_space<hbm>>
        %dma_start3A_346 = tpu.memref_squeeze %dma_start3A_345 : memref<1x100xi32, #tpu.memory_space<hbm>> -> memref<100xi32, #tpu.memory_space<hbm>>
        %dma_start3A_347 = arith.constant 0 : i32
        %dma_start3A_348 = tpu.memref_slice %arg9[%dma_start3A_340, %dma_start3A_347] : memref<4x100xi32, #tpu.memory_space<vmem>> -> memref<1x100xi32, #tpu.memory_space<vmem>>
        %dma_start3A_349 = tpu.memref_squeeze %dma_start3A_348 : memref<1x100xi32, #tpu.memory_space<vmem>> -> memref<100xi32, #tpu.memory_space<vmem>>
        %dma_start3A_350 = arith.constant 0 : i32
        %dma_start3A_351 = tpu.memref_slice %arg5[%add3A_326, %dma_start3A_350] : memref<3200x100xi32, #tpu.memory_space<hbm>> -> memref<1x100xi32, #tpu.memory_space<hbm>>
        %dma_start3A_352 = tpu.memref_squeeze %dma_start3A_351 : memref<1x100xi32, #tpu.memory_space<hbm>> -> memref<100xi32, #tpu.memory_space<hbm>>
        tpu.enqueue_dma source(%dma_start3A_352 : memref<100xi32, #tpu.memory_space<hbm>>) target(%dma_start3A_349 : memref<100xi32, #tpu.memory_space<vmem>>) target_semaphore(%arg28 : memref<!tpu.dma_semaphore, #tpu.memory_space<semaphore_mem>>)
      } else {
      }
      %dma_wait3A_195 = arith.constant 1 : i32
      %dma_wait3A_196 = arith.constant 0 : i32
      %dma_wait3A_197 = tpu.memref_slice %arg8[%dma_wait3A_195, %dma_wait3A_196] : memref<4x100xi32, #tpu.memory_space<vmem>> -> memref<1x100xi32, #tpu.memory_space<vmem>>
      %dma_wait3A_198 = tpu.memref_squeeze %dma_wait3A_197 : memref<1x100xi32, #tpu.memory_space<vmem>> -> memref<100xi32, #tpu.memory_space<vmem>>
      %dma_wait3A_199 = arith.constant 0 : i32
      %dma_wait3A_200 = arith.constant 0 : i32
      %dma_wait3A_201 = tpu.memref_slice %arg2[%dma_wait3A_199, %dma_wait3A_200] : memref<10240x80xf32, #tpu.memory_space<hbm>> -> memref<10240x80xf32, #tpu.memory_space<hbm>>
      tpu.wait_indirect_dma semaphore(%arg16 : memref<!tpu.dma_semaphore, #tpu.memory_space<semaphore_mem>>) src(%dma_wait3A_201 : memref<10240x80xf32, #tpu.memory_space<hbm>>) dst(%arg11 : memref<100x80xf32, #tpu.memory_space<vmem>>)
      %dma_wait3A_202 = arith.constant 1 : i32
      %dma_wait3A_203 = arith.constant 0 : i32
      %dma_wait3A_204 = tpu.memref_slice %arg9[%dma_wait3A_202, %dma_wait3A_203] : memref<4x100xi32, #tpu.memory_space<vmem>> -> memref<1x100xi32, #tpu.memory_space<vmem>>
      %dma_wait3A_205 = tpu.memref_squeeze %dma_wait3A_204 : memref<1x100xi32, #tpu.memory_space<vmem>> -> memref<100xi32, #tpu.memory_space<vmem>>
      %dma_wait3A_206 = arith.constant 0 : i32
      %dma_wait3A_207 = arith.constant 0 : i32
      %dma_wait3A_208 = tpu.memref_slice %arg3[%dma_wait3A_206, %dma_wait3A_207] : memref<10240x16xf32, #tpu.memory_space<hbm>> -> memref<10240x16xf32, #tpu.memory_space<hbm>>
      tpu.wait_indirect_dma semaphore(%arg18 : memref<!tpu.dma_semaphore, #tpu.memory_space<semaphore_mem>>) src(%dma_wait3A_208 : memref<10240x16xf32, #tpu.memory_space<hbm>>) dst(%arg13 : memref<100x16xf32, #tpu.memory_space<vmem>>)
      %scan3A_209 = arith.constant 0 : i32
      %scan3A_210 = arith.constant 0 : i32
      %scan3A_211 = arith.constant 100 : i32
      %scan3A_212 = arith.addi %scan3A_210, %scan3A_211 : i32
      %scan3A_213 = arith.constant 1 : i32
      scf.for %scan3A_322 = %scan3A_210 to %scan3A_212 step %scan3A_213  : i32 {
        %get3A = arith.index_cast %scan3A_322 : i32 to index
        %get3A_323 = arith.constant 64 : index
        %get3A_324 = tpu.vector_load %arg11[%get3A, %get3A_323] {strides = array<i32>} : memref<100x80xf32, #tpu.memory_space<vmem>>, vector<1x16xf32>,
        %get3A_325 = vector.shape_cast %get3A_324 : vector<1x16xf32> to vector<16xf32>
        %get3A_326 = arith.index_cast %scan3A_322 : i32 to index
        %get3A_327 = arith.constant 0 : index
        %get3A_328 = tpu.vector_load %arg13[%get3A_326, %get3A_327] {strides = array<i32>} : memref<100x16xf32, #tpu.memory_space<vmem>>, vector<1x16xf32>,
        %get3A_329 = vector.shape_cast %get3A_328 : vector<1x16xf32> to vector<16xf32>
        %add3A_330 = arith.addf %get3A_325, %get3A_329 : vector<16xf32>
        %mul3A_331 = arith.constant 2.000000e-01 : f32
        %mul3A_332 = vector.broadcast %mul3A_331 : f32 to vector<16xf32>
        %mul3A_333 = arith.mulf %add3A_330, %mul3A_332 : vector<16xf32>
        %max3A = arith.maximumf %add3A_330, %mul3A_333 : vector<16xf32>
        %exp3A = math.exp %max3A : vector<16xf32>
        %swap3A = arith.index_cast %scan3A_322 : i32 to index
        %swap3A_334 = arith.constant 64 : index
        %swap3A_335 = tpu.vector_load %arg11[%swap3A, %swap3A_334] {strides = array<i32>} : memref<100x80xf32, #tpu.memory_space<vmem>>, vector<1x16xf32>,
        %swap3A_336 = vector.shape_cast %swap3A_335 : vector<1x16xf32> to vector<16xf32>
        %swap3A_337 = vector.shape_cast %exp3A : vector<16xf32> to vector<1x16xf32>
        tpu.vector_store %arg11[%swap3A, %swap3A_334], %swap3A_337 {strides = array<i32>} : memref<100x80xf32, #tpu.memory_space<vmem>>, vector<1x16xf32>,
        %broadcast_in_dim3A = arith.constant 0 : i32
        %broadcast_in_dim3A_338 = vector.broadcast %broadcast_in_dim3A : i32 to vector<16xi32>
        %broadcast_in_dim3A_339 = vector.shape_cast %broadcast_in_dim3A_338 : vector<16xi32> to vector<16x1xi32>
        %gather3A = vector.shape_cast %broadcast_in_dim3A_339 : vector<16x1xi32> to vector<16xi32>
        %gather3A_340 = tpu.dynamic_gather %exp3A[%gather3A] in [0] : vector<16xf32>, vector<16xi32> -> vector<16xf32>
        %get3A_341 = arith.index_cast %scan3A_322 : i32 to index
        %get3A_342 = arith.constant 0 : index
        %get3A_343 = tpu.vector_load %arg11[%get3A_341, %get3A_342] {strides = array<i32>} : memref<100x80xf32, #tpu.memory_space<vmem>>, vector<1x16xf32>,
        %get3A_344 = vector.shape_cast %get3A_343 : vector<1x16xf32> to vector<16xf32>
        %mul3A_345 = arith.mulf %get3A_344, %gather3A_340 : vector<16xf32>
        %swap3A_346 = arith.index_cast %scan3A_322 : i32 to index
        %swap3A_347 = arith.constant 0 : index
        %swap3A_348 = tpu.vector_load %arg11[%swap3A_346, %swap3A_347] {strides = array<i32>} : memref<100x80xf32, #tpu.memory_space<vmem>>, vector<1x16xf32>,
        %swap3A_349 = vector.shape_cast %swap3A_348 : vector<1x16xf32> to vector<16xf32>
        %swap3A_350 = vector.shape_cast %mul3A_345 : vector<16xf32> to vector<1x16xf32>
        tpu.vector_store %arg11[%swap3A_346, %swap3A_347], %swap3A_350 {strides = array<i32>} : memref<100x80xf32, #tpu.memory_space<vmem>>, vector<1x16xf32>,
        %broadcast_in_dim3A_351 = arith.constant 0 : i32
        %broadcast_in_dim3A_352 = vector.broadcast %broadcast_in_dim3A_351 : i32 to vector<16xi32>
        %broadcast_in_dim3A_353 = vector.shape_cast %broadcast_in_dim3A_352 : vector<16xi32> to vector<16x1xi32>
        %gather3A_354 = vector.shape_cast %broadcast_in_dim3A_353 : vector<16x1xi32> to vector<16xi32>
        %gather3A_355 = tpu.dynamic_gather %exp3A[%gather3A_354] in [0] : vector<16xf32>, vector<16xi32> -> vector<16xf32>
        %get3A_356 = arith.index_cast %scan3A_322 : i32 to index
        %get3A_357 = arith.constant 16 : index
        %get3A_358 = tpu.vector_load %arg11[%get3A_356, %get3A_357] {strides = array<i32>} : memref<100x80xf32, #tpu.memory_space<vmem>>, vector<1x16xf32>,
        %get3A_359 = vector.shape_cast %get3A_358 : vector<1x16xf32> to vector<16xf32>
        %mul3A_360 = arith.mulf %get3A_359, %gather3A_355 : vector<16xf32>
        %swap3A_361 = arith.index_cast %scan3A_322 : i32 to index
        %swap3A_362 = arith.constant 16 : index
        %swap3A_363 = tpu.vector_load %arg11[%swap3A_361, %swap3A_362] {strides = array<i32>} : memref<100x80xf32, #tpu.memory_space<vmem>>, vector<1x16xf32>,
        %swap3A_364 = vector.shape_cast %swap3A_363 : vector<1x16xf32> to vector<16xf32>
        %swap3A_365 = vector.shape_cast %mul3A_360 : vector<16xf32> to vector<1x16xf32>
        tpu.vector_store %arg11[%swap3A_361, %swap3A_362], %swap3A_365 {strides = array<i32>} : memref<100x80xf32, #tpu.memory_space<vmem>>, vector<1x16xf32>,
        %broadcast_in_dim3A_366 = arith.constant 0 : i32
        %broadcast_in_dim3A_367 = vector.broadcast %broadcast_in_dim3A_366 : i32 to vector<16xi32>
        %broadcast_in_dim3A_368 = vector.shape_cast %broadcast_in_dim3A_367 : vector<16xi32> to vector<16x1xi32>
        %gather3A_369 = vector.shape_cast %broadcast_in_dim3A_368 : vector<16x1xi32> to vector<16xi32>
        %gather3A_370 = tpu.dynamic_gather %exp3A[%gather3A_369] in [0] : vector<16xf32>, vector<16xi32> -> vector<16xf32>
        %get3A_371 = arith.index_cast %scan3A_322 : i32 to index
        %get3A_372 = arith.constant 32 : index
        %get3A_373 = tpu.vector_load %arg11[%get3A_371, %get3A_372] {strides = array<i32>} : memref<100x80xf32, #tpu.memory_space<vmem>>, vector<1x16xf32>,
        %get3A_374 = vector.shape_cast %get3A_373 : vector<1x16xf32> to vector<16xf32>
        %mul3A_375 = arith.mulf %get3A_374, %gather3A_370 : vector<16xf32>
        %swap3A_376 = arith.index_cast %scan3A_322 : i32 to index
        %swap3A_377 = arith.constant 32 : index
        %swap3A_378 = tpu.vector_load %arg11[%swap3A_376, %swap3A_377] {strides = array<i32>} : memref<100x80xf32, #tpu.memory_space<vmem>>, vector<1x16xf32>,
        %swap3A_379 = vector.shape_cast %swap3A_378 : vector<1x16xf32> to vector<16xf32>
        %swap3A_380 = vector.shape_cast %mul3A_375 : vector<16xf32> to vector<1x16xf32>
        tpu.vector_store %arg11[%swap3A_376, %swap3A_377], %swap3A_380 {strides = array<i32>} : memref<100x80xf32, #tpu.memory_space<vmem>>, vector<1x16xf32>,
        %broadcast_in_dim3A_381 = arith.constant 0 : i32
        %broadcast_in_dim3A_382 = vector.broadcast %broadcast_in_dim3A_381 : i32 to vector<16xi32>
        %broadcast_in_dim3A_383 = vector.shape_cast %broadcast_in_dim3A_382 : vector<16xi32> to vector<16x1xi32>
        %gather3A_384 = vector.shape_cast %broadcast_in_dim3A_383 : vector<16x1xi32> to vector<16xi32>
        %gather3A_385 = tpu.dynamic_gather %exp3A[%gather3A_384] in [0] : vector<16xf32>, vector<16xi32> -> vector<16xf32>
        %get3A_386 = arith.index_cast %scan3A_322 : i32 to index
        %get3A_387 = arith.constant 48 : index
        %get3A_388 = tpu.vector_load %arg11[%get3A_386, %get3A_387] {strides = array<i32>} : memref<100x80xf32, #tpu.memory_space<vmem>>, vector<1x16xf32>,
        %get3A_389 = vector.shape_cast %get3A_388 : vector<1x16xf32> to vector<16xf32>
        %mul3A_390 = arith.mulf %get3A_389, %gather3A_385 : vector<16xf32>
        %swap3A_391 = arith.index_cast %scan3A_322 : i32 to index
        %swap3A_392 = arith.constant 48 : index
        %swap3A_393 = tpu.vector_load %arg11[%swap3A_391, %swap3A_392] {strides = array<i32>} : memref<100x80xf32, #tpu.memory_space<vmem>>, vector<1x16xf32>,
        %swap3A_394 = vector.shape_cast %swap3A_393 : vector<1x16xf32> to vector<16xf32>
        %swap3A_395 = vector.shape_cast %mul3A_390 : vector<16xf32> to vector<1x16xf32>
        tpu.vector_store %arg11[%swap3A_391, %swap3A_392], %swap3A_395 {strides = array<i32>} : memref<100x80xf32, #tpu.memory_space<vmem>>, vector<1x16xf32>,
      }
      %scan3A_214 = arith.constant 100 : i32
      %dma_start3A_215 = arith.constant 1 : i32
      %dma_start3A_216 = arith.constant 0 : i32
      %dma_start3A_217 = tpu.memref_slice %arg9[%dma_start3A_215, %dma_start3A_216] : memref<4x100xi32, #tpu.memory_space<vmem>> -> memref<1x100xi32, #tpu.memory_space<vmem>>
      %dma_start3A_218 = tpu.memref_squeeze %dma_start3A_217 : memref<1x100xi32, #tpu.memory_space<vmem>> -> memref<100xi32, #tpu.memory_space<vmem>>
      %dma_start3A_219 = arith.constant 0 : i32
      %dma_start3A_220 = arith.constant 0 : i32
      %dma_start3A_221 = tpu.memref_slice %arg14[%dma_start3A_219, %dma_start3A_220] : memref<10240x80xf32, #tpu.memory_space<vmem_shared>> -> memref<10240x80xf32, #tpu.memory_space<vmem_shared>>
      tpu.enqueue_indirect_dma source(%arg11 : memref<100x80xf32, #tpu.memory_space<vmem>>) target(%dma_start3A_221 : memref<10240x80xf32, #tpu.memory_space<vmem_shared>>) offsets(%dma_start3A_218 : memref<100xi32, #tpu.memory_space<vmem>>) semaphore(%arg20 : memref<!tpu.dma_semaphore, #tpu.memory_space<semaphore_mem>>) {add = true}
      %mul3A_222 = arith.constant 4 : i32
      %mul3A_223 = arith.muli %mul3A_222, %scan3A_125 : i32
      %add3A_224 = arith.constant 2 : i32
      %add3A_225 = arith.addi %mul3A_223, %add3A_224 : i32
      %gt3A_226 = arith.constant 0 : i32
      %gt3A_227 = arith.cmpi sgt, %add3A_225, %gt3A_226 : i32
      %convert_element_type3A_228 = arith.extui %gt3A_227 : i1 to i32
      %cond3A_229 = arith.constant 0 : i32
      %cond3A_230 = arith.cmpi ne, %convert_element_type3A_228, %cond3A_229 : i32
      scf.if %cond3A_230 {
        %dma_wait3A_322 = arith.constant 1 : i32
        %dma_wait3A_323 = arith.constant 0 : i32
        %dma_wait3A_324 = tpu.memref_slice %arg9[%dma_wait3A_322, %dma_wait3A_323] : memref<4x100xi32, #tpu.memory_space<vmem>> -> memref<1x100xi32, #tpu.memory_space<vmem>>
        %dma_wait3A_325 = tpu.memref_squeeze %dma_wait3A_324 : memref<1x100xi32, #tpu.memory_space<vmem>> -> memref<100xi32, #tpu.memory_space<vmem>>
        %dma_wait3A_326 = arith.constant 0 : i32
        %dma_wait3A_327 = arith.constant 0 : i32
        %dma_wait3A_328 = tpu.memref_slice %arg14[%dma_wait3A_326, %dma_wait3A_327] : memref<10240x80xf32, #tpu.memory_space<vmem_shared>> -> memref<10240x80xf32, #tpu.memory_space<vmem_shared>>
        tpu.wait_indirect_dma semaphore(%arg20 : memref<!tpu.dma_semaphore, #tpu.memory_space<semaphore_mem>>) src(%arg11 : memref<100x80xf32, #tpu.memory_space<vmem>>) dst(%dma_wait3A_328 : memref<10240x80xf32, #tpu.memory_space<vmem_shared>>)
      } else {
      }
      %add3A_231 = arith.constant 1 : i32
      %add3A_232 = arith.addi %add3A_225, %add3A_231 : i32
      %lt3A_233 = arith.constant 100 : i32
      %lt3A_234 = arith.cmpi slt, %add3A_232, %lt3A_233 : i32
      %convert_element_type3A_235 = arith.extui %lt3A_234 : i1 to i32
      %cond3A_236 = arith.constant 0 : i32
      %cond3A_237 = arith.cmpi ne, %convert_element_type3A_235, %cond3A_236 : i32
      scf.if %cond3A_237 {
        %add3A_322 = arith.constant 1 : i32
        %add3A_323 = arith.addi %add3A_225, %add3A_322 : i32
        %mul3A_324 = arith.constant 100 : i32
        %mul3A_325 = arith.muli %add3A, %mul3A_324 : i32
        %add3A_326 = arith.addi %mul3A_325, %add3A_323 : i32
        %dma_wait3A_327 = arith.constant 3 : i32
        %dma_wait3A_328 = arith.constant 0 : i32
        %dma_wait3A_329 = tpu.memref_slice %arg8[%dma_wait3A_327, %dma_wait3A_328] : memref<4x100xi32, #tpu.memory_space<vmem>> -> memref<1x100xi32, #tpu.memory_space<vmem>>
        %dma_wait3A_330 = tpu.memref_squeeze %dma_wait3A_329 : memref<1x100xi32, #tpu.memory_space<vmem>> -> memref<100xi32, #tpu.memory_space<vmem>>
        %dma_wait3A_331 = arith.constant 0 : i32
        %dma_wait3A_332 = tpu.memref_slice %arg4[%add3A_326, %dma_wait3A_331] : memref<3200x100xi32, #tpu.memory_space<hbm>> -> memref<1x100xi32, #tpu.memory_space<hbm>>
        %dma_wait3A_333 = tpu.memref_squeeze %dma_wait3A_332 : memref<1x100xi32, #tpu.memory_space<hbm>> -> memref<100xi32, #tpu.memory_space<hbm>>
        %dma_wait3A_334 = arith.constant 0 : i32
        %dma_wait3A_335 = tpu.memref_slice %arg8[%dma_wait3A_327, %dma_wait3A_334] : memref<4x100xi32, #tpu.memory_space<vmem>> -> memref<1x100xi32, #tpu.memory_space<vmem>>
        %dma_wait3A_336 = tpu.memref_squeeze %dma_wait3A_335 : memref<1x100xi32, #tpu.memory_space<vmem>> -> memref<100xi32, #tpu.memory_space<vmem>>
        %dma_wait3A_337 = arith.constant 0 : i32
        %dma_wait3A_338 = tpu.memref_slice %arg4[%add3A_326, %dma_wait3A_337] : memref<3200x100xi32, #tpu.memory_space<hbm>> -> memref<1x100xi32, #tpu.memory_space<hbm>>
        %dma_wait3A_339 = tpu.memref_squeeze %dma_wait3A_338 : memref<1x100xi32, #tpu.memory_space<hbm>> -> memref<100xi32, #tpu.memory_space<hbm>>
        tpu.wait_dma2 semaphore(%arg24 : memref<!tpu.dma_semaphore, #tpu.memory_space<semaphore_mem>>) src(%dma_wait3A_339 : memref<100xi32, #tpu.memory_space<hbm>>) dst(%dma_wait3A_336 : memref<100xi32, #tpu.memory_space<vmem>>)
        %dma_wait3A_340 = arith.constant 3 : i32
        %dma_wait3A_341 = arith.constant 0 : i32
        %dma_wait3A_342 = tpu.memref_slice %arg9[%dma_wait3A_340, %dma_wait3A_341] : memref<4x100xi32, #tpu.memory_space<vmem>> -> memref<1x100xi32, #tpu.memory_space<vmem>>
        %dma_wait3A_343 = tpu.memref_squeeze %dma_wait3A_342 : memref<1x100xi32, #tpu.memory_space<vmem>> -> memref<100xi32, #tpu.memory_space<vmem>>
        %dma_wait3A_344 = arith.constant 0 : i32
        %dma_wait3A_345 = tpu.memref_slice %arg5[%add3A_326, %dma_wait3A_344] : memref<3200x100xi32, #tpu.memory_space<hbm>> -> memref<1x100xi32, #tpu.memory_space<hbm>>
        %dma_wait3A_346 = tpu.memref_squeeze %dma_wait3A_345 : memref<1x100xi32, #tpu.memory_space<hbm>> -> memref<100xi32, #tpu.memory_space<hbm>>
        %dma_wait3A_347 = arith.constant 0 : i32
        %dma_wait3A_348 = tpu.memref_slice %arg9[%dma_wait3A_340, %dma_wait3A_347] : memref<4x100xi32, #tpu.memory_space<vmem>> -> memref<1x100xi32, #tpu.memory_space<vmem>>
        %dma_wait3A_349 = tpu.memref_squeeze %dma_wait3A_348 : memref<1x100xi32, #tpu.memory_space<vmem>> -> memref<100xi32, #tpu.memory_space<vmem>>
        %dma_wait3A_350 = arith.constant 0 : i32
        %dma_wait3A_351 = tpu.memref_slice %arg5[%add3A_326, %dma_wait3A_350] : memref<3200x100xi32, #tpu.memory_space<hbm>> -> memref<1x100xi32, #tpu.memory_space<hbm>>
        %dma_wait3A_352 = tpu.memref_squeeze %dma_wait3A_351 : memref<1x100xi32, #tpu.memory_space<hbm>> -> memref<100xi32, #tpu.memory_space<hbm>>
        tpu.wait_dma2 semaphore(%arg28 : memref<!tpu.dma_semaphore, #tpu.memory_space<semaphore_mem>>) src(%dma_wait3A_352 : memref<100xi32, #tpu.memory_space<hbm>>) dst(%dma_wait3A_349 : memref<100xi32, #tpu.memory_space<vmem>>)
        %dma_start3A_353 = arith.constant 3 : i32
        %dma_start3A_354 = arith.constant 0 : i32
        %dma_start3A_355 = tpu.memref_slice %arg8[%dma_start3A_353, %dma_start3A_354] : memref<4x100xi32, #tpu.memory_space<vmem>> -> memref<1x100xi32, #tpu.memory_space<vmem>>
        %dma_start3A_356 = tpu.memref_squeeze %dma_start3A_355 : memref<1x100xi32, #tpu.memory_space<vmem>> -> memref<100xi32, #tpu.memory_space<vmem>>
        %dma_start3A_357 = arith.constant 0 : i32
        %dma_start3A_358 = arith.constant 0 : i32
        %dma_start3A_359 = tpu.memref_slice %arg2[%dma_start3A_357, %dma_start3A_358] : memref<10240x80xf32, #tpu.memory_space<hbm>> -> memref<10240x80xf32, #tpu.memory_space<hbm>>
        tpu.enqueue_indirect_dma source(%dma_start3A_359 : memref<10240x80xf32, #tpu.memory_space<hbm>>) target(%arg11 : memref<100x80xf32, #tpu.memory_space<vmem>>) offsets(%dma_start3A_356 : memref<100xi32, #tpu.memory_space<vmem>>) semaphore(%arg16 : memref<!tpu.dma_semaphore, #tpu.memory_space<semaphore_mem>>)
        %dma_start3A_360 = arith.constant 3 : i32
        %dma_start3A_361 = arith.constant 0 : i32
        %dma_start3A_362 = tpu.memref_slice %arg9[%dma_start3A_360, %dma_start3A_361] : memref<4x100xi32, #tpu.memory_space<vmem>> -> memref<1x100xi32, #tpu.memory_space<vmem>>
        %dma_start3A_363 = tpu.memref_squeeze %dma_start3A_362 : memref<1x100xi32, #tpu.memory_space<vmem>> -> memref<100xi32, #tpu.memory_space<vmem>>
        %dma_start3A_364 = arith.constant 0 : i32
        %dma_start3A_365 = arith.constant 0 : i32
        %dma_start3A_366 = tpu.memref_slice %arg3[%dma_start3A_364, %dma_start3A_365] : memref<10240x16xf32, #tpu.memory_space<hbm>> -> memref<10240x16xf32, #tpu.memory_space<hbm>>
        tpu.enqueue_indirect_dma source(%dma_start3A_366 : memref<10240x16xf32, #tpu.memory_space<hbm>>) target(%arg13 : memref<100x16xf32, #tpu.memory_space<vmem>>) offsets(%dma_start3A_363 : memref<100xi32, #tpu.memory_space<vmem>>) semaphore(%arg18 : memref<!tpu.dma_semaphore, #tpu.memory_space<semaphore_mem>>)
      } else {
      }
      %add3A_238 = arith.constant 2 : i32
      %add3A_239 = arith.addi %add3A_225, %add3A_238 : i32
      %lt3A_240 = arith.constant 100 : i32
      %lt3A_241 = arith.cmpi slt, %add3A_239, %lt3A_240 : i32
      %convert_element_type3A_242 = arith.extui %lt3A_241 : i1 to i32
      %cond3A_243 = arith.constant 0 : i32
      %cond3A_244 = arith.cmpi ne, %convert_element_type3A_242, %cond3A_243 : i32
      scf.if %cond3A_244 {
        %add3A_322 = arith.constant 2 : i32
        %add3A_323 = arith.addi %add3A_225, %add3A_322 : i32
        %mul3A_324 = arith.constant 100 : i32
        %mul3A_325 = arith.muli %add3A, %mul3A_324 : i32
        %add3A_326 = arith.addi %mul3A_325, %add3A_323 : i32
        %dma_start3A_327 = arith.constant 0 : i32
        %dma_start3A_328 = arith.constant 0 : i32
        %dma_start3A_329 = tpu.memref_slice %arg8[%dma_start3A_327, %dma_start3A_328] : memref<4x100xi32, #tpu.memory_space<vmem>> -> memref<1x100xi32, #tpu.memory_space<vmem>>
        %dma_start3A_330 = tpu.memref_squeeze %dma_start3A_329 : memref<1x100xi32, #tpu.memory_space<vmem>> -> memref<100xi32, #tpu.memory_space<vmem>>
        %dma_start3A_331 = arith.constant 0 : i32
        %dma_start3A_332 = tpu.memref_slice %arg4[%add3A_326, %dma_start3A_331] : memref<3200x100xi32, #tpu.memory_space<hbm>> -> memref<1x100xi32, #tpu.memory_space<hbm>>
        %dma_start3A_333 = tpu.memref_squeeze %dma_start3A_332 : memref<1x100xi32, #tpu.memory_space<hbm>> -> memref<100xi32, #tpu.memory_space<hbm>>
        %dma_start3A_334 = arith.constant 0 : i32
        %dma_start3A_335 = tpu.memref_slice %arg8[%dma_start3A_327, %dma_start3A_334] : memref<4x100xi32, #tpu.memory_space<vmem>> -> memref<1x100xi32, #tpu.memory_space<vmem>>
        %dma_start3A_336 = tpu.memref_squeeze %dma_start3A_335 : memref<1x100xi32, #tpu.memory_space<vmem>> -> memref<100xi32, #tpu.memory_space<vmem>>
        %dma_start3A_337 = arith.constant 0 : i32
        %dma_start3A_338 = tpu.memref_slice %arg4[%add3A_326, %dma_start3A_337] : memref<3200x100xi32, #tpu.memory_space<hbm>> -> memref<1x100xi32, #tpu.memory_space<hbm>>
        %dma_start3A_339 = tpu.memref_squeeze %dma_start3A_338 : memref<1x100xi32, #tpu.memory_space<hbm>> -> memref<100xi32, #tpu.memory_space<hbm>>
        tpu.enqueue_dma source(%dma_start3A_339 : memref<100xi32, #tpu.memory_space<hbm>>) target(%dma_start3A_336 : memref<100xi32, #tpu.memory_space<vmem>>) target_semaphore(%arg21 : memref<!tpu.dma_semaphore, #tpu.memory_space<semaphore_mem>>)
        %dma_start3A_340 = arith.constant 0 : i32
        %dma_start3A_341 = arith.constant 0 : i32
        %dma_start3A_342 = tpu.memref_slice %arg9[%dma_start3A_340, %dma_start3A_341] : memref<4x100xi32, #tpu.memory_space<vmem>> -> memref<1x100xi32, #tpu.memory_space<vmem>>
        %dma_start3A_343 = tpu.memref_squeeze %dma_start3A_342 : memref<1x100xi32, #tpu.memory_space<vmem>> -> memref<100xi32, #tpu.memory_space<vmem>>
        %dma_start3A_344 = arith.constant 0 : i32
        %dma_start3A_345 = tpu.memref_slice %arg5[%add3A_326, %dma_start3A_344] : memref<3200x100xi32, #tpu.memory_space<hbm>> -> memref<1x100xi32, #tpu.memory_space<hbm>>
        %dma_start3A_346 = tpu.memref_squeeze %dma_start3A_345 : memref<1x100xi32, #tpu.memory_space<hbm>> -> memref<100xi32, #tpu.memory_space<hbm>>
        %dma_start3A_347 = arith.constant 0 : i32
        %dma_start3A_348 = tpu.memref_slice %arg9[%dma_start3A_340, %dma_start3A_347] : memref<4x100xi32, #tpu.memory_space<vmem>> -> memref<1x100xi32, #tpu.memory_space<vmem>>
        %dma_start3A_349 = tpu.memref_squeeze %dma_start3A_348 : memref<1x100xi32, #tpu.memory_space<vmem>> -> memref<100xi32, #tpu.memory_space<vmem>>
        %dma_start3A_350 = arith.constant 0 : i32
        %dma_start3A_351 = tpu.memref_slice %arg5[%add3A_326, %dma_start3A_350] : memref<3200x100xi32, #tpu.memory_space<hbm>> -> memref<1x100xi32, #tpu.memory_space<hbm>>
        %dma_start3A_352 = tpu.memref_squeeze %dma_start3A_351 : memref<1x100xi32, #tpu.memory_space<hbm>> -> memref<100xi32, #tpu.memory_space<hbm>>
        tpu.enqueue_dma source(%dma_start3A_352 : memref<100xi32, #tpu.memory_space<hbm>>) target(%dma_start3A_349 : memref<100xi32, #tpu.memory_space<vmem>>) target_semaphore(%arg25 : memref<!tpu.dma_semaphore, #tpu.memory_space<semaphore_mem>>)
      } else {
      }
      %dma_wait3A_245 = arith.constant 2 : i32
      %dma_wait3A_246 = arith.constant 0 : i32
      %dma_wait3A_247 = tpu.memref_slice %arg8[%dma_wait3A_245, %dma_wait3A_246] : memref<4x100xi32, #tpu.memory_space<vmem>> -> memref<1x100xi32, #tpu.memory_space<vmem>>
      %dma_wait3A_248 = tpu.memref_squeeze %dma_wait3A_247 : memref<1x100xi32, #tpu.memory_space<vmem>> -> memref<100xi32, #tpu.memory_space<vmem>>
      %dma_wait3A_249 = arith.constant 0 : i32
      %dma_wait3A_250 = arith.constant 0 : i32
      %dma_wait3A_251 = tpu.memref_slice %arg2[%dma_wait3A_249, %dma_wait3A_250] : memref<10240x80xf32, #tpu.memory_space<hbm>> -> memref<10240x80xf32, #tpu.memory_space<hbm>>
      tpu.wait_indirect_dma semaphore(%arg15 : memref<!tpu.dma_semaphore, #tpu.memory_space<semaphore_mem>>) src(%dma_wait3A_251 : memref<10240x80xf32, #tpu.memory_space<hbm>>) dst(%arg10 : memref<100x80xf32, #tpu.memory_space<vmem>>)
      %dma_wait3A_252 = arith.constant 2 : i32
      %dma_wait3A_253 = arith.constant 0 : i32
      %dma_wait3A_254 = tpu.memref_slice %arg9[%dma_wait3A_252, %dma_wait3A_253] : memref<4x100xi32, #tpu.memory_space<vmem>> -> memref<1x100xi32, #tpu.memory_space<vmem>>
      %dma_wait3A_255 = tpu.memref_squeeze %dma_wait3A_254 : memref<1x100xi32, #tpu.memory_space<vmem>> -> memref<100xi32, #tpu.memory_space<vmem>>
      %dma_wait3A_256 = arith.constant 0 : i32
      %dma_wait3A_257 = arith.constant 0 : i32
      %dma_wait3A_258 = tpu.memref_slice %arg3[%dma_wait3A_256, %dma_wait3A_257] : memref<10240x16xf32, #tpu.memory_space<hbm>> -> memref<10240x16xf32, #tpu.memory_space<hbm>>
      tpu.wait_indirect_dma semaphore(%arg17 : memref<!tpu.dma_semaphore, #tpu.memory_space<semaphore_mem>>) src(%dma_wait3A_258 : memref<10240x16xf32, #tpu.memory_space<hbm>>) dst(%arg12 : memref<100x16xf32, #tpu.memory_space<vmem>>)
      %scan3A_259 = arith.constant 0 : i32
      %scan3A_260 = arith.constant 0 : i32
      %scan3A_261 = arith.constant 100 : i32
      %scan3A_262 = arith.addi %scan3A_260, %scan3A_261 : i32
      %scan3A_263 = arith.constant 1 : i32
      scf.for %scan3A_322 = %scan3A_260 to %scan3A_262 step %scan3A_263  : i32 {
        %get3A = arith.index_cast %scan3A_322 : i32 to index
        %get3A_323 = arith.constant 64 : index
        %get3A_324 = tpu.vector_load %arg10[%get3A, %get3A_323] {strides = array<i32>} : memref<100x80xf32, #tpu.memory_space<vmem>>, vector<1x16xf32>,
        %get3A_325 = vector.shape_cast %get3A_324 : vector<1x16xf32> to vector<16xf32>
        %get3A_326 = arith.index_cast %scan3A_322 : i32 to index
        %get3A_327 = arith.constant 0 : index
        %get3A_328 = tpu.vector_load %arg12[%get3A_326, %get3A_327] {strides = array<i32>} : memref<100x16xf32, #tpu.memory_space<vmem>>, vector<1x16xf32>,
        %get3A_329 = vector.shape_cast %get3A_328 : vector<1x16xf32> to vector<16xf32>
        %add3A_330 = arith.addf %get3A_325, %get3A_329 : vector<16xf32>
        %mul3A_331 = arith.constant 2.000000e-01 : f32
        %mul3A_332 = vector.broadcast %mul3A_331 : f32 to vector<16xf32>
        %mul3A_333 = arith.mulf %add3A_330, %mul3A_332 : vector<16xf32>
        %max3A = arith.maximumf %add3A_330, %mul3A_333 : vector<16xf32>
        %exp3A = math.exp %max3A : vector<16xf32>
        %swap3A = arith.index_cast %scan3A_322 : i32 to index
        %swap3A_334 = arith.constant 64 : index
        %swap3A_335 = tpu.vector_load %arg10[%swap3A, %swap3A_334] {strides = array<i32>} : memref<100x80xf32, #tpu.memory_space<vmem>>, vector<1x16xf32>,
        %swap3A_336 = vector.shape_cast %swap3A_335 : vector<1x16xf32> to vector<16xf32>
        %swap3A_337 = vector.shape_cast %exp3A : vector<16xf32> to vector<1x16xf32>
        tpu.vector_store %arg10[%swap3A, %swap3A_334], %swap3A_337 {strides = array<i32>} : memref<100x80xf32, #tpu.memory_space<vmem>>, vector<1x16xf32>,
        %broadcast_in_dim3A = arith.constant 0 : i32
        %broadcast_in_dim3A_338 = vector.broadcast %broadcast_in_dim3A : i32 to vector<16xi32>
        %broadcast_in_dim3A_339 = vector.shape_cast %broadcast_in_dim3A_338 : vector<16xi32> to vector<16x1xi32>
        %gather3A = vector.shape_cast %broadcast_in_dim3A_339 : vector<16x1xi32> to vector<16xi32>
        %gather3A_340 = tpu.dynamic_gather %exp3A[%gather3A] in [0] : vector<16xf32>, vector<16xi32> -> vector<16xf32>
        %get3A_341 = arith.index_cast %scan3A_322 : i32 to index
        %get3A_342 = arith.constant 0 : index
        %get3A_343 = tpu.vector_load %arg10[%get3A_341, %get3A_342] {strides = array<i32>} : memref<100x80xf32, #tpu.memory_space<vmem>>, vector<1x16xf32>,
        %get3A_344 = vector.shape_cast %get3A_343 : vector<1x16xf32> to vector<16xf32>
        %mul3A_345 = arith.mulf %get3A_344, %gather3A_340 : vector<16xf32>
        %swap3A_346 = arith.index_cast %scan3A_322 : i32 to index
        %swap3A_347 = arith.constant 0 : index
        %swap3A_348 = tpu.vector_load %arg10[%swap3A_346, %swap3A_347] {strides = array<i32>} : memref<100x80xf32, #tpu.memory_space<vmem>>, vector<1x16xf32>,
        %swap3A_349 = vector.shape_cast %swap3A_348 : vector<1x16xf32> to vector<16xf32>
        %swap3A_350 = vector.shape_cast %mul3A_345 : vector<16xf32> to vector<1x16xf32>
        tpu.vector_store %arg10[%swap3A_346, %swap3A_347], %swap3A_350 {strides = array<i32>} : memref<100x80xf32, #tpu.memory_space<vmem>>, vector<1x16xf32>,
        %broadcast_in_dim3A_351 = arith.constant 0 : i32
        %broadcast_in_dim3A_352 = vector.broadcast %broadcast_in_dim3A_351 : i32 to vector<16xi32>
        %broadcast_in_dim3A_353 = vector.shape_cast %broadcast_in_dim3A_352 : vector<16xi32> to vector<16x1xi32>
        %gather3A_354 = vector.shape_cast %broadcast_in_dim3A_353 : vector<16x1xi32> to vector<16xi32>
        %gather3A_355 = tpu.dynamic_gather %exp3A[%gather3A_354] in [0] : vector<16xf32>, vector<16xi32> -> vector<16xf32>
        %get3A_356 = arith.index_cast %scan3A_322 : i32 to index
        %get3A_357 = arith.constant 16 : index
        %get3A_358 = tpu.vector_load %arg10[%get3A_356, %get3A_357] {strides = array<i32>} : memref<100x80xf32, #tpu.memory_space<vmem>>, vector<1x16xf32>,
        %get3A_359 = vector.shape_cast %get3A_358 : vector<1x16xf32> to vector<16xf32>
        %mul3A_360 = arith.mulf %get3A_359, %gather3A_355 : vector<16xf32>
        %swap3A_361 = arith.index_cast %scan3A_322 : i32 to index
        %swap3A_362 = arith.constant 16 : index
        %swap3A_363 = tpu.vector_load %arg10[%swap3A_361, %swap3A_362] {strides = array<i32>} : memref<100x80xf32, #tpu.memory_space<vmem>>, vector<1x16xf32>,
        %swap3A_364 = vector.shape_cast %swap3A_363 : vector<1x16xf32> to vector<16xf32>
        %swap3A_365 = vector.shape_cast %mul3A_360 : vector<16xf32> to vector<1x16xf32>
        tpu.vector_store %arg10[%swap3A_361, %swap3A_362], %swap3A_365 {strides = array<i32>} : memref<100x80xf32, #tpu.memory_space<vmem>>, vector<1x16xf32>,
        %broadcast_in_dim3A_366 = arith.constant 0 : i32
        %broadcast_in_dim3A_367 = vector.broadcast %broadcast_in_dim3A_366 : i32 to vector<16xi32>
        %broadcast_in_dim3A_368 = vector.shape_cast %broadcast_in_dim3A_367 : vector<16xi32> to vector<16x1xi32>
        %gather3A_369 = vector.shape_cast %broadcast_in_dim3A_368 : vector<16x1xi32> to vector<16xi32>
        %gather3A_370 = tpu.dynamic_gather %exp3A[%gather3A_369] in [0] : vector<16xf32>, vector<16xi32> -> vector<16xf32>
        %get3A_371 = arith.index_cast %scan3A_322 : i32 to index
        %get3A_372 = arith.constant 32 : index
        %get3A_373 = tpu.vector_load %arg10[%get3A_371, %get3A_372] {strides = array<i32>} : memref<100x80xf32, #tpu.memory_space<vmem>>, vector<1x16xf32>,
        %get3A_374 = vector.shape_cast %get3A_373 : vector<1x16xf32> to vector<16xf32>
        %mul3A_375 = arith.mulf %get3A_374, %gather3A_370 : vector<16xf32>
        %swap3A_376 = arith.index_cast %scan3A_322 : i32 to index
        %swap3A_377 = arith.constant 32 : index
        %swap3A_378 = tpu.vector_load %arg10[%swap3A_376, %swap3A_377] {strides = array<i32>} : memref<100x80xf32, #tpu.memory_space<vmem>>, vector<1x16xf32>,
        %swap3A_379 = vector.shape_cast %swap3A_378 : vector<1x16xf32> to vector<16xf32>
        %swap3A_380 = vector.shape_cast %mul3A_375 : vector<16xf32> to vector<1x16xf32>
        tpu.vector_store %arg10[%swap3A_376, %swap3A_377], %swap3A_380 {strides = array<i32>} : memref<100x80xf32, #tpu.memory_space<vmem>>, vector<1x16xf32>,
        %broadcast_in_dim3A_381 = arith.constant 0 : i32
        %broadcast_in_dim3A_382 = vector.broadcast %broadcast_in_dim3A_381 : i32 to vector<16xi32>
        %broadcast_in_dim3A_383 = vector.shape_cast %broadcast_in_dim3A_382 : vector<16xi32> to vector<16x1xi32>
        %gather3A_384 = vector.shape_cast %broadcast_in_dim3A_383 : vector<16x1xi32> to vector<16xi32>
        %gather3A_385 = tpu.dynamic_gather %exp3A[%gather3A_384] in [0] : vector<16xf32>, vector<16xi32> -> vector<16xf32>
        %get3A_386 = arith.index_cast %scan3A_322 : i32 to index
        %get3A_387 = arith.constant 48 : index
        %get3A_388 = tpu.vector_load %arg10[%get3A_386, %get3A_387] {strides = array<i32>} : memref<100x80xf32, #tpu.memory_space<vmem>>, vector<1x16xf32>,
        %get3A_389 = vector.shape_cast %get3A_388 : vector<1x16xf32> to vector<16xf32>
        %mul3A_390 = arith.mulf %get3A_389, %gather3A_385 : vector<16xf32>
        %swap3A_391 = arith.index_cast %scan3A_322 : i32 to index
        %swap3A_392 = arith.constant 48 : index
        %swap3A_393 = tpu.vector_load %arg10[%swap3A_391, %swap3A_392] {strides = array<i32>} : memref<100x80xf32, #tpu.memory_space<vmem>>, vector<1x16xf32>,
        %swap3A_394 = vector.shape_cast %swap3A_393 : vector<1x16xf32> to vector<16xf32>
        %swap3A_395 = vector.shape_cast %mul3A_390 : vector<16xf32> to vector<1x16xf32>
        tpu.vector_store %arg10[%swap3A_391, %swap3A_392], %swap3A_395 {strides = array<i32>} : memref<100x80xf32, #tpu.memory_space<vmem>>, vector<1x16xf32>,
      }
      %scan3A_264 = arith.constant 100 : i32
      %dma_start3A_265 = arith.constant 2 : i32
      %dma_start3A_266 = arith.constant 0 : i32
      %dma_start3A_267 = tpu.memref_slice %arg9[%dma_start3A_265, %dma_start3A_266] : memref<4x100xi32, #tpu.memory_space<vmem>> -> memref<1x100xi32, #tpu.memory_space<vmem>>
      %dma_start3A_268 = tpu.memref_squeeze %dma_start3A_267 : memref<1x100xi32, #tpu.memory_space<vmem>> -> memref<100xi32, #tpu.memory_space<vmem>>
      %dma_start3A_269 = arith.constant 0 : i32
      %dma_start3A_270 = arith.constant 0 : i32
      %dma_start3A_271 = tpu.memref_slice %arg14[%dma_start3A_269, %dma_start3A_270] : memref<10240x80xf32, #tpu.memory_space<vmem_shared>> -> memref<10240x80xf32, #tpu.memory_space<vmem_shared>>
      tpu.enqueue_indirect_dma source(%arg10 : memref<100x80xf32, #tpu.memory_space<vmem>>) target(%dma_start3A_271 : memref<10240x80xf32, #tpu.memory_space<vmem_shared>>) offsets(%dma_start3A_268 : memref<100xi32, #tpu.memory_space<vmem>>) semaphore(%arg19 : memref<!tpu.dma_semaphore, #tpu.memory_space<semaphore_mem>>) {add = true}
      %mul3A_272 = arith.constant 4 : i32
      %mul3A_273 = arith.muli %mul3A_272, %scan3A_125 : i32
      %add3A_274 = arith.constant 3 : i32
      %add3A_275 = arith.addi %mul3A_273, %add3A_274 : i32
      %gt3A_276 = arith.constant 0 : i32
      %gt3A_277 = arith.cmpi sgt, %add3A_275, %gt3A_276 : i32
      %convert_element_type3A_278 = arith.extui %gt3A_277 : i1 to i32
      %cond3A_279 = arith.constant 0 : i32
      %cond3A_280 = arith.cmpi ne, %convert_element_type3A_278, %cond3A_279 : i32
      scf.if %cond3A_280 {
        %dma_wait3A_322 = arith.constant 2 : i32
        %dma_wait3A_323 = arith.constant 0 : i32
        %dma_wait3A_324 = tpu.memref_slice %arg9[%dma_wait3A_322, %dma_wait3A_323] : memref<4x100xi32, #tpu.memory_space<vmem>> -> memref<1x100xi32, #tpu.memory_space<vmem>>
        %dma_wait3A_325 = tpu.memref_squeeze %dma_wait3A_324 : memref<1x100xi32, #tpu.memory_space<vmem>> -> memref<100xi32, #tpu.memory_space<vmem>>
        %dma_wait3A_326 = arith.constant 0 : i32
        %dma_wait3A_327 = arith.constant 0 : i32
        %dma_wait3A_328 = tpu.memref_slice %arg14[%dma_wait3A_326, %dma_wait3A_327] : memref<10240x80xf32, #tpu.memory_space<vmem_shared>> -> memref<10240x80xf32, #tpu.memory_space<vmem_shared>>
        tpu.wait_indirect_dma semaphore(%arg19 : memref<!tpu.dma_semaphore, #tpu.memory_space<semaphore_mem>>) src(%arg10 : memref<100x80xf32, #tpu.memory_space<vmem>>) dst(%dma_wait3A_328 : memref<10240x80xf32, #tpu.memory_space<vmem_shared>>)
      } else {
      }
      %add3A_281 = arith.constant 1 : i32
      %add3A_282 = arith.addi %add3A_275, %add3A_281 : i32
      %lt3A_283 = arith.constant 100 : i32
      %lt3A_284 = arith.cmpi slt, %add3A_282, %lt3A_283 : i32
      %convert_element_type3A_285 = arith.extui %lt3A_284 : i1 to i32
      %cond3A_286 = arith.constant 0 : i32
      %cond3A_287 = arith.cmpi ne, %convert_element_type3A_285, %cond3A_286 : i32
      scf.if %cond3A_287 {
        %add3A_322 = arith.constant 1 : i32
        %add3A_323 = arith.addi %add3A_275, %add3A_322 : i32
        %mul3A_324 = arith.constant 100 : i32
        %mul3A_325 = arith.muli %add3A, %mul3A_324 : i32
        %add3A_326 = arith.addi %mul3A_325, %add3A_323 : i32
        %dma_wait3A_327 = arith.constant 0 : i32
        %dma_wait3A_328 = arith.constant 0 : i32
        %dma_wait3A_329 = tpu.memref_slice %arg8[%dma_wait3A_327, %dma_wait3A_328] : memref<4x100xi32, #tpu.memory_space<vmem>> -> memref<1x100xi32, #tpu.memory_space<vmem>>
        %dma_wait3A_330 = tpu.memref_squeeze %dma_wait3A_329 : memref<1x100xi32, #tpu.memory_space<vmem>> -> memref<100xi32, #tpu.memory_space<vmem>>
        %dma_wait3A_331 = arith.constant 0 : i32
        %dma_wait3A_332 = tpu.memref_slice %arg4[%add3A_326, %dma_wait3A_331] : memref<3200x100xi32, #tpu.memory_space<hbm>> -> memref<1x100xi32, #tpu.memory_space<hbm>>
        %dma_wait3A_333 = tpu.memref_squeeze %dma_wait3A_332 : memref<1x100xi32, #tpu.memory_space<hbm>> -> memref<100xi32, #tpu.memory_space<hbm>>
        %dma_wait3A_334 = arith.constant 0 : i32
        %dma_wait3A_335 = tpu.memref_slice %arg8[%dma_wait3A_327, %dma_wait3A_334] : memref<4x100xi32, #tpu.memory_space<vmem>> -> memref<1x100xi32, #tpu.memory_space<vmem>>
        %dma_wait3A_336 = tpu.memref_squeeze %dma_wait3A_335 : memref<1x100xi32, #tpu.memory_space<vmem>> -> memref<100xi32, #tpu.memory_space<vmem>>
        %dma_wait3A_337 = arith.constant 0 : i32
        %dma_wait3A_338 = tpu.memref_slice %arg4[%add3A_326, %dma_wait3A_337] : memref<3200x100xi32, #tpu.memory_space<hbm>> -> memref<1x100xi32, #tpu.memory_space<hbm>>
        %dma_wait3A_339 = tpu.memref_squeeze %dma_wait3A_338 : memref<1x100xi32, #tpu.memory_space<hbm>> -> memref<100xi32, #tpu.memory_space<hbm>>
        tpu.wait_dma2 semaphore(%arg21 : memref<!tpu.dma_semaphore, #tpu.memory_space<semaphore_mem>>) src(%dma_wait3A_339 : memref<100xi32, #tpu.memory_space<hbm>>) dst(%dma_wait3A_336 : memref<100xi32, #tpu.memory_space<vmem>>)
        %dma_wait3A_340 = arith.constant 0 : i32
        %dma_wait3A_341 = arith.constant 0 : i32
        %dma_wait3A_342 = tpu.memref_slice %arg9[%dma_wait3A_340, %dma_wait3A_341] : memref<4x100xi32, #tpu.memory_space<vmem>> -> memref<1x100xi32, #tpu.memory_space<vmem>>
        %dma_wait3A_343 = tpu.memref_squeeze %dma_wait3A_342 : memref<1x100xi32, #tpu.memory_space<vmem>> -> memref<100xi32, #tpu.memory_space<vmem>>
        %dma_wait3A_344 = arith.constant 0 : i32
        %dma_wait3A_345 = tpu.memref_slice %arg5[%add3A_326, %dma_wait3A_344] : memref<3200x100xi32, #tpu.memory_space<hbm>> -> memref<1x100xi32, #tpu.memory_space<hbm>>
        %dma_wait3A_346 = tpu.memref_squeeze %dma_wait3A_345 : memref<1x100xi32, #tpu.memory_space<hbm>> -> memref<100xi32, #tpu.memory_space<hbm>>
        %dma_wait3A_347 = arith.constant 0 : i32
        %dma_wait3A_348 = tpu.memref_slice %arg9[%dma_wait3A_340, %dma_wait3A_347] : memref<4x100xi32, #tpu.memory_space<vmem>> -> memref<1x100xi32, #tpu.memory_space<vmem>>
        %dma_wait3A_349 = tpu.memref_squeeze %dma_wait3A_348 : memref<1x100xi32, #tpu.memory_space<vmem>> -> memref<100xi32, #tpu.memory_space<vmem>>
        %dma_wait3A_350 = arith.constant 0 : i32
        %dma_wait3A_351 = tpu.memref_slice %arg5[%add3A_326, %dma_wait3A_350] : memref<3200x100xi32, #tpu.memory_space<hbm>> -> memref<1x100xi32, #tpu.memory_space<hbm>>
        %dma_wait3A_352 = tpu.memref_squeeze %dma_wait3A_351 : memref<1x100xi32, #tpu.memory_space<hbm>> -> memref<100xi32, #tpu.memory_space<hbm>>
        tpu.wait_dma2 semaphore(%arg25 : memref<!tpu.dma_semaphore, #tpu.memory_space<semaphore_mem>>) src(%dma_wait3A_352 : memref<100xi32, #tpu.memory_space<hbm>>) dst(%dma_wait3A_349 : memref<100xi32, #tpu.memory_space<vmem>>)
        %dma_start3A_353 = arith.constant 0 : i32
        %dma_start3A_354 = arith.constant 0 : i32
        %dma_start3A_355 = tpu.memref_slice %arg8[%dma_start3A_353, %dma_start3A_354] : memref<4x100xi32, #tpu.memory_space<vmem>> -> memref<1x100xi32, #tpu.memory_space<vmem>>
        %dma_start3A_356 = tpu.memref_squeeze %dma_start3A_355 : memref<1x100xi32, #tpu.memory_space<vmem>> -> memref<100xi32, #tpu.memory_space<vmem>>
        %dma_start3A_357 = arith.constant 0 : i32
        %dma_start3A_358 = arith.constant 0 : i32
        %dma_start3A_359 = tpu.memref_slice %arg2[%dma_start3A_357, %dma_start3A_358] : memref<10240x80xf32, #tpu.memory_space<hbm>> -> memref<10240x80xf32, #tpu.memory_space<hbm>>
        tpu.enqueue_indirect_dma source(%dma_start3A_359 : memref<10240x80xf32, #tpu.memory_space<hbm>>) target(%arg10 : memref<100x80xf32, #tpu.memory_space<vmem>>) offsets(%dma_start3A_356 : memref<100xi32, #tpu.memory_space<vmem>>) semaphore(%arg15 : memref<!tpu.dma_semaphore, #tpu.memory_space<semaphore_mem>>)
        %dma_start3A_360 = arith.constant 0 : i32
        %dma_start3A_361 = arith.constant 0 : i32
        %dma_start3A_362 = tpu.memref_slice %arg9[%dma_start3A_360, %dma_start3A_361] : memref<4x100xi32, #tpu.memory_space<vmem>> -> memref<1x100xi32, #tpu.memory_space<vmem>>
        %dma_start3A_363 = tpu.memref_squeeze %dma_start3A_362 : memref<1x100xi32, #tpu.memory_space<vmem>> -> memref<100xi32, #tpu.memory_space<vmem>>
        %dma_start3A_364 = arith.constant 0 : i32
        %dma_start3A_365 = arith.constant 0 : i32
        %dma_start3A_366 = tpu.memref_slice %arg3[%dma_start3A_364, %dma_start3A_365] : memref<10240x16xf32, #tpu.memory_space<hbm>> -> memref<10240x16xf32, #tpu.memory_space<hbm>>
        tpu.enqueue_indirect_dma source(%dma_start3A_366 : memref<10240x16xf32, #tpu.memory_space<hbm>>) target(%arg12 : memref<100x16xf32, #tpu.memory_space<vmem>>) offsets(%dma_start3A_363 : memref<100xi32, #tpu.memory_space<vmem>>) semaphore(%arg17 : memref<!tpu.dma_semaphore, #tpu.memory_space<semaphore_mem>>)
      } else {
      }
      %add3A_288 = arith.constant 2 : i32
      %add3A_289 = arith.addi %add3A_275, %add3A_288 : i32
      %lt3A_290 = arith.constant 100 : i32
      %lt3A_291 = arith.cmpi slt, %add3A_289, %lt3A_290 : i32
      %convert_element_type3A_292 = arith.extui %lt3A_291 : i1 to i32
      %cond3A_293 = arith.constant 0 : i32
      %cond3A_294 = arith.cmpi ne, %convert_element_type3A_292, %cond3A_293 : i32
      scf.if %cond3A_294 {
        %add3A_322 = arith.constant 2 : i32
        %add3A_323 = arith.addi %add3A_275, %add3A_322 : i32
        %mul3A_324 = arith.constant 100 : i32
        %mul3A_325 = arith.muli %add3A, %mul3A_324 : i32
        %add3A_326 = arith.addi %mul3A_325, %add3A_323 : i32
        %dma_start3A_327 = arith.constant 1 : i32
        %dma_start3A_328 = arith.constant 0 : i32
        %dma_start3A_329 = tpu.memref_slice %arg8[%dma_start3A_327, %dma_start3A_328] : memref<4x100xi32, #tpu.memory_space<vmem>> -> memref<1x100xi32, #tpu.memory_space<vmem>>
        %dma_start3A_330 = tpu.memref_squeeze %dma_start3A_329 : memref<1x100xi32, #tpu.memory_space<vmem>> -> memref<100xi32, #tpu.memory_space<vmem>>
        %dma_start3A_331 = arith.constant 0 : i32
        %dma_start3A_332 = tpu.memref_slice %arg4[%add3A_326, %dma_start3A_331] : memref<3200x100xi32, #tpu.memory_space<hbm>> -> memref<1x100xi32, #tpu.memory_space<hbm>>
        %dma_start3A_333 = tpu.memref_squeeze %dma_start3A_332 : memref<1x100xi32, #tpu.memory_space<hbm>> -> memref<100xi32, #tpu.memory_space<hbm>>
        %dma_start3A_334 = arith.constant 0 : i32
        %dma_start3A_335 = tpu.memref_slice %arg8[%dma_start3A_327, %dma_start3A_334] : memref<4x100xi32, #tpu.memory_space<vmem>> -> memref<1x100xi32, #tpu.memory_space<vmem>>
        %dma_start3A_336 = tpu.memref_squeeze %dma_start3A_335 : memref<1x100xi32, #tpu.memory_space<vmem>> -> memref<100xi32, #tpu.memory_space<vmem>>
        %dma_start3A_337 = arith.constant 0 : i32
        %dma_start3A_338 = tpu.memref_slice %arg4[%add3A_326, %dma_start3A_337] : memref<3200x100xi32, #tpu.memory_space<hbm>> -> memref<1x100xi32, #tpu.memory_space<hbm>>
        %dma_start3A_339 = tpu.memref_squeeze %dma_start3A_338 : memref<1x100xi32, #tpu.memory_space<hbm>> -> memref<100xi32, #tpu.memory_space<hbm>>
        tpu.enqueue_dma source(%dma_start3A_339 : memref<100xi32, #tpu.memory_space<hbm>>) target(%dma_start3A_336 : memref<100xi32, #tpu.memory_space<vmem>>) target_semaphore(%arg22 : memref<!tpu.dma_semaphore, #tpu.memory_space<semaphore_mem>>)
        %dma_start3A_340 = arith.constant 1 : i32
        %dma_start3A_341 = arith.constant 0 : i32
        %dma_start3A_342 = tpu.memref_slice %arg9[%dma_start3A_340, %dma_start3A_341] : memref<4x100xi32, #tpu.memory_space<vmem>> -> memref<1x100xi32, #tpu.memory_space<vmem>>
        %dma_start3A_343 = tpu.memref_squeeze %dma_start3A_342 : memref<1x100xi32, #tpu.memory_space<vmem>> -> memref<100xi32, #tpu.memory_space<vmem>>
        %dma_start3A_344 = arith.constant 0 : i32
        %dma_start3A_345 = tpu.memref_slice %arg5[%add3A_326, %dma_start3A_344] : memref<3200x100xi32, #tpu.memory_space<hbm>> -> memref<1x100xi32, #tpu.memory_space<hbm>>
        %dma_start3A_346 = tpu.memref_squeeze %dma_start3A_345 : memref<1x100xi32, #tpu.memory_space<hbm>> -> memref<100xi32, #tpu.memory_space<hbm>>
        %dma_start3A_347 = arith.constant 0 : i32
        %dma_start3A_348 = tpu.memref_slice %arg9[%dma_start3A_340, %dma_start3A_347] : memref<4x100xi32, #tpu.memory_space<vmem>> -> memref<1x100xi32, #tpu.memory_space<vmem>>
        %dma_start3A_349 = tpu.memref_squeeze %dma_start3A_348 : memref<1x100xi32, #tpu.memory_space<vmem>> -> memref<100xi32, #tpu.memory_space<vmem>>
        %dma_start3A_350 = arith.constant 0 : i32
        %dma_start3A_351 = tpu.memref_slice %arg5[%add3A_326, %dma_start3A_350] : memref<3200x100xi32, #tpu.memory_space<hbm>> -> memref<1x100xi32, #tpu.memory_space<hbm>>
        %dma_start3A_352 = tpu.memref_squeeze %dma_start3A_351 : memref<1x100xi32, #tpu.memory_space<hbm>> -> memref<100xi32, #tpu.memory_space<hbm>>
        tpu.enqueue_dma source(%dma_start3A_352 : memref<100xi32, #tpu.memory_space<hbm>>) target(%dma_start3A_349 : memref<100xi32, #tpu.memory_space<vmem>>) target_semaphore(%arg26 : memref<!tpu.dma_semaphore, #tpu.memory_space<semaphore_mem>>)
      } else {
      }
      %dma_wait3A_295 = arith.constant 3 : i32
      %dma_wait3A_296 = arith.constant 0 : i32
      %dma_wait3A_297 = tpu.memref_slice %arg8[%dma_wait3A_295, %dma_wait3A_296] : memref<4x100xi32, #tpu.memory_space<vmem>> -> memref<1x100xi32, #tpu.memory_space<vmem>>
      %dma_wait3A_298 = tpu.memref_squeeze %dma_wait3A_297 : memref<1x100xi32, #tpu.memory_space<vmem>> -> memref<100xi32, #tpu.memory_space<vmem>>
      %dma_wait3A_299 = arith.constant 0 : i32
      %dma_wait3A_300 = arith.constant 0 : i32
      %dma_wait3A_301 = tpu.memref_slice %arg2[%dma_wait3A_299, %dma_wait3A_300] : memref<10240x80xf32, #tpu.memory_space<hbm>> -> memref<10240x80xf32, #tpu.memory_space<hbm>>
      tpu.wait_indirect_dma semaphore(%arg16 : memref<!tpu.dma_semaphore, #tpu.memory_space<semaphore_mem>>) src(%dma_wait3A_301 : memref<10240x80xf32, #tpu.memory_space<hbm>>) dst(%arg11 : memref<100x80xf32, #tpu.memory_space<vmem>>)
      %dma_wait3A_302 = arith.constant 3 : i32
      %dma_wait3A_303 = arith.constant 0 : i32
      %dma_wait3A_304 = tpu.memref_slice %arg9[%dma_wait3A_302, %dma_wait3A_303] : memref<4x100xi32, #tpu.memory_space<vmem>> -> memref<1x100xi32, #tpu.memory_space<vmem>>
      %dma_wait3A_305 = tpu.memref_squeeze %dma_wait3A_304 : memref<1x100xi32, #tpu.memory_space<vmem>> -> memref<100xi32, #tpu.memory_space<vmem>>
      %dma_wait3A_306 = arith.constant 0 : i32
      %dma_wait3A_307 = arith.constant 0 : i32
      %dma_wait3A_308 = tpu.memref_slice %arg3[%dma_wait3A_306, %dma_wait3A_307] : memref<10240x16xf32, #tpu.memory_space<hbm>> -> memref<10240x16xf32, #tpu.memory_space<hbm>>
      tpu.wait_indirect_dma semaphore(%arg18 : memref<!tpu.dma_semaphore, #tpu.memory_space<semaphore_mem>>) src(%dma_wait3A_308 : memref<10240x16xf32, #tpu.memory_space<hbm>>) dst(%arg13 : memref<100x16xf32, #tpu.memory_space<vmem>>)
      %scan3A_309 = arith.constant 0 : i32
      %scan3A_310 = arith.constant 0 : i32
      %scan3A_311 = arith.constant 100 : i32
      %scan3A_312 = arith.addi %scan3A_310, %scan3A_311 : i32
      %scan3A_313 = arith.constant 1 : i32
      scf.for %scan3A_322 = %scan3A_310 to %scan3A_312 step %scan3A_313  : i32 {
        %get3A = arith.index_cast %scan3A_322 : i32 to index
        %get3A_323 = arith.constant 64 : index
        %get3A_324 = tpu.vector_load %arg11[%get3A, %get3A_323] {strides = array<i32>} : memref<100x80xf32, #tpu.memory_space<vmem>>, vector<1x16xf32>,
        %get3A_325 = vector.shape_cast %get3A_324 : vector<1x16xf32> to vector<16xf32>
        %get3A_326 = arith.index_cast %scan3A_322 : i32 to index
        %get3A_327 = arith.constant 0 : index
        %get3A_328 = tpu.vector_load %arg13[%get3A_326, %get3A_327] {strides = array<i32>} : memref<100x16xf32, #tpu.memory_space<vmem>>, vector<1x16xf32>,
        %get3A_329 = vector.shape_cast %get3A_328 : vector<1x16xf32> to vector<16xf32>
        %add3A_330 = arith.addf %get3A_325, %get3A_329 : vector<16xf32>
        %mul3A_331 = arith.constant 2.000000e-01 : f32
        %mul3A_332 = vector.broadcast %mul3A_331 : f32 to vector<16xf32>
        %mul3A_333 = arith.mulf %add3A_330, %mul3A_332 : vector<16xf32>
        %max3A = arith.maximumf %add3A_330, %mul3A_333 : vector<16xf32>
        %exp3A = math.exp %max3A : vector<16xf32>
        %swap3A = arith.index_cast %scan3A_322 : i32 to index
        %swap3A_334 = arith.constant 64 : index
        %swap3A_335 = tpu.vector_load %arg11[%swap3A, %swap3A_334] {strides = array<i32>} : memref<100x80xf32, #tpu.memory_space<vmem>>, vector<1x16xf32>,
        %swap3A_336 = vector.shape_cast %swap3A_335 : vector<1x16xf32> to vector<16xf32>
        %swap3A_337 = vector.shape_cast %exp3A : vector<16xf32> to vector<1x16xf32>
        tpu.vector_store %arg11[%swap3A, %swap3A_334], %swap3A_337 {strides = array<i32>} : memref<100x80xf32, #tpu.memory_space<vmem>>, vector<1x16xf32>,
        %broadcast_in_dim3A = arith.constant 0 : i32
        %broadcast_in_dim3A_338 = vector.broadcast %broadcast_in_dim3A : i32 to vector<16xi32>
        %broadcast_in_dim3A_339 = vector.shape_cast %broadcast_in_dim3A_338 : vector<16xi32> to vector<16x1xi32>
        %gather3A = vector.shape_cast %broadcast_in_dim3A_339 : vector<16x1xi32> to vector<16xi32>
        %gather3A_340 = tpu.dynamic_gather %exp3A[%gather3A] in [0] : vector<16xf32>, vector<16xi32> -> vector<16xf32>
        %get3A_341 = arith.index_cast %scan3A_322 : i32 to index
        %get3A_342 = arith.constant 0 : index
        %get3A_343 = tpu.vector_load %arg11[%get3A_341, %get3A_342] {strides = array<i32>} : memref<100x80xf32, #tpu.memory_space<vmem>>, vector<1x16xf32>,
        %get3A_344 = vector.shape_cast %get3A_343 : vector<1x16xf32> to vector<16xf32>
        %mul3A_345 = arith.mulf %get3A_344, %gather3A_340 : vector<16xf32>
        %swap3A_346 = arith.index_cast %scan3A_322 : i32 to index
        %swap3A_347 = arith.constant 0 : index
        %swap3A_348 = tpu.vector_load %arg11[%swap3A_346, %swap3A_347] {strides = array<i32>} : memref<100x80xf32, #tpu.memory_space<vmem>>, vector<1x16xf32>,
        %swap3A_349 = vector.shape_cast %swap3A_348 : vector<1x16xf32> to vector<16xf32>
        %swap3A_350 = vector.shape_cast %mul3A_345 : vector<16xf32> to vector<1x16xf32>
        tpu.vector_store %arg11[%swap3A_346, %swap3A_347], %swap3A_350 {strides = array<i32>} : memref<100x80xf32, #tpu.memory_space<vmem>>, vector<1x16xf32>,
        %broadcast_in_dim3A_351 = arith.constant 0 : i32
        %broadcast_in_dim3A_352 = vector.broadcast %broadcast_in_dim3A_351 : i32 to vector<16xi32>
        %broadcast_in_dim3A_353 = vector.shape_cast %broadcast_in_dim3A_352 : vector<16xi32> to vector<16x1xi32>
        %gather3A_354 = vector.shape_cast %broadcast_in_dim3A_353 : vector<16x1xi32> to vector<16xi32>
        %gather3A_355 = tpu.dynamic_gather %exp3A[%gather3A_354] in [0] : vector<16xf32>, vector<16xi32> -> vector<16xf32>
        %get3A_356 = arith.index_cast %scan3A_322 : i32 to index
        %get3A_357 = arith.constant 16 : index
        %get3A_358 = tpu.vector_load %arg11[%get3A_356, %get3A_357] {strides = array<i32>} : memref<100x80xf32, #tpu.memory_space<vmem>>, vector<1x16xf32>,
        %get3A_359 = vector.shape_cast %get3A_358 : vector<1x16xf32> to vector<16xf32>
        %mul3A_360 = arith.mulf %get3A_359, %gather3A_355 : vector<16xf32>
        %swap3A_361 = arith.index_cast %scan3A_322 : i32 to index
        %swap3A_362 = arith.constant 16 : index
        %swap3A_363 = tpu.vector_load %arg11[%swap3A_361, %swap3A_362] {strides = array<i32>} : memref<100x80xf32, #tpu.memory_space<vmem>>, vector<1x16xf32>,
        %swap3A_364 = vector.shape_cast %swap3A_363 : vector<1x16xf32> to vector<16xf32>
        %swap3A_365 = vector.shape_cast %mul3A_360 : vector<16xf32> to vector<1x16xf32>
        tpu.vector_store %arg11[%swap3A_361, %swap3A_362], %swap3A_365 {strides = array<i32>} : memref<100x80xf32, #tpu.memory_space<vmem>>, vector<1x16xf32>,
        %broadcast_in_dim3A_366 = arith.constant 0 : i32
        %broadcast_in_dim3A_367 = vector.broadcast %broadcast_in_dim3A_366 : i32 to vector<16xi32>
        %broadcast_in_dim3A_368 = vector.shape_cast %broadcast_in_dim3A_367 : vector<16xi32> to vector<16x1xi32>
        %gather3A_369 = vector.shape_cast %broadcast_in_dim3A_368 : vector<16x1xi32> to vector<16xi32>
        %gather3A_370 = tpu.dynamic_gather %exp3A[%gather3A_369] in [0] : vector<16xf32>, vector<16xi32> -> vector<16xf32>
        %get3A_371 = arith.index_cast %scan3A_322 : i32 to index
        %get3A_372 = arith.constant 32 : index
        %get3A_373 = tpu.vector_load %arg11[%get3A_371, %get3A_372] {strides = array<i32>} : memref<100x80xf32, #tpu.memory_space<vmem>>, vector<1x16xf32>,
        %get3A_374 = vector.shape_cast %get3A_373 : vector<1x16xf32> to vector<16xf32>
        %mul3A_375 = arith.mulf %get3A_374, %gather3A_370 : vector<16xf32>
        %swap3A_376 = arith.index_cast %scan3A_322 : i32 to index
        %swap3A_377 = arith.constant 32 : index
        %swap3A_378 = tpu.vector_load %arg11[%swap3A_376, %swap3A_377] {strides = array<i32>} : memref<100x80xf32, #tpu.memory_space<vmem>>, vector<1x16xf32>,
        %swap3A_379 = vector.shape_cast %swap3A_378 : vector<1x16xf32> to vector<16xf32>
        %swap3A_380 = vector.shape_cast %mul3A_375 : vector<16xf32> to vector<1x16xf32>
        tpu.vector_store %arg11[%swap3A_376, %swap3A_377], %swap3A_380 {strides = array<i32>} : memref<100x80xf32, #tpu.memory_space<vmem>>, vector<1x16xf32>,
        %broadcast_in_dim3A_381 = arith.constant 0 : i32
        %broadcast_in_dim3A_382 = vector.broadcast %broadcast_in_dim3A_381 : i32 to vector<16xi32>
        %broadcast_in_dim3A_383 = vector.shape_cast %broadcast_in_dim3A_382 : vector<16xi32> to vector<16x1xi32>
        %gather3A_384 = vector.shape_cast %broadcast_in_dim3A_383 : vector<16x1xi32> to vector<16xi32>
        %gather3A_385 = tpu.dynamic_gather %exp3A[%gather3A_384] in [0] : vector<16xf32>, vector<16xi32> -> vector<16xf32>
        %get3A_386 = arith.index_cast %scan3A_322 : i32 to index
        %get3A_387 = arith.constant 48 : index
        %get3A_388 = tpu.vector_load %arg11[%get3A_386, %get3A_387] {strides = array<i32>} : memref<100x80xf32, #tpu.memory_space<vmem>>, vector<1x16xf32>,
        %get3A_389 = vector.shape_cast %get3A_388 : vector<1x16xf32> to vector<16xf32>
        %mul3A_390 = arith.mulf %get3A_389, %gather3A_385 : vector<16xf32>
        %swap3A_391 = arith.index_cast %scan3A_322 : i32 to index
        %swap3A_392 = arith.constant 48 : index
        %swap3A_393 = tpu.vector_load %arg11[%swap3A_391, %swap3A_392] {strides = array<i32>} : memref<100x80xf32, #tpu.memory_space<vmem>>, vector<1x16xf32>,
        %swap3A_394 = vector.shape_cast %swap3A_393 : vector<1x16xf32> to vector<16xf32>
        %swap3A_395 = vector.shape_cast %mul3A_390 : vector<16xf32> to vector<1x16xf32>
        tpu.vector_store %arg11[%swap3A_391, %swap3A_392], %swap3A_395 {strides = array<i32>} : memref<100x80xf32, #tpu.memory_space<vmem>>, vector<1x16xf32>,
      }
      %scan3A_314 = arith.constant 100 : i32
      %dma_start3A_315 = arith.constant 3 : i32
      %dma_start3A_316 = arith.constant 0 : i32
      %dma_start3A_317 = tpu.memref_slice %arg9[%dma_start3A_315, %dma_start3A_316] : memref<4x100xi32, #tpu.memory_space<vmem>> -> memref<1x100xi32, #tpu.memory_space<vmem>>
      %dma_start3A_318 = tpu.memref_squeeze %dma_start3A_317 : memref<1x100xi32, #tpu.memory_space<vmem>> -> memref<100xi32, #tpu.memory_space<vmem>>
      %dma_start3A_319 = arith.constant 0 : i32
      %dma_start3A_320 = arith.constant 0 : i32
      %dma_start3A_321 = tpu.memref_slice %arg14[%dma_start3A_319, %dma_start3A_320] : memref<10240x80xf32, #tpu.memory_space<vmem_shared>> -> memref<10240x80xf32, #tpu.memory_space<vmem_shared>>
      tpu.enqueue_indirect_dma source(%arg11 : memref<100x80xf32, #tpu.memory_space<vmem>>) target(%dma_start3A_321 : memref<10240x80xf32, #tpu.memory_space<vmem_shared>>) offsets(%dma_start3A_318 : memref<100xi32, #tpu.memory_space<vmem>>) semaphore(%arg20 : memref<!tpu.dma_semaphore, #tpu.memory_space<semaphore_mem>>) {add = true}
    }
    %scan3A_109 = arith.constant 25 : i32
    %dma_wait3A_110 = arith.constant 3 : i32
    %dma_wait3A_111 = arith.constant 0 : i32
    %dma_wait3A_112 = tpu.memref_slice %arg9[%dma_wait3A_110, %dma_wait3A_111] : memref<4x100xi32, #tpu.memory_space<vmem>> -> memref<1x100xi32, #tpu.memory_space<vmem>>
    %dma_wait3A_113 = tpu.memref_squeeze %dma_wait3A_112 : memref<1x100xi32, #tpu.memory_space<vmem>> -> memref<100xi32, #tpu.memory_space<vmem>>
    %dma_wait3A_114 = arith.constant 0 : i32
    %dma_wait3A_115 = arith.constant 0 : i32
    %dma_wait3A_116 = tpu.memref_slice %arg14[%dma_wait3A_114, %dma_wait3A_115] : memref<10240x80xf32, #tpu.memory_space<vmem_shared>> -> memref<10240x80xf32, #tpu.memory_space<vmem_shared>>
    tpu.wait_indirect_dma semaphore(%arg20 : memref<!tpu.dma_semaphore, #tpu.memory_space<semaphore_mem>>) src(%arg11 : memref<100x80xf32, #tpu.memory_space<vmem>>) dst(%dma_wait3A_116 : memref<10240x80xf32, #tpu.memory_space<vmem_shared>>)
    %barrier3A_117 = arith.constant 0 : index
    tpu.barrier barrier_id(%barrier3A_117)
    %mul3A_118 = arith.constant 640 : i32
    %mul3A_119 = arith.muli %arg1, %mul3A_118 : i32
    %mul3A_120 = arith.constant 10240 : i32
    %mul3A_121 = arith.muli %arg0, %mul3A_120 : i32
    %mul3A_122 = arith.constant 640 : i32
    %mul3A_123 = arith.muli %arg1, %mul3A_122 : i32
    %add3A_124 = arith.addi %mul3A_121, %mul3A_123 : i32
    "tpu.region"() ({
      %run_scoped3A = tpu.sem_alloc : memref<!tpu.dma_semaphore, #tpu.memory_space<semaphore_mem>>
      %dma_start3A_125 = arith.constant 0 : i32
      %dma_start3A_126 = tpu.memref_slice %arg7[%add3A_124, %dma_start3A_125] : memref<20480x80xf32, #tpu.memory_space<hbm>> -> memref<640x80xf32, #tpu.memory_space<hbm>>
      %dma_start3A_127 = arith.constant 0 : i32
      %dma_start3A_128 = tpu.memref_slice %arg14[%mul3A_119, %dma_start3A_127] : memref<10240x80xf32, #tpu.memory_space<vmem_shared>> -> memref<640x80xf32, #tpu.memory_space<vmem_shared>>
      tpu.enqueue_dma source(%dma_start3A_128 : memref<640x80xf32, #tpu.memory_space<vmem_shared>>) target(%dma_start3A_126 : memref<640x80xf32, #tpu.memory_space<hbm>>) target_semaphore(%run_scoped3A : memref<!tpu.dma_semaphore, #tpu.memory_space<semaphore_mem>>)
      %dma_wait3A_129 = arith.constant 0 : i32
      %dma_wait3A_130 = tpu.memref_slice %arg7[%add3A_124, %dma_wait3A_129] : memref<20480x80xf32, #tpu.memory_space<hbm>> -> memref<640x80xf32, #tpu.memory_space<hbm>>
      %dma_wait3A_131 = arith.constant 0 : i32
      %dma_wait3A_132 = tpu.memref_slice %arg14[%mul3A_119, %dma_wait3A_131] : memref<10240x80xf32, #tpu.memory_space<vmem_shared>> -> memref<640x80xf32, #tpu.memory_space<vmem_shared>>
      tpu.wait_dma2 semaphore(%run_scoped3A : memref<!tpu.dma_semaphore, #tpu.memory_space<semaphore_mem>>) src(%dma_wait3A_132 : memref<640x80xf32, #tpu.memory_space<vmem_shared>>) dst(%dma_wait3A_130 : memref<640x80xf32, #tpu.memory_space<hbm>>)
      tpu.yield
    }) : () -> ()
    return
  }
}

module attributes {stable_mosaic.version = 14 : i64} {
  func.func @_tc_a_body(%arg0: i32, %arg1: memref<400x128xf32, #tpu.memory_space<vmem>>, %arg2: memref<128x128xf32, #tpu.memory_space<vmem>>, %arg3: memref<128x8xf32, #tpu.memory_space<vmem>>, %arg4: memref<128x8xf32, #tpu.memory_space<vmem>>, %arg5: memref<400x144xf32, #tpu.memory_space<vmem>>, %arg6: memref<400x16xf32, #tpu.memory_space<vmem>>) attributes {dimension_semantics = [#tpu.dimension_semantics<arbitrary>], iteration_bounds = array<i64: 25>, scalar_prefetch = 0 : i64, scratch_operands = 0 : i64, tpu.core_type = #tpu.core_type<tc>, window_params = [{transform_indices = @transform_0, window_bounds = array<i64: 400, 128>}, {pipeline_mode = #tpu.pipeline_mode<synchronous>, transform_indices = @transform_1, window_bounds = array<i64: 128, 128>}, {pipeline_mode = #tpu.pipeline_mode<synchronous>, transform_indices = @transform_2, window_bounds = array<i64: 128, 8>}, {pipeline_mode = #tpu.pipeline_mode<synchronous>, transform_indices = @transform_3, window_bounds = array<i64: 128, 8>}, {transform_indices = @transform_4, window_bounds = array<i64: 400, 144>}, {transform_indices = @transform_5, window_bounds = array<i64: 400, 16>}]} {
    %get3A = arith.constant 0 : index
    %get3A_0 = arith.constant 0 : index
    %get3A_1 = vector.load %arg1[%get3A, %get3A_0] : memref<400x128xf32, #tpu.memory_space<vmem>>, vector<400x128xf32>
    %get3A_2 = arith.constant 0 : index
    %get3A_3 = arith.constant 0 : index
    %get3A_4 = vector.load %arg2[%get3A_2, %get3A_3] : memref<128x128xf32, #tpu.memory_space<vmem>>, vector<128x128xf32>
    %dot_general3A = arith.constant dense<0.000000e+00> : vector<400x128xf32>
    %dot_general3A_5 = tpu.matmul %get3A_1, %get3A_4, %dot_general3A {dimension_numbers = #tpu.dot_dimension_numbers<[1], [0], [0], [1], [0, 0, 1, 1], [], []>, transpose_lhs_hint = false} : vector<400x128xf32>, vector<128x128xf32>, vector<400x128xf32> -> vector<400x128xf32>
    %get3A_6 = arith.constant 0 : index
    %get3A_7 = arith.constant 0 : index
    %get3A_8 = vector.load %arg3[%get3A_6, %get3A_7] : memref<128x8xf32, #tpu.memory_space<vmem>>, vector<128x8xf32>
    %dot_general3A_9 = arith.constant dense<0.000000e+00> : vector<400x8xf32>
    %dot_general3A_10 = tpu.matmul %dot_general3A_5, %get3A_8, %dot_general3A_9 {dimension_numbers = #tpu.dot_dimension_numbers<[1], [0], [0], [1], [0, 0, 1, 1], [], []>, transpose_lhs_hint = false} : vector<400x128xf32>, vector<128x8xf32>, vector<400x8xf32> -> vector<400x8xf32>
    %get3A_11 = arith.constant 0 : index
    %get3A_12 = arith.constant 0 : index
    %get3A_13 = vector.load %arg4[%get3A_11, %get3A_12] : memref<128x8xf32, #tpu.memory_space<vmem>>, vector<128x8xf32>
    %dot_general3A_14 = arith.constant dense<0.000000e+00> : vector<400x8xf32>
    %dot_general3A_15 = tpu.matmul %dot_general3A_5, %get3A_13, %dot_general3A_14 {dimension_numbers = #tpu.dot_dimension_numbers<[1], [0], [0], [1], [0, 0, 1, 1], [], []>, transpose_lhs_hint = false} : vector<400x128xf32>, vector<128x8xf32>, vector<400x8xf32> -> vector<400x8xf32>
    %broadcast_in_dim3A = arith.constant 0.000000e+00 : f32
    %broadcast_in_dim3A_16 = vector.broadcast %broadcast_in_dim3A : f32 to vector<400x8xf32>
    %concatenate3A = tpu.concatenate %dot_general3A_5, %dot_general3A_10, %broadcast_in_dim3A_16 in 1 : vector<400x128xf32>, vector<400x8xf32>, vector<400x8xf32> -> vector<400x144xf32>
    %swap3A = arith.constant 0 : index
    %swap3A_17 = arith.constant 0 : index
    %swap3A_18 = vector.load %arg5[%swap3A, %swap3A_17] : memref<400x144xf32, #tpu.memory_space<vmem>>, vector<400x144xf32>
    tpu.vector_store %arg5[%swap3A, %swap3A_17], %concatenate3A {strides = array<i32>} : memref<400x144xf32, #tpu.memory_space<vmem>>, vector<400x144xf32>,
    %broadcast_in_dim3A_19 = arith.constant 0.000000e+00 : f32
    %broadcast_in_dim3A_20 = vector.broadcast %broadcast_in_dim3A_19 : f32 to vector<400x8xf32>
    %concatenate3A_21 = tpu.concatenate %dot_general3A_15, %broadcast_in_dim3A_20 in 1 : vector<400x8xf32>, vector<400x8xf32> -> vector<400x16xf32>
    %swap3A_22 = arith.constant 0 : index
    %swap3A_23 = arith.constant 0 : index
    %swap3A_24 = vector.load %arg6[%swap3A_22, %swap3A_23] : memref<400x16xf32, #tpu.memory_space<vmem>>, vector<400x16xf32>
    tpu.vector_store %arg6[%swap3A_22, %swap3A_23], %concatenate3A_21 {strides = array<i32>} : memref<400x16xf32, #tpu.memory_space<vmem>>, vector<400x16xf32>,
    return
  }
  func.func @transform_0(%arg0: i32) -> (i32, i32) {
    %c0_i32 = arith.constant 0 : i32
    %c0_i32_0 = arith.constant 0 : i32
    return %arg0, %c0_i32 : i32, i32
  }
  func.func @transform_1(%arg0: i32) -> (i32, i32) {
    %c0_i32 = arith.constant 0 : i32
    %c0_i32_0 = arith.constant 0 : i32
    %c0_i32_1 = arith.constant 0 : i32
    return %c0_i32, %c0_i32_0 : i32, i32
  }
  func.func @transform_2(%arg0: i32) -> (i32, i32) {
    %c0_i32 = arith.constant 0 : i32
    %c0_i32_0 = arith.constant 0 : i32
    %c0_i32_1 = arith.constant 0 : i32
    return %c0_i32, %c0_i32_0 : i32, i32
  }
  func.func @transform_3(%arg0: i32) -> (i32, i32) {
    %c0_i32 = arith.constant 0 : i32
    %c0_i32_0 = arith.constant 0 : i32
    %c0_i32_1 = arith.constant 0 : i32
    return %c0_i32, %c0_i32_0 : i32, i32
  }
  func.func @transform_4(%arg0: i32) -> (i32, i32) {
    %c0_i32 = arith.constant 0 : i32
    %c0_i32_0 = arith.constant 0 : i32
    return %arg0, %c0_i32 : i32, i32
  }
  func.func @transform_5(%arg0: i32) -> (i32, i32) {
    %c0_i32 = arith.constant 0 : i32
    %c0_i32_0 = arith.constant 0 : i32
    return %arg0, %c0_i32 : i32, i32
  }
}

module attributes {stable_mosaic.version = 14 : i64} {
  func.func @_tc_b_body(%arg0: i32, %arg1: memref<512x144xf32, #tpu.memory_space<vmem>>, %arg2: memref<512x144xf32, #tpu.memory_space<vmem>>, %arg3: memref<8x128xf32, #tpu.memory_space<vmem>>, %arg4: memref<1x128xf32, #tpu.memory_space<vmem>>, %arg5: memref<128x64xf32, #tpu.memory_space<vmem>>, %arg6: memref<64x1xf32, #tpu.memory_space<vmem>>, %arg7: memref<64x1xf32, #tpu.memory_space<vmem>>, %arg8: memref<512x80xf32, #tpu.memory_space<vmem>>, %arg9: memref<512x16xf32, #tpu.memory_space<vmem>>) attributes {dimension_semantics = [#tpu.dimension_semantics<arbitrary>], iteration_bounds = array<i64: 20>, scalar_prefetch = 0 : i64, scratch_operands = 0 : i64, tpu.core_type = #tpu.core_type<tc>, window_params = [{transform_indices = @transform_0, window_bounds = array<i64: 512, 144>}, {transform_indices = @transform_1, window_bounds = array<i64: 512, 144>}, {pipeline_mode = #tpu.pipeline_mode<synchronous>, transform_indices = @transform_2, window_bounds = array<i64: 8, 128>}, {pipeline_mode = #tpu.pipeline_mode<synchronous>, transform_indices = @transform_3, window_bounds = array<i64: 1, 128>}, {pipeline_mode = #tpu.pipeline_mode<synchronous>, transform_indices = @transform_4, window_bounds = array<i64: 128, 64>}, {pipeline_mode = #tpu.pipeline_mode<synchronous>, transform_indices = @transform_5, window_bounds = array<i64: 64, 1>}, {pipeline_mode = #tpu.pipeline_mode<synchronous>, transform_indices = @transform_6, window_bounds = array<i64: 64, 1>}, {transform_indices = @transform_7, window_bounds = array<i64: 512, 80>}, {transform_indices = @transform_8, window_bounds = array<i64: 512, 16>}]} {
    %get3A = arith.constant 0 : index
    %get3A_0 = arith.constant 0 : index
    %get3A_1 = vector.load %arg1[%get3A, %get3A_0] : memref<512x144xf32, #tpu.memory_space<vmem>>, vector<512x144xf32>
    %get3A_2 = arith.constant 0 : index
    %get3A_3 = arith.constant 0 : index
    %get3A_4 = vector.load %arg2[%get3A_2, %get3A_3] : memref<512x144xf32, #tpu.memory_space<vmem>>, vector<512x144xf32>
    %add3A = arith.addf %get3A_1, %get3A_4 : vector<512x144xf32>
    %slice3A = vector.extract_strided_slice %add3A {offsets = [0, 0], sizes = [512, 128], strides = [1, 1]} : vector<512x144xf32> to vector<512x128xf32>
    %slice3A_5 = vector.extract_strided_slice %add3A {offsets = [0, 128], sizes = [512, 8], strides = [1, 1]} : vector<512x144xf32> to vector<512x8xf32>
    %get3A_6 = arith.constant 0 : index
    %get3A_7 = arith.constant 0 : index
    %get3A_8 = vector.load %arg3[%get3A_6, %get3A_7] : memref<8x128xf32, #tpu.memory_space<vmem>>, vector<8x128xf32>
    %dot_general3A = arith.constant dense<0.000000e+00> : vector<512x128xf32>
    %dot_general3A_9 = tpu.matmul %slice3A_5, %get3A_8, %dot_general3A {dimension_numbers = #tpu.dot_dimension_numbers<[1], [0], [0], [1], [0, 0, 1, 1], [], []>, transpose_lhs_hint = false} : vector<512x8xf32>, vector<8x128xf32>, vector<512x128xf32> -> vector<512x128xf32>
    %add3A_10 = arith.constant 1.000000e-16 : f32
    %add3A_11 = vector.broadcast %add3A_10 : f32 to vector<512x128xf32>
    %add3A_12 = arith.addf %dot_general3A_9, %add3A_11 : vector<512x128xf32>
    %div3A = arith.divf %slice3A, %add3A_12 : vector<512x128xf32>
    %get3A_13 = arith.constant 0 : index
    %get3A_14 = arith.constant 0 : index
    %get3A_15 = vector.load %arg4[%get3A_13, %get3A_14] : memref<1x128xf32, #tpu.memory_space<vmem>>, vector<1x128xf32>
    %add3A_16 = vector.broadcast %get3A_15 : vector<1x128xf32> to vector<512x128xf32>
    %add3A_17 = arith.addf %div3A, %add3A_16 : vector<512x128xf32>
    %gt3A = arith.constant 0.000000e+00 : f32
    %gt3A_18 = vector.broadcast %gt3A : f32 to vector<512x128xf32>
    %gt3A_19 = arith.cmpf ogt, %add3A_17, %gt3A_18 : vector<512x128xf32>
    %exp3A = math.exp %add3A_17 : vector<512x128xf32>
    %sub3A = arith.constant 1.000000e+00 : f32
    %sub3A_20 = vector.broadcast %sub3A : f32 to vector<512x128xf32>
    %sub3A_21 = arith.subf %exp3A, %sub3A_20 : vector<512x128xf32>
    %select_n3A = arith.select %gt3A_19, %add3A_17, %sub3A_21 : vector<512x128xi1>, vector<512x128xf32>
    %get3A_22 = arith.constant 0 : index
    %get3A_23 = arith.constant 0 : index
    %get3A_24 = vector.load %arg5[%get3A_22, %get3A_23] : memref<128x64xf32, #tpu.memory_space<vmem>>, vector<128x64xf32>
    %dot_general3A_25 = arith.constant dense<0.000000e+00> : vector<512x64xf32>
    %dot_general3A_26 = tpu.matmul %select_n3A, %get3A_24, %dot_general3A_25 {dimension_numbers = #tpu.dot_dimension_numbers<[1], [0], [0], [1], [0, 0, 1, 1], [], []>, transpose_lhs_hint = false} : vector<512x128xf32>, vector<128x64xf32>, vector<512x64xf32> -> vector<512x64xf32>
    %get3A_27 = arith.constant 0 : index
    %get3A_28 = arith.constant 0 : index
    %get3A_29 = vector.load %arg6[%get3A_27, %get3A_28] : memref<64x1xf32, #tpu.memory_space<vmem>>, vector<64x1xf32>
    %dot_general3A_30 = arith.constant dense<0.000000e+00> : vector<512x1xf32>
    %dot_general3A_31 = tpu.matmul %dot_general3A_26, %get3A_29, %dot_general3A_30 {dimension_numbers = #tpu.dot_dimension_numbers<[1], [0], [0], [1], [0, 0, 1, 1], [], []>, transpose_lhs_hint = false} : vector<512x64xf32>, vector<64x1xf32>, vector<512x1xf32> -> vector<512x1xf32>
    %get3A_32 = arith.constant 0 : index
    %get3A_33 = arith.constant 0 : index
    %get3A_34 = vector.load %arg7[%get3A_32, %get3A_33] : memref<64x1xf32, #tpu.memory_space<vmem>>, vector<64x1xf32>
    %dot_general3A_35 = arith.constant dense<0.000000e+00> : vector<512x1xf32>
    %dot_general3A_36 = tpu.matmul %dot_general3A_26, %get3A_34, %dot_general3A_35 {dimension_numbers = #tpu.dot_dimension_numbers<[1], [0], [0], [1], [0, 0, 1, 1], [], []>, transpose_lhs_hint = false} : vector<512x64xf32>, vector<64x1xf32>, vector<512x1xf32> -> vector<512x1xf32>
    %broadcast_in_dim3A = arith.constant 0.000000e+00 : f32
    %broadcast_in_dim3A_37 = vector.broadcast %broadcast_in_dim3A : f32 to vector<512x15xf32>
    %concatenate3A = tpu.concatenate %dot_general3A_26, %dot_general3A_31, %broadcast_in_dim3A_37 in 1 : vector<512x64xf32>, vector<512x1xf32>, vector<512x15xf32> -> vector<512x80xf32>
    %swap3A = arith.constant 0 : index
    %swap3A_38 = arith.constant 0 : index
    %swap3A_39 = vector.load %arg8[%swap3A, %swap3A_38] : memref<512x80xf32, #tpu.memory_space<vmem>>, vector<512x80xf32>
    tpu.vector_store %arg8[%swap3A, %swap3A_38], %concatenate3A {strides = array<i32>} : memref<512x80xf32, #tpu.memory_space<vmem>>, vector<512x80xf32>,
    %broadcast_in_dim3A_40 = arith.constant 0.000000e+00 : f32
    %broadcast_in_dim3A_41 = vector.broadcast %broadcast_in_dim3A_40 : f32 to vector<512x15xf32>
    %concatenate3A_42 = tpu.concatenate %dot_general3A_36, %broadcast_in_dim3A_41 in 1 : vector<512x1xf32>, vector<512x15xf32> -> vector<512x16xf32>
    %swap3A_43 = arith.constant 0 : index
    %swap3A_44 = arith.constant 0 : index
    %swap3A_45 = vector.load %arg9[%swap3A_43, %swap3A_44] : memref<512x16xf32, #tpu.memory_space<vmem>>, vector<512x16xf32>
    tpu.vector_store %arg9[%swap3A_43, %swap3A_44], %concatenate3A_42 {strides = array<i32>} : memref<512x16xf32, #tpu.memory_space<vmem>>, vector<512x16xf32>,
    return
  }
  func.func @transform_0(%arg0: i32) -> (i32, i32) {
    %c0_i32 = arith.constant 0 : i32
    %c0_i32_0 = arith.constant 0 : i32
    return %arg0, %c0_i32 : i32, i32
  }
  func.func @transform_1(%arg0: i32) -> (i32, i32) {
    %add3A = arith.constant 20 : i32
    %add3A_0 = arith.addi %arg0, %add3A : i32
    %c0_i32 = arith.constant 0 : i32
    %c0_i32_1 = arith.constant 0 : i32
    return %add3A_0, %c0_i32 : i32, i32
  }
  func.func @transform_2(%arg0: i32) -> (i32, i32) {
    %c0_i32 = arith.constant 0 : i32
    %c0_i32_0 = arith.constant 0 : i32
    %c0_i32_1 = arith.constant 0 : i32
    return %c0_i32, %c0_i32_0 : i32, i32
  }
  func.func @transform_3(%arg0: i32) -> (i32, i32) {
    %c0_i32 = arith.constant 0 : i32
    %c0_i32_0 = arith.constant 0 : i32
    %c0_i32_1 = arith.constant 0 : i32
    return %c0_i32, %c0_i32_0 : i32, i32
  }
  func.func @transform_4(%arg0: i32) -> (i32, i32) {
    %c0_i32 = arith.constant 0 : i32
    %c0_i32_0 = arith.constant 0 : i32
    %c0_i32_1 = arith.constant 0 : i32
    return %c0_i32, %c0_i32_0 : i32, i32
  }
  func.func @transform_5(%arg0: i32) -> (i32, i32) {
    %c0_i32 = arith.constant 0 : i32
    %c0_i32_0 = arith.constant 0 : i32
    %c0_i32_1 = arith.constant 0 : i32
    return %c0_i32, %c0_i32_0 : i32, i32
  }
  func.func @transform_6(%arg0: i32) -> (i32, i32) {
    %c0_i32 = arith.constant 0 : i32
    %c0_i32_0 = arith.constant 0 : i32
    %c0_i32_1 = arith.constant 0 : i32
    return %c0_i32, %c0_i32_0 : i32, i32
  }
  func.func @transform_7(%arg0: i32) -> (i32, i32) {
    %c0_i32 = arith.constant 0 : i32
    %c0_i32_0 = arith.constant 0 : i32
    return %arg0, %c0_i32 : i32, i32
  }
  func.func @transform_8(%arg0: i32) -> (i32, i32) {
    %c0_i32 = arith.constant 0 : i32
    %c0_i32_0 = arith.constant 0 : i32
    return %arg0, %c0_i32 : i32, i32
  }
}

module attributes {stable_mosaic.version = 14 : i64} {
  func.func @_tc_c_body(%arg0: i32, %arg1: memref<1x400x80xf32, #tpu.memory_space<vmem>>, %arg2: memref<1x400x80xf32, #tpu.memory_space<vmem>>, %arg3: memref<1x64xf32, #tpu.memory_space<vmem>>, %arg4: memref<400x64xf32, #tpu.memory_space<vmem>>) attributes {dimension_semantics = [#tpu.dimension_semantics<arbitrary>], iteration_bounds = array<i64: 25>, scalar_prefetch = 0 : i64, scratch_operands = 0 : i64, tpu.core_type = #tpu.core_type<tc>, window_params = [{transform_indices = @transform_0, window_bounds = array<i64: 1, 400, 80>}, {transform_indices = @transform_1, window_bounds = array<i64: 1, 400, 80>}, {pipeline_mode = #tpu.pipeline_mode<synchronous>, transform_indices = @transform_2, window_bounds = array<i64: 1, 64>}, {transform_indices = @transform_3, window_bounds = array<i64: 400, 64>}]} {
    %get3A = arith.constant 0 : index
    %get3A_0 = arith.constant 0 : index
    %get3A_1 = arith.constant 0 : index
    %get3A_2 = vector.load %arg1[%get3A, %get3A_0, %get3A_1] : memref<1x400x80xf32, #tpu.memory_space<vmem>>, vector<1x400x80xf32>
    %get3A_3 = vector.shape_cast %get3A_2 : vector<1x400x80xf32> to vector<400x80xf32>
    %get3A_4 = arith.constant 0 : index
    %get3A_5 = arith.constant 0 : index
    %get3A_6 = arith.constant 0 : index
    %get3A_7 = vector.load %arg2[%get3A_4, %get3A_5, %get3A_6] : memref<1x400x80xf32, #tpu.memory_space<vmem>>, vector<1x400x80xf32>
    %get3A_8 = vector.shape_cast %get3A_7 : vector<1x400x80xf32> to vector<400x80xf32>
    %add3A = arith.addf %get3A_3, %get3A_8 : vector<400x80xf32>
    %slice3A = vector.extract_strided_slice %add3A {offsets = [0, 0], sizes = [400, 64], strides = [1, 1]} : vector<400x80xf32> to vector<400x64xf32>
    %slice3A_9 = vector.extract_strided_slice %add3A {offsets = [0, 64], sizes = [400, 1], strides = [1, 1]} : vector<400x80xf32> to vector<400x1xf32>
    %add3A_10 = arith.constant 1.000000e-16 : f32
    %add3A_11 = vector.broadcast %add3A_10 : f32 to vector<400x1xf32>
    %add3A_12 = arith.addf %slice3A_9, %add3A_11 : vector<400x1xf32>
    %div3A = vector.broadcast %add3A_12 : vector<400x1xf32> to vector<400x64xf32>
    %div3A_13 = arith.divf %slice3A, %div3A : vector<400x64xf32>
    %get3A_14 = arith.constant 0 : index
    %get3A_15 = arith.constant 0 : index
    %get3A_16 = vector.load %arg3[%get3A_14, %get3A_15] : memref<1x64xf32, #tpu.memory_space<vmem>>, vector<1x64xf32>
    %add3A_17 = vector.broadcast %get3A_16 : vector<1x64xf32> to vector<400x64xf32>
    %add3A_18 = arith.addf %div3A_13, %add3A_17 : vector<400x64xf32>
    %swap3A = arith.constant 0 : index
    %swap3A_19 = arith.constant 0 : index
    %swap3A_20 = vector.load %arg4[%swap3A, %swap3A_19] : memref<400x64xf32, #tpu.memory_space<vmem>>, vector<400x64xf32>
    tpu.vector_store %arg4[%swap3A, %swap3A_19], %add3A_18 {strides = array<i32>} : memref<400x64xf32, #tpu.memory_space<vmem>>, vector<400x64xf32>,
    return
  }
  func.func @transform_0(%arg0: i32) -> (i32, i32, i32) {
    %c0_i32 = arith.constant 0 : i32
    %c0_i32_0 = arith.constant 0 : i32
    %c0_i32_1 = arith.constant 0 : i32
    return %c0_i32, %arg0, %c0_i32_0 : i32, i32, i32
  }
  func.func @transform_1(%arg0: i32) -> (i32, i32, i32) {
    %c1_i32 = arith.constant 1 : i32
    %c0_i32 = arith.constant 0 : i32
    %c0_i32_0 = arith.constant 0 : i32
    return %c1_i32, %arg0, %c0_i32 : i32, i32, i32
  }
  func.func @transform_2(%arg0: i32) -> (i32, i32) {
    %c0_i32 = arith.constant 0 : i32
    %c0_i32_0 = arith.constant 0 : i32
    %c0_i32_1 = arith.constant 0 : i32
    return %c0_i32, %c0_i32_0 : i32, i32
  }
  func.func @transform_3(%arg0: i32) -> (i32, i32) {
    %c0_i32 = arith.constant 0 : i32
    %c0_i32_0 = arith.constant 0 : i32
    return %arg0, %c0_i32 : i32, i32
  }
}

</mosaic_0001>

<sc_bundles>
// kernel: kernel.10.cloned.1.call-start
scs
__scs_entry_jumppad:
0x0: {  	(pc) =	sbr.rel $0x88, $3  }
0x1: {  	(tag) =	ssettag $0x0;
	lr =	simm.s32 $0x1  }
0x2: {  	[smem:$0x3F97] =	sst lr;
	_ =	strace $0xD0000000  }
0x3: {  	_ = 	snop  }
0x4: {  	_ = 	snop  }
0x5: {  	_ = 	snop  }
0x6: {  	_ = 	snop  }
0x7: {  	_ = 	snop  }
__scs_overlays_trampoline_lowered:
0x8: {  	[smem:$0x3FA6] =	sst s0  }
0x9: {  	[smem:$0x3FA7] =	sst s1  }
0xa: {  	[smem:$0x3FA8] =	sst s2  }
0xb: {  	[smem:$0x3FA9] =	sst s3  }
0xc: {  	[smem:$0x3FAA] =	sst s4  }
0xd: {  	[smem:$0x3FAB] =	sst s5  }
0xe: {  	[smem:$0x3FAC] =	sst s6  }
0xf: {  	[smem:$0x3FAD] =	sst s7  }
0x10: {  	[smem:$0x3FAE] =	sst s8  }
0x11: {  	[smem:$0x3FAF] =	sst s9;
	s0 =	simm.s32 @!p0 $0x0  }
0x12: {  	s1 =	sld [smem:$0x3F95];
	s0 =	simm.s32 @p0 $0x1  }
0x13: {  	[smem:$0x3FB0] =	sst s0;
	s0 =	simm.s32 @!p1 $0x0  }
0x14: {  	s2 =	sld [smem:$0x3F94];
	s0 =	simm.s32 @p1 $0x1  }
0x15: {  	[smem:$0x3FB1] =	sst s0;
	s0 =	simm.s32 @!p2 $0x0  }
0x16: {  	s3 =	sld [smem:$0x3FDB];
	s0 =	simm.s32 @p2 $0x1  }
0x17: {  	s4 =	simm.s32 $0x1BF5;
	[smem:$0x3FB3] =	sst s0  }
0x18: {  	s0 =	sld [smem:$0x3F96];
	_ =	swait.ge [sflag:s4], $0x0  }
0x19: {  	s7 =	sld [smem:$0x3F97]  }
0x1a: {  	s8 =	sadd.s32 $0xFFFFE003, lr  }
0x1b: {  	s9 =	sadd.s32 $0xFFFFFEF7, lr;
	s5 =	simm.s32 $0xFFFFFFFF;
	p2 =	slt.u32 s8, $0xFFFFF086  }
0x1c: {  	p1 =	slt.u32 s9, $0xF7A;
	s5 =	simm.s32 @!p2 $0x0  }
0x1d: {  	s5 =	simm.s32 @p1 $0x1;
	p0 =	seq.s32 s7, s2  }
0x1e: {  	s7 =	smul.u32 @!p0 $0xF7A, s2;
	p2 =	seq.s32 @!p0 s5, $0x0  }
0x1f: {  	s9 =	smul.u32 $0xF7A, s1;
	s8 =	simm.s32 @!p0 $0x1BF5;
	p2 =	por !p2, p0  }
0x20: {  	[sflag:s8] =	ssyncset.s32 @!p0 $0xFFFFF086;
	s6 =	sadd.s32 @!p0 s3, s7;
	s7 =	simm.s32 @!p0 $0x108  }
0x21: {  	s3 =	sadd.s32 s3, s9;
	s6 =	sadd.s32 @!p0 $0x88, s6;
	s7 =	simm.s32 @p2 $0x1082  }
0x22: {  	[simem:s7], [sflag:s8] =	dma.local @!p0 [hbm:s6], $0xF7A  }
0x23: {  	s9 =	sor.u32 $0xD0000000, s2;
	s6 =	simm.s32 $0x108;
	_ =	swait.ge @!p0 [sflag:s8], $0x0  }
0x24: {  	s3 =	sadd.s32 $0x88, s3;
	s6 =	simm.s32 @!p1 $0x1082;
	[sflag:s4] =	ssyncset.s32 $0xFFFFF086  }
0x25: {  	[simem:s6], [sflag:s4] =	dma.local [hbm:s3], $0xF7A  }
0x26: {  	[smem:$0x3F97] =	sst s1;
	(tag) =	ssettag s2;
	_ =	strace s9  }
0x27: {  	s1 =	sld [smem:$0x3FA7]  }
0x28: {  	s2 =	sld [smem:$0x3FA8]  }
0x29: {  	s4 =	sld [smem:$0x3FAA]  }
0x2a: {  	p0 =	seq.s32 s5, $0x0;
	s5 =	sld [smem:$0x3FAB]  }
0x2b: {  	s6 =	sld [smem:$0x3FAC]  }
0x2c: {  	s7 =	sld [smem:$0x3FAD]  }
0x2d: {  	s3 =	simm.s32 $0x108;
	s8 =	sld [smem:$0x3FAE]  }
0x2e: {  	s3 =	simm.s32 @!p0 $0x1082;
	s9 =	sld [smem:$0x3FAF]  }
0x2f: {  	lr =	sadd.s32 s0, s3;
	s0 =	sld [smem:$0x3FA6]  }
0x30: {  	s3 =	sld [smem:$0x3FA9]  }
0x31: {  	[smem:$0x3FB2] =	sst s10  }
0x32: {  	s10 =	sld [smem:$0x3FB0];
	_ =	sdelay $0x3  }
0x33: {  	p0 =	seq.s32 s10, $0x1;
	s10 =	sld [smem:$0x3FB2];
	_ =	sdelay $0x3  }
0x34: {  	[smem:$0x3FB2] =	sst s10  }
0x35: {  	s10 =	sld [smem:$0x3FB1];
	_ =	sdelay $0x3  }
0x36: {  	p1 =	seq.s32 s10, $0x1;
	s10 =	sld [smem:$0x3FB2];
	_ =	sdelay $0x3  }
0x37: {  	[smem:$0x3FB2] =	sst s10  }
0x38: {  	s10 =	sld [smem:$0x3FB3]  }
0x39: {  	_ = 	snop;
	(pc) =	sbr.ind lr, $3  }
0x3a: {  	_ = 	snop  }
0x3b: {  	_ = 	snop  }
0x3c: {  	p2 =	seq.s32 s10, $0x1;
	s10 =	sld [smem:$0x3FB2]  }
0x3d: {  	_ =	shalt  }
0x3e: {  	_ =	shalt  }
0x3f: {  	_ =	shalt  }
0x40: {  	_ =	shalt  }
0x41: {  	_ =	shalt  }
0x42: {  	_ =	shalt  }
0x43: {  	_ =	shalt  }
0x44: {  	_ =	shalt  }
0x45: {  	_ =	shalt  }
0x46: {  	_ =	shalt  }
0x47: {  	_ =	shalt  }
0x48: {  	_ =	shalt  }
0x49: {  	_ =	shalt  }
0x4a: {  	_ =	shalt  }
0x4b: {  	_ =	shalt  }
0x4c: {  	_ =	shalt  }
0x4d: {  	_ =	shalt  }
0x4e: {  	_ =	shalt  }
0x4f: {  	_ =	shalt  }
0x50: {  	_ =	shalt  }
0x51: {  	_ =	shalt  }
0x52: {  	_ =	shalt  }
0x53: {  	_ =	shalt  }
0x54: {  	_ =	shalt  }
0x55: {  	_ =	shalt  }
0x56: {  	_ =	shalt  }
0x57: {  	_ =	shalt  }
0x58: {  	_ =	shalt  }
0x59: {  	_ =	shalt  }
0x5a: {  	_ =	shalt  }
0x5b: {  	_ =	shalt  }
0x5c: {  	_ =	shalt  }
0x5d: {  	_ =	shalt  }
0x5e: {  	_ =	shalt  }
0x5f: {  	_ =	shalt  }
0x60: {  	_ =	shalt  }
0x61: {  	_ =	shalt  }
0x62: {  	_ =	shalt  }
0x63: {  	_ =	shalt  }
0x64: {  	_ =	shalt  }
0x65: {  	_ =	shalt  }
0x66: {  	_ =	shalt  }
0x67: {  	_ =	shalt  }
0x68: {  	_ =	shalt  }
0x69: {  	_ =	shalt  }
0x6a: {  	_ =	shalt  }
0x6b: {  	_ =	shalt  }
0x6c: {  	_ =	shalt  }
0x6d: {  	_ =	shalt  }
0x6e: {  	_ =	shalt  }
0x6f: {  	_ =	shalt  }
0x70: {  	_ =	shalt  }
0x71: {  	_ =	shalt  }
0x72: {  	_ =	shalt  }
0x73: {  	_ =	shalt  }
0x74: {  	_ =	shalt  }
0x75: {  	_ =	shalt  }
0x76: {  	_ =	shalt  }
0x77: {  	_ =	shalt  }
0x78: {  	_ =	shalt  }
0x79: {  	_ =	shalt  }
0x7a: {  	_ =	shalt  }
0x7b: {  	_ =	shalt  }
0x7c: {  	_ =	shalt  }
0x7d: {  	_ =	shalt  }
0x7e: {  	_ =	shalt  }
0x7f: {  	_ =	shalt  }
0x80: {  	_ =	shalt  }
0x81: {  	_ =	shalt  }
0x82: {  	_ =	shalt  }
0x83: {  	_ =	shalt  }
0x84: {  	_ =	shalt  }
0x85: {  	_ =	shalt  }
0x86: {  	_ =	shalt  }
0x87: {  	_ =	shalt  }
.Lfunc_end0:
.L_simem_size_0:
called_computation.1_lowered:
.L_overlay_start_0:
0x88: {  	s2 =	sld [smem:$0x3FD9]  }
0x89: {  	s3 =	sld [smem:$0x3FFE];
	_ =	sdelay $0x1  }
0x8a: {  	s1 =	srdreg.scid  }
0x8b: {  	s0 =	sand.u32 $0x1, s1  }
0x8c: {  	s17 =	sshll.u32 s0, $0xA;
	s2 =	sadd.s32 s3, s2  }
0x8d: {  	s2 =	sadd.s32 s2, s17  }
0x8e: {  	[smem:$0x3FBE] =	sst s2  }
0x8f: {  	_ = 	snop  }
0x90: {  	s2 =	sld [smem:$0x3FD0];
	(tm) =	ssettm $0x1  }
0x91: {  	s18 =	sld [smem:$0x3FFB];
	_ =	sdelay $0x3  }
0x92: {  	_ =	strace s18  }
0x93: {  	s3 =	sld [smem:$0x3FFC];
	_ =	sdelay $0x3  }
0x94: {  	_ =	strace s3  }
0x95: {  	s3 =	sld [smem:$0x3FFD];
	_ =	sdelay $0x3  }
0x96: {  	_ =	strace s3  }
0x97: {  	_ =	strace $0x8FFFFFFF  }
0x98: {  	s19 =	sld [smem:$0x3FDB];
	_ =	sdelay $0x1  }
0x99: {  	s4 =	simm.s32 $_scs_section_size  }
0x9a: {  	s5 =	simm.s32 $_size__tile_overlayer_lowered;
	s6 =	simm.s32 $_tile_overlayer_lowered  }
0x9b: {  	s22 =	simm.s32 $0x1BFF;
	s21 =	sshll.u32 s6, $0x1;
	s3 =	sadd.s32 s4, s19  }
0x9c: {  	s7 =	simm.s32 $0x0;
	s20 =	sshll.u32 s5, $0x1;
	s5 =	sadd.s32 s21, s3  }
0x9d: {  	[timem:s7], [sflag:s22] =	dma.local [hbm:s5], s20  }
0x9e: {  	_ =	swait.ge [sflag:s22], s20  }
0x9f: {  	s4 =	ssub.s32 $0x0, s20;
	[sflag:s22] =	ssyncset.done $0x0  }
0xa0: {  	[sflag:s22] =	ssyncadd.s32 s4;
	_ =	sdelay $0x1  }
0xa1: {  	s23 =	simm.s32 $0x1B8B  }
0xa2: {  	_ =	swait.ge [sflag:s23], $0x1  }
0xa3: {  	[sflag:s23] =	ssyncset.done $0x0  }
0xa4: {  	s25 =	simm.s32 $0x1B8E;
	s24 =	sld [smem:$0x3FFE];
	[sflag:s23] =	ssyncadd.s32 $0xFFFFFFFF  }
0xa5: {  	s26 =	simm.s32 $execute0_lowered;
	[smem:$0x3FD2] =	sst s25  }
0xa6: {  	s5 =	sshll.u32 s26, $0x1;
	_ =	strace $0x80000049;
	[dreg:$0x1] =	wrdreg $0xFFFFFFFF  }
0xa7: {  	s28 =	simm.s32 $_size_execute0_lowered;
	s3 =	sadd.s32 s3, s5;
	[dreg:$0x0] =	wrdreg $0x0  }
0xa8: {  	s5 =	sshll.u32 s28, $0x1;
	[dreg:$0x2] =	wrdreg s3  }
0xa9: {  	[dreg:$0x3] =	wrdreg s5  }
0xaa: {  	[dreg:$0x4] =	wrdreg $0xC0  }
0xab: {  	_ =	task [dreg:s7], $0x5FFFF  }
0xac: {  	[dreg:$0x1] =	wrdreg $0xFFFFFFFF  }
0xad: {  	[dreg:$0x0] =	wrdreg $0x60  }
0xae: {  	[dreg:$0x2] =	wrdreg s24  }
0xaf: {  	[dreg:$0x3] =	wrdreg s2  }
0xb0: {  	[dreg:$0x4] =	wrdreg $0x4E400  }
0xb1: {  	[dreg:$0x5] =	wrdreg $0x9  }
0xb2: {  	_ =	task.clear_ibuf [dreg:s7], $0x6FFFF;
	_ =	strace $0x90000049  }
0xb3: {  	s29 =	simm.s32 $0x9;
	_ =	strace $0x8000004B  }
0xb4: {  	_ =	swait.ge [sflag:s29], $0x1  }
0xb5: {  	[sflag:s29] =	ssyncadd.s32 $0xFFFFFFFF  }
0xb6: {  	_ =	strace $0x9000004B  }
0xb7: {  	_ =	sfence  }
0xb8: {  	s30 =	sld [smem:$0x0];
	_ =	sdelay $0x2  }
0xb9: {  	s31 =	sshll.u32 s1, $0xD;
	s1 =	sshrl.u32 s1, $0x2  }
0xba: {  	s3 =	sand.u32 $0x4000, s31;
	s1 =	sadd.s32 s1, s30  }
0xbb: {  	s0 =	sor.u32 s3, s0;
	s1 =	sshll.u32 s1, $0x11  }
0xbc: {  	s0 =	sor.u32 s1, s0  }
0xbd: {  	s0 =	sadd.s32 $0x8F2B, s0  }
0xbe: {  	[sflag:s0] =	ssyncadd.remote.s32 $0x1  }
0xbf: {  	_ =	sfence.sel $0xFFFF  }
0xc0: {  	[dreg:$0x0] =	wrdreg $0xFFFFFFFF;
	(pc) =	sbr.abs _section_cstart, $3  }
0xc1: {  	[dreg:$0x1] =	wrdreg $0xFFFFFFFF  }
0xc2: {  	_ =	task.clear_ibuf [dreg:s7], $0x2FFFF;
	_ =	strace $0x9FFFFFFF  }
0xc3: {  	(tm) =	ssettm $0x7FFFFFFF  }
tec
execute0_lowered:
.L_overlay_start_1:
0x0: {  	(tag) =	ssettag $0x1  }
0x1: {  	s0 =	rddreg [dreg:$0x0]  }
0x2: {  	s1 =	rddreg [dreg:$0x1]  }
0x3: {  	s2 =	rddreg [dreg:$0x2]  }
0x4: {  	s3 =	simm.s32 $0x0;
	s11 =	srdreg.scid;
	s12 =	stileid.u32  }
0x5: {  	s28 =	simm.s32 $0x64;
	s29 =	simm.s32 $0x340;
	s31 =	simm.s32 $0x8  }
0x6: {  	s30 =	simm.s32 $0xE;
	[smem:$0x7FF] =	sst s3;
	s5 =	sadd.s32 $0x1800, s0  }
0x7: {  	s3 =	sand.u32 $0x1, s11;
	s4 =	smul.u32 $0x1900, s12;
	s6 =	sadd.s32 $0x1A800, s0  }
0x8: {  	s7 =	sadd.s32 $0x32800, s0;
	s9 =	sadd.s32 $0x1F800, s0;
	s13 =	sshll.u32 s12, $0x1  }
0x9: {  	s10 =	smul.u32 $0x32000, s12;
	s18 =	sshll.u32 s12, $0x6;
	s12 =	simm.s32 $0x1  }
0xa: {  	s8 =	smul.u32 $0x19000, s3;
	s14 =	ssub.s32 $0x2, s3;
	s3 =	sor.u32 s3, s13  }
0xb: {  	_ =	strace $0x8000004A;
	[dreg:$0x4] =	wrdreg s9;
	s11 =	smul.u32 $0x28A0, s3  }
0xc: {  	s13 =	simm.s32 $0x3;
	s15 =	sshrl.u32 s14, $0x1;
	s19 =	smul.u32 $0x514, s3  }
0xd: {  	s10 =	sshrl.u32 s10, $0x2;
	s3 =	smul.u32 $0x64, s3;
	s4 =	sadd.s32 s4, s8  }
0xe: {  	s16 =	ssub.s32 s14, s15;
	s17 =	sadd.s32 s10, s2;
	s15 =	sor.u32 $0x1C0F, s18  }
0xf: {  	s8 =	simm.s32 $0x4800;
	s18 =	simm.s32 $0x5;
	s0 =	sadd.s32 s4, s0  }
0x10: {  	s11 =	sadd.s32 $0x68, s11;
	s21 =	sadd.s32 s1, s19;
	[dreg:$0x5] =	wrdreg s15  }
0x11: {  	s10 =	sadd.s32 s7, s19;
	s23 =	sor.u32 $0x2, s3;
	[dreg:$0x6] =	wrdreg s21  }
0x12: {  	s24 =	sor.u32 $0x3, s3;
	s25 =	sadd.s32 $0x4, s3;
	[dreg:$0x7] =	wrdreg s10  }
0x13: {  	s3 =	sadd.s32 $0x5, s3;
	s26 =	smax.u32 s16, $0x1;
	[dreg:$0xa] =	wrdreg s23  }
0x14: {  	s16 =	sshrl.u32 s17, $0x3;
	s17 =	simm.s32 $0xF;
	[dreg:$0xb] =	wrdreg s24  }
0x15: {  	s19 =	simm.s32 $0x9;
	s4 =	simm.s32 $0x4;
	[dreg:$0xc] =	wrdreg s25  }
0x16: {  	s20 =	sshrl.u32 s11, $0x3;
	[dreg:$0xd] =	wrdreg s3;
	s0 =	sadd.s32 $0x3CC00, s0  }
0x17: {  	[dreg:$0xf] =	wrdreg s26;
	s3 =	simm.s32 $0x2280;
	s10 =	simm.s32 $0xD0  }
0x18: {  	s11 =	simm.s32 $0x270;
	s25 =	simm.s32 $0xD;
	s26 =	simm.s32 $0x138  }
0x19: {  	s21 =	simm.s32 $0x6;
	s23 =	simm.s32 $0xA;
	[dreg:$0x10] =	wrdreg s16  }
0x1a: {  	s22 =	sadd.s32 s1, s20;
	s9 =	sadd.s32 s7, s20;
	[dreg:$0xe] =	wrdreg s0  }
0x1b: {  	s0 =	simm.s32 $0xC;
	s20 =	simm.s32 $0x2;
	[dreg:$0x8] =	wrdreg s22  }
0x1c: {  	v0 =	vimm.s32 $0x0;
	[dreg:$0x9] =	wrdreg s9;
	s9 =	simm.s32 $0x2D8;
	s22 =	simm.s32 $0x0  }
.LBB2_1:
0x1d: {  	[dreg:$0x11] =	wrdreg s22  }
0x1e: {  	s14 =	rddreg [dreg:$0x4]  }
0x1f: {  	[spmem:s16], [sflag:s15] =	dma.local [hbm:s14], $0x1900  }
0x20: {  	_ =	swait.ge [sflag:s17], $0x1900  }
0x21: {  	[sflag:s17] =	ssyncset.done $0x0  }
0x22: {  	[sflag:s17] =	ssyncadd.s32 $0xFFFFE700  }
0x23: {  	[bflag:$0x0] =	sbarrier.arrive $0xFFFF  }
0x24: {  	s14 =	simm.s32 $0x0;
	s16 =	rddreg [dreg:$0x6]  }
0x25: {  	[tilespmem:s14], [sflag:$0x7] =	stream.linear.gather [hbm4b:s16+s14], $0x68, $0x38;
	[tilespmem:$0x11640] =	vst v63  }
0x26: {  	s17 =	rddreg [dreg:$0x7];
	s16 =	simm.s32 $0x1A0  }
0x27: {  	[tilespmem:s16], [sflag:$0xB] =	stream.linear.gather [hbm4b:s17+s14], $0x68, $0x38;
	[tilespmem:$0x11640] =	vst v63  }
0x28: {  	s24 =	simm.s32 $0x68;
	s22 =	rddreg [dreg:$0x8]  }
0x29: {  	[tilespmem:s24], [sflag:$0x8] =	stream.linear.gather [hbm4b:s22+s14], $0x68, $0x38;
	[tilespmem:$0x11640] =	vst v63  }
0x2a: {  	s17 =	simm.s32 $0x7;
	s22 =	rddreg [dreg:$0x9];
	s24 =	simm.s32 $0x208  }
0x2b: {  	[tilespmem:s24], [sflag:$0xC] =	stream.linear.gather [hbm4b:s22+s14], $0x68, $0x38;
	[tilespmem:$0x11640] =	vst v63  }
0x2c: {  	_ =	swait.ge [sflag:s17], $0x68  }
0x2d: {  	[sflag:s17] =	ssyncset.done $0x0  }
0x2e: {  	s22 =	simm.s32 $0xB;
	[sflag:s17] =	ssyncadd.s32 $0xFFFFFF98  }
0x2f: {  	_ =	swait.ge [sflag:s22], $0x68  }
0x30: {  	[sflag:s22] =	ssyncset.done $0x0  }
0x31: {  	[sflag:s22] =	ssyncadd.s32 $0xFFFFFF98  }
0x32: {  	[tilespmem:s29], [sflag:$0x1] =	stream.indirect.gather [hbm4b:s5+s28], $0x50, s14, s28, $0xb8;
	[tilespmem:$0x11640] =	vst v63  }
0x33: {  	s24 =	simm.s32 $0x41C0;
	s22 =	simm.s32 $0x0  }
0x34: {  	[tilespmem:s24], [sflag:$0x3] =	stream.indirect.gather [hbm4b:s6+s28], $0x10, s16, s28, $0xb8;
	[tilespmem:$0x11640] =	vst v63  }
.LBB2_2:
0x35: {  	p0 =	seq.s32 s22, $0x0  }
0x36: {  	s14 =	simm.s32 @!p0 $0x6  }
0x37: {  	_ =	swait.ge @!p0 [sflag:s14], $0x1F40  }
0x38: {  	[sflag:s14] =	ssyncset.done @!p0 $0x0  }
0x39: {  	[sflag:s14] =	ssyncadd.s32 @!p0 $0xFFFFE0C0  }
0x3a: {  	_ =	swait.ge [sflag:s31], $0x68  }
0x3b: {  	[sflag:s31] =	ssyncset.done $0x0  }
0x3c: {  	[sflag:s31] =	ssyncadd.s32 $0xFFFFFF98  }
0x3d: {  	_ =	swait.ge [sflag:s0], $0x68  }
0x3e: {  	s15 =	simm.s32 $0x68;
	[sflag:s0] =	ssyncset.done $0x0  }
0x3f: {  	s14 =	sshll.u32 s22, $0x2;
	s17 =	rddreg [dreg:$0xa];
	[sflag:s0] =	ssyncadd.s32 $0xFFFFFF98  }
0x40: {  	[tilespmem:s3], [sflag:$0x2] =	stream.indirect.gather [hbm4b:s5+s28], $0x50, s15, s28, $0xb8;
	[tilespmem:$0x11640] =	vst v63  }
0x41: {  	s15 =	sadd.s32 s14, s17  }
0x42: {  	s16 =	simm.s32 $0x208;
	s15 =	smul.u32 $0xD, s15  }
0x43: {  	[tilespmem:s8], [sflag:$0x4] =	stream.indirect.gather [hbm4b:s6+s28], $0x10, s16, s28, $0xb8;
	[tilespmem:$0x11640] =	vst v63  }
0x44: {  	s17 =	simm.s32 $0x0;
	s24 =	sadd.s32 s1, s15  }
0x45: {  	[tilespmem:s10], [sflag:$0x9] =	stream.linear.gather [hbm4b:s24+s17], $0x68, $0x38;
	[tilespmem:$0x11640] =	vst v63  }
0x46: {  	s15 =	sadd.s32 s7, s15  }
0x47: {  	[tilespmem:s11], [sflag:$0xD] =	stream.linear.gather [hbm4b:s15+s17], $0x68, $0x38;
	[tilespmem:$0x11640] =	vst v63  }
0x48: {  	_ =	swait.ge [sflag:s12], $0x1F40  }
0x49: {  	[sflag:s12] =	ssyncset.done $0x0  }
0x4a: {  	[sflag:s12] =	ssyncadd.s32 $0xFFFFE0C0  }
0x4b: {  	_ =	swait.ge [sflag:s13], $0x640  }
0x4c: {  	[sflag:s13] =	ssyncset.done $0x0  }
0x4d: {  	s15 =	simm.s32 $0x360;
	[sflag:s13] =	ssyncadd.s32 $0xFFFFF9C0  }
0x4e: {  	s16 =	simm.s32 $0x360;
	s24 =	simm.s32 $0x0;
	s17 =	simm.s32 $0x40;
	v1 =	vld [tilespmem:s15+$0x20]  }
.LBB2_3:
0x4f: {  	p0 =	sne.s32 s17, $0x18C0;
	v2 =	vld [tilespmem:s24+$0x41C0];
	_ =	sdelay $0x4  }
0x50: {  	v1 =	vadd.f32 v2, v1;
	_ =	sdelay $0x1  }
0x51: {  	v2 =	vmul.f32 $2.000000030e-01, v1;
	_ =	sdelay $0x1  }
0x52: {  	v1 =	vmax.f32 v1, v2  }
0x53: {  	v1 =	vmul.f32 $1.442695020e+00, v1;
	_ =	sdelay $0x1  }
0x54: {  	(erf) = vpow2.f32 v1;
	_ =	sdelay $0x4  }
0x55: {  	v1 =	vld [tilespmem:s15+$0xFFFFFFF0]  }
0x56: {  	v2 =	vld [tilespmem:s15+$0x10]  }
0x57: {  	v3 =	vld [tilespmem:s15+$0xFFFFFFE0]  }
0x58: {  	v4 =	vld [tilespmem:s15+$0x0]  }
0x59: {  	v5 =	vpop (erf)  }
0x5a: {  	[tilespmem:s15+$0x20] =	vst v5;
	v5 =	vperm.xlane v5, v0;
	_ =	sdelay $0x1  }
0x5b: {  	v3 =	vmul.f32 v3, v5;
	v1 =	vmul.f32 v1, v5  }
.Ltmp0:
0x5c: {  	v2 =	vmul.f32 v2, v5;
	v4 =	vmul.f32 v4, v5;
	(pc) =	sbr.rel @p0 .LBB2_3-.Ltmp0, $4  }
0x5d: {  	[tilespmem:s15+$0xFFFFFFE0] =	vst v3  }
0x5e: {  	[tilespmem:s15+$0xFFFFFFF0] =	vst v1  }
0x5f: {  	s15 =	sadd.s32 $0x50, s15;
	[tilespmem:s16+$0x0] =	vst v4  }
0x60: {  	s24 =	sshra.s32 s17, $0x2;
	s17 =	sadd.s32 $0x40, s17;
	v1 =	vld [tilespmem:s15+$0x20];
	[tilespmem:s16+$0x10] =	vst v2;
	s16 =	smov.u32 s15  }
0x61: {  	v2 =	vld [tilespmem:s24+$0x41C0];
	_ =	sdelay $0x4  }
0x62: {  	v1 =	vadd.f32 v2, v1;
	_ =	sdelay $0x1  }
0x63: {  	v2 =	vmul.f32 $2.000000030e-01, v1;
	_ =	sdelay $0x1  }
0x64: {  	v1 =	vmax.f32 v1, v2  }
0x65: {  	v1 =	vmul.f32 $1.442695020e+00, v1;
	_ =	sdelay $0x1  }
0x66: {  	(erf) = vpow2.f32 v1;
	_ =	sdelay $0x6  }
0x67: {  	v1 =	vld [tilespmem:s15+$0xFFFFFFE0]  }
0x68: {  	v2 =	vld [tilespmem:s15+$0xFFFFFFF0]  }
0x69: {  	v3 =	vld [tilespmem:s15+$0x0];
	v4 =	vpop (erf)  }
0x6a: {  	v5 =	vld [tilespmem:s15+$0x10];
	v6 =	vperm.xlane v4, v0;
	_ =	sdelay $0x1  }
0x6b: {  	v1 =	vmul.f32 v1, v6  }
0x6c: {  	[tilespmem:s15+$0x20] =	vst v4;
	v2 =	vmul.f32 v2, v6  }
0x6d: {  	v3 =	vmul.f32 v3, v6;
	[tilespmem:s15+$0xFFFFFFE0] =	vst v1  }
0x6e: {  	v1 =	vmul.f32 v5, v6;
	[tilespmem:s15+$0xFFFFFFF0] =	vst v2  }
0x6f: {  	[tilespmem:s16+$0x0] =	vst v3  }
0x70: {  	s24 =	simm.s32 $0x1A0;
	[tilespmem:s16+$0x10] =	vst v1  }
0x71: {  	[spmem:s2] =	stream.indirect.scatter.add.f32 [tilespmem:s29], [sflag:$0x5], $0x50, s24, s28, $0xb8;
	[tilespmem:$0x11640] =	vst v63  }
0x72: {  	_ =	swait.ge [sflag:s18], $0x1F40  }
0x73: {  	[sflag:s18] =	ssyncset.done $0x0  }
0x74: {  	[sflag:s18] =	ssyncadd.s32 $0xFFFFE0C0  }
0x75: {  	_ =	swait.ge [sflag:s19], $0x68  }
0x76: {  	[sflag:s19] =	ssyncset.done $0x0  }
0x77: {  	[sflag:s19] =	ssyncadd.s32 $0xFFFFFF98  }
0x78: {  	_ =	swait.ge [sflag:s25], $0x68  }
0x79: {  	[sflag:s25] =	ssyncset.done $0x0;
	s16 =	rddreg [dreg:$0xb]  }
0x7a: {  	[sflag:s25] =	ssyncadd.s32 $0xFFFFFF98;
	s15 =	sadd.s32 s14, s16  }
0x7b: {  	[tilespmem:s29], [sflag:$0x1] =	stream.indirect.gather [hbm4b:s5+s28], $0x50, s10, s28, $0xb8;
	[tilespmem:$0x11640] =	vst v63  }
0x7c: {  	s17 =	simm.s32 $0x41C0;
	s15 =	smul.u32 $0xD, s15  }
0x7d: {  	[tilespmem:s17], [sflag:$0x3] =	stream.indirect.gather [hbm4b:s6+s28], $0x10, s11, s28, $0xb8;
	[tilespmem:$0x11640] =	vst v63  }
0x7e: {  	s24 =	sadd.s32 s1, s15;
	s17 =	simm.s32 $0x0  }
0x7f: {  	[tilespmem:s26], [sflag:$0xA] =	stream.linear.gather [hbm4b:s24+s17], $0x68, $0x38;
	[tilespmem:$0x11640] =	vst v63  }
0x80: {  	s15 =	sadd.s32 s7, s15  }
0x81: {  	[tilespmem:s9], [sflag:$0xE] =	stream.linear.gather [hbm4b:s15+s17], $0x68, $0x38;
	[tilespmem:$0x11640] =	vst v63  }
0x82: {  	_ =	swait.ge [sflag:s20], $0x1F40  }
0x83: {  	[sflag:s20] =	ssyncset.done $0x0  }
0x84: {  	[sflag:s20] =	ssyncadd.s32 $0xFFFFE0C0  }
0x85: {  	_ =	swait.ge [sflag:s4], $0x640  }
0x86: {  	[sflag:s4] =	ssyncset.done $0x0  }
0x87: {  	s15 =	simm.s32 $0x22A0;
	[sflag:s4] =	ssyncadd.s32 $0xFFFFF9C0  }
0x88: {  	s16 =	simm.s32 $0x22A0;
	s24 =	simm.s32 $0x0;
	s17 =	simm.s32 $0x40;
	v1 =	vld [tilespmem:s15+$0x20]  }
.LBB2_5:
0x89: {  	p0 =	sne.s32 s17, $0x18C0;
	v2 =	vld [tilespmem:s24+$0x4800];
	_ =	sdelay $0x4  }
0x8a: {  	v1 =	vadd.f32 v2, v1;
	_ =	sdelay $0x1  }
0x8b: {  	v2 =	vmul.f32 $2.000000030e-01, v1;
	_ =	sdelay $0x1  }
0x8c: {  	v1 =	vmax.f32 v1, v2  }
0x8d: {  	v1 =	vmul.f32 $1.442695020e+00, v1;
	_ =	sdelay $0x1  }
0x8e: {  	(erf) = vpow2.f32 v1;
	_ =	sdelay $0x4  }
0x8f: {  	v1 =	vld [tilespmem:s15+$0xFFFFFFF0]  }
0x90: {  	v2 =	vld [tilespmem:s15+$0x10]  }
0x91: {  	v3 =	vld [tilespmem:s15+$0xFFFFFFE0]  }
0x92: {  	v4 =	vld [tilespmem:s15+$0x0]  }
0x93: {  	v5 =	vpop (erf)  }
0x94: {  	[tilespmem:s15+$0x20] =	vst v5;
	v5 =	vperm.xlane v5, v0;
	_ =	sdelay $0x1  }
0x95: {  	v3 =	vmul.f32 v3, v5;
	v1 =	vmul.f32 v1, v5  }
.Ltmp1:
0x96: {  	v2 =	vmul.f32 v2, v5;
	v4 =	vmul.f32 v4, v5;
	(pc) =	sbr.rel @p0 .LBB2_5-.Ltmp1, $4  }
0x97: {  	[tilespmem:s15+$0xFFFFFFE0] =	vst v3  }
0x98: {  	[tilespmem:s15+$0xFFFFFFF0] =	vst v1  }
0x99: {  	s15 =	sadd.s32 $0x50, s15;
	[tilespmem:s16+$0x0] =	vst v4  }
0x9a: {  	s24 =	sshra.s32 s17, $0x2;
	s17 =	sadd.s32 $0x40, s17;
	v1 =	vld [tilespmem:s15+$0x20];
	[tilespmem:s16+$0x10] =	vst v2;
	s16 =	smov.u32 s15  }
0x9b: {  	v2 =	vld [tilespmem:s24+$0x4800];
	_ =	sdelay $0x4  }
0x9c: {  	v1 =	vadd.f32 v2, v1;
	_ =	sdelay $0x1  }
0x9d: {  	v2 =	vmul.f32 $2.000000030e-01, v1;
	_ =	sdelay $0x1  }
0x9e: {  	v1 =	vmax.f32 v1, v2  }
0x9f: {  	v1 =	vmul.f32 $1.442695020e+00, v1;
	_ =	sdelay $0x1  }
0xa0: {  	(erf) = vpow2.f32 v1;
	_ =	sdelay $0x6  }
0xa1: {  	v1 =	vld [tilespmem:s15+$0xFFFFFFE0]  }
0xa2: {  	v2 =	vld [tilespmem:s15+$0xFFFFFFF0]  }
0xa3: {  	v3 =	vld [tilespmem:s15+$0x0];
	v4 =	vpop (erf)  }
0xa4: {  	v5 =	vld [tilespmem:s15+$0x10];
	v6 =	vperm.xlane v4, v0;
	_ =	sdelay $0x1  }
0xa5: {  	v1 =	vmul.f32 v1, v6  }
0xa6: {  	[tilespmem:s15+$0x20] =	vst v4;
	v2 =	vmul.f32 v2, v6  }
0xa7: {  	v3 =	vmul.f32 v3, v6;
	[tilespmem:s15+$0xFFFFFFE0] =	vst v1  }
0xa8: {  	v1 =	vmul.f32 v5, v6;
	[tilespmem:s15+$0xFFFFFFF0] =	vst v2  }
0xa9: {  	[tilespmem:s16+$0x0] =	vst v3  }
0xaa: {  	s24 =	simm.s32 $0x208;
	[tilespmem:s16+$0x10] =	vst v1  }
0xab: {  	[spmem:s2] =	stream.indirect.scatter.add.f32 [tilespmem:s3], [sflag:$0x6], $0x50, s24, s28, $0xb8;
	[tilespmem:$0x11640] =	vst v63  }
0xac: {  	_ =	swait.ge [sflag:s21], $0x1F40  }
0xad: {  	[sflag:s21] =	ssyncset.done $0x0  }
0xae: {  	[sflag:s21] =	ssyncadd.s32 $0xFFFFE0C0  }
0xaf: {  	_ =	swait.ge [sflag:s23], $0x68  }
0xb0: {  	[sflag:s23] =	ssyncset.done $0x0  }
0xb1: {  	[sflag:s23] =	ssyncadd.s32 $0xFFFFFF98  }
0xb2: {  	_ =	swait.ge [sflag:s30], $0x68  }
0xb3: {  	p0 =	seq.s32 s22, $0x18;
	[sflag:s30] =	ssyncset.done $0x0;
	s15 =	rddreg [dreg:$0xc]  }
0xb4: {  	[sflag:s30] =	ssyncadd.s32 $0xFFFFFF98;
	s15 =	sadd.s32 @!p0 s14, s15  }
0xb5: {  	[tilespmem:s3], [sflag:$0x2] =	stream.indirect.gather [hbm4b:s5+s28], $0x50, s26, s28, $0xb8;
	[tilespmem:$0x11640] =	vst v63  }
0xb6: {  	s15 =	smul.u32 @!p0 $0xD, s15  }
0xb7: {  	[tilespmem:s8], [sflag:$0x4] =	stream.indirect.gather [hbm4b:s6+s28], $0x10, s9, s28, $0xb8;
	[tilespmem:$0x11640] =	vst v63  }
0xb8: {  	s17 =	simm.s32 @!p0 $0x0;
	s16 =	sadd.s32 @!p0 s1, s15  }
0xb9: {  	[tilespmem:s17], [sflag:$0x7] =	stream.linear.gather @!p0 [hbm4b:s16+s17], $0x68, $0x38;
	[tilespmem:$0x11640] =	vst v63  }
0xba: {  	s15 =	sadd.s32 @!p0 s7, s15;
	s16 =	simm.s32 @!p0 $0x1A0  }
0xbb: {  	[tilespmem:s16], [sflag:$0xB] =	stream.linear.gather @!p0 [hbm4b:s15+s17], $0x68, $0x38;
	[tilespmem:$0x11640] =	vst v63  }
0xbc: {  	_ =	swait.ge [sflag:s12], $0x1F40  }
0xbd: {  	[sflag:s12] =	ssyncset.done $0x0  }
0xbe: {  	[sflag:s12] =	ssyncadd.s32 $0xFFFFE0C0  }
0xbf: {  	_ =	swait.ge [sflag:s13], $0x640  }
0xc0: {  	[sflag:s13] =	ssyncset.done $0x0  }
0xc1: {  	s15 =	simm.s32 $0x360;
	[sflag:s13] =	ssyncadd.s32 $0xFFFFF9C0  }
0xc2: {  	s24 =	simm.s32 $0x0;
	s17 =	simm.s32 $0x40;
	s16 =	simm.s32 $0x360;
	v1 =	vld [tilespmem:s15+$0x20]  }
.LBB2_7:
0xc3: {  	p1 =	sne.s32 s17, $0x18C0;
	v2 =	vld [tilespmem:s24+$0x41C0];
	_ =	sdelay $0x4  }
0xc4: {  	v1 =	vadd.f32 v2, v1;
	_ =	sdelay $0x1  }
0xc5: {  	v2 =	vmul.f32 $2.000000030e-01, v1;
	_ =	sdelay $0x1  }
0xc6: {  	v1 =	vmax.f32 v1, v2  }
0xc7: {  	v1 =	vmul.f32 $1.442695020e+00, v1;
	_ =	sdelay $0x1  }
0xc8: {  	(erf) = vpow2.f32 v1;
	_ =	sdelay $0x4  }
0xc9: {  	v1 =	vld [tilespmem:s15+$0xFFFFFFF0]  }
0xca: {  	v2 =	vld [tilespmem:s15+$0x10]  }
0xcb: {  	v3 =	vld [tilespmem:s15+$0xFFFFFFE0]  }
0xcc: {  	v4 =	vld [tilespmem:s15+$0x0]  }
0xcd: {  	v5 =	vpop (erf)  }
0xce: {  	[tilespmem:s15+$0x20] =	vst v5;
	v5 =	vperm.xlane v5, v0;
	_ =	sdelay $0x1  }
0xcf: {  	v3 =	vmul.f32 v3, v5;
	v1 =	vmul.f32 v1, v5  }
.Ltmp2:
0xd0: {  	v2 =	vmul.f32 v2, v5;
	v4 =	vmul.f32 v4, v5;
	(pc) =	sbr.rel @p1 .LBB2_7-.Ltmp2, $4  }
0xd1: {  	[tilespmem:s15+$0xFFFFFFE0] =	vst v3  }
0xd2: {  	[tilespmem:s15+$0xFFFFFFF0] =	vst v1  }
0xd3: {  	s15 =	sadd.s32 $0x50, s15;
	[tilespmem:s16+$0x0] =	vst v4  }
0xd4: {  	s24 =	sshra.s32 s17, $0x2;
	s17 =	sadd.s32 $0x40, s17;
	v1 =	vld [tilespmem:s15+$0x20];
	[tilespmem:s16+$0x10] =	vst v2;
	s16 =	smov.u32 s15  }
0xd5: {  	v2 =	vld [tilespmem:s24+$0x41C0];
	_ =	sdelay $0x4  }
0xd6: {  	v1 =	vadd.f32 v2, v1;
	_ =	sdelay $0x1  }
0xd7: {  	v2 =	vmul.f32 $2.000000030e-01, v1;
	_ =	sdelay $0x1  }
0xd8: {  	v1 =	vmax.f32 v1, v2  }
0xd9: {  	v1 =	vmul.f32 $1.442695020e+00, v1;
	_ =	sdelay $0x1  }
0xda: {  	(erf) = vpow2.f32 v1;
	_ =	sdelay $0x6  }
0xdb: {  	v1 =	vld [tilespmem:s15+$0xFFFFFFE0]  }
0xdc: {  	v2 =	vld [tilespmem:s15+$0xFFFFFFF0]  }
0xdd: {  	v3 =	vld [tilespmem:s15+$0x0];
	v4 =	vpop (erf)  }
0xde: {  	v5 =	vld [tilespmem:s15+$0x10];
	v6 =	vperm.xlane v4, v0;
	_ =	sdelay $0x1  }
0xdf: {  	v1 =	vmul.f32 v1, v6  }
0xe0: {  	[tilespmem:s15+$0x20] =	vst v4;
	v2 =	vmul.f32 v2, v6  }
0xe1: {  	v3 =	vmul.f32 v3, v6;
	[tilespmem:s15+$0xFFFFFFE0] =	vst v1  }
0xe2: {  	v1 =	vmul.f32 v5, v6;
	[tilespmem:s15+$0xFFFFFFF0] =	vst v2  }
0xe3: {  	[tilespmem:s16+$0x0] =	vst v3  }
0xe4: {  	[tilespmem:s16+$0x10] =	vst v1  }
0xe5: {  	[spmem:s2] =	stream.indirect.scatter.add.f32 [tilespmem:s29], [sflag:$0x5], $0x50, s11, s28, $0xb8;
	[tilespmem:$0x11640] =	vst v63  }
0xe6: {  	_ =	swait.ge [sflag:s18], $0x1F40  }
0xe7: {  	[sflag:s18] =	ssyncset.done $0x0  }
0xe8: {  	s15 =	simm.s32 @!p0 $0x7;
	[sflag:s18] =	ssyncadd.s32 $0xFFFFE0C0  }
0xe9: {  	_ =	swait.ge @!p0 [sflag:s15], $0x68  }
0xea: {  	[sflag:s15] =	ssyncset.done @!p0 $0x0  }
0xeb: {  	[sflag:s15] =	ssyncadd.s32 @!p0 $0xFFFFFF98;
	s15 =	simm.s32 @!p0 $0xB  }
0xec: {  	_ =	swait.ge @!p0 [sflag:s15], $0x68  }
0xed: {  	s17 =	simm.s32 @!p0 $0x340;
	[sflag:s15] =	ssyncset.done @!p0 $0x0  }
0xee: {  	s16 =	simm.s32 @!p0 $0x0;
	[sflag:s15] =	ssyncadd.s32 @!p0 $0xFFFFFF98;
	s15 =	simm.s32 @!p0 $0x64  }
0xef: {  	[tilespmem:s17], [sflag:$0x1] =	stream.indirect.gather @!p0 [hbm4b:s5+s15], $0x50, s16, s15, $0xb8;
	[tilespmem:$0x11640] =	vst v63  }
0xf0: {  	s17 =	rddreg [dreg:$0xd]  }
0xf1: {  	s14 =	sadd.s32 @!p0 s14, s17  }
0xf2: {  	s24 =	simm.s32 @!p0 $0x41C0;
	s17 =	simm.s32 @!p0 $0x1A0;
	s14 =	smul.u32 @!p0 $0xD, s14  }
0xf3: {  	[tilespmem:s24], [sflag:$0x3] =	stream.indirect.gather @!p0 [hbm4b:s6+s15], $0x10, s17, s15, $0xb8;
	[tilespmem:$0x11640] =	vst v63  }
0xf4: {  	s17 =	simm.s32 @!p0 $0x68;
	s15 =	sadd.s32 @!p0 s1, s14  }
0xf5: {  	[tilespmem:s17], [sflag:$0x8] =	stream.linear.gather @!p0 [hbm4b:s15+s16], $0x68, $0x38;
	[tilespmem:$0x11640] =	vst v63  }
0xf6: {  	s14 =	sadd.s32 @!p0 s7, s14;
	s15 =	simm.s32 @!p0 $0x208  }
0xf7: {  	[tilespmem:s15], [sflag:$0xC] =	stream.linear.gather @!p0 [hbm4b:s14+s16], $0x68, $0x38;
	[tilespmem:$0x11640] =	vst v63  }
0xf8: {  	_ =	swait.ge [sflag:s20], $0x1F40  }
0xf9: {  	[sflag:s20] =	ssyncset.done $0x0  }
0xfa: {  	[sflag:s20] =	ssyncadd.s32 $0xFFFFE0C0  }
0xfb: {  	_ =	swait.ge [sflag:s4], $0x640  }
0xfc: {  	[sflag:s4] =	ssyncset.done $0x0  }
0xfd: {  	s14 =	simm.s32 $0x22A0;
	[sflag:s4] =	ssyncadd.s32 $0xFFFFF9C0  }
0xfe: {  	s17 =	simm.s32 $0x0;
	s16 =	simm.s32 $0x40;
	s15 =	simm.s32 $0x22A0;
	v1 =	vld [tilespmem:s14+$0x20]  }
.LBB2_9:
0xff: {  	p0 =	sne.s32 s16, $0x18C0;
	v2 =	vld [tilespmem:s17+$0x4800];
	_ =	sdelay $0x4  }
0x100: {  	v1 =	vadd.f32 v2, v1;
	_ =	sdelay $0x1  }
0x101: {  	v2 =	vmul.f32 $2.000000030e-01, v1;
	_ =	sdelay $0x1  }
0x102: {  	v1 =	vmax.f32 v1, v2  }
0x103: {  	v1 =	vmul.f32 $1.442695020e+00, v1;
	_ =	sdelay $0x1  }
0x104: {  	(erf) = vpow2.f32 v1;
	_ =	sdelay $0x4  }
0x105: {  	v1 =	vld [tilespmem:s14+$0xFFFFFFF0]  }
0x106: {  	v2 =	vld [tilespmem:s14+$0x10]  }
0x107: {  	v3 =	vld [tilespmem:s14+$0xFFFFFFE0]  }
0x108: {  	v4 =	vld [tilespmem:s14+$0x0]  }
0x109: {  	v5 =	vpop (erf)  }
0x10a: {  	[tilespmem:s14+$0x20] =	vst v5;
	v5 =	vperm.xlane v5, v0;
	_ =	sdelay $0x1  }
0x10b: {  	v3 =	vmul.f32 v3, v5;
	v1 =	vmul.f32 v1, v5  }
.Ltmp3:
0x10c: {  	v2 =	vmul.f32 v2, v5;
	v4 =	vmul.f32 v4, v5;
	(pc) =	sbr.rel @p0 .LBB2_9-.Ltmp3, $4  }
0x10d: {  	[tilespmem:s14+$0xFFFFFFE0] =	vst v3  }
0x10e: {  	[tilespmem:s14+$0xFFFFFFF0] =	vst v1  }
0x10f: {  	s14 =	sadd.s32 $0x50, s14;
	[tilespmem:s15+$0x0] =	vst v4  }
0x110: {  	s17 =	sshra.s32 s16, $0x2;
	s16 =	sadd.s32 $0x40, s16;
	v1 =	vld [tilespmem:s14+$0x20];
	[tilespmem:s15+$0x10] =	vst v2;
	s15 =	smov.u32 s14  }
0x111: {  	v2 =	vld [tilespmem:s17+$0x4800];
	_ =	sdelay $0x4  }
0x112: {  	v1 =	vadd.f32 v2, v1;
	_ =	sdelay $0x1  }
0x113: {  	v2 =	vmul.f32 $2.000000030e-01, v1;
	_ =	sdelay $0x1  }
0x114: {  	v1 =	vmax.f32 v1, v2  }
0x115: {  	v1 =	vmul.f32 $1.442695020e+00, v1;
	_ =	sdelay $0x1  }
0x116: {  	(erf) = vpow2.f32 v1;
	_ =	sdelay $0x6  }
0x117: {  	v1 =	vld [tilespmem:s14+$0xFFFFFFE0]  }
0x118: {  	v2 =	vld [tilespmem:s14+$0xFFFFFFF0]  }
0x119: {  	v3 =	vld [tilespmem:s14+$0x0];
	v4 =	vpop (erf)  }
0x11a: {  	v5 =	vld [tilespmem:s14+$0x10];
	v6 =	vperm.xlane v4, v0;
	_ =	sdelay $0x1  }
0x11b: {  	s22 =	sadd.s32 $0x1, s22;
	v1 =	vmul.f32 v1, v6  }
0x11c: {  	p0 =	sne.s32 s22, $0x19;
	[tilespmem:s14+$0x20] =	vst v4;
	v2 =	vmul.f32 v2, v6  }
.Ltmp4:
0x11d: {  	v3 =	vmul.f32 v3, v6;
	[tilespmem:s14+$0xFFFFFFE0] =	vst v1;
	(pc) =	sbr.rel @p0 .LBB2_2-.Ltmp4, $4  }
0x11e: {  	v1 =	vmul.f32 v5, v6;
	[tilespmem:s14+$0xFFFFFFF0] =	vst v2  }
0x11f: {  	[tilespmem:s15+$0x0] =	vst v3  }
0x120: {  	[tilespmem:s15+$0x10] =	vst v1  }
0x121: {  	[spmem:s2] =	stream.indirect.scatter.add.f32 [tilespmem:s3], [sflag:$0x6], $0x50, s9, s28, $0xb8;
	[tilespmem:$0x11640] =	vst v63  }
0x122: {  	_ =	swait.ge [sflag:s21], $0x1F40  }
0x123: {  	[sflag:s21] =	ssyncset.done $0x0  }
0x124: {  	[sflag:s21] =	ssyncadd.s32 $0xFFFFE0C0  }
0x125: {  	[bflag:$0x0] =	sbarrier.arrive $0xFFFF  }
0x126: {  	s15 =	rddreg [dreg:$0x5]  }
0x127: {  	s14 =	rddreg [dreg:$0xe]  }
0x128: {  	s17 =	simm.s32 $0xF;
	s16 =	rddreg [dreg:$0x10]  }
0x129: {  	[hbm:s14], [sflag:s15] =	dma.local [spmem:s16], $0x1900  }
0x12a: {  	_ =	swait.ge [sflag:s17], $0x1900  }
0x12b: {  	s22 =	rddreg [dreg:$0x11]  }
0x12c: {  	s24 =	rddreg [dreg:$0xf];
	s22 =	sadd.s32 $0x1, s22  }
0x12d: {  	p0 =	sne.s32 s22, s24  }
.Ltmp5:
0x12e: {  	_ = 	snop;
	(pc) =	sbr.rel @p0 .LBB2_1-.Ltmp5, $3  }
0x12f: {  	_ =	sdelay $0x1  }
0x130: {  	[sflag:s17] =	ssyncset.done $0x0  }
0x131: {  	[sflag:s17] =	ssyncadd.s32 $0xFFFFE700  }
0x132: {  	_ =	sfence.sel $0x180000  }
0x133: {  	[bflag:$0x0] =	sbarrier.arrive $0xFFFF  }
0x134: {  	_ =	strace $0x9000004A  }
0x135: {  	s0 =	stileid.u32;
	[bflag:$0x2] =	sbarrier.arrive $0xFFFF  }
0x136: {  	p0 =	sne.s32 s0, $0x0;
	s0 =	rddreg [dreg:$0x3]  }
0x137: {  	s0 =	sadd.s32 @!p0 $0x100000, s0  }
0x138: {  	[sflag:s0] =	ssyncadd.tile.s32 @!p0 $0x1;
	_ =	shalt  }
.Lfunc_end2:
_tile_overlayer_lowered:
.L_overlay_start_2:
0x139: {  	(tag) =	ssettag $0x2  }
0x13a: {  	s0 =	rddreg [dreg:$0x0];
	s2 =	stileid.u32  }
0x13b: {  	s1 =	rddreg [dreg:$0x1];
	p0 =	sne.s32 s2, $0x0  }
0x13c: {  	s3 =	rddreg [dreg:$0x2];
	[bflag:$0x3] =	sbarrier.arrive $0xFFFF;
	s2 =	simm.s32 @!p0 $0x1C0F  }
0x13d: {  	[timem:s3], [sflag:s2] =	dma.local @!p0 [hbm:s0], s1  }
0x13e: {  	s0 =	simm.s32 @!p0 $0xF  }
0x13f: {  	_ =	swait.ge @!p0 [sflag:s0], s1  }
0x140: {  	s1 =	ssub.s32 @!p0 $0x0, s1;
	[sflag:s0] =	ssyncset.done @!p0 $0x0  }
0x141: {  	[sflag:s0] =	ssyncadd.s32 @!p0 s1  }
0x142: {  	[bflag:$0x3] =	sbarrier.arrive $0xFFFF  }
0x143: {  	_ =	shalt  }

// kernel: kernel.7.cloned.1.call-start
scs
__scs_entry_jumppad:
0x0: {  	(pc) =	sbr.rel $0x88, $3  }
0x1: {  	(tag) =	ssettag $0x0;
	lr =	simm.s32 $0x1  }
0x2: {  	[smem:$0x3F97] =	sst lr;
	_ =	strace $0xD0000000  }
0x3: {  	_ = 	snop  }
0x4: {  	_ = 	snop  }
0x5: {  	_ = 	snop  }
0x6: {  	_ = 	snop  }
0x7: {  	_ = 	snop  }
__scs_overlays_trampoline_lowered:
0x8: {  	[smem:$0x3FA6] =	sst s0  }
0x9: {  	[smem:$0x3FA7] =	sst s1  }
0xa: {  	[smem:$0x3FA8] =	sst s2  }
0xb: {  	[smem:$0x3FA9] =	sst s3  }
0xc: {  	[smem:$0x3FAA] =	sst s4  }
0xd: {  	[smem:$0x3FAB] =	sst s5  }
0xe: {  	[smem:$0x3FAC] =	sst s6  }
0xf: {  	[smem:$0x3FAD] =	sst s7  }
0x10: {  	[smem:$0x3FAE] =	sst s8  }
0x11: {  	[smem:$0x3FAF] =	sst s9;
	s0 =	simm.s32 @!p0 $0x0  }
0x12: {  	s1 =	sld [smem:$0x3F95];
	s0 =	simm.s32 @p0 $0x1  }
0x13: {  	[smem:$0x3FB0] =	sst s0;
	s0 =	simm.s32 @!p1 $0x0  }
0x14: {  	s2 =	sld [smem:$0x3F94];
	s0 =	simm.s32 @p1 $0x1  }
0x15: {  	[smem:$0x3FB1] =	sst s0;
	s0 =	simm.s32 @!p2 $0x0  }
0x16: {  	s3 =	sld [smem:$0x3FDB];
	s0 =	simm.s32 @p2 $0x1  }
0x17: {  	s4 =	simm.s32 $0x1BF5;
	[smem:$0x3FB3] =	sst s0  }
0x18: {  	s0 =	sld [smem:$0x3F96];
	_ =	swait.ge [sflag:s4], $0x0  }
0x19: {  	s7 =	sld [smem:$0x3F97]  }
0x1a: {  	s8 =	sadd.s32 $0xFFFFE003, lr  }
0x1b: {  	s9 =	sadd.s32 $0xFFFFFEF7, lr;
	s5 =	simm.s32 $0xFFFFFFFF;
	p2 =	slt.u32 s8, $0xFFFFF086  }
0x1c: {  	p1 =	slt.u32 s9, $0xF7A;
	s5 =	simm.s32 @!p2 $0x0  }
0x1d: {  	s5 =	simm.s32 @p1 $0x1;
	p0 =	seq.s32 s7, s2  }
0x1e: {  	s7 =	smul.u32 @!p0 $0xF7A, s2;
	p2 =	seq.s32 @!p0 s5, $0x0  }
0x1f: {  	s9 =	smul.u32 $0xF7A, s1;
	s8 =	simm.s32 @!p0 $0x1BF5;
	p2 =	por !p2, p0  }
0x20: {  	[sflag:s8] =	ssyncset.s32 @!p0 $0xFFFFF086;
	s6 =	sadd.s32 @!p0 s3, s7;
	s7 =	simm.s32 @!p0 $0x108  }
0x21: {  	s3 =	sadd.s32 s3, s9;
	s6 =	sadd.s32 @!p0 $0x88, s6;
	s7 =	simm.s32 @p2 $0x1082  }
0x22: {  	[simem:s7], [sflag:s8] =	dma.local @!p0 [hbm:s6], $0xF7A  }
0x23: {  	s9 =	sor.u32 $0xD0000000, s2;
	s6 =	simm.s32 $0x108;
	_ =	swait.ge @!p0 [sflag:s8], $0x0  }
0x24: {  	s3 =	sadd.s32 $0x88, s3;
	s6 =	simm.s32 @!p1 $0x1082;
	[sflag:s4] =	ssyncset.s32 $0xFFFFF086  }
0x25: {  	[simem:s6], [sflag:s4] =	dma.local [hbm:s3], $0xF7A  }
0x26: {  	[smem:$0x3F97] =	sst s1;
	(tag) =	ssettag s2;
	_ =	strace s9  }
0x27: {  	s1 =	sld [smem:$0x3FA7]  }
0x28: {  	s2 =	sld [smem:$0x3FA8]  }
0x29: {  	s4 =	sld [smem:$0x3FAA]  }
0x2a: {  	p0 =	seq.s32 s5, $0x0;
	s5 =	sld [smem:$0x3FAB]  }
0x2b: {  	s6 =	sld [smem:$0x3FAC]  }
0x2c: {  	s7 =	sld [smem:$0x3FAD]  }
0x2d: {  	s3 =	simm.s32 $0x108;
	s8 =	sld [smem:$0x3FAE]  }
0x2e: {  	s3 =	simm.s32 @!p0 $0x1082;
	s9 =	sld [smem:$0x3FAF]  }
0x2f: {  	lr =	sadd.s32 s0, s3;
	s0 =	sld [smem:$0x3FA6]  }
0x30: {  	s3 =	sld [smem:$0x3FA9]  }
0x31: {  	[smem:$0x3FB2] =	sst s10  }
0x32: {  	s10 =	sld [smem:$0x3FB0];
	_ =	sdelay $0x3  }
0x33: {  	p0 =	seq.s32 s10, $0x1;
	s10 =	sld [smem:$0x3FB2];
	_ =	sdelay $0x3  }
0x34: {  	[smem:$0x3FB2] =	sst s10  }
0x35: {  	s10 =	sld [smem:$0x3FB1];
	_ =	sdelay $0x3  }
0x36: {  	p1 =	seq.s32 s10, $0x1;
	s10 =	sld [smem:$0x3FB2];
	_ =	sdelay $0x3  }
0x37: {  	[smem:$0x3FB2] =	sst s10  }
0x38: {  	s10 =	sld [smem:$0x3FB3]  }
0x39: {  	_ = 	snop;
	(pc) =	sbr.ind lr, $3  }
0x3a: {  	_ = 	snop  }
0x3b: {  	_ = 	snop  }
0x3c: {  	p2 =	seq.s32 s10, $0x1;
	s10 =	sld [smem:$0x3FB2]  }
0x3d: {  	_ =	shalt  }
0x3e: {  	_ =	shalt  }
0x3f: {  	_ =	shalt  }
0x40: {  	_ =	shalt  }
0x41: {  	_ =	shalt  }
0x42: {  	_ =	shalt  }
0x43: {  	_ =	shalt  }
0x44: {  	_ =	shalt  }
0x45: {  	_ =	shalt  }
0x46: {  	_ =	shalt  }
0x47: {  	_ =	shalt  }
0x48: {  	_ =	shalt  }
0x49: {  	_ =	shalt  }
0x4a: {  	_ =	shalt  }
0x4b: {  	_ =	shalt  }
0x4c: {  	_ =	shalt  }
0x4d: {  	_ =	shalt  }
0x4e: {  	_ =	shalt  }
0x4f: {  	_ =	shalt  }
0x50: {  	_ =	shalt  }
0x51: {  	_ =	shalt  }
0x52: {  	_ =	shalt  }
0x53: {  	_ =	shalt  }
0x54: {  	_ =	shalt  }
0x55: {  	_ =	shalt  }
0x56: {  	_ =	shalt  }
0x57: {  	_ =	shalt  }
0x58: {  	_ =	shalt  }
0x59: {  	_ =	shalt  }
0x5a: {  	_ =	shalt  }
0x5b: {  	_ =	shalt  }
0x5c: {  	_ =	shalt  }
0x5d: {  	_ =	shalt  }
0x5e: {  	_ =	shalt  }
0x5f: {  	_ =	shalt  }
0x60: {  	_ =	shalt  }
0x61: {  	_ =	shalt  }
0x62: {  	_ =	shalt  }
0x63: {  	_ =	shalt  }
0x64: {  	_ =	shalt  }
0x65: {  	_ =	shalt  }
0x66: {  	_ =	shalt  }
0x67: {  	_ =	shalt  }
0x68: {  	_ =	shalt  }
0x69: {  	_ =	shalt  }
0x6a: {  	_ =	shalt  }
0x6b: {  	_ =	shalt  }
0x6c: {  	_ =	shalt  }
0x6d: {  	_ =	shalt  }
0x6e: {  	_ =	shalt  }
0x6f: {  	_ =	shalt  }
0x70: {  	_ =	shalt  }
0x71: {  	_ =	shalt  }
0x72: {  	_ =	shalt  }
0x73: {  	_ =	shalt  }
0x74: {  	_ =	shalt  }
0x75: {  	_ =	shalt  }
0x76: {  	_ =	shalt  }
0x77: {  	_ =	shalt  }
0x78: {  	_ =	shalt  }
0x79: {  	_ =	shalt  }
0x7a: {  	_ =	shalt  }
0x7b: {  	_ =	shalt  }
0x7c: {  	_ =	shalt  }
0x7d: {  	_ =	shalt  }
0x7e: {  	_ =	shalt  }
0x7f: {  	_ =	shalt  }
0x80: {  	_ =	shalt  }
0x81: {  	_ =	shalt  }
0x82: {  	_ =	shalt  }
0x83: {  	_ =	shalt  }
0x84: {  	_ =	shalt  }
0x85: {  	_ =	shalt  }
0x86: {  	_ =	shalt  }
0x87: {  	_ =	shalt  }
.Lfunc_end0:
.L_simem_size_0:
called_computation_lowered:
.L_overlay_start_0:
0x88: {  	s2 =	sld [smem:$0x3FD9]  }
0x89: {  	s3 =	sld [smem:$0x3FFE];
	_ =	sdelay $0x1  }
0x8a: {  	s1 =	srdreg.scid  }
0x8b: {  	s0 =	sand.u32 $0x1, s1  }
0x8c: {  	s17 =	sshll.u32 s0, $0xA;
	s2 =	sadd.s32 s3, s2  }
0x8d: {  	s2 =	sadd.s32 s2, s17  }
0x8e: {  	[smem:$0x3FBE] =	sst s2  }
0x8f: {  	_ = 	snop  }
0x90: {  	s2 =	sld [smem:$0x3FD0];
	(tm) =	ssettm $0x1  }
0x91: {  	s18 =	sld [smem:$0x3FFB];
	_ =	sdelay $0x3  }
0x92: {  	_ =	strace s18  }
0x93: {  	s3 =	sld [smem:$0x3FFC];
	_ =	sdelay $0x3  }
0x94: {  	_ =	strace s3  }
0x95: {  	s3 =	sld [smem:$0x3FFD];
	_ =	sdelay $0x3  }
0x96: {  	_ =	strace s3  }
0x97: {  	_ =	strace $0x8FFFFFFF  }
0x98: {  	s19 =	sld [smem:$0x3FDB];
	_ =	sdelay $0x1  }
0x99: {  	s4 =	simm.s32 $_scs_section_size  }
0x9a: {  	s5 =	simm.s32 $_size__tile_overlayer_lowered;
	s6 =	simm.s32 $_tile_overlayer_lowered  }
0x9b: {  	s22 =	simm.s32 $0x1BFF;
	s21 =	sshll.u32 s6, $0x1;
	s3 =	sadd.s32 s4, s19  }
0x9c: {  	s7 =	simm.s32 $0x0;
	s20 =	sshll.u32 s5, $0x1;
	s5 =	sadd.s32 s21, s3  }
0x9d: {  	[timem:s7], [sflag:s22] =	dma.local [hbm:s5], s20  }
0x9e: {  	_ =	swait.ge [sflag:s22], s20  }
0x9f: {  	s4 =	ssub.s32 $0x0, s20;
	[sflag:s22] =	ssyncset.done $0x0  }
0xa0: {  	[sflag:s22] =	ssyncadd.s32 s4;
	_ =	sdelay $0x1  }
0xa1: {  	s23 =	simm.s32 $0x1B8B  }
0xa2: {  	_ =	swait.ge [sflag:s23], $0x1  }
0xa3: {  	[sflag:s23] =	ssyncset.done $0x0  }
0xa4: {  	s25 =	simm.s32 $0x1B8E;
	s24 =	sld [smem:$0x3FFE];
	[sflag:s23] =	ssyncadd.s32 $0xFFFFFFFF  }
0xa5: {  	s26 =	simm.s32 $execute0_lowered;
	[smem:$0x3FD2] =	sst s25  }
0xa6: {  	s5 =	sshll.u32 s26, $0x1;
	_ =	strace $0x80000046;
	[dreg:$0x1] =	wrdreg $0xFFFFFFFF  }
0xa7: {  	s28 =	simm.s32 $_size_execute0_lowered;
	s3 =	sadd.s32 s3, s5;
	[dreg:$0x0] =	wrdreg $0x0  }
0xa8: {  	s5 =	sshll.u32 s28, $0x1;
	[dreg:$0x2] =	wrdreg s3  }
0xa9: {  	[dreg:$0x3] =	wrdreg s5  }
0xaa: {  	[dreg:$0x4] =	wrdreg $0xC0  }
0xab: {  	_ =	task [dreg:s7], $0x5FFFF  }
0xac: {  	[dreg:$0x1] =	wrdreg $0xFFFFFFFF  }
0xad: {  	[dreg:$0x0] =	wrdreg $0x60  }
0xae: {  	[dreg:$0x2] =	wrdreg s24  }
0xaf: {  	[dreg:$0x3] =	wrdreg s2  }
0xb0: {  	[dreg:$0x4] =	wrdreg $0x80400  }
0xb1: {  	[dreg:$0x5] =	wrdreg $0x9  }
0xb2: {  	_ =	task.clear_ibuf [dreg:s7], $0x6FFFF;
	_ =	strace $0x90000046  }
0xb3: {  	s29 =	simm.s32 $0x9;
	_ =	strace $0x80000048  }
0xb4: {  	_ =	swait.ge [sflag:s29], $0x1  }
0xb5: {  	[sflag:s29] =	ssyncadd.s32 $0xFFFFFFFF  }
0xb6: {  	_ =	strace $0x90000048  }
0xb7: {  	_ =	sfence  }
0xb8: {  	s30 =	sld [smem:$0x0];
	_ =	sdelay $0x2  }
0xb9: {  	s31 =	sshll.u32 s1, $0xD;
	s1 =	sshrl.u32 s1, $0x2  }
0xba: {  	s3 =	sand.u32 $0x4000, s31;
	s1 =	sadd.s32 s1, s30  }
0xbb: {  	s0 =	sor.u32 s3, s0;
	s1 =	sshll.u32 s1, $0x11  }
0xbc: {  	s0 =	sor.u32 s1, s0  }
0xbd: {  	s0 =	sadd.s32 $0x8F2B, s0  }
0xbe: {  	[sflag:s0] =	ssyncadd.remote.s32 $0x1  }
0xbf: {  	_ =	sfence.sel $0xFFFF  }
0xc0: {  	[dreg:$0x0] =	wrdreg $0xFFFFFFFF;
	(pc) =	sbr.abs _section_cstart, $3  }
0xc1: {  	[dreg:$0x1] =	wrdreg $0xFFFFFFFF  }
0xc2: {  	_ =	task.clear_ibuf [dreg:s7], $0x2FFFF;
	_ =	strace $0x9FFFFFFF  }
0xc3: {  	(tm) =	ssettm $0x7FFFFFFF  }
tec
execute0_lowered:
.L_overlay_start_1:
0x0: {  	(tag) =	ssettag $0x1  }
0x1: {  	s0 =	rddreg [dreg:$0x0]  }
0x2: {  	s1 =	rddreg [dreg:$0x1]  }
0x3: {  	s2 =	rddreg [dreg:$0x2]  }
0x4: {  	s3 =	simm.s32 $0x0;
	s11 =	srdreg.scid;
	s12 =	stileid.u32  }
0x5: {  	s28 =	simm.s32 $0x64;
	s29 =	simm.s32 $0x340;
	s31 =	simm.s32 $0x8  }
0x6: {  	s30 =	simm.s32 $0xE;
	[smem:$0x7FF] =	sst s3;
	s5 =	sadd.s32 $0x1800, s0  }
0x7: {  	s3 =	sand.u32 $0x1, s11;
	s4 =	smul.u32 $0x2D00, s12;
	s6 =	sadd.s32 $0x2D800, s0  }
0x8: {  	s7 =	sadd.s32 $0x32800, s0;
	s9 =	sadd.s32 $0x3CC00, s0;
	s13 =	sshll.u32 s12, $0x1  }
0x9: {  	s10 =	smul.u32 $0x5A000, s12;
	s18 =	sshll.u32 s12, $0x6;
	s12 =	simm.s32 $0x1  }
0xa: {  	s8 =	smul.u32 $0x2D000, s3;
	s14 =	ssub.s32 $0x2, s3;
	s3 =	sor.u32 s3, s13  }
0xb: {  	_ =	strace $0x80000047;
	[dreg:$0x4] =	wrdreg s9;
	s11 =	smul.u32 $0x28A0, s3  }
0xc: {  	s13 =	simm.s32 $0x3;
	s15 =	sshrl.u32 s14, $0x1;
	s19 =	smul.u32 $0x514, s3  }
0xd: {  	s10 =	sshrl.u32 s10, $0x2;
	s3 =	smul.u32 $0x64, s3;
	s4 =	sadd.s32 s4, s8  }
0xe: {  	s16 =	ssub.s32 s14, s15;
	s17 =	sadd.s32 s10, s2;
	s14 =	sor.u32 $0x1C0F, s18  }
0xf: {  	s18 =	simm.s32 $0x5;
	s0 =	sadd.s32 s4, s0;
	s11 =	sadd.s32 $0x68, s11  }
0x10: {  	s21 =	sadd.s32 s1, s19;
	s10 =	sadd.s32 s7, s19;
	[dreg:$0x5] =	wrdreg s14  }
0x11: {  	s23 =	sor.u32 $0x2, s3;
	s24 =	sor.u32 $0x3, s3;
	[dreg:$0x6] =	wrdreg s21  }
0x12: {  	s25 =	sadd.s32 $0x4, s3;
	s3 =	sadd.s32 $0x5, s3;
	[dreg:$0x7] =	wrdreg s10  }
0x13: {  	s26 =	smax.u32 s16, $0x1;
	s15 =	sshrl.u32 s17, $0x3;
	[dreg:$0xa] =	wrdreg s23  }
0x14: {  	s16 =	simm.s32 $0xF;
	s19 =	simm.s32 $0x9;
	[dreg:$0xb] =	wrdreg s24  }
0x15: {  	s4 =	simm.s32 $0x4;
	s17 =	simm.s32 $0x0;
	[dreg:$0xc] =	wrdreg s25  }
0x16: {  	s20 =	sshrl.u32 s11, $0x3;
	[dreg:$0xd] =	wrdreg s3;
	s0 =	sadd.s32 $0x3FA00, s0  }
0x17: {  	[dreg:$0xf] =	wrdreg s26;
	s24 =	simm.s32 $0x208;
	s3 =	simm.s32 $0x3B80  }
0x18: {  	s10 =	simm.s32 $0xD0;
	s11 =	simm.s32 $0x270;
	s25 =	simm.s32 $0xD  }
0x19: {  	s26 =	simm.s32 $0x138;
	s21 =	simm.s32 $0x6;
	[dreg:$0x10] =	wrdreg s15  }
0x1a: {  	v0 =	vimm.s32 $0x0;
	v1 =	vimm.s32 $0x1;
	s23 =	simm.s32 $0xA;
	s22 =	sadd.s32 s1, s20;
	[dreg:$0xe] =	wrdreg s0  }
0x1b: {  	v2 =	vimm.s32 $0x2;
	v3 =	vimm.s32 $0x3;
	v4 =	vimm.s32 $0x4;
	s9 =	sadd.s32 s7, s20;
	s0 =	simm.s32 $0xC;
	[dreg:$0x8] =	wrdreg s22  }
0x1c: {  	v5 =	vimm.s32 $0x5;
	v6 =	vimm.s32 $0x6;
	v7 =	vimm.s32 $0x7;
	s20 =	simm.s32 $0x2;
	[dreg:$0x9] =	wrdreg s9;
	s9 =	simm.s32 $0x2D8  }
.LBB2_1:
0x1d: {  	[dreg:$0x11] =	wrdreg s17  }
0x1e: {  	s8 =	rddreg [dreg:$0x4]  }
0x1f: {  	[spmem:s15], [sflag:s14] =	dma.local [hbm:s8], $0x2D00  }
0x20: {  	_ =	swait.ge [sflag:s16], $0x2D00  }
0x21: {  	[sflag:s16] =	ssyncset.done $0x0  }
0x22: {  	[sflag:s16] =	ssyncadd.s32 $0xFFFFD300  }
0x23: {  	[bflag:$0x0] =	sbarrier.arrive $0xFFFF  }
0x24: {  	s8 =	simm.s32 $0x0;
	s17 =	rddreg [dreg:$0x6]  }
0x25: {  	[tilespmem:s8], [sflag:$0x7] =	stream.linear.gather [hbm4b:s17+s8], $0x68, $0x38;
	[tilespmem:$0x1E840] =	vst v63  }
0x26: {  	s15 =	simm.s32 $0x1A0;
	s22 =	rddreg [dreg:$0x7]  }
0x27: {  	[tilespmem:s15], [sflag:$0xB] =	stream.linear.gather [hbm4b:s22+s8], $0x68, $0x38;
	[tilespmem:$0x1E840] =	vst v63  }
0x28: {  	s16 =	rddreg [dreg:$0x8];
	s17 =	simm.s32 $0x68  }
0x29: {  	[tilespmem:s17], [sflag:$0x8] =	stream.linear.gather [hbm4b:s16+s8], $0x68, $0x38;
	[tilespmem:$0x1E840] =	vst v63  }
0x2a: {  	s22 =	rddreg [dreg:$0x9];
	s16 =	simm.s32 $0x7  }
0x2b: {  	[tilespmem:s24], [sflag:$0xC] =	stream.linear.gather [hbm4b:s22+s8], $0x68, $0x38;
	[tilespmem:$0x1E840] =	vst v63  }
0x2c: {  	_ =	swait.ge [sflag:s16], $0x68  }
0x2d: {  	[sflag:s16] =	ssyncset.done $0x0  }
0x2e: {  	s17 =	simm.s32 $0xB;
	[sflag:s16] =	ssyncadd.s32 $0xFFFFFF98  }
0x2f: {  	_ =	swait.ge [sflag:s17], $0x68  }
0x30: {  	[sflag:s17] =	ssyncset.done $0x0  }
0x31: {  	[sflag:s17] =	ssyncadd.s32 $0xFFFFFF98  }
0x32: {  	[tilespmem:s29], [sflag:$0x1] =	stream.indirect.gather [hbm4b:s5+s28], $0x90, s8, s28, $0xb8;
	[tilespmem:$0x1E840] =	vst v63  }
0x33: {  	s22 =	simm.s32 $0x73C0  }
0x34: {  	[tilespmem:s22], [sflag:$0x3] =	stream.indirect.gather [hbm4b:s6+s28], $0x10, s15, s28, $0xb8;
	[tilespmem:$0x1E840] =	vst v63  }
0x35: {  	s22 =	simm.s32 $0x0  }
.LBB2_2:
0x36: {  	p0 =	seq.s32 s22, $0x0  }
0x37: {  	s8 =	simm.s32 @!p0 $0x6  }
0x38: {  	_ =	swait.ge @!p0 [sflag:s8], $0x3840  }
0x39: {  	[sflag:s8] =	ssyncset.done @!p0 $0x0  }
0x3a: {  	[sflag:s8] =	ssyncadd.s32 @!p0 $0xFFFFC7C0  }
0x3b: {  	_ =	swait.ge [sflag:s31], $0x68  }
0x3c: {  	[sflag:s31] =	ssyncset.done $0x0  }
0x3d: {  	[sflag:s31] =	ssyncadd.s32 $0xFFFFFF98  }
0x3e: {  	_ =	swait.ge [sflag:s0], $0x68  }
0x3f: {  	s14 =	sshll.u32 s22, $0x2;
	[sflag:s0] =	ssyncset.done $0x0;
	s16 =	rddreg [dreg:$0xa]  }
0x40: {  	s15 =	simm.s32 $0x68;
	[sflag:s0] =	ssyncadd.s32 $0xFFFFFF98;
	s8 =	sadd.s32 s14, s16  }
0x41: {  	[tilespmem:s3], [sflag:$0x2] =	stream.indirect.gather [hbm4b:s5+s28], $0x90, s15, s28, $0xb8;
	[tilespmem:$0x1E840] =	vst v63  }
0x42: {  	s8 =	smul.u32 $0xD, s8;
	s15 =	simm.s32 $0x7A00  }
0x43: {  	[tilespmem:s15], [sflag:$0x4] =	stream.indirect.gather [hbm4b:s6+s28], $0x10, s24, s28, $0xb8;
	[tilespmem:$0x1E840] =	vst v63  }
0x44: {  	s16 =	simm.s32 $0x0;
	s17 =	sadd.s32 s1, s8  }
0x45: {  	[tilespmem:s10], [sflag:$0x9] =	stream.linear.gather [hbm4b:s17+s16], $0x68, $0x38;
	[tilespmem:$0x1E840] =	vst v63  }
0x46: {  	s8 =	sadd.s32 s7, s8  }
0x47: {  	[tilespmem:s11], [sflag:$0xD] =	stream.linear.gather [hbm4b:s8+s16], $0x68, $0x38;
	[tilespmem:$0x1E840] =	vst v63  }
0x48: {  	_ =	swait.ge [sflag:s12], $0x3840  }
0x49: {  	[sflag:s12] =	ssyncset.done $0x0  }
0x4a: {  	[sflag:s12] =	ssyncadd.s32 $0xFFFFC7C0  }
0x4b: {  	_ =	swait.ge [sflag:s13], $0x640  }
0x4c: {  	[sflag:s13] =	ssyncset.done $0x0  }
0x4d: {  	s15 =	simm.s32 $0x380;
	[sflag:s13] =	ssyncadd.s32 $0xFFFFF9C0  }
0x4e: {  	s17 =	simm.s32 $0x40;
	s8 =	simm.s32 $0x0;
	s16 =	simm.s32 $0x380;
	v8 =	vld [tilespmem:s15+$0x40]  }
.LBB2_3:
0x4f: {  	p0 =	sne.s32 s17, $0x18C0;
	v9 =	vld [tilespmem:s8+$0x73C0];
	_ =	sdelay $0x4  }
0x50: {  	v8 =	vadd.f32 v9, v8;
	_ =	sdelay $0x1  }
0x51: {  	v9 =	vmul.f32 $2.000000030e-01, v8;
	_ =	sdelay $0x1  }
0x52: {  	v8 =	vmax.f32 v8, v9  }
0x53: {  	v8 =	vmul.f32 $1.442695020e+00, v8;
	_ =	sdelay $0x1  }
0x54: {  	(erf) = vpow2.f32 v8;
	_ =	sdelay $0x4  }
0x55: {  	v8 =	vld [tilespmem:s15+$0xFFFFFFF0]  }
0x56: {  	v9 =	vld [tilespmem:s15+$0xFFFFFFD0]  }
0x57: {  	v10 =	vld [tilespmem:s15+$0xFFFFFFC0]  }
0x58: {  	v11 =	vld [tilespmem:s15+$0xFFFFFFE0]  }
0x59: {  	v12 =	vld [tilespmem:s15+$0x30];
	v13 =	vpop (erf)  }
0x5a: {  	[tilespmem:s15+$0x40] =	vst v13;
	v14 =	vperm.xlane v13, v0;
	v15 =	vperm.xlane v13, v1;
	v16 =	vld [tilespmem:s15+$0x10]  }
0x5b: {  	v17 =	vperm.xlane v13, v2;
	v18 =	vperm.xlane v13, v3;
	v19 =	vld [tilespmem:s15+$0x0]  }
0x5c: {  	v10 =	vmul.f32 v10, v14;
	v9 =	vmul.f32 v9, v15;
	v14 =	vld [tilespmem:s15+$0x20]  }
0x5d: {  	v8 =	vmul.f32 v8, v18;
	v11 =	vmul.f32 v11, v17  }
0x5e: {  	v15 =	vperm.xlane v13, v5;
	[tilespmem:s15+$0xFFFFFFC0] =	vst v10;
	v10 =	vperm.xlane v13, v4  }
0x5f: {  	[tilespmem:s15+$0xFFFFFFD0] =	vst v9;
	v9 =	vperm.xlane v13, v6;
	v13 =	vperm.xlane v13, v7  }
0x60: {  	[tilespmem:s15+$0xFFFFFFE0] =	vst v11;
	v10 =	vmul.f32 v19, v10;
	v11 =	vmul.f32 v16, v15  }
.Ltmp0:
0x61: {  	[tilespmem:s15+$0xFFFFFFF0] =	vst v8;
	v8 =	vmul.f32 v14, v9;
	v9 =	vmul.f32 v12, v13;
	(pc) =	sbr.rel @p0 .LBB2_3-.Ltmp0, $4  }
0x62: {  	[tilespmem:s15+$0x0] =	vst v10  }
0x63: {  	[tilespmem:s15+$0x10] =	vst v11  }
0x64: {  	s15 =	sadd.s32 $0x90, s15;
	[tilespmem:s16+$0x20] =	vst v8  }
0x65: {  	s8 =	sshra.s32 s17, $0x2;
	s17 =	sadd.s32 $0x40, s17;
	v8 =	vld [tilespmem:s15+$0x40];
	[tilespmem:s16+$0x30] =	vst v9;
	s16 =	smov.u32 s15  }
0x66: {  	v9 =	vld [tilespmem:s8+$0x73C0];
	_ =	sdelay $0x4  }
0x67: {  	v8 =	vadd.f32 v9, v8;
	_ =	sdelay $0x1  }
0x68: {  	v9 =	vmul.f32 $2.000000030e-01, v8;
	_ =	sdelay $0x1  }
0x69: {  	v8 =	vmax.f32 v8, v9  }
0x6a: {  	v8 =	vmul.f32 $1.442695020e+00, v8;
	_ =	sdelay $0x1  }
0x6b: {  	(erf) = vpow2.f32 v8;
	_ =	sdelay $0x6  }
0x6c: {  	v9 =	vld [tilespmem:s15+$0xFFFFFFC0]  }
0x6d: {  	v10 =	vld [tilespmem:s15+$0xFFFFFFD0]  }
0x6e: {  	v11 =	vld [tilespmem:s15+$0xFFFFFFE0];
	v12 =	vpop (erf)  }
0x6f: {  	v8 =	vld [tilespmem:s15+$0xFFFFFFF0];
	v14 =	vperm.xlane v12, v0  }
0x70: {  	v17 =	vld [tilespmem:s15+$0x10];
	v15 =	vperm.xlane v12, v1  }
0x71: {  	v16 =	vld [tilespmem:s15+$0x0];
	v18 =	vperm.xlane v12, v2;
	v9 =	vmul.f32 v9, v14  }
0x72: {  	v61 =	vld [tilespmem:s15+$0x20];
	[tilespmem:s15+$0x40] =	vst v12;
	v60 =	vperm.xlane v12, v3;
	v10 =	vmul.f32 v10, v15  }
0x73: {  	v13 =	vld [tilespmem:s15+$0x30];
	v62 =	vperm.xlane v12, v5;
	v11 =	vmul.f32 v11, v18;
	[tilespmem:s15+$0xFFFFFFC0] =	vst v9  }
0x74: {  	v8 =	vmul.f32 v8, v60;
	v9 =	vperm.xlane v12, v4;
	[tilespmem:s15+$0xFFFFFFD0] =	vst v10  }
0x75: {  	v63 =	vmul.f32 v17, v62;
	v10 =	vperm.xlane v12, v6;
	[tilespmem:s15+$0xFFFFFFE0] =	vst v11  }
0x76: {  	v11 =	vperm.xlane v12, v7;
	[tilespmem:s15+$0xFFFFFFF0] =	vst v8;
	v9 =	vmul.f32 v16, v9  }
0x77: {  	[tilespmem:s15+$0x10] =	vst v63;
	v8 =	vmul.f32 v61, v10  }
0x78: {  	[tilespmem:s15+$0x0] =	vst v9;
	v9 =	vmul.f32 v13, v11  }
0x79: {  	[tilespmem:s16+$0x20] =	vst v8  }
0x7a: {  	s15 =	simm.s32 $0x1A0;
	[tilespmem:s16+$0x30] =	vst v9  }
0x7b: {  	[spmem:s2] =	stream.indirect.scatter.add.f32 [tilespmem:s29], [sflag:$0x5], $0x90, s15, s28, $0xb8;
	[tilespmem:$0x1E840] =	vst v63  }
0x7c: {  	_ =	swait.ge [sflag:s18], $0x3840  }
0x7d: {  	[sflag:s18] =	ssyncset.done $0x0  }
0x7e: {  	[sflag:s18] =	ssyncadd.s32 $0xFFFFC7C0  }
0x7f: {  	_ =	swait.ge [sflag:s19], $0x68  }
0x80: {  	[sflag:s19] =	ssyncset.done $0x0  }
0x81: {  	[sflag:s19] =	ssyncadd.s32 $0xFFFFFF98  }
0x82: {  	_ =	swait.ge [sflag:s25], $0x68  }
0x83: {  	[sflag:s25] =	ssyncset.done $0x0;
	s16 =	rddreg [dreg:$0xb]  }
0x84: {  	[sflag:s25] =	ssyncadd.s32 $0xFFFFFF98;
	s8 =	sadd.s32 s14, s16  }
0x85: {  	[tilespmem:s29], [sflag:$0x1] =	stream.indirect.gather [hbm4b:s5+s28], $0x90, s10, s28, $0xb8;
	[tilespmem:$0x1E840] =	vst v63  }
0x86: {  	s17 =	simm.s32 $0x73C0;
	s8 =	smul.u32 $0xD, s8  }
0x87: {  	[tilespmem:s17], [sflag:$0x3] =	stream.indirect.gather [hbm4b:s6+s28], $0x10, s11, s28, $0xb8;
	[tilespmem:$0x1E840] =	vst v63  }
0x88: {  	s16 =	sadd.s32 s1, s8;
	s17 =	simm.s32 $0x0  }
0x89: {  	[tilespmem:s26], [sflag:$0xA] =	stream.linear.gather [hbm4b:s16+s17], $0x68, $0x38;
	[tilespmem:$0x1E840] =	vst v63  }
0x8a: {  	s8 =	sadd.s32 s7, s8  }
0x8b: {  	[tilespmem:s9], [sflag:$0xE] =	stream.linear.gather [hbm4b:s8+s17], $0x68, $0x38;
	[tilespmem:$0x1E840] =	vst v63  }
0x8c: {  	_ =	swait.ge [sflag:s20], $0x3840  }
0x8d: {  	[sflag:s20] =	ssyncset.done $0x0  }
0x8e: {  	[sflag:s20] =	ssyncadd.s32 $0xFFFFC7C0  }
0x8f: {  	_ =	swait.ge [sflag:s4], $0x640  }
0x90: {  	[sflag:s4] =	ssyncset.done $0x0  }
0x91: {  	s15 =	simm.s32 $0x3BC0;
	[sflag:s4] =	ssyncadd.s32 $0xFFFFF9C0  }
0x92: {  	s16 =	simm.s32 $0x3BC0;
	s8 =	simm.s32 $0x0;
	s17 =	simm.s32 $0x40;
	v8 =	vld [tilespmem:s15+$0x40]  }
.LBB2_5:
0x93: {  	p0 =	sne.s32 s17, $0x18C0;
	v9 =	vld [tilespmem:s8+$0x7A00];
	_ =	sdelay $0x4  }
0x94: {  	v8 =	vadd.f32 v9, v8;
	_ =	sdelay $0x1  }
0x95: {  	v9 =	vmul.f32 $2.000000030e-01, v8;
	_ =	sdelay $0x1  }
0x96: {  	v8 =	vmax.f32 v8, v9  }
0x97: {  	v8 =	vmul.f32 $1.442695020e+00, v8;
	_ =	sdelay $0x1  }
0x98: {  	(erf) = vpow2.f32 v8;
	_ =	sdelay $0x4  }
0x99: {  	v8 =	vld [tilespmem:s15+$0xFFFFFFF0]  }
0x9a: {  	v9 =	vld [tilespmem:s15+$0xFFFFFFD0]  }
0x9b: {  	v10 =	vld [tilespmem:s15+$0xFFFFFFC0]  }
0x9c: {  	v11 =	vld [tilespmem:s15+$0xFFFFFFE0]  }
0x9d: {  	v12 =	vld [tilespmem:s15+$0x30];
	v13 =	vpop (erf)  }
0x9e: {  	[tilespmem:s15+$0x40] =	vst v13;
	v14 =	vperm.xlane v13, v0;
	v15 =	vperm.xlane v13, v1;
	v16 =	vld [tilespmem:s15+$0x10]  }
0x9f: {  	v17 =	vperm.xlane v13, v2;
	v18 =	vperm.xlane v13, v3;
	v19 =	vld [tilespmem:s15+$0x0]  }
0xa0: {  	v10 =	vmul.f32 v10, v14;
	v9 =	vmul.f32 v9, v15;
	v14 =	vld [tilespmem:s15+$0x20]  }
0xa1: {  	v8 =	vmul.f32 v8, v18;
	v11 =	vmul.f32 v11, v17  }
0xa2: {  	v15 =	vperm.xlane v13, v5;
	[tilespmem:s15+$0xFFFFFFC0] =	vst v10;
	v10 =	vperm.xlane v13, v4  }
0xa3: {  	[tilespmem:s15+$0xFFFFFFD0] =	vst v9;
	v9 =	vperm.xlane v13, v6;
	v13 =	vperm.xlane v13, v7  }
0xa4: {  	[tilespmem:s15+$0xFFFFFFE0] =	vst v11;
	v10 =	vmul.f32 v19, v10;
	v11 =	vmul.f32 v16, v15  }
.Ltmp1:
0xa5: {  	[tilespmem:s15+$0xFFFFFFF0] =	vst v8;
	v8 =	vmul.f32 v14, v9;
	v9 =	vmul.f32 v12, v13;
	(pc) =	sbr.rel @p0 .LBB2_5-.Ltmp1, $4  }
0xa6: {  	[tilespmem:s15+$0x0] =	vst v10  }
0xa7: {  	[tilespmem:s15+$0x10] =	vst v11  }
0xa8: {  	s15 =	sadd.s32 $0x90, s15;
	[tilespmem:s16+$0x20] =	vst v8  }
0xa9: {  	s8 =	sshra.s32 s17, $0x2;
	s17 =	sadd.s32 $0x40, s17;
	v8 =	vld [tilespmem:s15+$0x40];
	[tilespmem:s16+$0x30] =	vst v9;
	s16 =	smov.u32 s15  }
0xaa: {  	v9 =	vld [tilespmem:s8+$0x7A00];
	_ =	sdelay $0x4  }
0xab: {  	v8 =	vadd.f32 v9, v8;
	_ =	sdelay $0x1  }
0xac: {  	v9 =	vmul.f32 $2.000000030e-01, v8;
	_ =	sdelay $0x1  }
0xad: {  	v8 =	vmax.f32 v8, v9  }
0xae: {  	v8 =	vmul.f32 $1.442695020e+00, v8;
	_ =	sdelay $0x1  }
0xaf: {  	(erf) = vpow2.f32 v8;
	_ =	sdelay $0x6  }
0xb0: {  	v9 =	vld [tilespmem:s15+$0xFFFFFFC0]  }
0xb1: {  	v10 =	vld [tilespmem:s15+$0xFFFFFFD0]  }
0xb2: {  	v11 =	vld [tilespmem:s15+$0xFFFFFFE0];
	v12 =	vpop (erf)  }
0xb3: {  	v8 =	vld [tilespmem:s15+$0xFFFFFFF0];
	v14 =	vperm.xlane v12, v0  }
0xb4: {  	v17 =	vld [tilespmem:s15+$0x10];
	v15 =	vperm.xlane v12, v1  }
0xb5: {  	v16 =	vld [tilespmem:s15+$0x0];
	v18 =	vperm.xlane v12, v2;
	v9 =	vmul.f32 v9, v14  }
0xb6: {  	v61 =	vld [tilespmem:s15+$0x20];
	[tilespmem:s15+$0x40] =	vst v12;
	v60 =	vperm.xlane v12, v3;
	v10 =	vmul.f32 v10, v15  }
0xb7: {  	v13 =	vld [tilespmem:s15+$0x30];
	v62 =	vperm.xlane v12, v5;
	v11 =	vmul.f32 v11, v18;
	[tilespmem:s15+$0xFFFFFFC0] =	vst v9  }
0xb8: {  	v8 =	vmul.f32 v8, v60;
	v9 =	vperm.xlane v12, v4;
	[tilespmem:s15+$0xFFFFFFD0] =	vst v10  }
0xb9: {  	v63 =	vmul.f32 v17, v62;
	v10 =	vperm.xlane v12, v6;
	[tilespmem:s15+$0xFFFFFFE0] =	vst v11  }
0xba: {  	v11 =	vperm.xlane v12, v7;
	[tilespmem:s15+$0xFFFFFFF0] =	vst v8;
	v9 =	vmul.f32 v16, v9  }
0xbb: {  	[tilespmem:s15+$0x10] =	vst v63;
	v8 =	vmul.f32 v61, v10  }
0xbc: {  	[tilespmem:s15+$0x0] =	vst v9;
	v9 =	vmul.f32 v13, v11  }
0xbd: {  	[tilespmem:s16+$0x20] =	vst v8  }
0xbe: {  	[tilespmem:s16+$0x30] =	vst v9  }
0xbf: {  	[spmem:s2] =	stream.indirect.scatter.add.f32 [tilespmem:s3], [sflag:$0x6], $0x90, s24, s28, $0xb8;
	[tilespmem:$0x1E840] =	vst v63  }
0xc0: {  	_ =	swait.ge [sflag:s21], $0x3840  }
0xc1: {  	[sflag:s21] =	ssyncset.done $0x0  }
0xc2: {  	[sflag:s21] =	ssyncadd.s32 $0xFFFFC7C0  }
0xc3: {  	_ =	swait.ge [sflag:s23], $0x68  }
0xc4: {  	[sflag:s23] =	ssyncset.done $0x0  }
0xc5: {  	[sflag:s23] =	ssyncadd.s32 $0xFFFFFF98  }
0xc6: {  	_ =	swait.ge [sflag:s30], $0x68  }
0xc7: {  	p0 =	seq.s32 s22, $0x18;
	[sflag:s30] =	ssyncset.done $0x0;
	s8 =	rddreg [dreg:$0xc]  }
0xc8: {  	[sflag:s30] =	ssyncadd.s32 $0xFFFFFF98;
	s8 =	sadd.s32 @!p0 s14, s8  }
0xc9: {  	[tilespmem:s3], [sflag:$0x2] =	stream.indirect.gather [hbm4b:s5+s28], $0x90, s26, s28, $0xb8;
	[tilespmem:$0x1E840] =	vst v63  }
0xca: {  	s17 =	simm.s32 $0x7A00;
	s8 =	smul.u32 @!p0 $0xD, s8  }
0xcb: {  	[tilespmem:s17], [sflag:$0x4] =	stream.indirect.gather [hbm4b:s6+s28], $0x10, s9, s28, $0xb8;
	[tilespmem:$0x1E840] =	vst v63  }
0xcc: {  	s16 =	simm.s32 @!p0 $0x0;
	s15 =	sadd.s32 @!p0 s1, s8  }
0xcd: {  	[tilespmem:s16], [sflag:$0x7] =	stream.linear.gather @!p0 [hbm4b:s15+s16], $0x68, $0x38;
	[tilespmem:$0x1E840] =	vst v63  }
0xce: {  	s8 =	sadd.s32 @!p0 s7, s8;
	s15 =	simm.s32 @!p0 $0x1A0  }
0xcf: {  	[tilespmem:s15], [sflag:$0xB] =	stream.linear.gather @!p0 [hbm4b:s8+s16], $0x68, $0x38;
	[tilespmem:$0x1E840] =	vst v63  }
0xd0: {  	_ =	swait.ge [sflag:s12], $0x3840  }
0xd1: {  	[sflag:s12] =	ssyncset.done $0x0  }
0xd2: {  	[sflag:s12] =	ssyncadd.s32 $0xFFFFC7C0  }
0xd3: {  	_ =	swait.ge [sflag:s13], $0x640  }
0xd4: {  	[sflag:s13] =	ssyncset.done $0x0  }
0xd5: {  	s15 =	simm.s32 $0x380;
	[sflag:s13] =	ssyncadd.s32 $0xFFFFF9C0  }
0xd6: {  	s17 =	simm.s32 $0x40;
	s8 =	simm.s32 $0x0;
	s16 =	simm.s32 $0x380;
	v8 =	vld [tilespmem:s15+$0x40]  }
.LBB2_7:
0xd7: {  	p1 =	sne.s32 s17, $0x18C0;
	v9 =	vld [tilespmem:s8+$0x73C0];
	_ =	sdelay $0x4  }
0xd8: {  	v8 =	vadd.f32 v9, v8;
	_ =	sdelay $0x1  }
0xd9: {  	v9 =	vmul.f32 $2.000000030e-01, v8;
	_ =	sdelay $0x1  }
0xda: {  	v8 =	vmax.f32 v8, v9  }
0xdb: {  	v8 =	vmul.f32 $1.442695020e+00, v8;
	_ =	sdelay $0x1  }
0xdc: {  	(erf) = vpow2.f32 v8;
	_ =	sdelay $0x4  }
0xdd: {  	v8 =	vld [tilespmem:s15+$0xFFFFFFF0]  }
0xde: {  	v9 =	vld [tilespmem:s15+$0xFFFFFFD0]  }
0xdf: {  	v10 =	vld [tilespmem:s15+$0xFFFFFFC0]  }
0xe0: {  	v11 =	vld [tilespmem:s15+$0xFFFFFFE0]  }
0xe1: {  	v12 =	vld [tilespmem:s15+$0x30];
	v13 =	vpop (erf)  }
0xe2: {  	[tilespmem:s15+$0x40] =	vst v13;
	v14 =	vperm.xlane v13, v0;
	v15 =	vperm.xlane v13, v1;
	v16 =	vld [tilespmem:s15+$0x10]  }
0xe3: {  	v17 =	vperm.xlane v13, v2;
	v18 =	vperm.xlane v13, v3;
	v19 =	vld [tilespmem:s15+$0x0]  }
0xe4: {  	v10 =	vmul.f32 v10, v14;
	v9 =	vmul.f32 v9, v15;
	v14 =	vld [tilespmem:s15+$0x20]  }
0xe5: {  	v8 =	vmul.f32 v8, v18;
	v11 =	vmul.f32 v11, v17  }
0xe6: {  	v15 =	vperm.xlane v13, v5;
	[tilespmem:s15+$0xFFFFFFC0] =	vst v10;
	v10 =	vperm.xlane v13, v4  }
0xe7: {  	[tilespmem:s15+$0xFFFFFFD0] =	vst v9;
	v9 =	vperm.xlane v13, v6;
	v13 =	vperm.xlane v13, v7  }
0xe8: {  	[tilespmem:s15+$0xFFFFFFE0] =	vst v11;
	v10 =	vmul.f32 v19, v10;
	v11 =	vmul.f32 v16, v15  }
.Ltmp2:
0xe9: {  	[tilespmem:s15+$0xFFFFFFF0] =	vst v8;
	v8 =	vmul.f32 v14, v9;
	v9 =	vmul.f32 v12, v13;
	(pc) =	sbr.rel @p1 .LBB2_7-.Ltmp2, $4  }
0xea: {  	[tilespmem:s15+$0x0] =	vst v10  }
0xeb: {  	[tilespmem:s15+$0x10] =	vst v11  }
0xec: {  	s15 =	sadd.s32 $0x90, s15;
	[tilespmem:s16+$0x20] =	vst v8  }
0xed: {  	s8 =	sshra.s32 s17, $0x2;
	s17 =	sadd.s32 $0x40, s17;
	v8 =	vld [tilespmem:s15+$0x40];
	[tilespmem:s16+$0x30] =	vst v9;
	s16 =	smov.u32 s15  }
0xee: {  	v9 =	vld [tilespmem:s8+$0x73C0];
	_ =	sdelay $0x4  }
0xef: {  	v8 =	vadd.f32 v9, v8;
	_ =	sdelay $0x1  }
0xf0: {  	v9 =	vmul.f32 $2.000000030e-01, v8;
	_ =	sdelay $0x1  }
0xf1: {  	v8 =	vmax.f32 v8, v9  }
0xf2: {  	v8 =	vmul.f32 $1.442695020e+00, v8;
	_ =	sdelay $0x1  }
0xf3: {  	(erf) = vpow2.f32 v8;
	_ =	sdelay $0x6  }
0xf4: {  	v9 =	vld [tilespmem:s15+$0xFFFFFFC0]  }
0xf5: {  	v10 =	vld [tilespmem:s15+$0xFFFFFFD0]  }
0xf6: {  	v11 =	vld [tilespmem:s15+$0xFFFFFFE0];
	v12 =	vpop (erf)  }
0xf7: {  	v8 =	vld [tilespmem:s15+$0xFFFFFFF0];
	v14 =	vperm.xlane v12, v0  }
0xf8: {  	v17 =	vld [tilespmem:s15+$0x10];
	v15 =	vperm.xlane v12, v1  }
0xf9: {  	v16 =	vld [tilespmem:s15+$0x0];
	v18 =	vperm.xlane v12, v2;
	v9 =	vmul.f32 v9, v14  }
0xfa: {  	v61 =	vld [tilespmem:s15+$0x20];
	[tilespmem:s15+$0x40] =	vst v12;
	v60 =	vperm.xlane v12, v3;
	v10 =	vmul.f32 v10, v15  }
0xfb: {  	v13 =	vld [tilespmem:s15+$0x30];
	v62 =	vperm.xlane v12, v5;
	v11 =	vmul.f32 v11, v18;
	[tilespmem:s15+$0xFFFFFFC0] =	vst v9  }
0xfc: {  	v8 =	vmul.f32 v8, v60;
	v9 =	vperm.xlane v12, v4;
	[tilespmem:s15+$0xFFFFFFD0] =	vst v10  }
0xfd: {  	v63 =	vmul.f32 v17, v62;
	v10 =	vperm.xlane v12, v6;
	[tilespmem:s15+$0xFFFFFFE0] =	vst v11  }
0xfe: {  	v11 =	vperm.xlane v12, v7;
	[tilespmem:s15+$0xFFFFFFF0] =	vst v8;
	v9 =	vmul.f32 v16, v9  }
0xff: {  	[tilespmem:s15+$0x10] =	vst v63;
	v8 =	vmul.f32 v61, v10  }
0x100: {  	[tilespmem:s15+$0x0] =	vst v9;
	v9 =	vmul.f32 v13, v11  }
0x101: {  	[tilespmem:s16+$0x20] =	vst v8  }
0x102: {  	[tilespmem:s16+$0x30] =	vst v9  }
0x103: {  	[spmem:s2] =	stream.indirect.scatter.add.f32 [tilespmem:s29], [sflag:$0x5], $0x90, s11, s28, $0xb8;
	[tilespmem:$0x1E840] =	vst v63  }
0x104: {  	_ =	swait.ge [sflag:s18], $0x3840  }
0x105: {  	[sflag:s18] =	ssyncset.done $0x0  }
0x106: {  	s8 =	simm.s32 @!p0 $0x7;
	[sflag:s18] =	ssyncadd.s32 $0xFFFFC7C0  }
0x107: {  	_ =	swait.ge @!p0 [sflag:s8], $0x68  }
0x108: {  	[sflag:s8] =	ssyncset.done @!p0 $0x0  }
0x109: {  	[sflag:s8] =	ssyncadd.s32 @!p0 $0xFFFFFF98;
	s8 =	simm.s32 @!p0 $0xB  }
0x10a: {  	_ =	swait.ge @!p0 [sflag:s8], $0x68  }
0x10b: {  	s15 =	simm.s32 @!p0 $0x0;
	[sflag:s8] =	ssyncset.done @!p0 $0x0  }
0x10c: {  	s16 =	simm.s32 @!p0 $0x340;
	[sflag:s8] =	ssyncadd.s32 @!p0 $0xFFFFFF98;
	s8 =	simm.s32 @!p0 $0x64  }
0x10d: {  	[tilespmem:s16], [sflag:$0x1] =	stream.indirect.gather @!p0 [hbm4b:s5+s8], $0x90, s15, s8, $0xb8;
	[tilespmem:$0x1E840] =	vst v63  }
0x10e: {  	s16 =	rddreg [dreg:$0xd]  }
0x10f: {  	s14 =	sadd.s32 @!p0 s14, s16  }
0x110: {  	s17 =	simm.s32 @!p0 $0x73C0;
	s16 =	simm.s32 @!p0 $0x1A0;
	s14 =	smul.u32 @!p0 $0xD, s14  }
0x111: {  	[tilespmem:s17], [sflag:$0x3] =	stream.indirect.gather @!p0 [hbm4b:s6+s8], $0x10, s16, s8, $0xb8;
	[tilespmem:$0x1E840] =	vst v63  }
0x112: {  	s16 =	simm.s32 @!p0 $0x68;
	s8 =	sadd.s32 @!p0 s1, s14  }
0x113: {  	[tilespmem:s16], [sflag:$0x8] =	stream.linear.gather @!p0 [hbm4b:s8+s15], $0x68, $0x38;
	[tilespmem:$0x1E840] =	vst v63  }
0x114: {  	s8 =	sadd.s32 @!p0 s7, s14;
	s14 =	simm.s32 @!p0 $0x208  }
0x115: {  	[tilespmem:s14], [sflag:$0xC] =	stream.linear.gather @!p0 [hbm4b:s8+s15], $0x68, $0x38;
	[tilespmem:$0x1E840] =	vst v63  }
0x116: {  	_ =	swait.ge [sflag:s20], $0x3840  }
0x117: {  	[sflag:s20] =	ssyncset.done $0x0  }
0x118: {  	[sflag:s20] =	ssyncadd.s32 $0xFFFFC7C0  }
0x119: {  	_ =	swait.ge [sflag:s4], $0x640  }
0x11a: {  	[sflag:s4] =	ssyncset.done $0x0  }
0x11b: {  	s14 =	simm.s32 $0x3BC0;
	[sflag:s4] =	ssyncadd.s32 $0xFFFFF9C0  }
0x11c: {  	s16 =	simm.s32 $0x40;
	s8 =	simm.s32 $0x0;
	s15 =	simm.s32 $0x3BC0;
	v8 =	vld [tilespmem:s14+$0x40]  }
.LBB2_9:
0x11d: {  	p0 =	sne.s32 s16, $0x18C0;
	v9 =	vld [tilespmem:s8+$0x7A00];
	_ =	sdelay $0x4  }
0x11e: {  	v8 =	vadd.f32 v9, v8;
	_ =	sdelay $0x1  }
0x11f: {  	v9 =	vmul.f32 $2.000000030e-01, v8;
	_ =	sdelay $0x1  }
0x120: {  	v8 =	vmax.f32 v8, v9  }
0x121: {  	v8 =	vmul.f32 $1.442695020e+00, v8;
	_ =	sdelay $0x1  }
0x122: {  	(erf) = vpow2.f32 v8;
	_ =	sdelay $0x4  }
0x123: {  	v8 =	vld [tilespmem:s14+$0xFFFFFFF0]  }
0x124: {  	v9 =	vld [tilespmem:s14+$0xFFFFFFD0]  }
0x125: {  	v10 =	vld [tilespmem:s14+$0xFFFFFFC0]  }
0x126: {  	v11 =	vld [tilespmem:s14+$0xFFFFFFE0]  }
0x127: {  	v12 =	vld [tilespmem:s14+$0x30];
	v13 =	vpop (erf)  }
0x128: {  	[tilespmem:s14+$0x40] =	vst v13;
	v14 =	vperm.xlane v13, v0;
	v15 =	vperm.xlane v13, v1;
	v16 =	vld [tilespmem:s14+$0x10]  }
0x129: {  	v17 =	vperm.xlane v13, v2;
	v18 =	vperm.xlane v13, v3;
	v19 =	vld [tilespmem:s14+$0x0]  }
0x12a: {  	v10 =	vmul.f32 v10, v14;
	v9 =	vmul.f32 v9, v15;
	v14 =	vld [tilespmem:s14+$0x20]  }
0x12b: {  	v8 =	vmul.f32 v8, v18;
	v11 =	vmul.f32 v11, v17  }
0x12c: {  	v15 =	vperm.xlane v13, v5;
	[tilespmem:s14+$0xFFFFFFC0] =	vst v10;
	v10 =	vperm.xlane v13, v4  }
0x12d: {  	[tilespmem:s14+$0xFFFFFFD0] =	vst v9;
	v9 =	vperm.xlane v13, v6;
	v13 =	vperm.xlane v13, v7  }
0x12e: {  	[tilespmem:s14+$0xFFFFFFE0] =	vst v11;
	v10 =	vmul.f32 v19, v10;
	v11 =	vmul.f32 v16, v15  }
.Ltmp3:
0x12f: {  	[tilespmem:s14+$0xFFFFFFF0] =	vst v8;
	v8 =	vmul.f32 v14, v9;
	v9 =	vmul.f32 v12, v13;
	(pc) =	sbr.rel @p0 .LBB2_9-.Ltmp3, $4  }
0x130: {  	[tilespmem:s14+$0x0] =	vst v10  }
0x131: {  	[tilespmem:s14+$0x10] =	vst v11  }
0x132: {  	s14 =	sadd.s32 $0x90, s14;
	[tilespmem:s15+$0x20] =	vst v8  }
0x133: {  	s8 =	sshra.s32 s16, $0x2;
	s16 =	sadd.s32 $0x40, s16;
	v8 =	vld [tilespmem:s14+$0x40];
	[tilespmem:s15+$0x30] =	vst v9;
	s15 =	smov.u32 s14  }
0x134: {  	v9 =	vld [tilespmem:s8+$0x7A00];
	_ =	sdelay $0x4  }
0x135: {  	v8 =	vadd.f32 v9, v8;
	_ =	sdelay $0x1  }
0x136: {  	v9 =	vmul.f32 $2.000000030e-01, v8;
	_ =	sdelay $0x1  }
0x137: {  	v8 =	vmax.f32 v8, v9  }
0x138: {  	v8 =	vmul.f32 $1.442695020e+00, v8;
	_ =	sdelay $0x1  }
0x139: {  	(erf) = vpow2.f32 v8;
	_ =	sdelay $0x6  }
0x13a: {  	v55 =	vld [tilespmem:s14+$0xFFFFFFC0]  }
0x13b: {  	v10 =	vld [tilespmem:s14+$0xFFFFFFD0]  }
0x13c: {  	v11 =	vld [tilespmem:s14+$0xFFFFFFE0];
	v12 =	vpop (erf)  }
0x13d: {  	v8 =	vld [tilespmem:s14+$0xFFFFFFF0];
	v14 =	vperm.xlane v12, v0  }
0x13e: {  	v17 =	vld [tilespmem:s14+$0x10];
	v15 =	vperm.xlane v12, v1  }
0x13f: {  	v16 =	vld [tilespmem:s14+$0x0];
	v18 =	vperm.xlane v12, v2;
	v9 =	vmul.f32 v55, v14  }
0x140: {  	v57 =	vld [tilespmem:s14+$0x20];
	[tilespmem:s14+$0x40] =	vst v12;
	v56 =	vperm.xlane v12, v3;
	v10 =	vmul.f32 v10, v15  }
0x141: {  	v13 =	vld [tilespmem:s14+$0x30];
	v59 =	vperm.xlane v12, v5;
	v11 =	vmul.f32 v11, v18;
	[tilespmem:s14+$0xFFFFFFC0] =	vst v9  }
0x142: {  	v58 =	vperm.xlane v12, v4;
	v8 =	vmul.f32 v8, v56;
	[tilespmem:s14+$0xFFFFFFD0] =	vst v10  }
0x143: {  	s22 =	sadd.s32 $0x1, s22;
	v60 =	vperm.xlane v12, v6;
	v62 =	vmul.f32 v17, v59;
	[tilespmem:s14+$0xFFFFFFE0] =	vst v11  }
0x144: {  	p0 =	sne.s32 s22, $0x19;
	v61 =	vperm.xlane v12, v7;
	v9 =	vmul.f32 v16, v58;
	[tilespmem:s14+$0xFFFFFFF0] =	vst v8  }
.Ltmp4:
0x145: {  	v8 =	vmul.f32 v57, v60;
	[tilespmem:s14+$0x10] =	vst v62;
	(pc) =	sbr.rel @p0 .LBB2_2-.Ltmp4, $4  }
0x146: {  	v63 =	vmul.f32 v13, v61;
	[tilespmem:s14+$0x0] =	vst v9  }
0x147: {  	[tilespmem:s15+$0x20] =	vst v8  }
0x148: {  	[tilespmem:s15+$0x30] =	vst v63  }
0x149: {  	[spmem:s2] =	stream.indirect.scatter.add.f32 [tilespmem:s3], [sflag:$0x6], $0x90, s9, s28, $0xb8;
	[tilespmem:$0x1E840] =	vst v63  }
0x14a: {  	_ =	swait.ge [sflag:s21], $0x3840  }
0x14b: {  	[sflag:s21] =	ssyncset.done $0x0  }
0x14c: {  	[sflag:s21] =	ssyncadd.s32 $0xFFFFC7C0  }
0x14d: {  	[bflag:$0x0] =	sbarrier.arrive $0xFFFF  }
0x14e: {  	s14 =	rddreg [dreg:$0x5]  }
0x14f: {  	s8 =	rddreg [dreg:$0xe]  }
0x150: {  	s16 =	simm.s32 $0xF;
	s15 =	rddreg [dreg:$0x10]  }
0x151: {  	[hbm:s8], [sflag:s14] =	dma.local [spmem:s15], $0x2D00  }
0x152: {  	_ =	swait.ge [sflag:s16], $0x2D00  }
0x153: {  	s17 =	rddreg [dreg:$0x11]  }
0x154: {  	s22 =	rddreg [dreg:$0xf];
	s17 =	sadd.s32 $0x1, s17  }
0x155: {  	p0 =	sne.s32 s17, s22  }
.Ltmp5:
0x156: {  	_ = 	snop;
	(pc) =	sbr.rel @p0 .LBB2_1-.Ltmp5, $3  }
0x157: {  	_ =	sdelay $0x1  }
0x158: {  	[sflag:s16] =	ssyncset.done $0x0  }
0x159: {  	[sflag:s16] =	ssyncadd.s32 $0xFFFFD300  }
0x15a: {  	_ =	sfence.sel $0x180000  }
0x15b: {  	[bflag:$0x0] =	sbarrier.arrive $0xFFFF  }
0x15c: {  	_ =	strace $0x90000047  }
0x15d: {  	s0 =	stileid.u32;
	[bflag:$0x2] =	sbarrier.arrive $0xFFFF  }
0x15e: {  	p0 =	sne.s32 s0, $0x0;
	s0 =	rddreg [dreg:$0x3]  }
0x15f: {  	s0 =	sadd.s32 @!p0 $0x100000, s0  }
0x160: {  	[sflag:s0] =	ssyncadd.tile.s32 @!p0 $0x1;
	_ =	shalt  }
.Lfunc_end2:
_tile_overlayer_lowered:
.L_overlay_start_2:
0x161: {  	(tag) =	ssettag $0x2  }
0x162: {  	s0 =	rddreg [dreg:$0x0];
	s2 =	stileid.u32  }
0x163: {  	s1 =	rddreg [dreg:$0x1];
	p0 =	sne.s32 s2, $0x0  }
0x164: {  	s3 =	rddreg [dreg:$0x2];
	[bflag:$0x3] =	sbarrier.arrive $0xFFFF;
	s2 =	simm.s32 @!p0 $0x1C0F  }
0x165: {  	[timem:s3], [sflag:s2] =	dma.local @!p0 [hbm:s0], s1  }
0x166: {  	s0 =	simm.s32 @!p0 $0xF  }
0x167: {  	_ =	swait.ge @!p0 [sflag:s0], s1  }
0x168: {  	s1 =	ssub.s32 @!p0 $0x0, s1;
	[sflag:s0] =	ssyncset.done @!p0 $0x0  }
0x169: {  	[sflag:s0] =	ssyncadd.s32 @!p0 s1  }
0x16a: {  	[bflag:$0x3] =	sbarrier.arrive $0xFFFF  }
0x16b: {  	_ =	shalt  }

</sc_bundles>
